<compile_context>
chip_gen: v7x
topology: tpu7x:2x2x1
jax: 0.10.2.dev20260603
libtpu: 0.0.44.dev20260713+nightly
codegen_flags: <defaults>
</compile_context>

<pallas_src>
import functools

import jax
import jax.numpy as jnp
from jax import lax
from jax.experimental import pallas as pl
from jax.experimental.pallas import tpu as pltpu
from jax.experimental.pallas import tpu_sc as plsc

V = 1000000
E = 32
H = 64
C = 2
B = 4096
L = 200
H2 = H // 2
BP = B // 2

L_SEG = 40
N_SEG = L // L_SEG

_NC = 2
_NS = 16
_NW = _NC * _NS

_GRP = 128
_NGRP = (L * B) // _GRP
_NGRP_S = (L_SEG * B) // _GRP
_GRP_PER_W = _NGRP_S // _NW
_KGRP = 8
_NCHUNK = _GRP_PER_W // _KGRP


def _sc_gather_seg(table, idx_grp, seg):
    mesh = plsc.VectorSubcoreMesh(core_axis_name="c", subcore_axis_name="s")
    seg_base = seg * _NGRP_S

    @functools.partial(
        pl.kernel,
        mesh=mesh,
        out_type=jax.ShapeDtypeStruct((_NGRP_S, _GRP, E), jnp.float32),
        scratch_types=[
            pltpu.VMEM((_KGRP, _GRP), jnp.int32),
            pltpu.VMEM((_KGRP, _GRP, E), jnp.float32),
            pltpu.SemaphoreType.DMA,
        ],
        compiler_params=pltpu.CompilerParams(use_tc_tiling_on_sc=False),
    )
    def gather_kernel(table_hbm, idx_hbm, out_hbm, idx_v, rows_v, sem):
        wid = lax.axis_index("s") * _NC + lax.axis_index("c")
        base = wid * _GRP_PER_W

        def chunk_body(i, carry):
            g0 = base + i * _KGRP
            pltpu.sync_copy(idx_hbm.at[pl.ds(seg_base + g0, _KGRP)], idx_v)
            copies = []
            for j in range(_KGRP):
                copies.append(
                    pltpu.async_copy(table_hbm.at[idx_v.at[j]], rows_v.at[j], sem)
                )
            for cp in copies:
                cp.wait()
            pltpu.sync_copy(rows_v, out_hbm.at[pl.ds(g0, _KGRP)])
            return carry

        lax.fori_loop(0, _NCHUNK, chunk_body, 0)

    return gather_kernel(table, idx_grp)


def _tanh_gate(t):
    return 0.5 * t + 0.5


T_STEP = 4


def _lstm_step(x4, h, c, wih, whh, b):
    x_t = jnp.concatenate([x4[:, :2 * E], x4[:, 2 * E:]], axis=0)
    gates = jnp.dot(x_t, wih, preferred_element_type=jnp.float32)
    gates = gates + jnp.dot(h, whh, preferred_element_type=jnp.float32)
    gates = gates + b
    i_g = _tanh_gate(jnp.tanh(gates[:, 0 * 2 * H:1 * 2 * H]))
    f_g = _tanh_gate(jnp.tanh(gates[:, 1 * 2 * H:2 * 2 * H]))
    g_g = jnp.tanh(gates[:, 2 * 2 * H:3 * 2 * H])
    o_g = _tanh_gate(jnp.tanh(gates[:, 3 * 2 * H:4 * 2 * H]))
    c_new = f_g * c + i_g * g_g
    h_new = o_g * jnp.tanh(c_new)
    return h_new, c_new


def _seg_body(emb_ref, hin_ref, cin_ref, wih_ref, whh_ref, b_ref,
              hout_ref, cout_ref, h_ref, c_ref):
    l = pl.program_id(0)

    @pl.when(l == 0)
    def _():
        h_ref[...] = hin_ref[...]
        c_ref[...] = cin_ref[...]

    h = h_ref[...]
    c = c_ref[...]
    wih = wih_ref[...]
    whh = whh_ref[...]
    b = b_ref[...]
    for k in range(T_STEP):
        h, c = _lstm_step(emb_ref[k], h, c, wih, whh, b)
    c_ref[...] = c
    h_ref[...] = h

    @pl.when(l == L_SEG // T_STEP - 1)
    def _():
        hout_ref[...] = h
        cout_ref[...] = c


def _lstm_seg(emb, h_in, c_in, wih2, whh2, bias2):
    return pl.pallas_call(
        _seg_body,
        grid=(L_SEG // T_STEP,),
        in_specs=[
            pl.BlockSpec((T_STEP, BP // 2, 4 * E), lambda l: (l, 0, 0)),
            pl.BlockSpec((BP, 2 * H), lambda l: (0, 0)),
            pl.BlockSpec((BP, 2 * H), lambda l: (0, 0)),
            pl.BlockSpec((2 * E, 8 * H), lambda l: (0, 0)),
            pl.BlockSpec((2 * H, 8 * H), lambda l: (0, 0)),
            pl.BlockSpec((1, 8 * H), lambda l: (0, 0)),
        ],
        out_specs=[
            pl.BlockSpec((BP, 2 * H), lambda l: (0, 0)),
            pl.BlockSpec((BP, 2 * H), lambda l: (0, 0)),
        ],
        out_shape=[
            jax.ShapeDtypeStruct((BP, 2 * H), jnp.float32),
            jax.ShapeDtypeStruct((BP, 2 * H), jnp.float32),
        ],
        scratch_shapes=[
            pltpu.VMEM((BP, 2 * H), jnp.float32),
            pltpu.VMEM((BP, 2 * H), jnp.float32),
        ],
    )(emb, h_in, c_in, wih2, whh2, bias2)


def _fc_body(h_ref, w1_ref, b1_ref, w2_ref, b2_ref, out_ref):
    z = jnp.dot(h_ref[...], w1_ref[...], preferred_element_type=jnp.float32)
    z = jnp.maximum(z + b1_ref[...], 0.0)
    out = jnp.dot(z, w2_ref[...], preferred_element_type=jnp.float32)
    out_ref[...] = out + b2_ref[...]


def _fc(h_fin, w1_2, b1_2, w2_2, b2_2):
    return pl.pallas_call(
        _fc_body,
        out_shape=jax.ShapeDtypeStruct((BP, 2 * C), jnp.float32),
    )(h_fin, w1_2, b1_2, w2_2, b2_2)


def _pack_block_diag(w, scale):
    K = w.shape[0]
    wg = (w * scale[None, :]).reshape(K, 4, H)
    z = jnp.zeros_like(wg)
    top = jnp.concatenate([wg, z], axis=2)
    bot = jnp.concatenate([z, wg], axis=2)
    return jnp.concatenate([top, bot], axis=0).reshape(2 * K, 4 * 2 * H)


def kernel(x, table, W_ih, W_hh, b_ih, b_hh, W1, b1, W2, b2):
    x = x.astype(jnp.int32)
    idx = x.T.reshape(L, 2, BP).transpose(0, 2, 1)
    idx_grp = idx.reshape(_NGRP, _GRP)

    gs = jnp.array([0.5, 0.5, 1.0, 0.5], jnp.float32)
    scale = jnp.repeat(gs, H)
    wih2 = _pack_block_diag(W_ih.T, scale)
    whh2 = _pack_block_diag(W_hh.T, scale)
    bias = ((b_ih + b_hh) * scale).reshape(4, H)
    bias2 = jnp.concatenate([bias, bias], axis=1).reshape(1, 8 * H)

    z32 = jnp.zeros((H, H2), jnp.float32)
    w1_2 = jnp.concatenate(
        [jnp.concatenate([W1.T, z32], axis=1),
         jnp.concatenate([z32, W1.T], axis=1)], axis=0)
    b1_2 = jnp.concatenate([b1, b1]).reshape(1, 2 * H2)
    zc = jnp.zeros((H2, C), jnp.float32)
    w2_2 = jnp.concatenate(
        [jnp.concatenate([W2.T, zc], axis=1),
         jnp.concatenate([zc, W2.T], axis=1)], axis=0)
    b2_2 = jnp.concatenate([b2, b2]).reshape(1, 2 * C)

    h = jnp.zeros((BP, 2 * H), jnp.float32)
    c = jnp.zeros((BP, 2 * H), jnp.float32)
    for seg in range(N_SEG):
        emb = _sc_gather_seg(table, idx_grp, seg)
        emb = emb.reshape(L_SEG, BP // 2, 4 * E)
        h, c = _lstm_seg(emb, h, c, wih2, whh2, bias2)

    out2 = _fc(h, w1_2, b1_2, w2_2, b2_2)
    out_nat = out2.reshape(2, BP // 2, 2 * C).transpose(1, 0, 2).reshape(BP, 2 * C)
    out = jnp.concatenate([out_nat[:, 0:C], out_nat[:, C:2 * C]], axis=0)
    return out[None]

# --- scband reference (transcript-rebuilt; emitter-appended) ---
"""Pipeline reference for scband-classifier-25761213842011 (READ-ONLY COPY).

The authoritative reference and input builder live on the scoring server;
editing this copy changes nothing except your own understanding.
"""

import jax, jax.numpy as jnp
import numpy as np

V = 1000000
E = 32
H = 64
C = 2
B = 4096
L = 200


def setup_inputs(seed: int = 0) -> dict:
    key = jax.random.key(seed)
    ks = jax.random.split(key, 8)
    return {
        "x": jax.random.randint(ks[0], (B, L), 0, V),
        "table": jax.random.normal(ks[1], (V, E), dtype=jnp.float32),
        "W_ih": jax.random.normal(ks[2], (4 * H, E), dtype=jnp.float32) * 0.05,
        "W_hh": jax.random.normal(ks[3], (4 * H, H), dtype=jnp.float32) * 0.05,
        "b_ih": jnp.zeros((4 * H,), jnp.float32),
        "b_hh": jnp.zeros((4 * H,), jnp.float32),
        "W1": jax.random.normal(ks[4], (H // 2, H), dtype=jnp.float32) * 0.05,
        "b1": jnp.zeros((H // 2,), jnp.float32),
        "W2": jax.random.normal(ks[5], (C, H // 2), dtype=jnp.float32) * 0.05,
        "b2": jnp.zeros((C,), jnp.float32),
    }


def reference(x, table, W_ih, W_hh, b_ih, b_hh, W1, b1, W2, b2):
    # Embedding lookup: [B, L] -> [B, L, E]
    emb = jnp.take(table, x, axis=0)
    h0 = jnp.zeros((x.shape[0], H), jnp.float32)
    c0 = jnp.zeros((x.shape[0], H), jnp.float32)

    def step(carry, x_t):
        h, c = carry
        gates = x_t @ W_ih.T + h @ W_hh.T + b_ih + b_hh
        i = jax.nn.sigmoid(gates[:, 0 * H:1 * H])
        f = jax.nn.sigmoid(gates[:, 1 * H:2 * H])
        g = jnp.tanh(gates[:, 2 * H:3 * H])
        o = jax.nn.sigmoid(gates[:, 3 * H:4 * H])
        c_new = f * c + i * g
        h_new = o * jnp.tanh(c_new)
        return (h_new, c_new), None

    (h_fin, _), _ = jax.lax.scan(step, (h0, c0), jnp.swapaxes(emb, 0, 1))
    h_fin = h_fin[None]  # [1, B, H] matches torch LSTM h_n layout
    z = jax.nn.relu(h_fin @ W1.T + b1)
    out = z @ W2.T + b2
    return out

if __name__ == "__main__":
    import jax
    _d = setup_inputs()
    print(jax.jit(kernel)(*tuple(_d.values())))

</pallas_src>

<mosaic_0001>
#map = affine_map<(d0, d1) -> (0, 0)>
#map1 = affine_map<(d0, d1) -> (0, 0, 0)>
module attributes {stable_mosaic.version = 14 : i64} {
  func.func @gather_kernel(%arg0: i32, %arg1: i32, %arg2: memref<1000000x32xf32, #tpu.memory_space<hbm>>, %arg3: memref<6400x128xi32, #tpu.memory_space<hbm>>, %arg4: memref<1280x128x32xf32, #tpu.memory_space<hbm>>, %arg5: memref<8x128xi32, #tpu.memory_space<vmem>>, %arg6: memref<8x128x32xf32, #tpu.memory_space<vmem>>, %arg7: memref<!tpu.dma_semaphore, #tpu.memory_space<semaphore_mem>>) attributes {dimension_semantics = [#tpu.dimension_semantics<core_parallel>, #tpu.dimension_semantics<subcore_parallel>], iteration_bounds = array<i64: 2, 16>, scalar_prefetch = 0 : i64, scratch_operands = 3 : i64, tpu.core_type = #tpu.core_type<sc_vector_subcore>, window_params = [{transform_indices = #map}, {transform_indices = #map}, {transform_indices = #map1}]} {
    %mul3A = arith.constant 2 : i32
    %mul3A_0 = arith.muli %arg1, %mul3A : i32
    %add3A = arith.addi %mul3A_0, %arg0 : i32
    %mul3A_1 = arith.constant 40 : i32
    %mul3A_2 = arith.muli %add3A, %mul3A_1 : i32
    %scan3A = arith.constant 0 : i32
    %scan3A_3 = arith.constant 0 : i32
    %scan3A_4 = arith.constant 5 : i32
    %scan3A_5 = arith.addi %scan3A_3, %scan3A_4 : i32
    %scan3A_6 = arith.constant 1 : i32
    scf.for %scan3A_8 = %scan3A_3 to %scan3A_5 step %scan3A_6  : i32 {
      %mul3A_9 = arith.constant 8 : i32
      %mul3A_10 = arith.muli %scan3A_8, %mul3A_9 : i32
      %add3A_11 = arith.addi %mul3A_2, %mul3A_10 : i32
      %add3A_12 = arith.constant 3840 : i32
      %add3A_13 = arith.addi %add3A_12, %add3A_11 : i32
      "tpu.region"() ({
        %run_scoped3A = tpu.sem_alloc : memref<!tpu.dma_semaphore, #tpu.memory_space<semaphore_mem>>
        %dma_start3A_204 = arith.constant 0 : i32
        %dma_start3A_205 = tpu.memref_slice %arg3[%add3A_13, %dma_start3A_204] : memref<6400x128xi32, #tpu.memory_space<hbm>> -> memref<8x128xi32, #tpu.memory_space<hbm>>
        %dma_start3A_206 = arith.constant 0 : i32
        %dma_start3A_207 = tpu.memref_slice %arg3[%add3A_13, %dma_start3A_206] : memref<6400x128xi32, #tpu.memory_space<hbm>> -> memref<8x128xi32, #tpu.memory_space<hbm>>
        tpu.enqueue_dma source(%dma_start3A_207 : memref<8x128xi32, #tpu.memory_space<hbm>>) target(%arg5 : memref<8x128xi32, #tpu.memory_space<vmem>>) target_semaphore(%run_scoped3A : memref<!tpu.dma_semaphore, #tpu.memory_space<semaphore_mem>>)
        %dma_wait3A_208 = arith.constant 0 : i32
        %dma_wait3A_209 = tpu.memref_slice %arg3[%add3A_13, %dma_wait3A_208] : memref<6400x128xi32, #tpu.memory_space<hbm>> -> memref<8x128xi32, #tpu.memory_space<hbm>>
        %dma_wait3A_210 = arith.constant 0 : i32
        %dma_wait3A_211 = tpu.memref_slice %arg3[%add3A_13, %dma_wait3A_210] : memref<6400x128xi32, #tpu.memory_space<hbm>> -> memref<8x128xi32, #tpu.memory_space<hbm>>
        tpu.wait_dma2 semaphore(%run_scoped3A : memref<!tpu.dma_semaphore, #tpu.memory_space<semaphore_mem>>) src(%dma_wait3A_211 : memref<8x128xi32, #tpu.memory_space<hbm>>) dst(%arg5 : memref<8x128xi32, #tpu.memory_space<vmem>>)
        tpu.yield
      }) : () -> ()
      %dma_start3A = arith.constant 0 : i32
      %dma_start3A_14 = arith.constant 0 : i32
      %dma_start3A_15 = arith.constant 0 : i32
      %dma_start3A_16 = arith.constant 0 : i32
      %dma_start3A_17 = tpu.memref_slice %arg6[%dma_start3A_14, %dma_start3A_15, %dma_start3A_16] : memref<8x128x32xf32, #tpu.memory_space<vmem>> -> memref<1x128x32xf32, #tpu.memory_space<vmem>>
      %dma_start3A_18 = tpu.memref_squeeze %dma_start3A_17 : memref<1x128x32xf32, #tpu.memory_space<vmem>> -> memref<128x32xf32, #tpu.memory_space<vmem>>
      %dma_start3A_19 = arith.constant 0 : i32
      %dma_start3A_20 = tpu.memref_slice %arg5[%dma_start3A, %dma_start3A_19] : memref<8x128xi32, #tpu.memory_space<vmem>> -> memref<1x128xi32, #tpu.memory_space<vmem>>
      %dma_start3A_21 = tpu.memref_squeeze %dma_start3A_20 : memref<1x128xi32, #tpu.memory_space<vmem>> -> memref<128xi32, #tpu.memory_space<vmem>>
      %dma_start3A_22 = arith.constant 0 : i32
      %dma_start3A_23 = arith.constant 0 : i32
      %dma_start3A_24 = tpu.memref_slice %arg2[%dma_start3A_22, %dma_start3A_23] : memref<1000000x32xf32, #tpu.memory_space<hbm>> -> memref<1000000x32xf32, #tpu.memory_space<hbm>>
      tpu.enqueue_indirect_dma source(%dma_start3A_24 : memref<1000000x32xf32, #tpu.memory_space<hbm>>) target(%dma_start3A_18 : memref<128x32xf32, #tpu.memory_space<vmem>>) offsets(%dma_start3A_21 : memref<128xi32, #tpu.memory_space<vmem>>) semaphore(%arg7 : memref<!tpu.dma_semaphore, #tpu.memory_space<semaphore_mem>>)
      %dma_start3A_25 = arith.constant 1 : i32
      %dma_start3A_26 = arith.constant 1 : i32
      %dma_start3A_27 = arith.constant 0 : i32
      %dma_start3A_28 = arith.constant 0 : i32
      %dma_start3A_29 = tpu.memref_slice %arg6[%dma_start3A_26, %dma_start3A_27, %dma_start3A_28] : memref<8x128x32xf32, #tpu.memory_space<vmem>> -> memref<1x128x32xf32, #tpu.memory_space<vmem>>
      %dma_start3A_30 = tpu.memref_squeeze %dma_start3A_29 : memref<1x128x32xf32, #tpu.memory_space<vmem>> -> memref<128x32xf32, #tpu.memory_space<vmem>>
      %dma_start3A_31 = arith.constant 0 : i32
      %dma_start3A_32 = tpu.memref_slice %arg5[%dma_start3A_25, %dma_start3A_31] : memref<8x128xi32, #tpu.memory_space<vmem>> -> memref<1x128xi32, #tpu.memory_space<vmem>>
      %dma_start3A_33 = tpu.memref_squeeze %dma_start3A_32 : memref<1x128xi32, #tpu.memory_space<vmem>> -> memref<128xi32, #tpu.memory_space<vmem>>
      %dma_start3A_34 = arith.constant 0 : i32
      %dma_start3A_35 = arith.constant 0 : i32
      %dma_start3A_36 = tpu.memref_slice %arg2[%dma_start3A_34, %dma_start3A_35] : memref<1000000x32xf32, #tpu.memory_space<hbm>> -> memref<1000000x32xf32, #tpu.memory_space<hbm>>
      tpu.enqueue_indirect_dma source(%dma_start3A_36 : memref<1000000x32xf32, #tpu.memory_space<hbm>>) target(%dma_start3A_30 : memref<128x32xf32, #tpu.memory_space<vmem>>) offsets(%dma_start3A_33 : memref<128xi32, #tpu.memory_space<vmem>>) semaphore(%arg7 : memref<!tpu.dma_semaphore, #tpu.memory_space<semaphore_mem>>)
      %dma_start3A_37 = arith.constant 2 : i32
      %dma_start3A_38 = arith.constant 2 : i32
      %dma_start3A_39 = arith.constant 0 : i32
      %dma_start3A_40 = arith.constant 0 : i32
      %dma_start3A_41 = tpu.memref_slice %arg6[%dma_start3A_38, %dma_start3A_39, %dma_start3A_40] : memref<8x128x32xf32, #tpu.memory_space<vmem>> -> memref<1x128x32xf32, #tpu.memory_space<vmem>>
      %dma_start3A_42 = tpu.memref_squeeze %dma_start3A_41 : memref<1x128x32xf32, #tpu.memory_space<vmem>> -> memref<128x32xf32, #tpu.memory_space<vmem>>
      %dma_start3A_43 = arith.constant 0 : i32
      %dma_start3A_44 = tpu.memref_slice %arg5[%dma_start3A_37, %dma_start3A_43] : memref<8x128xi32, #tpu.memory_space<vmem>> -> memref<1x128xi32, #tpu.memory_space<vmem>>
      %dma_start3A_45 = tpu.memref_squeeze %dma_start3A_44 : memref<1x128xi32, #tpu.memory_space<vmem>> -> memref<128xi32, #tpu.memory_space<vmem>>
      %dma_start3A_46 = arith.constant 0 : i32
      %dma_start3A_47 = arith.constant 0 : i32
      %dma_start3A_48 = tpu.memref_slice %arg2[%dma_start3A_46, %dma_start3A_47] : memref<1000000x32xf32, #tpu.memory_space<hbm>> -> memref<1000000x32xf32, #tpu.memory_space<hbm>>
      tpu.enqueue_indirect_dma source(%dma_start3A_48 : memref<1000000x32xf32, #tpu.memory_space<hbm>>) target(%dma_start3A_42 : memref<128x32xf32, #tpu.memory_space<vmem>>) offsets(%dma_start3A_45 : memref<128xi32, #tpu.memory_space<vmem>>) semaphore(%arg7 : memref<!tpu.dma_semaphore, #tpu.memory_space<semaphore_mem>>)
      %dma_start3A_49 = arith.constant 3 : i32
      %dma_start3A_50 = arith.constant 3 : i32
      %dma_start3A_51 = arith.constant 0 : i32
      %dma_start3A_52 = arith.constant 0 : i32
      %dma_start3A_53 = tpu.memref_slice %arg6[%dma_start3A_50, %dma_start3A_51, %dma_start3A_52] : memref<8x128x32xf32, #tpu.memory_space<vmem>> -> memref<1x128x32xf32, #tpu.memory_space<vmem>>
      %dma_start3A_54 = tpu.memref_squeeze %dma_start3A_53 : memref<1x128x32xf32, #tpu.memory_space<vmem>> -> memref<128x32xf32, #tpu.memory_space<vmem>>
      %dma_start3A_55 = arith.constant 0 : i32
      %dma_start3A_56 = tpu.memref_slice %arg5[%dma_start3A_49, %dma_start3A_55] : memref<8x128xi32, #tpu.memory_space<vmem>> -> memref<1x128xi32, #tpu.memory_space<vmem>>
      %dma_start3A_57 = tpu.memref_squeeze %dma_start3A_56 : memref<1x128xi32, #tpu.memory_space<vmem>> -> memref<128xi32, #tpu.memory_space<vmem>>
      %dma_start3A_58 = arith.constant 0 : i32
      %dma_start3A_59 = arith.constant 0 : i32
      %dma_start3A_60 = tpu.memref_slice %arg2[%dma_start3A_58, %dma_start3A_59] : memref<1000000x32xf32, #tpu.memory_space<hbm>> -> memref<1000000x32xf32, #tpu.memory_space<hbm>>
      tpu.enqueue_indirect_dma source(%dma_start3A_60 : memref<1000000x32xf32, #tpu.memory_space<hbm>>) target(%dma_start3A_54 : memref<128x32xf32, #tpu.memory_space<vmem>>) offsets(%dma_start3A_57 : memref<128xi32, #tpu.memory_space<vmem>>) semaphore(%arg7 : memref<!tpu.dma_semaphore, #tpu.memory_space<semaphore_mem>>)
      %dma_start3A_61 = arith.constant 4 : i32
      %dma_start3A_62 = arith.constant 4 : i32
      %dma_start3A_63 = arith.constant 0 : i32
      %dma_start3A_64 = arith.constant 0 : i32
      %dma_start3A_65 = tpu.memref_slice %arg6[%dma_start3A_62, %dma_start3A_63, %dma_start3A_64] : memref<8x128x32xf32, #tpu.memory_space<vmem>> -> memref<1x128x32xf32, #tpu.memory_space<vmem>>
      %dma_start3A_66 = tpu.memref_squeeze %dma_start3A_65 : memref<1x128x32xf32, #tpu.memory_space<vmem>> -> memref<128x32xf32, #tpu.memory_space<vmem>>
      %dma_start3A_67 = arith.constant 0 : i32
      %dma_start3A_68 = tpu.memref_slice %arg5[%dma_start3A_61, %dma_start3A_67] : memref<8x128xi32, #tpu.memory_space<vmem>> -> memref<1x128xi32, #tpu.memory_space<vmem>>
      %dma_start3A_69 = tpu.memref_squeeze %dma_start3A_68 : memref<1x128xi32, #tpu.memory_space<vmem>> -> memref<128xi32, #tpu.memory_space<vmem>>
      %dma_start3A_70 = arith.constant 0 : i32
      %dma_start3A_71 = arith.constant 0 : i32
      %dma_start3A_72 = tpu.memref_slice %arg2[%dma_start3A_70, %dma_start3A_71] : memref<1000000x32xf32, #tpu.memory_space<hbm>> -> memref<1000000x32xf32, #tpu.memory_space<hbm>>
      tpu.enqueue_indirect_dma source(%dma_start3A_72 : memref<1000000x32xf32, #tpu.memory_space<hbm>>) target(%dma_start3A_66 : memref<128x32xf32, #tpu.memory_space<vmem>>) offsets(%dma_start3A_69 : memref<128xi32, #tpu.memory_space<vmem>>) semaphore(%arg7 : memref<!tpu.dma_semaphore, #tpu.memory_space<semaphore_mem>>)
      %dma_start3A_73 = arith.constant 5 : i32
      %dma_start3A_74 = arith.constant 5 : i32
      %dma_start3A_75 = arith.constant 0 : i32
      %dma_start3A_76 = arith.constant 0 : i32
      %dma_start3A_77 = tpu.memref_slice %arg6[%dma_start3A_74, %dma_start3A_75, %dma_start3A_76] : memref<8x128x32xf32, #tpu.memory_space<vmem>> -> memref<1x128x32xf32, #tpu.memory_space<vmem>>
      %dma_start3A_78 = tpu.memref_squeeze %dma_start3A_77 : memref<1x128x32xf32, #tpu.memory_space<vmem>> -> memref<128x32xf32, #tpu.memory_space<vmem>>
      %dma_start3A_79 = arith.constant 0 : i32
      %dma_start3A_80 = tpu.memref_slice %arg5[%dma_start3A_73, %dma_start3A_79] : memref<8x128xi32, #tpu.memory_space<vmem>> -> memref<1x128xi32, #tpu.memory_space<vmem>>
      %dma_start3A_81 = tpu.memref_squeeze %dma_start3A_80 : memref<1x128xi32, #tpu.memory_space<vmem>> -> memref<128xi32, #tpu.memory_space<vmem>>
      %dma_start3A_82 = arith.constant 0 : i32
      %dma_start3A_83 = arith.constant 0 : i32
      %dma_start3A_84 = tpu.memref_slice %arg2[%dma_start3A_82, %dma_start3A_83] : memref<1000000x32xf32, #tpu.memory_space<hbm>> -> memref<1000000x32xf32, #tpu.memory_space<hbm>>
      tpu.enqueue_indirect_dma source(%dma_start3A_84 : memref<1000000x32xf32, #tpu.memory_space<hbm>>) target(%dma_start3A_78 : memref<128x32xf32, #tpu.memory_space<vmem>>) offsets(%dma_start3A_81 : memref<128xi32, #tpu.memory_space<vmem>>) semaphore(%arg7 : memref<!tpu.dma_semaphore, #tpu.memory_space<semaphore_mem>>)
      %dma_start3A_85 = arith.constant 6 : i32
      %dma_start3A_86 = arith.constant 6 : i32
      %dma_start3A_87 = arith.constant 0 : i32
      %dma_start3A_88 = arith.constant 0 : i32
      %dma_start3A_89 = tpu.memref_slice %arg6[%dma_start3A_86, %dma_start3A_87, %dma_start3A_88] : memref<8x128x32xf32, #tpu.memory_space<vmem>> -> memref<1x128x32xf32, #tpu.memory_space<vmem>>
      %dma_start3A_90 = tpu.memref_squeeze %dma_start3A_89 : memref<1x128x32xf32, #tpu.memory_space<vmem>> -> memref<128x32xf32, #tpu.memory_space<vmem>>
      %dma_start3A_91 = arith.constant 0 : i32
      %dma_start3A_92 = tpu.memref_slice %arg5[%dma_start3A_85, %dma_start3A_91] : memref<8x128xi32, #tpu.memory_space<vmem>> -> memref<1x128xi32, #tpu.memory_space<vmem>>
      %dma_start3A_93 = tpu.memref_squeeze %dma_start3A_92 : memref<1x128xi32, #tpu.memory_space<vmem>> -> memref<128xi32, #tpu.memory_space<vmem>>
      %dma_start3A_94 = arith.constant 0 : i32
      %dma_start3A_95 = arith.constant 0 : i32
      %dma_start3A_96 = tpu.memref_slice %arg2[%dma_start3A_94, %dma_start3A_95] : memref<1000000x32xf32, #tpu.memory_space<hbm>> -> memref<1000000x32xf32, #tpu.memory_space<hbm>>
      tpu.enqueue_indirect_dma source(%dma_start3A_96 : memref<1000000x32xf32, #tpu.memory_space<hbm>>) target(%dma_start3A_90 : memref<128x32xf32, #tpu.memory_space<vmem>>) offsets(%dma_start3A_93 : memref<128xi32, #tpu.memory_space<vmem>>) semaphore(%arg7 : memref<!tpu.dma_semaphore, #tpu.memory_space<semaphore_mem>>)
      %dma_start3A_97 = arith.constant 7 : i32
      %dma_start3A_98 = arith.constant 7 : i32
      %dma_start3A_99 = arith.constant 0 : i32
      %dma_start3A_100 = arith.constant 0 : i32
      %dma_start3A_101 = tpu.memref_slice %arg6[%dma_start3A_98, %dma_start3A_99, %dma_start3A_100] : memref<8x128x32xf32, #tpu.memory_space<vmem>> -> memref<1x128x32xf32, #tpu.memory_space<vmem>>
      %dma_start3A_102 = tpu.memref_squeeze %dma_start3A_101 : memref<1x128x32xf32, #tpu.memory_space<vmem>> -> memref<128x32xf32, #tpu.memory_space<vmem>>
      %dma_start3A_103 = arith.constant 0 : i32
      %dma_start3A_104 = tpu.memref_slice %arg5[%dma_start3A_97, %dma_start3A_103] : memref<8x128xi32, #tpu.memory_space<vmem>> -> memref<1x128xi32, #tpu.memory_space<vmem>>
      %dma_start3A_105 = tpu.memref_squeeze %dma_start3A_104 : memref<1x128xi32, #tpu.memory_space<vmem>> -> memref<128xi32, #tpu.memory_space<vmem>>
      %dma_start3A_106 = arith.constant 0 : i32
      %dma_start3A_107 = arith.constant 0 : i32
      %dma_start3A_108 = tpu.memref_slice %arg2[%dma_start3A_106, %dma_start3A_107] : memref<1000000x32xf32, #tpu.memory_space<hbm>> -> memref<1000000x32xf32, #tpu.memory_space<hbm>>
      tpu.enqueue_indirect_dma source(%dma_start3A_108 : memref<1000000x32xf32, #tpu.memory_space<hbm>>) target(%dma_start3A_102 : memref<128x32xf32, #tpu.memory_space<vmem>>) offsets(%dma_start3A_105 : memref<128xi32, #tpu.memory_space<vmem>>) semaphore(%arg7 : memref<!tpu.dma_semaphore, #tpu.memory_space<semaphore_mem>>)
      %dma_wait3A = arith.constant 0 : i32
      %dma_wait3A_109 = arith.constant 0 : i32
      %dma_wait3A_110 = arith.constant 0 : i32
      %dma_wait3A_111 = arith.constant 0 : i32
      %dma_wait3A_112 = tpu.memref_slice %arg6[%dma_wait3A_109, %dma_wait3A_110, %dma_wait3A_111] : memref<8x128x32xf32, #tpu.memory_space<vmem>> -> memref<1x128x32xf32, #tpu.memory_space<vmem>>
      %dma_wait3A_113 = tpu.memref_squeeze %dma_wait3A_112 : memref<1x128x32xf32, #tpu.memory_space<vmem>> -> memref<128x32xf32, #tpu.memory_space<vmem>>
      %dma_wait3A_114 = arith.constant 0 : i32
      %dma_wait3A_115 = tpu.memref_slice %arg5[%dma_wait3A, %dma_wait3A_114] : memref<8x128xi32, #tpu.memory_space<vmem>> -> memref<1x128xi32, #tpu.memory_space<vmem>>
      %dma_wait3A_116 = tpu.memref_squeeze %dma_wait3A_115 : memref<1x128xi32, #tpu.memory_space<vmem>> -> memref<128xi32, #tpu.memory_space<vmem>>
      %dma_wait3A_117 = arith.constant 0 : i32
      %dma_wait3A_118 = arith.constant 0 : i32
      %dma_wait3A_119 = tpu.memref_slice %arg2[%dma_wait3A_117, %dma_wait3A_118] : memref<1000000x32xf32, #tpu.memory_space<hbm>> -> memref<1000000x32xf32, #tpu.memory_space<hbm>>
      tpu.wait_indirect_dma semaphore(%arg7 : memref<!tpu.dma_semaphore, #tpu.memory_space<semaphore_mem>>) src(%dma_wait3A_119 : memref<1000000x32xf32, #tpu.memory_space<hbm>>) dst(%dma_wait3A_113 : memref<128x32xf32, #tpu.memory_space<vmem>>)
      %dma_wait3A_120 = arith.constant 1 : i32
      %dma_wait3A_121 = arith.constant 1 : i32
      %dma_wait3A_122 = arith.constant 0 : i32
      %dma_wait3A_123 = arith.constant 0 : i32
      %dma_wait3A_124 = tpu.memref_slice %arg6[%dma_wait3A_121, %dma_wait3A_122, %dma_wait3A_123] : memref<8x128x32xf32, #tpu.memory_space<vmem>> -> memref<1x128x32xf32, #tpu.memory_space<vmem>>
      %dma_wait3A_125 = tpu.memref_squeeze %dma_wait3A_124 : memref<1x128x32xf32, #tpu.memory_space<vmem>> -> memref<128x32xf32, #tpu.memory_space<vmem>>
      %dma_wait3A_126 = arith.constant 0 : i32
      %dma_wait3A_127 = tpu.memref_slice %arg5[%dma_wait3A_120, %dma_wait3A_126] : memref<8x128xi32, #tpu.memory_space<vmem>> -> memref<1x128xi32, #tpu.memory_space<vmem>>
      %dma_wait3A_128 = tpu.memref_squeeze %dma_wait3A_127 : memref<1x128xi32, #tpu.memory_space<vmem>> -> memref<128xi32, #tpu.memory_space<vmem>>
      %dma_wait3A_129 = arith.constant 0 : i32
      %dma_wait3A_130 = arith.constant 0 : i32
      %dma_wait3A_131 = tpu.memref_slice %arg2[%dma_wait3A_129, %dma_wait3A_130] : memref<1000000x32xf32, #tpu.memory_space<hbm>> -> memref<1000000x32xf32, #tpu.memory_space<hbm>>
      tpu.wait_indirect_dma semaphore(%arg7 : memref<!tpu.dma_semaphore, #tpu.memory_space<semaphore_mem>>) src(%dma_wait3A_131 : memref<1000000x32xf32, #tpu.memory_space<hbm>>) dst(%dma_wait3A_125 : memref<128x32xf32, #tpu.memory_space<vmem>>)
      %dma_wait3A_132 = arith.constant 2 : i32
      %dma_wait3A_133 = arith.constant 2 : i32
      %dma_wait3A_134 = arith.constant 0 : i32
      %dma_wait3A_135 = arith.constant 0 : i32
      %dma_wait3A_136 = tpu.memref_slice %arg6[%dma_wait3A_133, %dma_wait3A_134, %dma_wait3A_135] : memref<8x128x32xf32, #tpu.memory_space<vmem>> -> memref<1x128x32xf32, #tpu.memory_space<vmem>>
      %dma_wait3A_137 = tpu.memref_squeeze %dma_wait3A_136 : memref<1x128x32xf32, #tpu.memory_space<vmem>> -> memref<128x32xf32, #tpu.memory_space<vmem>>
      %dma_wait3A_138 = arith.constant 0 : i32
      %dma_wait3A_139 = tpu.memref_slice %arg5[%dma_wait3A_132, %dma_wait3A_138] : memref<8x128xi32, #tpu.memory_space<vmem>> -> memref<1x128xi32, #tpu.memory_space<vmem>>
      %dma_wait3A_140 = tpu.memref_squeeze %dma_wait3A_139 : memref<1x128xi32, #tpu.memory_space<vmem>> -> memref<128xi32, #tpu.memory_space<vmem>>
      %dma_wait3A_141 = arith.constant 0 : i32
      %dma_wait3A_142 = arith.constant 0 : i32
      %dma_wait3A_143 = tpu.memref_slice %arg2[%dma_wait3A_141, %dma_wait3A_142] : memref<1000000x32xf32, #tpu.memory_space<hbm>> -> memref<1000000x32xf32, #tpu.memory_space<hbm>>
      tpu.wait_indirect_dma semaphore(%arg7 : memref<!tpu.dma_semaphore, #tpu.memory_space<semaphore_mem>>) src(%dma_wait3A_143 : memref<1000000x32xf32, #tpu.memory_space<hbm>>) dst(%dma_wait3A_137 : memref<128x32xf32, #tpu.memory_space<vmem>>)
      %dma_wait3A_144 = arith.constant 3 : i32
      %dma_wait3A_145 = arith.constant 3 : i32
      %dma_wait3A_146 = arith.constant 0 : i32
      %dma_wait3A_147 = arith.constant 0 : i32
      %dma_wait3A_148 = tpu.memref_slice %arg6[%dma_wait3A_145, %dma_wait3A_146, %dma_wait3A_147] : memref<8x128x32xf32, #tpu.memory_space<vmem>> -> memref<1x128x32xf32, #tpu.memory_space<vmem>>
      %dma_wait3A_149 = tpu.memref_squeeze %dma_wait3A_148 : memref<1x128x32xf32, #tpu.memory_space<vmem>> -> memref<128x32xf32, #tpu.memory_space<vmem>>
      %dma_wait3A_150 = arith.constant 0 : i32
      %dma_wait3A_151 = tpu.memref_slice %arg5[%dma_wait3A_144, %dma_wait3A_150] : memref<8x128xi32, #tpu.memory_space<vmem>> -> memref<1x128xi32, #tpu.memory_space<vmem>>
      %dma_wait3A_152 = tpu.memref_squeeze %dma_wait3A_151 : memref<1x128xi32, #tpu.memory_space<vmem>> -> memref<128xi32, #tpu.memory_space<vmem>>
      %dma_wait3A_153 = arith.constant 0 : i32
      %dma_wait3A_154 = arith.constant 0 : i32
      %dma_wait3A_155 = tpu.memref_slice %arg2[%dma_wait3A_153, %dma_wait3A_154] : memref<1000000x32xf32, #tpu.memory_space<hbm>> -> memref<1000000x32xf32, #tpu.memory_space<hbm>>
      tpu.wait_indirect_dma semaphore(%arg7 : memref<!tpu.dma_semaphore, #tpu.memory_space<semaphore_mem>>) src(%dma_wait3A_155 : memref<1000000x32xf32, #tpu.memory_space<hbm>>) dst(%dma_wait3A_149 : memref<128x32xf32, #tpu.memory_space<vmem>>)
      %dma_wait3A_156 = arith.constant 4 : i32
      %dma_wait3A_157 = arith.constant 4 : i32
      %dma_wait3A_158 = arith.constant 0 : i32
      %dma_wait3A_159 = arith.constant 0 : i32
      %dma_wait3A_160 = tpu.memref_slice %arg6[%dma_wait3A_157, %dma_wait3A_158, %dma_wait3A_159] : memref<8x128x32xf32, #tpu.memory_space<vmem>> -> memref<1x128x32xf32, #tpu.memory_space<vmem>>
      %dma_wait3A_161 = tpu.memref_squeeze %dma_wait3A_160 : memref<1x128x32xf32, #tpu.memory_space<vmem>> -> memref<128x32xf32, #tpu.memory_space<vmem>>
      %dma_wait3A_162 = arith.constant 0 : i32
      %dma_wait3A_163 = tpu.memref_slice %arg5[%dma_wait3A_156, %dma_wait3A_162] : memref<8x128xi32, #tpu.memory_space<vmem>> -> memref<1x128xi32, #tpu.memory_space<vmem>>
      %dma_wait3A_164 = tpu.memref_squeeze %dma_wait3A_163 : memref<1x128xi32, #tpu.memory_space<vmem>> -> memref<128xi32, #tpu.memory_space<vmem>>
      %dma_wait3A_165 = arith.constant 0 : i32
      %dma_wait3A_166 = arith.constant 0 : i32
      %dma_wait3A_167 = tpu.memref_slice %arg2[%dma_wait3A_165, %dma_wait3A_166] : memref<1000000x32xf32, #tpu.memory_space<hbm>> -> memref<1000000x32xf32, #tpu.memory_space<hbm>>
      tpu.wait_indirect_dma semaphore(%arg7 : memref<!tpu.dma_semaphore, #tpu.memory_space<semaphore_mem>>) src(%dma_wait3A_167 : memref<1000000x32xf32, #tpu.memory_space<hbm>>) dst(%dma_wait3A_161 : memref<128x32xf32, #tpu.memory_space<vmem>>)
      %dma_wait3A_168 = arith.constant 5 : i32
      %dma_wait3A_169 = arith.constant 5 : i32
      %dma_wait3A_170 = arith.constant 0 : i32
      %dma_wait3A_171 = arith.constant 0 : i32
      %dma_wait3A_172 = tpu.memref_slice %arg6[%dma_wait3A_169, %dma_wait3A_170, %dma_wait3A_171] : memref<8x128x32xf32, #tpu.memory_space<vmem>> -> memref<1x128x32xf32, #tpu.memory_space<vmem>>
      %dma_wait3A_173 = tpu.memref_squeeze %dma_wait3A_172 : memref<1x128x32xf32, #tpu.memory_space<vmem>> -> memref<128x32xf32, #tpu.memory_space<vmem>>
      %dma_wait3A_174 = arith.constant 0 : i32
      %dma_wait3A_175 = tpu.memref_slice %arg5[%dma_wait3A_168, %dma_wait3A_174] : memref<8x128xi32, #tpu.memory_space<vmem>> -> memref<1x128xi32, #tpu.memory_space<vmem>>
      %dma_wait3A_176 = tpu.memref_squeeze %dma_wait3A_175 : memref<1x128xi32, #tpu.memory_space<vmem>> -> memref<128xi32, #tpu.memory_space<vmem>>
      %dma_wait3A_177 = arith.constant 0 : i32
      %dma_wait3A_178 = arith.constant 0 : i32
      %dma_wait3A_179 = tpu.memref_slice %arg2[%dma_wait3A_177, %dma_wait3A_178] : memref<1000000x32xf32, #tpu.memory_space<hbm>> -> memref<1000000x32xf32, #tpu.memory_space<hbm>>
      tpu.wait_indirect_dma semaphore(%arg7 : memref<!tpu.dma_semaphore, #tpu.memory_space<semaphore_mem>>) src(%dma_wait3A_179 : memref<1000000x32xf32, #tpu.memory_space<hbm>>) dst(%dma_wait3A_173 : memref<128x32xf32, #tpu.memory_space<vmem>>)
      %dma_wait3A_180 = arith.constant 6 : i32
      %dma_wait3A_181 = arith.constant 6 : i32
      %dma_wait3A_182 = arith.constant 0 : i32
      %dma_wait3A_183 = arith.constant 0 : i32
      %dma_wait3A_184 = tpu.memref_slice %arg6[%dma_wait3A_181, %dma_wait3A_182, %dma_wait3A_183] : memref<8x128x32xf32, #tpu.memory_space<vmem>> -> memref<1x128x32xf32, #tpu.memory_space<vmem>>
      %dma_wait3A_185 = tpu.memref_squeeze %dma_wait3A_184 : memref<1x128x32xf32, #tpu.memory_space<vmem>> -> memref<128x32xf32, #tpu.memory_space<vmem>>
      %dma_wait3A_186 = arith.constant 0 : i32
      %dma_wait3A_187 = tpu.memref_slice %arg5[%dma_wait3A_180, %dma_wait3A_186] : memref<8x128xi32, #tpu.memory_space<vmem>> -> memref<1x128xi32, #tpu.memory_space<vmem>>
      %dma_wait3A_188 = tpu.memref_squeeze %dma_wait3A_187 : memref<1x128xi32, #tpu.memory_space<vmem>> -> memref<128xi32, #tpu.memory_space<vmem>>
      %dma_wait3A_189 = arith.constant 0 : i32
      %dma_wait3A_190 = arith.constant 0 : i32
      %dma_wait3A_191 = tpu.memref_slice %arg2[%dma_wait3A_189, %dma_wait3A_190] : memref<1000000x32xf32, #tpu.memory_space<hbm>> -> memref<1000000x32xf32, #tpu.memory_space<hbm>>
      tpu.wait_indirect_dma semaphore(%arg7 : memref<!tpu.dma_semaphore, #tpu.memory_space<semaphore_mem>>) src(%dma_wait3A_191 : memref<1000000x32xf32, #tpu.memory_space<hbm>>) dst(%dma_wait3A_185 : memref<128x32xf32, #tpu.memory_space<vmem>>)
      %dma_wait3A_192 = arith.constant 7 : i32
      %dma_wait3A_193 = arith.constant 7 : i32
      %dma_wait3A_194 = arith.constant 0 : i32
      %dma_wait3A_195 = arith.constant 0 : i32
      %dma_wait3A_196 = tpu.memref_slice %arg6[%dma_wait3A_193, %dma_wait3A_194, %dma_wait3A_195] : memref<8x128x32xf32, #tpu.memory_space<vmem>> -> memref<1x128x32xf32, #tpu.memory_space<vmem>>
      %dma_wait3A_197 = tpu.memref_squeeze %dma_wait3A_196 : memref<1x128x32xf32, #tpu.memory_space<vmem>> -> memref<128x32xf32, #tpu.memory_space<vmem>>
      %dma_wait3A_198 = arith.constant 0 : i32
      %dma_wait3A_199 = tpu.memref_slice %arg5[%dma_wait3A_192, %dma_wait3A_198] : memref<8x128xi32, #tpu.memory_space<vmem>> -> memref<1x128xi32, #tpu.memory_space<vmem>>
      %dma_wait3A_200 = tpu.memref_squeeze %dma_wait3A_199 : memref<1x128xi32, #tpu.memory_space<vmem>> -> memref<128xi32, #tpu.memory_space<vmem>>
      %dma_wait3A_201 = arith.constant 0 : i32
      %dma_wait3A_202 = arith.constant 0 : i32
      %dma_wait3A_203 = tpu.memref_slice %arg2[%dma_wait3A_201, %dma_wait3A_202] : memref<1000000x32xf32, #tpu.memory_space<hbm>> -> memref<1000000x32xf32, #tpu.memory_space<hbm>>
      tpu.wait_indirect_dma semaphore(%arg7 : memref<!tpu.dma_semaphore, #tpu.memory_space<semaphore_mem>>) src(%dma_wait3A_203 : memref<1000000x32xf32, #tpu.memory_space<hbm>>) dst(%dma_wait3A_197 : memref<128x32xf32, #tpu.memory_space<vmem>>)
      "tpu.region"() ({
        %run_scoped3A = tpu.sem_alloc : memref<!tpu.dma_semaphore, #tpu.memory_space<semaphore_mem>>
        %dma_start3A_204 = arith.constant 0 : i32
        %dma_start3A_205 = arith.constant 0 : i32
        %dma_start3A_206 = tpu.memref_slice %arg4[%add3A_11, %dma_start3A_204, %dma_start3A_205] : memref<1280x128x32xf32, #tpu.memory_space<hbm>> -> memref<8x128x32xf32, #tpu.memory_space<hbm>>
        %dma_start3A_207 = arith.constant 0 : i32
        %dma_start3A_208 = arith.constant 0 : i32
        %dma_start3A_209 = tpu.memref_slice %arg4[%add3A_11, %dma_start3A_207, %dma_start3A_208] : memref<1280x128x32xf32, #tpu.memory_space<hbm>> -> memref<8x128x32xf32, #tpu.memory_space<hbm>>
        tpu.enqueue_dma source(%arg6 : memref<8x128x32xf32, #tpu.memory_space<vmem>>) target(%dma_start3A_209 : memref<8x128x32xf32, #tpu.memory_space<hbm>>) target_semaphore(%run_scoped3A : memref<!tpu.dma_semaphore, #tpu.memory_space<semaphore_mem>>)
        %dma_wait3A_210 = arith.constant 0 : i32
        %dma_wait3A_211 = arith.constant 0 : i32
        %dma_wait3A_212 = tpu.memref_slice %arg4[%add3A_11, %dma_wait3A_210, %dma_wait3A_211] : memref<1280x128x32xf32, #tpu.memory_space<hbm>> -> memref<8x128x32xf32, #tpu.memory_space<hbm>>
        %dma_wait3A_213 = arith.constant 0 : i32
        %dma_wait3A_214 = arith.constant 0 : i32
        %dma_wait3A_215 = tpu.memref_slice %arg4[%add3A_11, %dma_wait3A_213, %dma_wait3A_214] : memref<1280x128x32xf32, #tpu.memory_space<hbm>> -> memref<8x128x32xf32, #tpu.memory_space<hbm>>
        tpu.wait_dma2 semaphore(%run_scoped3A : memref<!tpu.dma_semaphore, #tpu.memory_space<semaphore_mem>>) src(%arg6 : memref<8x128x32xf32, #tpu.memory_space<vmem>>) dst(%dma_wait3A_215 : memref<8x128x32xf32, #tpu.memory_space<hbm>>)
        tpu.yield
      }) : () -> ()
    }
    %scan3A_7 = arith.constant 5 : i32
    return
  }
}

#map = affine_map<(d0, d1) -> (0, 0)>
#map1 = affine_map<(d0, d1) -> (0, 0, 0)>
module attributes {stable_mosaic.version = 14 : i64} {
  func.func @gather_kernel(%arg0: i32, %arg1: i32, %arg2: memref<1000000x32xf32, #tpu.memory_space<hbm>>, %arg3: memref<6400x128xi32, #tpu.memory_space<hbm>>, %arg4: memref<1280x128x32xf32, #tpu.memory_space<hbm>>, %arg5: memref<8x128xi32, #tpu.memory_space<vmem>>, %arg6: memref<8x128x32xf32, #tpu.memory_space<vmem>>, %arg7: memref<!tpu.dma_semaphore, #tpu.memory_space<semaphore_mem>>) attributes {dimension_semantics = [#tpu.dimension_semantics<core_parallel>, #tpu.dimension_semantics<subcore_parallel>], iteration_bounds = array<i64: 2, 16>, scalar_prefetch = 0 : i64, scratch_operands = 3 : i64, tpu.core_type = #tpu.core_type<sc_vector_subcore>, window_params = [{transform_indices = #map}, {transform_indices = #map}, {transform_indices = #map1}]} {
    %mul3A = arith.constant 2 : i32
    %mul3A_0 = arith.muli %arg1, %mul3A : i32
    %add3A = arith.addi %mul3A_0, %arg0 : i32
    %mul3A_1 = arith.constant 40 : i32
    %mul3A_2 = arith.muli %add3A, %mul3A_1 : i32
    %scan3A = arith.constant 0 : i32
    %scan3A_3 = arith.constant 0 : i32
    %scan3A_4 = arith.constant 5 : i32
    %scan3A_5 = arith.addi %scan3A_3, %scan3A_4 : i32
    %scan3A_6 = arith.constant 1 : i32
    scf.for %scan3A_8 = %scan3A_3 to %scan3A_5 step %scan3A_6  : i32 {
      %mul3A_9 = arith.constant 8 : i32
      %mul3A_10 = arith.muli %scan3A_8, %mul3A_9 : i32
      %add3A_11 = arith.addi %mul3A_2, %mul3A_10 : i32
      %add3A_12 = arith.constant 0 : i32
      %add3A_13 = arith.addi %add3A_12, %add3A_11 : i32
      "tpu.region"() ({
        %run_scoped3A = tpu.sem_alloc : memref<!tpu.dma_semaphore, #tpu.memory_space<semaphore_mem>>
        %dma_start3A_204 = arith.constant 0 : i32
        %dma_start3A_205 = tpu.memref_slice %arg3[%add3A_13, %dma_start3A_204] : memref<6400x128xi32, #tpu.memory_space<hbm>> -> memref<8x128xi32, #tpu.memory_space<hbm>>
        %dma_start3A_206 = arith.constant 0 : i32
        %dma_start3A_207 = tpu.memref_slice %arg3[%add3A_13, %dma_start3A_206] : memref<6400x128xi32, #tpu.memory_space<hbm>> -> memref<8x128xi32, #tpu.memory_space<hbm>>
        tpu.enqueue_dma source(%dma_start3A_207 : memref<8x128xi32, #tpu.memory_space<hbm>>) target(%arg5 : memref<8x128xi32, #tpu.memory_space<vmem>>) target_semaphore(%run_scoped3A : memref<!tpu.dma_semaphore, #tpu.memory_space<semaphore_mem>>)
        %dma_wait3A_208 = arith.constant 0 : i32
        %dma_wait3A_209 = tpu.memref_slice %arg3[%add3A_13, %dma_wait3A_208] : memref<6400x128xi32, #tpu.memory_space<hbm>> -> memref<8x128xi32, #tpu.memory_space<hbm>>
        %dma_wait3A_210 = arith.constant 0 : i32
        %dma_wait3A_211 = tpu.memref_slice %arg3[%add3A_13, %dma_wait3A_210] : memref<6400x128xi32, #tpu.memory_space<hbm>> -> memref<8x128xi32, #tpu.memory_space<hbm>>
        tpu.wait_dma2 semaphore(%run_scoped3A : memref<!tpu.dma_semaphore, #tpu.memory_space<semaphore_mem>>) src(%dma_wait3A_211 : memref<8x128xi32, #tpu.memory_space<hbm>>) dst(%arg5 : memref<8x128xi32, #tpu.memory_space<vmem>>)
        tpu.yield
      }) : () -> ()
      %dma_start3A = arith.constant 0 : i32
      %dma_start3A_14 = arith.constant 0 : i32
      %dma_start3A_15 = arith.constant 0 : i32
      %dma_start3A_16 = arith.constant 0 : i32
      %dma_start3A_17 = tpu.memref_slice %arg6[%dma_start3A_14, %dma_start3A_15, %dma_start3A_16] : memref<8x128x32xf32, #tpu.memory_space<vmem>> -> memref<1x128x32xf32, #tpu.memory_space<vmem>>
      %dma_start3A_18 = tpu.memref_squeeze %dma_start3A_17 : memref<1x128x32xf32, #tpu.memory_space<vmem>> -> memref<128x32xf32, #tpu.memory_space<vmem>>
      %dma_start3A_19 = arith.constant 0 : i32
      %dma_start3A_20 = tpu.memref_slice %arg5[%dma_start3A, %dma_start3A_19] : memref<8x128xi32, #tpu.memory_space<vmem>> -> memref<1x128xi32, #tpu.memory_space<vmem>>
      %dma_start3A_21 = tpu.memref_squeeze %dma_start3A_20 : memref<1x128xi32, #tpu.memory_space<vmem>> -> memref<128xi32, #tpu.memory_space<vmem>>
      %dma_start3A_22 = arith.constant 0 : i32
      %dma_start3A_23 = arith.constant 0 : i32
      %dma_start3A_24 = tpu.memref_slice %arg2[%dma_start3A_22, %dma_start3A_23] : memref<1000000x32xf32, #tpu.memory_space<hbm>> -> memref<1000000x32xf32, #tpu.memory_space<hbm>>
      tpu.enqueue_indirect_dma source(%dma_start3A_24 : memref<1000000x32xf32, #tpu.memory_space<hbm>>) target(%dma_start3A_18 : memref<128x32xf32, #tpu.memory_space<vmem>>) offsets(%dma_start3A_21 : memref<128xi32, #tpu.memory_space<vmem>>) semaphore(%arg7 : memref<!tpu.dma_semaphore, #tpu.memory_space<semaphore_mem>>)
      %dma_start3A_25 = arith.constant 1 : i32
      %dma_start3A_26 = arith.constant 1 : i32
      %dma_start3A_27 = arith.constant 0 : i32
      %dma_start3A_28 = arith.constant 0 : i32
      %dma_start3A_29 = tpu.memref_slice %arg6[%dma_start3A_26, %dma_start3A_27, %dma_start3A_28] : memref<8x128x32xf32, #tpu.memory_space<vmem>> -> memref<1x128x32xf32, #tpu.memory_space<vmem>>
      %dma_start3A_30 = tpu.memref_squeeze %dma_start3A_29 : memref<1x128x32xf32, #tpu.memory_space<vmem>> -> memref<128x32xf32, #tpu.memory_space<vmem>>
      %dma_start3A_31 = arith.constant 0 : i32
      %dma_start3A_32 = tpu.memref_slice %arg5[%dma_start3A_25, %dma_start3A_31] : memref<8x128xi32, #tpu.memory_space<vmem>> -> memref<1x128xi32, #tpu.memory_space<vmem>>
      %dma_start3A_33 = tpu.memref_squeeze %dma_start3A_32 : memref<1x128xi32, #tpu.memory_space<vmem>> -> memref<128xi32, #tpu.memory_space<vmem>>
      %dma_start3A_34 = arith.constant 0 : i32
      %dma_start3A_35 = arith.constant 0 : i32
      %dma_start3A_36 = tpu.memref_slice %arg2[%dma_start3A_34, %dma_start3A_35] : memref<1000000x32xf32, #tpu.memory_space<hbm>> -> memref<1000000x32xf32, #tpu.memory_space<hbm>>
      tpu.enqueue_indirect_dma source(%dma_start3A_36 : memref<1000000x32xf32, #tpu.memory_space<hbm>>) target(%dma_start3A_30 : memref<128x32xf32, #tpu.memory_space<vmem>>) offsets(%dma_start3A_33 : memref<128xi32, #tpu.memory_space<vmem>>) semaphore(%arg7 : memref<!tpu.dma_semaphore, #tpu.memory_space<semaphore_mem>>)
      %dma_start3A_37 = arith.constant 2 : i32
      %dma_start3A_38 = arith.constant 2 : i32
      %dma_start3A_39 = arith.constant 0 : i32
      %dma_start3A_40 = arith.constant 0 : i32
      %dma_start3A_41 = tpu.memref_slice %arg6[%dma_start3A_38, %dma_start3A_39, %dma_start3A_40] : memref<8x128x32xf32, #tpu.memory_space<vmem>> -> memref<1x128x32xf32, #tpu.memory_space<vmem>>
      %dma_start3A_42 = tpu.memref_squeeze %dma_start3A_41 : memref<1x128x32xf32, #tpu.memory_space<vmem>> -> memref<128x32xf32, #tpu.memory_space<vmem>>
      %dma_start3A_43 = arith.constant 0 : i32
      %dma_start3A_44 = tpu.memref_slice %arg5[%dma_start3A_37, %dma_start3A_43] : memref<8x128xi32, #tpu.memory_space<vmem>> -> memref<1x128xi32, #tpu.memory_space<vmem>>
      %dma_start3A_45 = tpu.memref_squeeze %dma_start3A_44 : memref<1x128xi32, #tpu.memory_space<vmem>> -> memref<128xi32, #tpu.memory_space<vmem>>
      %dma_start3A_46 = arith.constant 0 : i32
      %dma_start3A_47 = arith.constant 0 : i32
      %dma_start3A_48 = tpu.memref_slice %arg2[%dma_start3A_46, %dma_start3A_47] : memref<1000000x32xf32, #tpu.memory_space<hbm>> -> memref<1000000x32xf32, #tpu.memory_space<hbm>>
      tpu.enqueue_indirect_dma source(%dma_start3A_48 : memref<1000000x32xf32, #tpu.memory_space<hbm>>) target(%dma_start3A_42 : memref<128x32xf32, #tpu.memory_space<vmem>>) offsets(%dma_start3A_45 : memref<128xi32, #tpu.memory_space<vmem>>) semaphore(%arg7 : memref<!tpu.dma_semaphore, #tpu.memory_space<semaphore_mem>>)
      %dma_start3A_49 = arith.constant 3 : i32
      %dma_start3A_50 = arith.constant 3 : i32
      %dma_start3A_51 = arith.constant 0 : i32
      %dma_start3A_52 = arith.constant 0 : i32
      %dma_start3A_53 = tpu.memref_slice %arg6[%dma_start3A_50, %dma_start3A_51, %dma_start3A_52] : memref<8x128x32xf32, #tpu.memory_space<vmem>> -> memref<1x128x32xf32, #tpu.memory_space<vmem>>
      %dma_start3A_54 = tpu.memref_squeeze %dma_start3A_53 : memref<1x128x32xf32, #tpu.memory_space<vmem>> -> memref<128x32xf32, #tpu.memory_space<vmem>>
      %dma_start3A_55 = arith.constant 0 : i32
      %dma_start3A_56 = tpu.memref_slice %arg5[%dma_start3A_49, %dma_start3A_55] : memref<8x128xi32, #tpu.memory_space<vmem>> -> memref<1x128xi32, #tpu.memory_space<vmem>>
      %dma_start3A_57 = tpu.memref_squeeze %dma_start3A_56 : memref<1x128xi32, #tpu.memory_space<vmem>> -> memref<128xi32, #tpu.memory_space<vmem>>
      %dma_start3A_58 = arith.constant 0 : i32
      %dma_start3A_59 = arith.constant 0 : i32
      %dma_start3A_60 = tpu.memref_slice %arg2[%dma_start3A_58, %dma_start3A_59] : memref<1000000x32xf32, #tpu.memory_space<hbm>> -> memref<1000000x32xf32, #tpu.memory_space<hbm>>
      tpu.enqueue_indirect_dma source(%dma_start3A_60 : memref<1000000x32xf32, #tpu.memory_space<hbm>>) target(%dma_start3A_54 : memref<128x32xf32, #tpu.memory_space<vmem>>) offsets(%dma_start3A_57 : memref<128xi32, #tpu.memory_space<vmem>>) semaphore(%arg7 : memref<!tpu.dma_semaphore, #tpu.memory_space<semaphore_mem>>)
      %dma_start3A_61 = arith.constant 4 : i32
      %dma_start3A_62 = arith.constant 4 : i32
      %dma_start3A_63 = arith.constant 0 : i32
      %dma_start3A_64 = arith.constant 0 : i32
      %dma_start3A_65 = tpu.memref_slice %arg6[%dma_start3A_62, %dma_start3A_63, %dma_start3A_64] : memref<8x128x32xf32, #tpu.memory_space<vmem>> -> memref<1x128x32xf32, #tpu.memory_space<vmem>>
      %dma_start3A_66 = tpu.memref_squeeze %dma_start3A_65 : memref<1x128x32xf32, #tpu.memory_space<vmem>> -> memref<128x32xf32, #tpu.memory_space<vmem>>
      %dma_start3A_67 = arith.constant 0 : i32
      %dma_start3A_68 = tpu.memref_slice %arg5[%dma_start3A_61, %dma_start3A_67] : memref<8x128xi32, #tpu.memory_space<vmem>> -> memref<1x128xi32, #tpu.memory_space<vmem>>
      %dma_start3A_69 = tpu.memref_squeeze %dma_start3A_68 : memref<1x128xi32, #tpu.memory_space<vmem>> -> memref<128xi32, #tpu.memory_space<vmem>>
      %dma_start3A_70 = arith.constant 0 : i32
      %dma_start3A_71 = arith.constant 0 : i32
      %dma_start3A_72 = tpu.memref_slice %arg2[%dma_start3A_70, %dma_start3A_71] : memref<1000000x32xf32, #tpu.memory_space<hbm>> -> memref<1000000x32xf32, #tpu.memory_space<hbm>>
      tpu.enqueue_indirect_dma source(%dma_start3A_72 : memref<1000000x32xf32, #tpu.memory_space<hbm>>) target(%dma_start3A_66 : memref<128x32xf32, #tpu.memory_space<vmem>>) offsets(%dma_start3A_69 : memref<128xi32, #tpu.memory_space<vmem>>) semaphore(%arg7 : memref<!tpu.dma_semaphore, #tpu.memory_space<semaphore_mem>>)
      %dma_start3A_73 = arith.constant 5 : i32
      %dma_start3A_74 = arith.constant 5 : i32
      %dma_start3A_75 = arith.constant 0 : i32
      %dma_start3A_76 = arith.constant 0 : i32
      %dma_start3A_77 = tpu.memref_slice %arg6[%dma_start3A_74, %dma_start3A_75, %dma_start3A_76] : memref<8x128x32xf32, #tpu.memory_space<vmem>> -> memref<1x128x32xf32, #tpu.memory_space<vmem>>
      %dma_start3A_78 = tpu.memref_squeeze %dma_start3A_77 : memref<1x128x32xf32, #tpu.memory_space<vmem>> -> memref<128x32xf32, #tpu.memory_space<vmem>>
      %dma_start3A_79 = arith.constant 0 : i32
      %dma_start3A_80 = tpu.memref_slice %arg5[%dma_start3A_73, %dma_start3A_79] : memref<8x128xi32, #tpu.memory_space<vmem>> -> memref<1x128xi32, #tpu.memory_space<vmem>>
      %dma_start3A_81 = tpu.memref_squeeze %dma_start3A_80 : memref<1x128xi32, #tpu.memory_space<vmem>> -> memref<128xi32, #tpu.memory_space<vmem>>
      %dma_start3A_82 = arith.constant 0 : i32
      %dma_start3A_83 = arith.constant 0 : i32
      %dma_start3A_84 = tpu.memref_slice %arg2[%dma_start3A_82, %dma_start3A_83] : memref<1000000x32xf32, #tpu.memory_space<hbm>> -> memref<1000000x32xf32, #tpu.memory_space<hbm>>
      tpu.enqueue_indirect_dma source(%dma_start3A_84 : memref<1000000x32xf32, #tpu.memory_space<hbm>>) target(%dma_start3A_78 : memref<128x32xf32, #tpu.memory_space<vmem>>) offsets(%dma_start3A_81 : memref<128xi32, #tpu.memory_space<vmem>>) semaphore(%arg7 : memref<!tpu.dma_semaphore, #tpu.memory_space<semaphore_mem>>)
      %dma_start3A_85 = arith.constant 6 : i32
      %dma_start3A_86 = arith.constant 6 : i32
      %dma_start3A_87 = arith.constant 0 : i32
      %dma_start3A_88 = arith.constant 0 : i32
      %dma_start3A_89 = tpu.memref_slice %arg6[%dma_start3A_86, %dma_start3A_87, %dma_start3A_88] : memref<8x128x32xf32, #tpu.memory_space<vmem>> -> memref<1x128x32xf32, #tpu.memory_space<vmem>>
      %dma_start3A_90 = tpu.memref_squeeze %dma_start3A_89 : memref<1x128x32xf32, #tpu.memory_space<vmem>> -> memref<128x32xf32, #tpu.memory_space<vmem>>
      %dma_start3A_91 = arith.constant 0 : i32
      %dma_start3A_92 = tpu.memref_slice %arg5[%dma_start3A_85, %dma_start3A_91] : memref<8x128xi32, #tpu.memory_space<vmem>> -> memref<1x128xi32, #tpu.memory_space<vmem>>
      %dma_start3A_93 = tpu.memref_squeeze %dma_start3A_92 : memref<1x128xi32, #tpu.memory_space<vmem>> -> memref<128xi32, #tpu.memory_space<vmem>>
      %dma_start3A_94 = arith.constant 0 : i32
      %dma_start3A_95 = arith.constant 0 : i32
      %dma_start3A_96 = tpu.memref_slice %arg2[%dma_start3A_94, %dma_start3A_95] : memref<1000000x32xf32, #tpu.memory_space<hbm>> -> memref<1000000x32xf32, #tpu.memory_space<hbm>>
      tpu.enqueue_indirect_dma source(%dma_start3A_96 : memref<1000000x32xf32, #tpu.memory_space<hbm>>) target(%dma_start3A_90 : memref<128x32xf32, #tpu.memory_space<vmem>>) offsets(%dma_start3A_93 : memref<128xi32, #tpu.memory_space<vmem>>) semaphore(%arg7 : memref<!tpu.dma_semaphore, #tpu.memory_space<semaphore_mem>>)
      %dma_start3A_97 = arith.constant 7 : i32
      %dma_start3A_98 = arith.constant 7 : i32
      %dma_start3A_99 = arith.constant 0 : i32
      %dma_start3A_100 = arith.constant 0 : i32
      %dma_start3A_101 = tpu.memref_slice %arg6[%dma_start3A_98, %dma_start3A_99, %dma_start3A_100] : memref<8x128x32xf32, #tpu.memory_space<vmem>> -> memref<1x128x32xf32, #tpu.memory_space<vmem>>
      %dma_start3A_102 = tpu.memref_squeeze %dma_start3A_101 : memref<1x128x32xf32, #tpu.memory_space<vmem>> -> memref<128x32xf32, #tpu.memory_space<vmem>>
      %dma_start3A_103 = arith.constant 0 : i32
      %dma_start3A_104 = tpu.memref_slice %arg5[%dma_start3A_97, %dma_start3A_103] : memref<8x128xi32, #tpu.memory_space<vmem>> -> memref<1x128xi32, #tpu.memory_space<vmem>>
      %dma_start3A_105 = tpu.memref_squeeze %dma_start3A_104 : memref<1x128xi32, #tpu.memory_space<vmem>> -> memref<128xi32, #tpu.memory_space<vmem>>
      %dma_start3A_106 = arith.constant 0 : i32
      %dma_start3A_107 = arith.constant 0 : i32
      %dma_start3A_108 = tpu.memref_slice %arg2[%dma_start3A_106, %dma_start3A_107] : memref<1000000x32xf32, #tpu.memory_space<hbm>> -> memref<1000000x32xf32, #tpu.memory_space<hbm>>
      tpu.enqueue_indirect_dma source(%dma_start3A_108 : memref<1000000x32xf32, #tpu.memory_space<hbm>>) target(%dma_start3A_102 : memref<128x32xf32, #tpu.memory_space<vmem>>) offsets(%dma_start3A_105 : memref<128xi32, #tpu.memory_space<vmem>>) semaphore(%arg7 : memref<!tpu.dma_semaphore, #tpu.memory_space<semaphore_mem>>)
      %dma_wait3A = arith.constant 0 : i32
      %dma_wait3A_109 = arith.constant 0 : i32
      %dma_wait3A_110 = arith.constant 0 : i32
      %dma_wait3A_111 = arith.constant 0 : i32
      %dma_wait3A_112 = tpu.memref_slice %arg6[%dma_wait3A_109, %dma_wait3A_110, %dma_wait3A_111] : memref<8x128x32xf32, #tpu.memory_space<vmem>> -> memref<1x128x32xf32, #tpu.memory_space<vmem>>
      %dma_wait3A_113 = tpu.memref_squeeze %dma_wait3A_112 : memref<1x128x32xf32, #tpu.memory_space<vmem>> -> memref<128x32xf32, #tpu.memory_space<vmem>>
      %dma_wait3A_114 = arith.constant 0 : i32
      %dma_wait3A_115 = tpu.memref_slice %arg5[%dma_wait3A, %dma_wait3A_114] : memref<8x128xi32, #tpu.memory_space<vmem>> -> memref<1x128xi32, #tpu.memory_space<vmem>>
      %dma_wait3A_116 = tpu.memref_squeeze %dma_wait3A_115 : memref<1x128xi32, #tpu.memory_space<vmem>> -> memref<128xi32, #tpu.memory_space<vmem>>
      %dma_wait3A_117 = arith.constant 0 : i32
      %dma_wait3A_118 = arith.constant 0 : i32
      %dma_wait3A_119 = tpu.memref_slice %arg2[%dma_wait3A_117, %dma_wait3A_118] : memref<1000000x32xf32, #tpu.memory_space<hbm>> -> memref<1000000x32xf32, #tpu.memory_space<hbm>>
      tpu.wait_indirect_dma semaphore(%arg7 : memref<!tpu.dma_semaphore, #tpu.memory_space<semaphore_mem>>) src(%dma_wait3A_119 : memref<1000000x32xf32, #tpu.memory_space<hbm>>) dst(%dma_wait3A_113 : memref<128x32xf32, #tpu.memory_space<vmem>>)
      %dma_wait3A_120 = arith.constant 1 : i32
      %dma_wait3A_121 = arith.constant 1 : i32
      %dma_wait3A_122 = arith.constant 0 : i32
      %dma_wait3A_123 = arith.constant 0 : i32
      %dma_wait3A_124 = tpu.memref_slice %arg6[%dma_wait3A_121, %dma_wait3A_122, %dma_wait3A_123] : memref<8x128x32xf32, #tpu.memory_space<vmem>> -> memref<1x128x32xf32, #tpu.memory_space<vmem>>
      %dma_wait3A_125 = tpu.memref_squeeze %dma_wait3A_124 : memref<1x128x32xf32, #tpu.memory_space<vmem>> -> memref<128x32xf32, #tpu.memory_space<vmem>>
      %dma_wait3A_126 = arith.constant 0 : i32
      %dma_wait3A_127 = tpu.memref_slice %arg5[%dma_wait3A_120, %dma_wait3A_126] : memref<8x128xi32, #tpu.memory_space<vmem>> -> memref<1x128xi32, #tpu.memory_space<vmem>>
      %dma_wait3A_128 = tpu.memref_squeeze %dma_wait3A_127 : memref<1x128xi32, #tpu.memory_space<vmem>> -> memref<128xi32, #tpu.memory_space<vmem>>
      %dma_wait3A_129 = arith.constant 0 : i32
      %dma_wait3A_130 = arith.constant 0 : i32
      %dma_wait3A_131 = tpu.memref_slice %arg2[%dma_wait3A_129, %dma_wait3A_130] : memref<1000000x32xf32, #tpu.memory_space<hbm>> -> memref<1000000x32xf32, #tpu.memory_space<hbm>>
      tpu.wait_indirect_dma semaphore(%arg7 : memref<!tpu.dma_semaphore, #tpu.memory_space<semaphore_mem>>) src(%dma_wait3A_131 : memref<1000000x32xf32, #tpu.memory_space<hbm>>) dst(%dma_wait3A_125 : memref<128x32xf32, #tpu.memory_space<vmem>>)
      %dma_wait3A_132 = arith.constant 2 : i32
      %dma_wait3A_133 = arith.constant 2 : i32
      %dma_wait3A_134 = arith.constant 0 : i32
      %dma_wait3A_135 = arith.constant 0 : i32
      %dma_wait3A_136 = tpu.memref_slice %arg6[%dma_wait3A_133, %dma_wait3A_134, %dma_wait3A_135] : memref<8x128x32xf32, #tpu.memory_space<vmem>> -> memref<1x128x32xf32, #tpu.memory_space<vmem>>
      %dma_wait3A_137 = tpu.memref_squeeze %dma_wait3A_136 : memref<1x128x32xf32, #tpu.memory_space<vmem>> -> memref<128x32xf32, #tpu.memory_space<vmem>>
      %dma_wait3A_138 = arith.constant 0 : i32
      %dma_wait3A_139 = tpu.memref_slice %arg5[%dma_wait3A_132, %dma_wait3A_138] : memref<8x128xi32, #tpu.memory_space<vmem>> -> memref<1x128xi32, #tpu.memory_space<vmem>>
      %dma_wait3A_140 = tpu.memref_squeeze %dma_wait3A_139 : memref<1x128xi32, #tpu.memory_space<vmem>> -> memref<128xi32, #tpu.memory_space<vmem>>
      %dma_wait3A_141 = arith.constant 0 : i32
      %dma_wait3A_142 = arith.constant 0 : i32
      %dma_wait3A_143 = tpu.memref_slice %arg2[%dma_wait3A_141, %dma_wait3A_142] : memref<1000000x32xf32, #tpu.memory_space<hbm>> -> memref<1000000x32xf32, #tpu.memory_space<hbm>>
      tpu.wait_indirect_dma semaphore(%arg7 : memref<!tpu.dma_semaphore, #tpu.memory_space<semaphore_mem>>) src(%dma_wait3A_143 : memref<1000000x32xf32, #tpu.memory_space<hbm>>) dst(%dma_wait3A_137 : memref<128x32xf32, #tpu.memory_space<vmem>>)
      %dma_wait3A_144 = arith.constant 3 : i32
      %dma_wait3A_145 = arith.constant 3 : i32
      %dma_wait3A_146 = arith.constant 0 : i32
      %dma_wait3A_147 = arith.constant 0 : i32
      %dma_wait3A_148 = tpu.memref_slice %arg6[%dma_wait3A_145, %dma_wait3A_146, %dma_wait3A_147] : memref<8x128x32xf32, #tpu.memory_space<vmem>> -> memref<1x128x32xf32, #tpu.memory_space<vmem>>
      %dma_wait3A_149 = tpu.memref_squeeze %dma_wait3A_148 : memref<1x128x32xf32, #tpu.memory_space<vmem>> -> memref<128x32xf32, #tpu.memory_space<vmem>>
      %dma_wait3A_150 = arith.constant 0 : i32
      %dma_wait3A_151 = tpu.memref_slice %arg5[%dma_wait3A_144, %dma_wait3A_150] : memref<8x128xi32, #tpu.memory_space<vmem>> -> memref<1x128xi32, #tpu.memory_space<vmem>>
      %dma_wait3A_152 = tpu.memref_squeeze %dma_wait3A_151 : memref<1x128xi32, #tpu.memory_space<vmem>> -> memref<128xi32, #tpu.memory_space<vmem>>
      %dma_wait3A_153 = arith.constant 0 : i32
      %dma_wait3A_154 = arith.constant 0 : i32
      %dma_wait3A_155 = tpu.memref_slice %arg2[%dma_wait3A_153, %dma_wait3A_154] : memref<1000000x32xf32, #tpu.memory_space<hbm>> -> memref<1000000x32xf32, #tpu.memory_space<hbm>>
      tpu.wait_indirect_dma semaphore(%arg7 : memref<!tpu.dma_semaphore, #tpu.memory_space<semaphore_mem>>) src(%dma_wait3A_155 : memref<1000000x32xf32, #tpu.memory_space<hbm>>) dst(%dma_wait3A_149 : memref<128x32xf32, #tpu.memory_space<vmem>>)
      %dma_wait3A_156 = arith.constant 4 : i32
      %dma_wait3A_157 = arith.constant 4 : i32
      %dma_wait3A_158 = arith.constant 0 : i32
      %dma_wait3A_159 = arith.constant 0 : i32
      %dma_wait3A_160 = tpu.memref_slice %arg6[%dma_wait3A_157, %dma_wait3A_158, %dma_wait3A_159] : memref<8x128x32xf32, #tpu.memory_space<vmem>> -> memref<1x128x32xf32, #tpu.memory_space<vmem>>
      %dma_wait3A_161 = tpu.memref_squeeze %dma_wait3A_160 : memref<1x128x32xf32, #tpu.memory_space<vmem>> -> memref<128x32xf32, #tpu.memory_space<vmem>>
      %dma_wait3A_162 = arith.constant 0 : i32
      %dma_wait3A_163 = tpu.memref_slice %arg5[%dma_wait3A_156, %dma_wait3A_162] : memref<8x128xi32, #tpu.memory_space<vmem>> -> memref<1x128xi32, #tpu.memory_space<vmem>>
      %dma_wait3A_164 = tpu.memref_squeeze %dma_wait3A_163 : memref<1x128xi32, #tpu.memory_space<vmem>> -> memref<128xi32, #tpu.memory_space<vmem>>
      %dma_wait3A_165 = arith.constant 0 : i32
      %dma_wait3A_166 = arith.constant 0 : i32
      %dma_wait3A_167 = tpu.memref_slice %arg2[%dma_wait3A_165, %dma_wait3A_166] : memref<1000000x32xf32, #tpu.memory_space<hbm>> -> memref<1000000x32xf32, #tpu.memory_space<hbm>>
      tpu.wait_indirect_dma semaphore(%arg7 : memref<!tpu.dma_semaphore, #tpu.memory_space<semaphore_mem>>) src(%dma_wait3A_167 : memref<1000000x32xf32, #tpu.memory_space<hbm>>) dst(%dma_wait3A_161 : memref<128x32xf32, #tpu.memory_space<vmem>>)
      %dma_wait3A_168 = arith.constant 5 : i32
      %dma_wait3A_169 = arith.constant 5 : i32
      %dma_wait3A_170 = arith.constant 0 : i32
      %dma_wait3A_171 = arith.constant 0 : i32
      %dma_wait3A_172 = tpu.memref_slice %arg6[%dma_wait3A_169, %dma_wait3A_170, %dma_wait3A_171] : memref<8x128x32xf32, #tpu.memory_space<vmem>> -> memref<1x128x32xf32, #tpu.memory_space<vmem>>
      %dma_wait3A_173 = tpu.memref_squeeze %dma_wait3A_172 : memref<1x128x32xf32, #tpu.memory_space<vmem>> -> memref<128x32xf32, #tpu.memory_space<vmem>>
      %dma_wait3A_174 = arith.constant 0 : i32
      %dma_wait3A_175 = tpu.memref_slice %arg5[%dma_wait3A_168, %dma_wait3A_174] : memref<8x128xi32, #tpu.memory_space<vmem>> -> memref<1x128xi32, #tpu.memory_space<vmem>>
      %dma_wait3A_176 = tpu.memref_squeeze %dma_wait3A_175 : memref<1x128xi32, #tpu.memory_space<vmem>> -> memref<128xi32, #tpu.memory_space<vmem>>
      %dma_wait3A_177 = arith.constant 0 : i32
      %dma_wait3A_178 = arith.constant 0 : i32
      %dma_wait3A_179 = tpu.memref_slice %arg2[%dma_wait3A_177, %dma_wait3A_178] : memref<1000000x32xf32, #tpu.memory_space<hbm>> -> memref<1000000x32xf32, #tpu.memory_space<hbm>>
      tpu.wait_indirect_dma semaphore(%arg7 : memref<!tpu.dma_semaphore, #tpu.memory_space<semaphore_mem>>) src(%dma_wait3A_179 : memref<1000000x32xf32, #tpu.memory_space<hbm>>) dst(%dma_wait3A_173 : memref<128x32xf32, #tpu.memory_space<vmem>>)
      %dma_wait3A_180 = arith.constant 6 : i32
      %dma_wait3A_181 = arith.constant 6 : i32
      %dma_wait3A_182 = arith.constant 0 : i32
      %dma_wait3A_183 = arith.constant 0 : i32
      %dma_wait3A_184 = tpu.memref_slice %arg6[%dma_wait3A_181, %dma_wait3A_182, %dma_wait3A_183] : memref<8x128x32xf32, #tpu.memory_space<vmem>> -> memref<1x128x32xf32, #tpu.memory_space<vmem>>
      %dma_wait3A_185 = tpu.memref_squeeze %dma_wait3A_184 : memref<1x128x32xf32, #tpu.memory_space<vmem>> -> memref<128x32xf32, #tpu.memory_space<vmem>>
      %dma_wait3A_186 = arith.constant 0 : i32
      %dma_wait3A_187 = tpu.memref_slice %arg5[%dma_wait3A_180, %dma_wait3A_186] : memref<8x128xi32, #tpu.memory_space<vmem>> -> memref<1x128xi32, #tpu.memory_space<vmem>>
      %dma_wait3A_188 = tpu.memref_squeeze %dma_wait3A_187 : memref<1x128xi32, #tpu.memory_space<vmem>> -> memref<128xi32, #tpu.memory_space<vmem>>
      %dma_wait3A_189 = arith.constant 0 : i32
      %dma_wait3A_190 = arith.constant 0 : i32
      %dma_wait3A_191 = tpu.memref_slice %arg2[%dma_wait3A_189, %dma_wait3A_190] : memref<1000000x32xf32, #tpu.memory_space<hbm>> -> memref<1000000x32xf32, #tpu.memory_space<hbm>>
      tpu.wait_indirect_dma semaphore(%arg7 : memref<!tpu.dma_semaphore, #tpu.memory_space<semaphore_mem>>) src(%dma_wait3A_191 : memref<1000000x32xf32, #tpu.memory_space<hbm>>) dst(%dma_wait3A_185 : memref<128x32xf32, #tpu.memory_space<vmem>>)
      %dma_wait3A_192 = arith.constant 7 : i32
      %dma_wait3A_193 = arith.constant 7 : i32
      %dma_wait3A_194 = arith.constant 0 : i32
      %dma_wait3A_195 = arith.constant 0 : i32
      %dma_wait3A_196 = tpu.memref_slice %arg6[%dma_wait3A_193, %dma_wait3A_194, %dma_wait3A_195] : memref<8x128x32xf32, #tpu.memory_space<vmem>> -> memref<1x128x32xf32, #tpu.memory_space<vmem>>
      %dma_wait3A_197 = tpu.memref_squeeze %dma_wait3A_196 : memref<1x128x32xf32, #tpu.memory_space<vmem>> -> memref<128x32xf32, #tpu.memory_space<vmem>>
      %dma_wait3A_198 = arith.constant 0 : i32
      %dma_wait3A_199 = tpu.memref_slice %arg5[%dma_wait3A_192, %dma_wait3A_198] : memref<8x128xi32, #tpu.memory_space<vmem>> -> memref<1x128xi32, #tpu.memory_space<vmem>>
      %dma_wait3A_200 = tpu.memref_squeeze %dma_wait3A_199 : memref<1x128xi32, #tpu.memory_space<vmem>> -> memref<128xi32, #tpu.memory_space<vmem>>
      %dma_wait3A_201 = arith.constant 0 : i32
      %dma_wait3A_202 = arith.constant 0 : i32
      %dma_wait3A_203 = tpu.memref_slice %arg2[%dma_wait3A_201, %dma_wait3A_202] : memref<1000000x32xf32, #tpu.memory_space<hbm>> -> memref<1000000x32xf32, #tpu.memory_space<hbm>>
      tpu.wait_indirect_dma semaphore(%arg7 : memref<!tpu.dma_semaphore, #tpu.memory_space<semaphore_mem>>) src(%dma_wait3A_203 : memref<1000000x32xf32, #tpu.memory_space<hbm>>) dst(%dma_wait3A_197 : memref<128x32xf32, #tpu.memory_space<vmem>>)
      "tpu.region"() ({
        %run_scoped3A = tpu.sem_alloc : memref<!tpu.dma_semaphore, #tpu.memory_space<semaphore_mem>>
        %dma_start3A_204 = arith.constant 0 : i32
        %dma_start3A_205 = arith.constant 0 : i32
        %dma_start3A_206 = tpu.memref_slice %arg4[%add3A_11, %dma_start3A_204, %dma_start3A_205] : memref<1280x128x32xf32, #tpu.memory_space<hbm>> -> memref<8x128x32xf32, #tpu.memory_space<hbm>>
        %dma_start3A_207 = arith.constant 0 : i32
        %dma_start3A_208 = arith.constant 0 : i32
        %dma_start3A_209 = tpu.memref_slice %arg4[%add3A_11, %dma_start3A_207, %dma_start3A_208] : memref<1280x128x32xf32, #tpu.memory_space<hbm>> -> memref<8x128x32xf32, #tpu.memory_space<hbm>>
        tpu.enqueue_dma source(%arg6 : memref<8x128x32xf32, #tpu.memory_space<vmem>>) target(%dma_start3A_209 : memref<8x128x32xf32, #tpu.memory_space<hbm>>) target_semaphore(%run_scoped3A : memref<!tpu.dma_semaphore, #tpu.memory_space<semaphore_mem>>)
        %dma_wait3A_210 = arith.constant 0 : i32
        %dma_wait3A_211 = arith.constant 0 : i32
        %dma_wait3A_212 = tpu.memref_slice %arg4[%add3A_11, %dma_wait3A_210, %dma_wait3A_211] : memref<1280x128x32xf32, #tpu.memory_space<hbm>> -> memref<8x128x32xf32, #tpu.memory_space<hbm>>
        %dma_wait3A_213 = arith.constant 0 : i32
        %dma_wait3A_214 = arith.constant 0 : i32
        %dma_wait3A_215 = tpu.memref_slice %arg4[%add3A_11, %dma_wait3A_213, %dma_wait3A_214] : memref<1280x128x32xf32, #tpu.memory_space<hbm>> -> memref<8x128x32xf32, #tpu.memory_space<hbm>>
        tpu.wait_dma2 semaphore(%run_scoped3A : memref<!tpu.dma_semaphore, #tpu.memory_space<semaphore_mem>>) src(%arg6 : memref<8x128x32xf32, #tpu.memory_space<vmem>>) dst(%dma_wait3A_215 : memref<8x128x32xf32, #tpu.memory_space<hbm>>)
        tpu.yield
      }) : () -> ()
    }
    %scan3A_7 = arith.constant 5 : i32
    return
  }
}

#map = affine_map<(d0, d1) -> (0, 0)>
#map1 = affine_map<(d0, d1) -> (0, 0, 0)>
module attributes {stable_mosaic.version = 14 : i64} {
  func.func @gather_kernel(%arg0: i32, %arg1: i32, %arg2: memref<1000000x32xf32, #tpu.memory_space<hbm>>, %arg3: memref<6400x128xi32, #tpu.memory_space<hbm>>, %arg4: memref<1280x128x32xf32, #tpu.memory_space<hbm>>, %arg5: memref<8x128xi32, #tpu.memory_space<vmem>>, %arg6: memref<8x128x32xf32, #tpu.memory_space<vmem>>, %arg7: memref<!tpu.dma_semaphore, #tpu.memory_space<semaphore_mem>>) attributes {dimension_semantics = [#tpu.dimension_semantics<core_parallel>, #tpu.dimension_semantics<subcore_parallel>], iteration_bounds = array<i64: 2, 16>, scalar_prefetch = 0 : i64, scratch_operands = 3 : i64, tpu.core_type = #tpu.core_type<sc_vector_subcore>, window_params = [{transform_indices = #map}, {transform_indices = #map}, {transform_indices = #map1}]} {
    %mul3A = arith.constant 2 : i32
    %mul3A_0 = arith.muli %arg1, %mul3A : i32
    %add3A = arith.addi %mul3A_0, %arg0 : i32
    %mul3A_1 = arith.constant 40 : i32
    %mul3A_2 = arith.muli %add3A, %mul3A_1 : i32
    %scan3A = arith.constant 0 : i32
    %scan3A_3 = arith.constant 0 : i32
    %scan3A_4 = arith.constant 5 : i32
    %scan3A_5 = arith.addi %scan3A_3, %scan3A_4 : i32
    %scan3A_6 = arith.constant 1 : i32
    scf.for %scan3A_8 = %scan3A_3 to %scan3A_5 step %scan3A_6  : i32 {
      %mul3A_9 = arith.constant 8 : i32
      %mul3A_10 = arith.muli %scan3A_8, %mul3A_9 : i32
      %add3A_11 = arith.addi %mul3A_2, %mul3A_10 : i32
      %add3A_12 = arith.constant 1280 : i32
      %add3A_13 = arith.addi %add3A_12, %add3A_11 : i32
      "tpu.region"() ({
        %run_scoped3A = tpu.sem_alloc : memref<!tpu.dma_semaphore, #tpu.memory_space<semaphore_mem>>
        %dma_start3A_204 = arith.constant 0 : i32
        %dma_start3A_205 = tpu.memref_slice %arg3[%add3A_13, %dma_start3A_204] : memref<6400x128xi32, #tpu.memory_space<hbm>> -> memref<8x128xi32, #tpu.memory_space<hbm>>
        %dma_start3A_206 = arith.constant 0 : i32
        %dma_start3A_207 = tpu.memref_slice %arg3[%add3A_13, %dma_start3A_206] : memref<6400x128xi32, #tpu.memory_space<hbm>> -> memref<8x128xi32, #tpu.memory_space<hbm>>
        tpu.enqueue_dma source(%dma_start3A_207 : memref<8x128xi32, #tpu.memory_space<hbm>>) target(%arg5 : memref<8x128xi32, #tpu.memory_space<vmem>>) target_semaphore(%run_scoped3A : memref<!tpu.dma_semaphore, #tpu.memory_space<semaphore_mem>>)
        %dma_wait3A_208 = arith.constant 0 : i32
        %dma_wait3A_209 = tpu.memref_slice %arg3[%add3A_13, %dma_wait3A_208] : memref<6400x128xi32, #tpu.memory_space<hbm>> -> memref<8x128xi32, #tpu.memory_space<hbm>>
        %dma_wait3A_210 = arith.constant 0 : i32
        %dma_wait3A_211 = tpu.memref_slice %arg3[%add3A_13, %dma_wait3A_210] : memref<6400x128xi32, #tpu.memory_space<hbm>> -> memref<8x128xi32, #tpu.memory_space<hbm>>
        tpu.wait_dma2 semaphore(%run_scoped3A : memref<!tpu.dma_semaphore, #tpu.memory_space<semaphore_mem>>) src(%dma_wait3A_211 : memref<8x128xi32, #tpu.memory_space<hbm>>) dst(%arg5 : memref<8x128xi32, #tpu.memory_space<vmem>>)
        tpu.yield
      }) : () -> ()
      %dma_start3A = arith.constant 0 : i32
      %dma_start3A_14 = arith.constant 0 : i32
      %dma_start3A_15 = arith.constant 0 : i32
      %dma_start3A_16 = arith.constant 0 : i32
      %dma_start3A_17 = tpu.memref_slice %arg6[%dma_start3A_14, %dma_start3A_15, %dma_start3A_16] : memref<8x128x32xf32, #tpu.memory_space<vmem>> -> memref<1x128x32xf32, #tpu.memory_space<vmem>>
      %dma_start3A_18 = tpu.memref_squeeze %dma_start3A_17 : memref<1x128x32xf32, #tpu.memory_space<vmem>> -> memref<128x32xf32, #tpu.memory_space<vmem>>
      %dma_start3A_19 = arith.constant 0 : i32
      %dma_start3A_20 = tpu.memref_slice %arg5[%dma_start3A, %dma_start3A_19] : memref<8x128xi32, #tpu.memory_space<vmem>> -> memref<1x128xi32, #tpu.memory_space<vmem>>
      %dma_start3A_21 = tpu.memref_squeeze %dma_start3A_20 : memref<1x128xi32, #tpu.memory_space<vmem>> -> memref<128xi32, #tpu.memory_space<vmem>>
      %dma_start3A_22 = arith.constant 0 : i32
      %dma_start3A_23 = arith.constant 0 : i32
      %dma_start3A_24 = tpu.memref_slice %arg2[%dma_start3A_22, %dma_start3A_23] : memref<1000000x32xf32, #tpu.memory_space<hbm>> -> memref<1000000x32xf32, #tpu.memory_space<hbm>>
      tpu.enqueue_indirect_dma source(%dma_start3A_24 : memref<1000000x32xf32, #tpu.memory_space<hbm>>) target(%dma_start3A_18 : memref<128x32xf32, #tpu.memory_space<vmem>>) offsets(%dma_start3A_21 : memref<128xi32, #tpu.memory_space<vmem>>) semaphore(%arg7 : memref<!tpu.dma_semaphore, #tpu.memory_space<semaphore_mem>>)
      %dma_start3A_25 = arith.constant 1 : i32
      %dma_start3A_26 = arith.constant 1 : i32
      %dma_start3A_27 = arith.constant 0 : i32
      %dma_start3A_28 = arith.constant 0 : i32
      %dma_start3A_29 = tpu.memref_slice %arg6[%dma_start3A_26, %dma_start3A_27, %dma_start3A_28] : memref<8x128x32xf32, #tpu.memory_space<vmem>> -> memref<1x128x32xf32, #tpu.memory_space<vmem>>
      %dma_start3A_30 = tpu.memref_squeeze %dma_start3A_29 : memref<1x128x32xf32, #tpu.memory_space<vmem>> -> memref<128x32xf32, #tpu.memory_space<vmem>>
      %dma_start3A_31 = arith.constant 0 : i32
      %dma_start3A_32 = tpu.memref_slice %arg5[%dma_start3A_25, %dma_start3A_31] : memref<8x128xi32, #tpu.memory_space<vmem>> -> memref<1x128xi32, #tpu.memory_space<vmem>>
      %dma_start3A_33 = tpu.memref_squeeze %dma_start3A_32 : memref<1x128xi32, #tpu.memory_space<vmem>> -> memref<128xi32, #tpu.memory_space<vmem>>
      %dma_start3A_34 = arith.constant 0 : i32
      %dma_start3A_35 = arith.constant 0 : i32
      %dma_start3A_36 = tpu.memref_slice %arg2[%dma_start3A_34, %dma_start3A_35] : memref<1000000x32xf32, #tpu.memory_space<hbm>> -> memref<1000000x32xf32, #tpu.memory_space<hbm>>
      tpu.enqueue_indirect_dma source(%dma_start3A_36 : memref<1000000x32xf32, #tpu.memory_space<hbm>>) target(%dma_start3A_30 : memref<128x32xf32, #tpu.memory_space<vmem>>) offsets(%dma_start3A_33 : memref<128xi32, #tpu.memory_space<vmem>>) semaphore(%arg7 : memref<!tpu.dma_semaphore, #tpu.memory_space<semaphore_mem>>)
      %dma_start3A_37 = arith.constant 2 : i32
      %dma_start3A_38 = arith.constant 2 : i32
      %dma_start3A_39 = arith.constant 0 : i32
      %dma_start3A_40 = arith.constant 0 : i32
      %dma_start3A_41 = tpu.memref_slice %arg6[%dma_start3A_38, %dma_start3A_39, %dma_start3A_40] : memref<8x128x32xf32, #tpu.memory_space<vmem>> -> memref<1x128x32xf32, #tpu.memory_space<vmem>>
      %dma_start3A_42 = tpu.memref_squeeze %dma_start3A_41 : memref<1x128x32xf32, #tpu.memory_space<vmem>> -> memref<128x32xf32, #tpu.memory_space<vmem>>
      %dma_start3A_43 = arith.constant 0 : i32
      %dma_start3A_44 = tpu.memref_slice %arg5[%dma_start3A_37, %dma_start3A_43] : memref<8x128xi32, #tpu.memory_space<vmem>> -> memref<1x128xi32, #tpu.memory_space<vmem>>
      %dma_start3A_45 = tpu.memref_squeeze %dma_start3A_44 : memref<1x128xi32, #tpu.memory_space<vmem>> -> memref<128xi32, #tpu.memory_space<vmem>>
      %dma_start3A_46 = arith.constant 0 : i32
      %dma_start3A_47 = arith.constant 0 : i32
      %dma_start3A_48 = tpu.memref_slice %arg2[%dma_start3A_46, %dma_start3A_47] : memref<1000000x32xf32, #tpu.memory_space<hbm>> -> memref<1000000x32xf32, #tpu.memory_space<hbm>>
      tpu.enqueue_indirect_dma source(%dma_start3A_48 : memref<1000000x32xf32, #tpu.memory_space<hbm>>) target(%dma_start3A_42 : memref<128x32xf32, #tpu.memory_space<vmem>>) offsets(%dma_start3A_45 : memref<128xi32, #tpu.memory_space<vmem>>) semaphore(%arg7 : memref<!tpu.dma_semaphore, #tpu.memory_space<semaphore_mem>>)
      %dma_start3A_49 = arith.constant 3 : i32
      %dma_start3A_50 = arith.constant 3 : i32
      %dma_start3A_51 = arith.constant 0 : i32
      %dma_start3A_52 = arith.constant 0 : i32
      %dma_start3A_53 = tpu.memref_slice %arg6[%dma_start3A_50, %dma_start3A_51, %dma_start3A_52] : memref<8x128x32xf32, #tpu.memory_space<vmem>> -> memref<1x128x32xf32, #tpu.memory_space<vmem>>
      %dma_start3A_54 = tpu.memref_squeeze %dma_start3A_53 : memref<1x128x32xf32, #tpu.memory_space<vmem>> -> memref<128x32xf32, #tpu.memory_space<vmem>>
      %dma_start3A_55 = arith.constant 0 : i32
      %dma_start3A_56 = tpu.memref_slice %arg5[%dma_start3A_49, %dma_start3A_55] : memref<8x128xi32, #tpu.memory_space<vmem>> -> memref<1x128xi32, #tpu.memory_space<vmem>>
      %dma_start3A_57 = tpu.memref_squeeze %dma_start3A_56 : memref<1x128xi32, #tpu.memory_space<vmem>> -> memref<128xi32, #tpu.memory_space<vmem>>
      %dma_start3A_58 = arith.constant 0 : i32
      %dma_start3A_59 = arith.constant 0 : i32
      %dma_start3A_60 = tpu.memref_slice %arg2[%dma_start3A_58, %dma_start3A_59] : memref<1000000x32xf32, #tpu.memory_space<hbm>> -> memref<1000000x32xf32, #tpu.memory_space<hbm>>
      tpu.enqueue_indirect_dma source(%dma_start3A_60 : memref<1000000x32xf32, #tpu.memory_space<hbm>>) target(%dma_start3A_54 : memref<128x32xf32, #tpu.memory_space<vmem>>) offsets(%dma_start3A_57 : memref<128xi32, #tpu.memory_space<vmem>>) semaphore(%arg7 : memref<!tpu.dma_semaphore, #tpu.memory_space<semaphore_mem>>)
      %dma_start3A_61 = arith.constant 4 : i32
      %dma_start3A_62 = arith.constant 4 : i32
      %dma_start3A_63 = arith.constant 0 : i32
      %dma_start3A_64 = arith.constant 0 : i32
      %dma_start3A_65 = tpu.memref_slice %arg6[%dma_start3A_62, %dma_start3A_63, %dma_start3A_64] : memref<8x128x32xf32, #tpu.memory_space<vmem>> -> memref<1x128x32xf32, #tpu.memory_space<vmem>>
      %dma_start3A_66 = tpu.memref_squeeze %dma_start3A_65 : memref<1x128x32xf32, #tpu.memory_space<vmem>> -> memref<128x32xf32, #tpu.memory_space<vmem>>
      %dma_start3A_67 = arith.constant 0 : i32
      %dma_start3A_68 = tpu.memref_slice %arg5[%dma_start3A_61, %dma_start3A_67] : memref<8x128xi32, #tpu.memory_space<vmem>> -> memref<1x128xi32, #tpu.memory_space<vmem>>
      %dma_start3A_69 = tpu.memref_squeeze %dma_start3A_68 : memref<1x128xi32, #tpu.memory_space<vmem>> -> memref<128xi32, #tpu.memory_space<vmem>>
      %dma_start3A_70 = arith.constant 0 : i32
      %dma_start3A_71 = arith.constant 0 : i32
      %dma_start3A_72 = tpu.memref_slice %arg2[%dma_start3A_70, %dma_start3A_71] : memref<1000000x32xf32, #tpu.memory_space<hbm>> -> memref<1000000x32xf32, #tpu.memory_space<hbm>>
      tpu.enqueue_indirect_dma source(%dma_start3A_72 : memref<1000000x32xf32, #tpu.memory_space<hbm>>) target(%dma_start3A_66 : memref<128x32xf32, #tpu.memory_space<vmem>>) offsets(%dma_start3A_69 : memref<128xi32, #tpu.memory_space<vmem>>) semaphore(%arg7 : memref<!tpu.dma_semaphore, #tpu.memory_space<semaphore_mem>>)
      %dma_start3A_73 = arith.constant 5 : i32
      %dma_start3A_74 = arith.constant 5 : i32
      %dma_start3A_75 = arith.constant 0 : i32
      %dma_start3A_76 = arith.constant 0 : i32
      %dma_start3A_77 = tpu.memref_slice %arg6[%dma_start3A_74, %dma_start3A_75, %dma_start3A_76] : memref<8x128x32xf32, #tpu.memory_space<vmem>> -> memref<1x128x32xf32, #tpu.memory_space<vmem>>
      %dma_start3A_78 = tpu.memref_squeeze %dma_start3A_77 : memref<1x128x32xf32, #tpu.memory_space<vmem>> -> memref<128x32xf32, #tpu.memory_space<vmem>>
      %dma_start3A_79 = arith.constant 0 : i32
      %dma_start3A_80 = tpu.memref_slice %arg5[%dma_start3A_73, %dma_start3A_79] : memref<8x128xi32, #tpu.memory_space<vmem>> -> memref<1x128xi32, #tpu.memory_space<vmem>>
      %dma_start3A_81 = tpu.memref_squeeze %dma_start3A_80 : memref<1x128xi32, #tpu.memory_space<vmem>> -> memref<128xi32, #tpu.memory_space<vmem>>
      %dma_start3A_82 = arith.constant 0 : i32
      %dma_start3A_83 = arith.constant 0 : i32
      %dma_start3A_84 = tpu.memref_slice %arg2[%dma_start3A_82, %dma_start3A_83] : memref<1000000x32xf32, #tpu.memory_space<hbm>> -> memref<1000000x32xf32, #tpu.memory_space<hbm>>
      tpu.enqueue_indirect_dma source(%dma_start3A_84 : memref<1000000x32xf32, #tpu.memory_space<hbm>>) target(%dma_start3A_78 : memref<128x32xf32, #tpu.memory_space<vmem>>) offsets(%dma_start3A_81 : memref<128xi32, #tpu.memory_space<vmem>>) semaphore(%arg7 : memref<!tpu.dma_semaphore, #tpu.memory_space<semaphore_mem>>)
      %dma_start3A_85 = arith.constant 6 : i32
      %dma_start3A_86 = arith.constant 6 : i32
      %dma_start3A_87 = arith.constant 0 : i32
      %dma_start3A_88 = arith.constant 0 : i32
      %dma_start3A_89 = tpu.memref_slice %arg6[%dma_start3A_86, %dma_start3A_87, %dma_start3A_88] : memref<8x128x32xf32, #tpu.memory_space<vmem>> -> memref<1x128x32xf32, #tpu.memory_space<vmem>>
      %dma_start3A_90 = tpu.memref_squeeze %dma_start3A_89 : memref<1x128x32xf32, #tpu.memory_space<vmem>> -> memref<128x32xf32, #tpu.memory_space<vmem>>
      %dma_start3A_91 = arith.constant 0 : i32
      %dma_start3A_92 = tpu.memref_slice %arg5[%dma_start3A_85, %dma_start3A_91] : memref<8x128xi32, #tpu.memory_space<vmem>> -> memref<1x128xi32, #tpu.memory_space<vmem>>
      %dma_start3A_93 = tpu.memref_squeeze %dma_start3A_92 : memref<1x128xi32, #tpu.memory_space<vmem>> -> memref<128xi32, #tpu.memory_space<vmem>>
      %dma_start3A_94 = arith.constant 0 : i32
      %dma_start3A_95 = arith.constant 0 : i32
      %dma_start3A_96 = tpu.memref_slice %arg2[%dma_start3A_94, %dma_start3A_95] : memref<1000000x32xf32, #tpu.memory_space<hbm>> -> memref<1000000x32xf32, #tpu.memory_space<hbm>>
      tpu.enqueue_indirect_dma source(%dma_start3A_96 : memref<1000000x32xf32, #tpu.memory_space<hbm>>) target(%dma_start3A_90 : memref<128x32xf32, #tpu.memory_space<vmem>>) offsets(%dma_start3A_93 : memref<128xi32, #tpu.memory_space<vmem>>) semaphore(%arg7 : memref<!tpu.dma_semaphore, #tpu.memory_space<semaphore_mem>>)
      %dma_start3A_97 = arith.constant 7 : i32
      %dma_start3A_98 = arith.constant 7 : i32
      %dma_start3A_99 = arith.constant 0 : i32
      %dma_start3A_100 = arith.constant 0 : i32
      %dma_start3A_101 = tpu.memref_slice %arg6[%dma_start3A_98, %dma_start3A_99, %dma_start3A_100] : memref<8x128x32xf32, #tpu.memory_space<vmem>> -> memref<1x128x32xf32, #tpu.memory_space<vmem>>
      %dma_start3A_102 = tpu.memref_squeeze %dma_start3A_101 : memref<1x128x32xf32, #tpu.memory_space<vmem>> -> memref<128x32xf32, #tpu.memory_space<vmem>>
      %dma_start3A_103 = arith.constant 0 : i32
      %dma_start3A_104 = tpu.memref_slice %arg5[%dma_start3A_97, %dma_start3A_103] : memref<8x128xi32, #tpu.memory_space<vmem>> -> memref<1x128xi32, #tpu.memory_space<vmem>>
      %dma_start3A_105 = tpu.memref_squeeze %dma_start3A_104 : memref<1x128xi32, #tpu.memory_space<vmem>> -> memref<128xi32, #tpu.memory_space<vmem>>
      %dma_start3A_106 = arith.constant 0 : i32
      %dma_start3A_107 = arith.constant 0 : i32
      %dma_start3A_108 = tpu.memref_slice %arg2[%dma_start3A_106, %dma_start3A_107] : memref<1000000x32xf32, #tpu.memory_space<hbm>> -> memref<1000000x32xf32, #tpu.memory_space<hbm>>
      tpu.enqueue_indirect_dma source(%dma_start3A_108 : memref<1000000x32xf32, #tpu.memory_space<hbm>>) target(%dma_start3A_102 : memref<128x32xf32, #tpu.memory_space<vmem>>) offsets(%dma_start3A_105 : memref<128xi32, #tpu.memory_space<vmem>>) semaphore(%arg7 : memref<!tpu.dma_semaphore, #tpu.memory_space<semaphore_mem>>)
      %dma_wait3A = arith.constant 0 : i32
      %dma_wait3A_109 = arith.constant 0 : i32
      %dma_wait3A_110 = arith.constant 0 : i32
      %dma_wait3A_111 = arith.constant 0 : i32
      %dma_wait3A_112 = tpu.memref_slice %arg6[%dma_wait3A_109, %dma_wait3A_110, %dma_wait3A_111] : memref<8x128x32xf32, #tpu.memory_space<vmem>> -> memref<1x128x32xf32, #tpu.memory_space<vmem>>
      %dma_wait3A_113 = tpu.memref_squeeze %dma_wait3A_112 : memref<1x128x32xf32, #tpu.memory_space<vmem>> -> memref<128x32xf32, #tpu.memory_space<vmem>>
      %dma_wait3A_114 = arith.constant 0 : i32
      %dma_wait3A_115 = tpu.memref_slice %arg5[%dma_wait3A, %dma_wait3A_114] : memref<8x128xi32, #tpu.memory_space<vmem>> -> memref<1x128xi32, #tpu.memory_space<vmem>>
      %dma_wait3A_116 = tpu.memref_squeeze %dma_wait3A_115 : memref<1x128xi32, #tpu.memory_space<vmem>> -> memref<128xi32, #tpu.memory_space<vmem>>
      %dma_wait3A_117 = arith.constant 0 : i32
      %dma_wait3A_118 = arith.constant 0 : i32
      %dma_wait3A_119 = tpu.memref_slice %arg2[%dma_wait3A_117, %dma_wait3A_118] : memref<1000000x32xf32, #tpu.memory_space<hbm>> -> memref<1000000x32xf32, #tpu.memory_space<hbm>>
      tpu.wait_indirect_dma semaphore(%arg7 : memref<!tpu.dma_semaphore, #tpu.memory_space<semaphore_mem>>) src(%dma_wait3A_119 : memref<1000000x32xf32, #tpu.memory_space<hbm>>) dst(%dma_wait3A_113 : memref<128x32xf32, #tpu.memory_space<vmem>>)
      %dma_wait3A_120 = arith.constant 1 : i32
      %dma_wait3A_121 = arith.constant 1 : i32
      %dma_wait3A_122 = arith.constant 0 : i32
      %dma_wait3A_123 = arith.constant 0 : i32
      %dma_wait3A_124 = tpu.memref_slice %arg6[%dma_wait3A_121, %dma_wait3A_122, %dma_wait3A_123] : memref<8x128x32xf32, #tpu.memory_space<vmem>> -> memref<1x128x32xf32, #tpu.memory_space<vmem>>
      %dma_wait3A_125 = tpu.memref_squeeze %dma_wait3A_124 : memref<1x128x32xf32, #tpu.memory_space<vmem>> -> memref<128x32xf32, #tpu.memory_space<vmem>>
      %dma_wait3A_126 = arith.constant 0 : i32
      %dma_wait3A_127 = tpu.memref_slice %arg5[%dma_wait3A_120, %dma_wait3A_126] : memref<8x128xi32, #tpu.memory_space<vmem>> -> memref<1x128xi32, #tpu.memory_space<vmem>>
      %dma_wait3A_128 = tpu.memref_squeeze %dma_wait3A_127 : memref<1x128xi32, #tpu.memory_space<vmem>> -> memref<128xi32, #tpu.memory_space<vmem>>
      %dma_wait3A_129 = arith.constant 0 : i32
      %dma_wait3A_130 = arith.constant 0 : i32
      %dma_wait3A_131 = tpu.memref_slice %arg2[%dma_wait3A_129, %dma_wait3A_130] : memref<1000000x32xf32, #tpu.memory_space<hbm>> -> memref<1000000x32xf32, #tpu.memory_space<hbm>>
      tpu.wait_indirect_dma semaphore(%arg7 : memref<!tpu.dma_semaphore, #tpu.memory_space<semaphore_mem>>) src(%dma_wait3A_131 : memref<1000000x32xf32, #tpu.memory_space<hbm>>) dst(%dma_wait3A_125 : memref<128x32xf32, #tpu.memory_space<vmem>>)
      %dma_wait3A_132 = arith.constant 2 : i32
      %dma_wait3A_133 = arith.constant 2 : i32
      %dma_wait3A_134 = arith.constant 0 : i32
      %dma_wait3A_135 = arith.constant 0 : i32
      %dma_wait3A_136 = tpu.memref_slice %arg6[%dma_wait3A_133, %dma_wait3A_134, %dma_wait3A_135] : memref<8x128x32xf32, #tpu.memory_space<vmem>> -> memref<1x128x32xf32, #tpu.memory_space<vmem>>
      %dma_wait3A_137 = tpu.memref_squeeze %dma_wait3A_136 : memref<1x128x32xf32, #tpu.memory_space<vmem>> -> memref<128x32xf32, #tpu.memory_space<vmem>>
      %dma_wait3A_138 = arith.constant 0 : i32
      %dma_wait3A_139 = tpu.memref_slice %arg5[%dma_wait3A_132, %dma_wait3A_138] : memref<8x128xi32, #tpu.memory_space<vmem>> -> memref<1x128xi32, #tpu.memory_space<vmem>>
      %dma_wait3A_140 = tpu.memref_squeeze %dma_wait3A_139 : memref<1x128xi32, #tpu.memory_space<vmem>> -> memref<128xi32, #tpu.memory_space<vmem>>
      %dma_wait3A_141 = arith.constant 0 : i32
      %dma_wait3A_142 = arith.constant 0 : i32
      %dma_wait3A_143 = tpu.memref_slice %arg2[%dma_wait3A_141, %dma_wait3A_142] : memref<1000000x32xf32, #tpu.memory_space<hbm>> -> memref<1000000x32xf32, #tpu.memory_space<hbm>>
      tpu.wait_indirect_dma semaphore(%arg7 : memref<!tpu.dma_semaphore, #tpu.memory_space<semaphore_mem>>) src(%dma_wait3A_143 : memref<1000000x32xf32, #tpu.memory_space<hbm>>) dst(%dma_wait3A_137 : memref<128x32xf32, #tpu.memory_space<vmem>>)
      %dma_wait3A_144 = arith.constant 3 : i32
      %dma_wait3A_145 = arith.constant 3 : i32
      %dma_wait3A_146 = arith.constant 0 : i32
      %dma_wait3A_147 = arith.constant 0 : i32
      %dma_wait3A_148 = tpu.memref_slice %arg6[%dma_wait3A_145, %dma_wait3A_146, %dma_wait3A_147] : memref<8x128x32xf32, #tpu.memory_space<vmem>> -> memref<1x128x32xf32, #tpu.memory_space<vmem>>
      %dma_wait3A_149 = tpu.memref_squeeze %dma_wait3A_148 : memref<1x128x32xf32, #tpu.memory_space<vmem>> -> memref<128x32xf32, #tpu.memory_space<vmem>>
      %dma_wait3A_150 = arith.constant 0 : i32
      %dma_wait3A_151 = tpu.memref_slice %arg5[%dma_wait3A_144, %dma_wait3A_150] : memref<8x128xi32, #tpu.memory_space<vmem>> -> memref<1x128xi32, #tpu.memory_space<vmem>>
      %dma_wait3A_152 = tpu.memref_squeeze %dma_wait3A_151 : memref<1x128xi32, #tpu.memory_space<vmem>> -> memref<128xi32, #tpu.memory_space<vmem>>
      %dma_wait3A_153 = arith.constant 0 : i32
      %dma_wait3A_154 = arith.constant 0 : i32
      %dma_wait3A_155 = tpu.memref_slice %arg2[%dma_wait3A_153, %dma_wait3A_154] : memref<1000000x32xf32, #tpu.memory_space<hbm>> -> memref<1000000x32xf32, #tpu.memory_space<hbm>>
      tpu.wait_indirect_dma semaphore(%arg7 : memref<!tpu.dma_semaphore, #tpu.memory_space<semaphore_mem>>) src(%dma_wait3A_155 : memref<1000000x32xf32, #tpu.memory_space<hbm>>) dst(%dma_wait3A_149 : memref<128x32xf32, #tpu.memory_space<vmem>>)
      %dma_wait3A_156 = arith.constant 4 : i32
      %dma_wait3A_157 = arith.constant 4 : i32
      %dma_wait3A_158 = arith.constant 0 : i32
      %dma_wait3A_159 = arith.constant 0 : i32
      %dma_wait3A_160 = tpu.memref_slice %arg6[%dma_wait3A_157, %dma_wait3A_158, %dma_wait3A_159] : memref<8x128x32xf32, #tpu.memory_space<vmem>> -> memref<1x128x32xf32, #tpu.memory_space<vmem>>
      %dma_wait3A_161 = tpu.memref_squeeze %dma_wait3A_160 : memref<1x128x32xf32, #tpu.memory_space<vmem>> -> memref<128x32xf32, #tpu.memory_space<vmem>>
      %dma_wait3A_162 = arith.constant 0 : i32
      %dma_wait3A_163 = tpu.memref_slice %arg5[%dma_wait3A_156, %dma_wait3A_162] : memref<8x128xi32, #tpu.memory_space<vmem>> -> memref<1x128xi32, #tpu.memory_space<vmem>>
      %dma_wait3A_164 = tpu.memref_squeeze %dma_wait3A_163 : memref<1x128xi32, #tpu.memory_space<vmem>> -> memref<128xi32, #tpu.memory_space<vmem>>
      %dma_wait3A_165 = arith.constant 0 : i32
      %dma_wait3A_166 = arith.constant 0 : i32
      %dma_wait3A_167 = tpu.memref_slice %arg2[%dma_wait3A_165, %dma_wait3A_166] : memref<1000000x32xf32, #tpu.memory_space<hbm>> -> memref<1000000x32xf32, #tpu.memory_space<hbm>>
      tpu.wait_indirect_dma semaphore(%arg7 : memref<!tpu.dma_semaphore, #tpu.memory_space<semaphore_mem>>) src(%dma_wait3A_167 : memref<1000000x32xf32, #tpu.memory_space<hbm>>) dst(%dma_wait3A_161 : memref<128x32xf32, #tpu.memory_space<vmem>>)
      %dma_wait3A_168 = arith.constant 5 : i32
      %dma_wait3A_169 = arith.constant 5 : i32
      %dma_wait3A_170 = arith.constant 0 : i32
      %dma_wait3A_171 = arith.constant 0 : i32
      %dma_wait3A_172 = tpu.memref_slice %arg6[%dma_wait3A_169, %dma_wait3A_170, %dma_wait3A_171] : memref<8x128x32xf32, #tpu.memory_space<vmem>> -> memref<1x128x32xf32, #tpu.memory_space<vmem>>
      %dma_wait3A_173 = tpu.memref_squeeze %dma_wait3A_172 : memref<1x128x32xf32, #tpu.memory_space<vmem>> -> memref<128x32xf32, #tpu.memory_space<vmem>>
      %dma_wait3A_174 = arith.constant 0 : i32
      %dma_wait3A_175 = tpu.memref_slice %arg5[%dma_wait3A_168, %dma_wait3A_174] : memref<8x128xi32, #tpu.memory_space<vmem>> -> memref<1x128xi32, #tpu.memory_space<vmem>>
      %dma_wait3A_176 = tpu.memref_squeeze %dma_wait3A_175 : memref<1x128xi32, #tpu.memory_space<vmem>> -> memref<128xi32, #tpu.memory_space<vmem>>
      %dma_wait3A_177 = arith.constant 0 : i32
      %dma_wait3A_178 = arith.constant 0 : i32
      %dma_wait3A_179 = tpu.memref_slice %arg2[%dma_wait3A_177, %dma_wait3A_178] : memref<1000000x32xf32, #tpu.memory_space<hbm>> -> memref<1000000x32xf32, #tpu.memory_space<hbm>>
      tpu.wait_indirect_dma semaphore(%arg7 : memref<!tpu.dma_semaphore, #tpu.memory_space<semaphore_mem>>) src(%dma_wait3A_179 : memref<1000000x32xf32, #tpu.memory_space<hbm>>) dst(%dma_wait3A_173 : memref<128x32xf32, #tpu.memory_space<vmem>>)
      %dma_wait3A_180 = arith.constant 6 : i32
      %dma_wait3A_181 = arith.constant 6 : i32
      %dma_wait3A_182 = arith.constant 0 : i32
      %dma_wait3A_183 = arith.constant 0 : i32
      %dma_wait3A_184 = tpu.memref_slice %arg6[%dma_wait3A_181, %dma_wait3A_182, %dma_wait3A_183] : memref<8x128x32xf32, #tpu.memory_space<vmem>> -> memref<1x128x32xf32, #tpu.memory_space<vmem>>
      %dma_wait3A_185 = tpu.memref_squeeze %dma_wait3A_184 : memref<1x128x32xf32, #tpu.memory_space<vmem>> -> memref<128x32xf32, #tpu.memory_space<vmem>>
      %dma_wait3A_186 = arith.constant 0 : i32
      %dma_wait3A_187 = tpu.memref_slice %arg5[%dma_wait3A_180, %dma_wait3A_186] : memref<8x128xi32, #tpu.memory_space<vmem>> -> memref<1x128xi32, #tpu.memory_space<vmem>>
      %dma_wait3A_188 = tpu.memref_squeeze %dma_wait3A_187 : memref<1x128xi32, #tpu.memory_space<vmem>> -> memref<128xi32, #tpu.memory_space<vmem>>
      %dma_wait3A_189 = arith.constant 0 : i32
      %dma_wait3A_190 = arith.constant 0 : i32
      %dma_wait3A_191 = tpu.memref_slice %arg2[%dma_wait3A_189, %dma_wait3A_190] : memref<1000000x32xf32, #tpu.memory_space<hbm>> -> memref<1000000x32xf32, #tpu.memory_space<hbm>>
      tpu.wait_indirect_dma semaphore(%arg7 : memref<!tpu.dma_semaphore, #tpu.memory_space<semaphore_mem>>) src(%dma_wait3A_191 : memref<1000000x32xf32, #tpu.memory_space<hbm>>) dst(%dma_wait3A_185 : memref<128x32xf32, #tpu.memory_space<vmem>>)
      %dma_wait3A_192 = arith.constant 7 : i32
      %dma_wait3A_193 = arith.constant 7 : i32
      %dma_wait3A_194 = arith.constant 0 : i32
      %dma_wait3A_195 = arith.constant 0 : i32
      %dma_wait3A_196 = tpu.memref_slice %arg6[%dma_wait3A_193, %dma_wait3A_194, %dma_wait3A_195] : memref<8x128x32xf32, #tpu.memory_space<vmem>> -> memref<1x128x32xf32, #tpu.memory_space<vmem>>
      %dma_wait3A_197 = tpu.memref_squeeze %dma_wait3A_196 : memref<1x128x32xf32, #tpu.memory_space<vmem>> -> memref<128x32xf32, #tpu.memory_space<vmem>>
      %dma_wait3A_198 = arith.constant 0 : i32
      %dma_wait3A_199 = tpu.memref_slice %arg5[%dma_wait3A_192, %dma_wait3A_198] : memref<8x128xi32, #tpu.memory_space<vmem>> -> memref<1x128xi32, #tpu.memory_space<vmem>>
      %dma_wait3A_200 = tpu.memref_squeeze %dma_wait3A_199 : memref<1x128xi32, #tpu.memory_space<vmem>> -> memref<128xi32, #tpu.memory_space<vmem>>
      %dma_wait3A_201 = arith.constant 0 : i32
      %dma_wait3A_202 = arith.constant 0 : i32
      %dma_wait3A_203 = tpu.memref_slice %arg2[%dma_wait3A_201, %dma_wait3A_202] : memref<1000000x32xf32, #tpu.memory_space<hbm>> -> memref<1000000x32xf32, #tpu.memory_space<hbm>>
      tpu.wait_indirect_dma semaphore(%arg7 : memref<!tpu.dma_semaphore, #tpu.memory_space<semaphore_mem>>) src(%dma_wait3A_203 : memref<1000000x32xf32, #tpu.memory_space<hbm>>) dst(%dma_wait3A_197 : memref<128x32xf32, #tpu.memory_space<vmem>>)
      "tpu.region"() ({
        %run_scoped3A = tpu.sem_alloc : memref<!tpu.dma_semaphore, #tpu.memory_space<semaphore_mem>>
        %dma_start3A_204 = arith.constant 0 : i32
        %dma_start3A_205 = arith.constant 0 : i32
        %dma_start3A_206 = tpu.memref_slice %arg4[%add3A_11, %dma_start3A_204, %dma_start3A_205] : memref<1280x128x32xf32, #tpu.memory_space<hbm>> -> memref<8x128x32xf32, #tpu.memory_space<hbm>>
        %dma_start3A_207 = arith.constant 0 : i32
        %dma_start3A_208 = arith.constant 0 : i32
        %dma_start3A_209 = tpu.memref_slice %arg4[%add3A_11, %dma_start3A_207, %dma_start3A_208] : memref<1280x128x32xf32, #tpu.memory_space<hbm>> -> memref<8x128x32xf32, #tpu.memory_space<hbm>>
        tpu.enqueue_dma source(%arg6 : memref<8x128x32xf32, #tpu.memory_space<vmem>>) target(%dma_start3A_209 : memref<8x128x32xf32, #tpu.memory_space<hbm>>) target_semaphore(%run_scoped3A : memref<!tpu.dma_semaphore, #tpu.memory_space<semaphore_mem>>)
        %dma_wait3A_210 = arith.constant 0 : i32
        %dma_wait3A_211 = arith.constant 0 : i32
        %dma_wait3A_212 = tpu.memref_slice %arg4[%add3A_11, %dma_wait3A_210, %dma_wait3A_211] : memref<1280x128x32xf32, #tpu.memory_space<hbm>> -> memref<8x128x32xf32, #tpu.memory_space<hbm>>
        %dma_wait3A_213 = arith.constant 0 : i32
        %dma_wait3A_214 = arith.constant 0 : i32
        %dma_wait3A_215 = tpu.memref_slice %arg4[%add3A_11, %dma_wait3A_213, %dma_wait3A_214] : memref<1280x128x32xf32, #tpu.memory_space<hbm>> -> memref<8x128x32xf32, #tpu.memory_space<hbm>>
        tpu.wait_dma2 semaphore(%run_scoped3A : memref<!tpu.dma_semaphore, #tpu.memory_space<semaphore_mem>>) src(%arg6 : memref<8x128x32xf32, #tpu.memory_space<vmem>>) dst(%dma_wait3A_215 : memref<8x128x32xf32, #tpu.memory_space<hbm>>)
        tpu.yield
      }) : () -> ()
    }
    %scan3A_7 = arith.constant 5 : i32
    return
  }
}

#map = affine_map<(d0, d1) -> (0, 0)>
#map1 = affine_map<(d0, d1) -> (0, 0, 0)>
module attributes {stable_mosaic.version = 14 : i64} {
  func.func @gather_kernel(%arg0: i32, %arg1: i32, %arg2: memref<1000000x32xf32, #tpu.memory_space<hbm>>, %arg3: memref<6400x128xi32, #tpu.memory_space<hbm>>, %arg4: memref<1280x128x32xf32, #tpu.memory_space<hbm>>, %arg5: memref<8x128xi32, #tpu.memory_space<vmem>>, %arg6: memref<8x128x32xf32, #tpu.memory_space<vmem>>, %arg7: memref<!tpu.dma_semaphore, #tpu.memory_space<semaphore_mem>>) attributes {dimension_semantics = [#tpu.dimension_semantics<core_parallel>, #tpu.dimension_semantics<subcore_parallel>], iteration_bounds = array<i64: 2, 16>, scalar_prefetch = 0 : i64, scratch_operands = 3 : i64, tpu.core_type = #tpu.core_type<sc_vector_subcore>, window_params = [{transform_indices = #map}, {transform_indices = #map}, {transform_indices = #map1}]} {
    %mul3A = arith.constant 2 : i32
    %mul3A_0 = arith.muli %arg1, %mul3A : i32
    %add3A = arith.addi %mul3A_0, %arg0 : i32
    %mul3A_1 = arith.constant 40 : i32
    %mul3A_2 = arith.muli %add3A, %mul3A_1 : i32
    %scan3A = arith.constant 0 : i32
    %scan3A_3 = arith.constant 0 : i32
    %scan3A_4 = arith.constant 5 : i32
    %scan3A_5 = arith.addi %scan3A_3, %scan3A_4 : i32
    %scan3A_6 = arith.constant 1 : i32
    scf.for %scan3A_8 = %scan3A_3 to %scan3A_5 step %scan3A_6  : i32 {
      %mul3A_9 = arith.constant 8 : i32
      %mul3A_10 = arith.muli %scan3A_8, %mul3A_9 : i32
      %add3A_11 = arith.addi %mul3A_2, %mul3A_10 : i32
      %add3A_12 = arith.constant 2560 : i32
      %add3A_13 = arith.addi %add3A_12, %add3A_11 : i32
      "tpu.region"() ({
        %run_scoped3A = tpu.sem_alloc : memref<!tpu.dma_semaphore, #tpu.memory_space<semaphore_mem>>
        %dma_start3A_204 = arith.constant 0 : i32
        %dma_start3A_205 = tpu.memref_slice %arg3[%add3A_13, %dma_start3A_204] : memref<6400x128xi32, #tpu.memory_space<hbm>> -> memref<8x128xi32, #tpu.memory_space<hbm>>
        %dma_start3A_206 = arith.constant 0 : i32
        %dma_start3A_207 = tpu.memref_slice %arg3[%add3A_13, %dma_start3A_206] : memref<6400x128xi32, #tpu.memory_space<hbm>> -> memref<8x128xi32, #tpu.memory_space<hbm>>
        tpu.enqueue_dma source(%dma_start3A_207 : memref<8x128xi32, #tpu.memory_space<hbm>>) target(%arg5 : memref<8x128xi32, #tpu.memory_space<vmem>>) target_semaphore(%run_scoped3A : memref<!tpu.dma_semaphore, #tpu.memory_space<semaphore_mem>>)
        %dma_wait3A_208 = arith.constant 0 : i32
        %dma_wait3A_209 = tpu.memref_slice %arg3[%add3A_13, %dma_wait3A_208] : memref<6400x128xi32, #tpu.memory_space<hbm>> -> memref<8x128xi32, #tpu.memory_space<hbm>>
        %dma_wait3A_210 = arith.constant 0 : i32
        %dma_wait3A_211 = tpu.memref_slice %arg3[%add3A_13, %dma_wait3A_210] : memref<6400x128xi32, #tpu.memory_space<hbm>> -> memref<8x128xi32, #tpu.memory_space<hbm>>
        tpu.wait_dma2 semaphore(%run_scoped3A : memref<!tpu.dma_semaphore, #tpu.memory_space<semaphore_mem>>) src(%dma_wait3A_211 : memref<8x128xi32, #tpu.memory_space<hbm>>) dst(%arg5 : memref<8x128xi32, #tpu.memory_space<vmem>>)
        tpu.yield
      }) : () -> ()
      %dma_start3A = arith.constant 0 : i32
      %dma_start3A_14 = arith.constant 0 : i32
      %dma_start3A_15 = arith.constant 0 : i32
      %dma_start3A_16 = arith.constant 0 : i32
      %dma_start3A_17 = tpu.memref_slice %arg6[%dma_start3A_14, %dma_start3A_15, %dma_start3A_16] : memref<8x128x32xf32, #tpu.memory_space<vmem>> -> memref<1x128x32xf32, #tpu.memory_space<vmem>>
      %dma_start3A_18 = tpu.memref_squeeze %dma_start3A_17 : memref<1x128x32xf32, #tpu.memory_space<vmem>> -> memref<128x32xf32, #tpu.memory_space<vmem>>
      %dma_start3A_19 = arith.constant 0 : i32
      %dma_start3A_20 = tpu.memref_slice %arg5[%dma_start3A, %dma_start3A_19] : memref<8x128xi32, #tpu.memory_space<vmem>> -> memref<1x128xi32, #tpu.memory_space<vmem>>
      %dma_start3A_21 = tpu.memref_squeeze %dma_start3A_20 : memref<1x128xi32, #tpu.memory_space<vmem>> -> memref<128xi32, #tpu.memory_space<vmem>>
      %dma_start3A_22 = arith.constant 0 : i32
      %dma_start3A_23 = arith.constant 0 : i32
      %dma_start3A_24 = tpu.memref_slice %arg2[%dma_start3A_22, %dma_start3A_23] : memref<1000000x32xf32, #tpu.memory_space<hbm>> -> memref<1000000x32xf32, #tpu.memory_space<hbm>>
      tpu.enqueue_indirect_dma source(%dma_start3A_24 : memref<1000000x32xf32, #tpu.memory_space<hbm>>) target(%dma_start3A_18 : memref<128x32xf32, #tpu.memory_space<vmem>>) offsets(%dma_start3A_21 : memref<128xi32, #tpu.memory_space<vmem>>) semaphore(%arg7 : memref<!tpu.dma_semaphore, #tpu.memory_space<semaphore_mem>>)
      %dma_start3A_25 = arith.constant 1 : i32
      %dma_start3A_26 = arith.constant 1 : i32
      %dma_start3A_27 = arith.constant 0 : i32
      %dma_start3A_28 = arith.constant 0 : i32
      %dma_start3A_29 = tpu.memref_slice %arg6[%dma_start3A_26, %dma_start3A_27, %dma_start3A_28] : memref<8x128x32xf32, #tpu.memory_space<vmem>> -> memref<1x128x32xf32, #tpu.memory_space<vmem>>
      %dma_start3A_30 = tpu.memref_squeeze %dma_start3A_29 : memref<1x128x32xf32, #tpu.memory_space<vmem>> -> memref<128x32xf32, #tpu.memory_space<vmem>>
      %dma_start3A_31 = arith.constant 0 : i32
      %dma_start3A_32 = tpu.memref_slice %arg5[%dma_start3A_25, %dma_start3A_31] : memref<8x128xi32, #tpu.memory_space<vmem>> -> memref<1x128xi32, #tpu.memory_space<vmem>>
      %dma_start3A_33 = tpu.memref_squeeze %dma_start3A_32 : memref<1x128xi32, #tpu.memory_space<vmem>> -> memref<128xi32, #tpu.memory_space<vmem>>
      %dma_start3A_34 = arith.constant 0 : i32
      %dma_start3A_35 = arith.constant 0 : i32
      %dma_start3A_36 = tpu.memref_slice %arg2[%dma_start3A_34, %dma_start3A_35] : memref<1000000x32xf32, #tpu.memory_space<hbm>> -> memref<1000000x32xf32, #tpu.memory_space<hbm>>
      tpu.enqueue_indirect_dma source(%dma_start3A_36 : memref<1000000x32xf32, #tpu.memory_space<hbm>>) target(%dma_start3A_30 : memref<128x32xf32, #tpu.memory_space<vmem>>) offsets(%dma_start3A_33 : memref<128xi32, #tpu.memory_space<vmem>>) semaphore(%arg7 : memref<!tpu.dma_semaphore, #tpu.memory_space<semaphore_mem>>)
      %dma_start3A_37 = arith.constant 2 : i32
      %dma_start3A_38 = arith.constant 2 : i32
      %dma_start3A_39 = arith.constant 0 : i32
      %dma_start3A_40 = arith.constant 0 : i32
      %dma_start3A_41 = tpu.memref_slice %arg6[%dma_start3A_38, %dma_start3A_39, %dma_start3A_40] : memref<8x128x32xf32, #tpu.memory_space<vmem>> -> memref<1x128x32xf32, #tpu.memory_space<vmem>>
      %dma_start3A_42 = tpu.memref_squeeze %dma_start3A_41 : memref<1x128x32xf32, #tpu.memory_space<vmem>> -> memref<128x32xf32, #tpu.memory_space<vmem>>
      %dma_start3A_43 = arith.constant 0 : i32
      %dma_start3A_44 = tpu.memref_slice %arg5[%dma_start3A_37, %dma_start3A_43] : memref<8x128xi32, #tpu.memory_space<vmem>> -> memref<1x128xi32, #tpu.memory_space<vmem>>
      %dma_start3A_45 = tpu.memref_squeeze %dma_start3A_44 : memref<1x128xi32, #tpu.memory_space<vmem>> -> memref<128xi32, #tpu.memory_space<vmem>>
      %dma_start3A_46 = arith.constant 0 : i32
      %dma_start3A_47 = arith.constant 0 : i32
      %dma_start3A_48 = tpu.memref_slice %arg2[%dma_start3A_46, %dma_start3A_47] : memref<1000000x32xf32, #tpu.memory_space<hbm>> -> memref<1000000x32xf32, #tpu.memory_space<hbm>>
      tpu.enqueue_indirect_dma source(%dma_start3A_48 : memref<1000000x32xf32, #tpu.memory_space<hbm>>) target(%dma_start3A_42 : memref<128x32xf32, #tpu.memory_space<vmem>>) offsets(%dma_start3A_45 : memref<128xi32, #tpu.memory_space<vmem>>) semaphore(%arg7 : memref<!tpu.dma_semaphore, #tpu.memory_space<semaphore_mem>>)
      %dma_start3A_49 = arith.constant 3 : i32
      %dma_start3A_50 = arith.constant 3 : i32
      %dma_start3A_51 = arith.constant 0 : i32
      %dma_start3A_52 = arith.constant 0 : i32
      %dma_start3A_53 = tpu.memref_slice %arg6[%dma_start3A_50, %dma_start3A_51, %dma_start3A_52] : memref<8x128x32xf32, #tpu.memory_space<vmem>> -> memref<1x128x32xf32, #tpu.memory_space<vmem>>
      %dma_start3A_54 = tpu.memref_squeeze %dma_start3A_53 : memref<1x128x32xf32, #tpu.memory_space<vmem>> -> memref<128x32xf32, #tpu.memory_space<vmem>>
      %dma_start3A_55 = arith.constant 0 : i32
      %dma_start3A_56 = tpu.memref_slice %arg5[%dma_start3A_49, %dma_start3A_55] : memref<8x128xi32, #tpu.memory_space<vmem>> -> memref<1x128xi32, #tpu.memory_space<vmem>>
      %dma_start3A_57 = tpu.memref_squeeze %dma_start3A_56 : memref<1x128xi32, #tpu.memory_space<vmem>> -> memref<128xi32, #tpu.memory_space<vmem>>
      %dma_start3A_58 = arith.constant 0 : i32
      %dma_start3A_59 = arith.constant 0 : i32
      %dma_start3A_60 = tpu.memref_slice %arg2[%dma_start3A_58, %dma_start3A_59] : memref<1000000x32xf32, #tpu.memory_space<hbm>> -> memref<1000000x32xf32, #tpu.memory_space<hbm>>
      tpu.enqueue_indirect_dma source(%dma_start3A_60 : memref<1000000x32xf32, #tpu.memory_space<hbm>>) target(%dma_start3A_54 : memref<128x32xf32, #tpu.memory_space<vmem>>) offsets(%dma_start3A_57 : memref<128xi32, #tpu.memory_space<vmem>>) semaphore(%arg7 : memref<!tpu.dma_semaphore, #tpu.memory_space<semaphore_mem>>)
      %dma_start3A_61 = arith.constant 4 : i32
      %dma_start3A_62 = arith.constant 4 : i32
      %dma_start3A_63 = arith.constant 0 : i32
      %dma_start3A_64 = arith.constant 0 : i32
      %dma_start3A_65 = tpu.memref_slice %arg6[%dma_start3A_62, %dma_start3A_63, %dma_start3A_64] : memref<8x128x32xf32, #tpu.memory_space<vmem>> -> memref<1x128x32xf32, #tpu.memory_space<vmem>>
      %dma_start3A_66 = tpu.memref_squeeze %dma_start3A_65 : memref<1x128x32xf32, #tpu.memory_space<vmem>> -> memref<128x32xf32, #tpu.memory_space<vmem>>
      %dma_start3A_67 = arith.constant 0 : i32
      %dma_start3A_68 = tpu.memref_slice %arg5[%dma_start3A_61, %dma_start3A_67] : memref<8x128xi32, #tpu.memory_space<vmem>> -> memref<1x128xi32, #tpu.memory_space<vmem>>
      %dma_start3A_69 = tpu.memref_squeeze %dma_start3A_68 : memref<1x128xi32, #tpu.memory_space<vmem>> -> memref<128xi32, #tpu.memory_space<vmem>>
      %dma_start3A_70 = arith.constant 0 : i32
      %dma_start3A_71 = arith.constant 0 : i32
      %dma_start3A_72 = tpu.memref_slice %arg2[%dma_start3A_70, %dma_start3A_71] : memref<1000000x32xf32, #tpu.memory_space<hbm>> -> memref<1000000x32xf32, #tpu.memory_space<hbm>>
      tpu.enqueue_indirect_dma source(%dma_start3A_72 : memref<1000000x32xf32, #tpu.memory_space<hbm>>) target(%dma_start3A_66 : memref<128x32xf32, #tpu.memory_space<vmem>>) offsets(%dma_start3A_69 : memref<128xi32, #tpu.memory_space<vmem>>) semaphore(%arg7 : memref<!tpu.dma_semaphore, #tpu.memory_space<semaphore_mem>>)
      %dma_start3A_73 = arith.constant 5 : i32
      %dma_start3A_74 = arith.constant 5 : i32
      %dma_start3A_75 = arith.constant 0 : i32
      %dma_start3A_76 = arith.constant 0 : i32
      %dma_start3A_77 = tpu.memref_slice %arg6[%dma_start3A_74, %dma_start3A_75, %dma_start3A_76] : memref<8x128x32xf32, #tpu.memory_space<vmem>> -> memref<1x128x32xf32, #tpu.memory_space<vmem>>
      %dma_start3A_78 = tpu.memref_squeeze %dma_start3A_77 : memref<1x128x32xf32, #tpu.memory_space<vmem>> -> memref<128x32xf32, #tpu.memory_space<vmem>>
      %dma_start3A_79 = arith.constant 0 : i32
      %dma_start3A_80 = tpu.memref_slice %arg5[%dma_start3A_73, %dma_start3A_79] : memref<8x128xi32, #tpu.memory_space<vmem>> -> memref<1x128xi32, #tpu.memory_space<vmem>>
      %dma_start3A_81 = tpu.memref_squeeze %dma_start3A_80 : memref<1x128xi32, #tpu.memory_space<vmem>> -> memref<128xi32, #tpu.memory_space<vmem>>
      %dma_start3A_82 = arith.constant 0 : i32
      %dma_start3A_83 = arith.constant 0 : i32
      %dma_start3A_84 = tpu.memref_slice %arg2[%dma_start3A_82, %dma_start3A_83] : memref<1000000x32xf32, #tpu.memory_space<hbm>> -> memref<1000000x32xf32, #tpu.memory_space<hbm>>
      tpu.enqueue_indirect_dma source(%dma_start3A_84 : memref<1000000x32xf32, #tpu.memory_space<hbm>>) target(%dma_start3A_78 : memref<128x32xf32, #tpu.memory_space<vmem>>) offsets(%dma_start3A_81 : memref<128xi32, #tpu.memory_space<vmem>>) semaphore(%arg7 : memref<!tpu.dma_semaphore, #tpu.memory_space<semaphore_mem>>)
      %dma_start3A_85 = arith.constant 6 : i32
      %dma_start3A_86 = arith.constant 6 : i32
      %dma_start3A_87 = arith.constant 0 : i32
      %dma_start3A_88 = arith.constant 0 : i32
      %dma_start3A_89 = tpu.memref_slice %arg6[%dma_start3A_86, %dma_start3A_87, %dma_start3A_88] : memref<8x128x32xf32, #tpu.memory_space<vmem>> -> memref<1x128x32xf32, #tpu.memory_space<vmem>>
      %dma_start3A_90 = tpu.memref_squeeze %dma_start3A_89 : memref<1x128x32xf32, #tpu.memory_space<vmem>> -> memref<128x32xf32, #tpu.memory_space<vmem>>
      %dma_start3A_91 = arith.constant 0 : i32
      %dma_start3A_92 = tpu.memref_slice %arg5[%dma_start3A_85, %dma_start3A_91] : memref<8x128xi32, #tpu.memory_space<vmem>> -> memref<1x128xi32, #tpu.memory_space<vmem>>
      %dma_start3A_93 = tpu.memref_squeeze %dma_start3A_92 : memref<1x128xi32, #tpu.memory_space<vmem>> -> memref<128xi32, #tpu.memory_space<vmem>>
      %dma_start3A_94 = arith.constant 0 : i32
      %dma_start3A_95 = arith.constant 0 : i32
      %dma_start3A_96 = tpu.memref_slice %arg2[%dma_start3A_94, %dma_start3A_95] : memref<1000000x32xf32, #tpu.memory_space<hbm>> -> memref<1000000x32xf32, #tpu.memory_space<hbm>>
      tpu.enqueue_indirect_dma source(%dma_start3A_96 : memref<1000000x32xf32, #tpu.memory_space<hbm>>) target(%dma_start3A_90 : memref<128x32xf32, #tpu.memory_space<vmem>>) offsets(%dma_start3A_93 : memref<128xi32, #tpu.memory_space<vmem>>) semaphore(%arg7 : memref<!tpu.dma_semaphore, #tpu.memory_space<semaphore_mem>>)
      %dma_start3A_97 = arith.constant 7 : i32
      %dma_start3A_98 = arith.constant 7 : i32
      %dma_start3A_99 = arith.constant 0 : i32
      %dma_start3A_100 = arith.constant 0 : i32
      %dma_start3A_101 = tpu.memref_slice %arg6[%dma_start3A_98, %dma_start3A_99, %dma_start3A_100] : memref<8x128x32xf32, #tpu.memory_space<vmem>> -> memref<1x128x32xf32, #tpu.memory_space<vmem>>
      %dma_start3A_102 = tpu.memref_squeeze %dma_start3A_101 : memref<1x128x32xf32, #tpu.memory_space<vmem>> -> memref<128x32xf32, #tpu.memory_space<vmem>>
      %dma_start3A_103 = arith.constant 0 : i32
      %dma_start3A_104 = tpu.memref_slice %arg5[%dma_start3A_97, %dma_start3A_103] : memref<8x128xi32, #tpu.memory_space<vmem>> -> memref<1x128xi32, #tpu.memory_space<vmem>>
      %dma_start3A_105 = tpu.memref_squeeze %dma_start3A_104 : memref<1x128xi32, #tpu.memory_space<vmem>> -> memref<128xi32, #tpu.memory_space<vmem>>
      %dma_start3A_106 = arith.constant 0 : i32
      %dma_start3A_107 = arith.constant 0 : i32
      %dma_start3A_108 = tpu.memref_slice %arg2[%dma_start3A_106, %dma_start3A_107] : memref<1000000x32xf32, #tpu.memory_space<hbm>> -> memref<1000000x32xf32, #tpu.memory_space<hbm>>
      tpu.enqueue_indirect_dma source(%dma_start3A_108 : memref<1000000x32xf32, #tpu.memory_space<hbm>>) target(%dma_start3A_102 : memref<128x32xf32, #tpu.memory_space<vmem>>) offsets(%dma_start3A_105 : memref<128xi32, #tpu.memory_space<vmem>>) semaphore(%arg7 : memref<!tpu.dma_semaphore, #tpu.memory_space<semaphore_mem>>)
      %dma_wait3A = arith.constant 0 : i32
      %dma_wait3A_109 = arith.constant 0 : i32
      %dma_wait3A_110 = arith.constant 0 : i32
      %dma_wait3A_111 = arith.constant 0 : i32
      %dma_wait3A_112 = tpu.memref_slice %arg6[%dma_wait3A_109, %dma_wait3A_110, %dma_wait3A_111] : memref<8x128x32xf32, #tpu.memory_space<vmem>> -> memref<1x128x32xf32, #tpu.memory_space<vmem>>
      %dma_wait3A_113 = tpu.memref_squeeze %dma_wait3A_112 : memref<1x128x32xf32, #tpu.memory_space<vmem>> -> memref<128x32xf32, #tpu.memory_space<vmem>>
      %dma_wait3A_114 = arith.constant 0 : i32
      %dma_wait3A_115 = tpu.memref_slice %arg5[%dma_wait3A, %dma_wait3A_114] : memref<8x128xi32, #tpu.memory_space<vmem>> -> memref<1x128xi32, #tpu.memory_space<vmem>>
      %dma_wait3A_116 = tpu.memref_squeeze %dma_wait3A_115 : memref<1x128xi32, #tpu.memory_space<vmem>> -> memref<128xi32, #tpu.memory_space<vmem>>
      %dma_wait3A_117 = arith.constant 0 : i32
      %dma_wait3A_118 = arith.constant 0 : i32
      %dma_wait3A_119 = tpu.memref_slice %arg2[%dma_wait3A_117, %dma_wait3A_118] : memref<1000000x32xf32, #tpu.memory_space<hbm>> -> memref<1000000x32xf32, #tpu.memory_space<hbm>>
      tpu.wait_indirect_dma semaphore(%arg7 : memref<!tpu.dma_semaphore, #tpu.memory_space<semaphore_mem>>) src(%dma_wait3A_119 : memref<1000000x32xf32, #tpu.memory_space<hbm>>) dst(%dma_wait3A_113 : memref<128x32xf32, #tpu.memory_space<vmem>>)
      %dma_wait3A_120 = arith.constant 1 : i32
      %dma_wait3A_121 = arith.constant 1 : i32
      %dma_wait3A_122 = arith.constant 0 : i32
      %dma_wait3A_123 = arith.constant 0 : i32
      %dma_wait3A_124 = tpu.memref_slice %arg6[%dma_wait3A_121, %dma_wait3A_122, %dma_wait3A_123] : memref<8x128x32xf32, #tpu.memory_space<vmem>> -> memref<1x128x32xf32, #tpu.memory_space<vmem>>
      %dma_wait3A_125 = tpu.memref_squeeze %dma_wait3A_124 : memref<1x128x32xf32, #tpu.memory_space<vmem>> -> memref<128x32xf32, #tpu.memory_space<vmem>>
      %dma_wait3A_126 = arith.constant 0 : i32
      %dma_wait3A_127 = tpu.memref_slice %arg5[%dma_wait3A_120, %dma_wait3A_126] : memref<8x128xi32, #tpu.memory_space<vmem>> -> memref<1x128xi32, #tpu.memory_space<vmem>>
      %dma_wait3A_128 = tpu.memref_squeeze %dma_wait3A_127 : memref<1x128xi32, #tpu.memory_space<vmem>> -> memref<128xi32, #tpu.memory_space<vmem>>
      %dma_wait3A_129 = arith.constant 0 : i32
      %dma_wait3A_130 = arith.constant 0 : i32
      %dma_wait3A_131 = tpu.memref_slice %arg2[%dma_wait3A_129, %dma_wait3A_130] : memref<1000000x32xf32, #tpu.memory_space<hbm>> -> memref<1000000x32xf32, #tpu.memory_space<hbm>>
      tpu.wait_indirect_dma semaphore(%arg7 : memref<!tpu.dma_semaphore, #tpu.memory_space<semaphore_mem>>) src(%dma_wait3A_131 : memref<1000000x32xf32, #tpu.memory_space<hbm>>) dst(%dma_wait3A_125 : memref<128x32xf32, #tpu.memory_space<vmem>>)
      %dma_wait3A_132 = arith.constant 2 : i32
      %dma_wait3A_133 = arith.constant 2 : i32
      %dma_wait3A_134 = arith.constant 0 : i32
      %dma_wait3A_135 = arith.constant 0 : i32
      %dma_wait3A_136 = tpu.memref_slice %arg6[%dma_wait3A_133, %dma_wait3A_134, %dma_wait3A_135] : memref<8x128x32xf32, #tpu.memory_space<vmem>> -> memref<1x128x32xf32, #tpu.memory_space<vmem>>
      %dma_wait3A_137 = tpu.memref_squeeze %dma_wait3A_136 : memref<1x128x32xf32, #tpu.memory_space<vmem>> -> memref<128x32xf32, #tpu.memory_space<vmem>>
      %dma_wait3A_138 = arith.constant 0 : i32
      %dma_wait3A_139 = tpu.memref_slice %arg5[%dma_wait3A_132, %dma_wait3A_138] : memref<8x128xi32, #tpu.memory_space<vmem>> -> memref<1x128xi32, #tpu.memory_space<vmem>>
      %dma_wait3A_140 = tpu.memref_squeeze %dma_wait3A_139 : memref<1x128xi32, #tpu.memory_space<vmem>> -> memref<128xi32, #tpu.memory_space<vmem>>
      %dma_wait3A_141 = arith.constant 0 : i32
      %dma_wait3A_142 = arith.constant 0 : i32
      %dma_wait3A_143 = tpu.memref_slice %arg2[%dma_wait3A_141, %dma_wait3A_142] : memref<1000000x32xf32, #tpu.memory_space<hbm>> -> memref<1000000x32xf32, #tpu.memory_space<hbm>>
      tpu.wait_indirect_dma semaphore(%arg7 : memref<!tpu.dma_semaphore, #tpu.memory_space<semaphore_mem>>) src(%dma_wait3A_143 : memref<1000000x32xf32, #tpu.memory_space<hbm>>) dst(%dma_wait3A_137 : memref<128x32xf32, #tpu.memory_space<vmem>>)
      %dma_wait3A_144 = arith.constant 3 : i32
      %dma_wait3A_145 = arith.constant 3 : i32
      %dma_wait3A_146 = arith.constant 0 : i32
      %dma_wait3A_147 = arith.constant 0 : i32
      %dma_wait3A_148 = tpu.memref_slice %arg6[%dma_wait3A_145, %dma_wait3A_146, %dma_wait3A_147] : memref<8x128x32xf32, #tpu.memory_space<vmem>> -> memref<1x128x32xf32, #tpu.memory_space<vmem>>
      %dma_wait3A_149 = tpu.memref_squeeze %dma_wait3A_148 : memref<1x128x32xf32, #tpu.memory_space<vmem>> -> memref<128x32xf32, #tpu.memory_space<vmem>>
      %dma_wait3A_150 = arith.constant 0 : i32
      %dma_wait3A_151 = tpu.memref_slice %arg5[%dma_wait3A_144, %dma_wait3A_150] : memref<8x128xi32, #tpu.memory_space<vmem>> -> memref<1x128xi32, #tpu.memory_space<vmem>>
      %dma_wait3A_152 = tpu.memref_squeeze %dma_wait3A_151 : memref<1x128xi32, #tpu.memory_space<vmem>> -> memref<128xi32, #tpu.memory_space<vmem>>
      %dma_wait3A_153 = arith.constant 0 : i32
      %dma_wait3A_154 = arith.constant 0 : i32
      %dma_wait3A_155 = tpu.memref_slice %arg2[%dma_wait3A_153, %dma_wait3A_154] : memref<1000000x32xf32, #tpu.memory_space<hbm>> -> memref<1000000x32xf32, #tpu.memory_space<hbm>>
      tpu.wait_indirect_dma semaphore(%arg7 : memref<!tpu.dma_semaphore, #tpu.memory_space<semaphore_mem>>) src(%dma_wait3A_155 : memref<1000000x32xf32, #tpu.memory_space<hbm>>) dst(%dma_wait3A_149 : memref<128x32xf32, #tpu.memory_space<vmem>>)
      %dma_wait3A_156 = arith.constant 4 : i32
      %dma_wait3A_157 = arith.constant 4 : i32
      %dma_wait3A_158 = arith.constant 0 : i32
      %dma_wait3A_159 = arith.constant 0 : i32
      %dma_wait3A_160 = tpu.memref_slice %arg6[%dma_wait3A_157, %dma_wait3A_158, %dma_wait3A_159] : memref<8x128x32xf32, #tpu.memory_space<vmem>> -> memref<1x128x32xf32, #tpu.memory_space<vmem>>
      %dma_wait3A_161 = tpu.memref_squeeze %dma_wait3A_160 : memref<1x128x32xf32, #tpu.memory_space<vmem>> -> memref<128x32xf32, #tpu.memory_space<vmem>>
      %dma_wait3A_162 = arith.constant 0 : i32
      %dma_wait3A_163 = tpu.memref_slice %arg5[%dma_wait3A_156, %dma_wait3A_162] : memref<8x128xi32, #tpu.memory_space<vmem>> -> memref<1x128xi32, #tpu.memory_space<vmem>>
      %dma_wait3A_164 = tpu.memref_squeeze %dma_wait3A_163 : memref<1x128xi32, #tpu.memory_space<vmem>> -> memref<128xi32, #tpu.memory_space<vmem>>
      %dma_wait3A_165 = arith.constant 0 : i32
      %dma_wait3A_166 = arith.constant 0 : i32
      %dma_wait3A_167 = tpu.memref_slice %arg2[%dma_wait3A_165, %dma_wait3A_166] : memref<1000000x32xf32, #tpu.memory_space<hbm>> -> memref<1000000x32xf32, #tpu.memory_space<hbm>>
      tpu.wait_indirect_dma semaphore(%arg7 : memref<!tpu.dma_semaphore, #tpu.memory_space<semaphore_mem>>) src(%dma_wait3A_167 : memref<1000000x32xf32, #tpu.memory_space<hbm>>) dst(%dma_wait3A_161 : memref<128x32xf32, #tpu.memory_space<vmem>>)
      %dma_wait3A_168 = arith.constant 5 : i32
      %dma_wait3A_169 = arith.constant 5 : i32
      %dma_wait3A_170 = arith.constant 0 : i32
      %dma_wait3A_171 = arith.constant 0 : i32
      %dma_wait3A_172 = tpu.memref_slice %arg6[%dma_wait3A_169, %dma_wait3A_170, %dma_wait3A_171] : memref<8x128x32xf32, #tpu.memory_space<vmem>> -> memref<1x128x32xf32, #tpu.memory_space<vmem>>
      %dma_wait3A_173 = tpu.memref_squeeze %dma_wait3A_172 : memref<1x128x32xf32, #tpu.memory_space<vmem>> -> memref<128x32xf32, #tpu.memory_space<vmem>>
      %dma_wait3A_174 = arith.constant 0 : i32
      %dma_wait3A_175 = tpu.memref_slice %arg5[%dma_wait3A_168, %dma_wait3A_174] : memref<8x128xi32, #tpu.memory_space<vmem>> -> memref<1x128xi32, #tpu.memory_space<vmem>>
      %dma_wait3A_176 = tpu.memref_squeeze %dma_wait3A_175 : memref<1x128xi32, #tpu.memory_space<vmem>> -> memref<128xi32, #tpu.memory_space<vmem>>
      %dma_wait3A_177 = arith.constant 0 : i32
      %dma_wait3A_178 = arith.constant 0 : i32
      %dma_wait3A_179 = tpu.memref_slice %arg2[%dma_wait3A_177, %dma_wait3A_178] : memref<1000000x32xf32, #tpu.memory_space<hbm>> -> memref<1000000x32xf32, #tpu.memory_space<hbm>>
      tpu.wait_indirect_dma semaphore(%arg7 : memref<!tpu.dma_semaphore, #tpu.memory_space<semaphore_mem>>) src(%dma_wait3A_179 : memref<1000000x32xf32, #tpu.memory_space<hbm>>) dst(%dma_wait3A_173 : memref<128x32xf32, #tpu.memory_space<vmem>>)
      %dma_wait3A_180 = arith.constant 6 : i32
      %dma_wait3A_181 = arith.constant 6 : i32
      %dma_wait3A_182 = arith.constant 0 : i32
      %dma_wait3A_183 = arith.constant 0 : i32
      %dma_wait3A_184 = tpu.memref_slice %arg6[%dma_wait3A_181, %dma_wait3A_182, %dma_wait3A_183] : memref<8x128x32xf32, #tpu.memory_space<vmem>> -> memref<1x128x32xf32, #tpu.memory_space<vmem>>
      %dma_wait3A_185 = tpu.memref_squeeze %dma_wait3A_184 : memref<1x128x32xf32, #tpu.memory_space<vmem>> -> memref<128x32xf32, #tpu.memory_space<vmem>>
      %dma_wait3A_186 = arith.constant 0 : i32
      %dma_wait3A_187 = tpu.memref_slice %arg5[%dma_wait3A_180, %dma_wait3A_186] : memref<8x128xi32, #tpu.memory_space<vmem>> -> memref<1x128xi32, #tpu.memory_space<vmem>>
      %dma_wait3A_188 = tpu.memref_squeeze %dma_wait3A_187 : memref<1x128xi32, #tpu.memory_space<vmem>> -> memref<128xi32, #tpu.memory_space<vmem>>
      %dma_wait3A_189 = arith.constant 0 : i32
      %dma_wait3A_190 = arith.constant 0 : i32
      %dma_wait3A_191 = tpu.memref_slice %arg2[%dma_wait3A_189, %dma_wait3A_190] : memref<1000000x32xf32, #tpu.memory_space<hbm>> -> memref<1000000x32xf32, #tpu.memory_space<hbm>>
      tpu.wait_indirect_dma semaphore(%arg7 : memref<!tpu.dma_semaphore, #tpu.memory_space<semaphore_mem>>) src(%dma_wait3A_191 : memref<1000000x32xf32, #tpu.memory_space<hbm>>) dst(%dma_wait3A_185 : memref<128x32xf32, #tpu.memory_space<vmem>>)
      %dma_wait3A_192 = arith.constant 7 : i32
      %dma_wait3A_193 = arith.constant 7 : i32
      %dma_wait3A_194 = arith.constant 0 : i32
      %dma_wait3A_195 = arith.constant 0 : i32
      %dma_wait3A_196 = tpu.memref_slice %arg6[%dma_wait3A_193, %dma_wait3A_194, %dma_wait3A_195] : memref<8x128x32xf32, #tpu.memory_space<vmem>> -> memref<1x128x32xf32, #tpu.memory_space<vmem>>
      %dma_wait3A_197 = tpu.memref_squeeze %dma_wait3A_196 : memref<1x128x32xf32, #tpu.memory_space<vmem>> -> memref<128x32xf32, #tpu.memory_space<vmem>>
      %dma_wait3A_198 = arith.constant 0 : i32
      %dma_wait3A_199 = tpu.memref_slice %arg5[%dma_wait3A_192, %dma_wait3A_198] : memref<8x128xi32, #tpu.memory_space<vmem>> -> memref<1x128xi32, #tpu.memory_space<vmem>>
      %dma_wait3A_200 = tpu.memref_squeeze %dma_wait3A_199 : memref<1x128xi32, #tpu.memory_space<vmem>> -> memref<128xi32, #tpu.memory_space<vmem>>
      %dma_wait3A_201 = arith.constant 0 : i32
      %dma_wait3A_202 = arith.constant 0 : i32
      %dma_wait3A_203 = tpu.memref_slice %arg2[%dma_wait3A_201, %dma_wait3A_202] : memref<1000000x32xf32, #tpu.memory_space<hbm>> -> memref<1000000x32xf32, #tpu.memory_space<hbm>>
      tpu.wait_indirect_dma semaphore(%arg7 : memref<!tpu.dma_semaphore, #tpu.memory_space<semaphore_mem>>) src(%dma_wait3A_203 : memref<1000000x32xf32, #tpu.memory_space<hbm>>) dst(%dma_wait3A_197 : memref<128x32xf32, #tpu.memory_space<vmem>>)
      "tpu.region"() ({
        %run_scoped3A = tpu.sem_alloc : memref<!tpu.dma_semaphore, #tpu.memory_space<semaphore_mem>>
        %dma_start3A_204 = arith.constant 0 : i32
        %dma_start3A_205 = arith.constant 0 : i32
        %dma_start3A_206 = tpu.memref_slice %arg4[%add3A_11, %dma_start3A_204, %dma_start3A_205] : memref<1280x128x32xf32, #tpu.memory_space<hbm>> -> memref<8x128x32xf32, #tpu.memory_space<hbm>>
        %dma_start3A_207 = arith.constant 0 : i32
        %dma_start3A_208 = arith.constant 0 : i32
        %dma_start3A_209 = tpu.memref_slice %arg4[%add3A_11, %dma_start3A_207, %dma_start3A_208] : memref<1280x128x32xf32, #tpu.memory_space<hbm>> -> memref<8x128x32xf32, #tpu.memory_space<hbm>>
        tpu.enqueue_dma source(%arg6 : memref<8x128x32xf32, #tpu.memory_space<vmem>>) target(%dma_start3A_209 : memref<8x128x32xf32, #tpu.memory_space<hbm>>) target_semaphore(%run_scoped3A : memref<!tpu.dma_semaphore, #tpu.memory_space<semaphore_mem>>)
        %dma_wait3A_210 = arith.constant 0 : i32
        %dma_wait3A_211 = arith.constant 0 : i32
        %dma_wait3A_212 = tpu.memref_slice %arg4[%add3A_11, %dma_wait3A_210, %dma_wait3A_211] : memref<1280x128x32xf32, #tpu.memory_space<hbm>> -> memref<8x128x32xf32, #tpu.memory_space<hbm>>
        %dma_wait3A_213 = arith.constant 0 : i32
        %dma_wait3A_214 = arith.constant 0 : i32
        %dma_wait3A_215 = tpu.memref_slice %arg4[%add3A_11, %dma_wait3A_213, %dma_wait3A_214] : memref<1280x128x32xf32, #tpu.memory_space<hbm>> -> memref<8x128x32xf32, #tpu.memory_space<hbm>>
        tpu.wait_dma2 semaphore(%run_scoped3A : memref<!tpu.dma_semaphore, #tpu.memory_space<semaphore_mem>>) src(%arg6 : memref<8x128x32xf32, #tpu.memory_space<vmem>>) dst(%dma_wait3A_215 : memref<8x128x32xf32, #tpu.memory_space<hbm>>)
        tpu.yield
      }) : () -> ()
    }
    %scan3A_7 = arith.constant 5 : i32
    return
  }
}

#map = affine_map<(d0, d1) -> (0, 0)>
#map1 = affine_map<(d0, d1) -> (0, 0, 0)>
module attributes {stable_mosaic.version = 14 : i64} {
  func.func @gather_kernel(%arg0: i32, %arg1: i32, %arg2: memref<1000000x32xf32, #tpu.memory_space<hbm>>, %arg3: memref<6400x128xi32, #tpu.memory_space<hbm>>, %arg4: memref<1280x128x32xf32, #tpu.memory_space<hbm>>, %arg5: memref<8x128xi32, #tpu.memory_space<vmem>>, %arg6: memref<8x128x32xf32, #tpu.memory_space<vmem>>, %arg7: memref<!tpu.dma_semaphore, #tpu.memory_space<semaphore_mem>>) attributes {dimension_semantics = [#tpu.dimension_semantics<core_parallel>, #tpu.dimension_semantics<subcore_parallel>], iteration_bounds = array<i64: 2, 16>, scalar_prefetch = 0 : i64, scratch_operands = 3 : i64, tpu.core_type = #tpu.core_type<sc_vector_subcore>, window_params = [{transform_indices = #map}, {transform_indices = #map}, {transform_indices = #map1}]} {
    %mul3A = arith.constant 2 : i32
    %mul3A_0 = arith.muli %arg1, %mul3A : i32
    %add3A = arith.addi %mul3A_0, %arg0 : i32
    %mul3A_1 = arith.constant 40 : i32
    %mul3A_2 = arith.muli %add3A, %mul3A_1 : i32
    %scan3A = arith.constant 0 : i32
    %scan3A_3 = arith.constant 0 : i32
    %scan3A_4 = arith.constant 5 : i32
    %scan3A_5 = arith.addi %scan3A_3, %scan3A_4 : i32
    %scan3A_6 = arith.constant 1 : i32
    scf.for %scan3A_8 = %scan3A_3 to %scan3A_5 step %scan3A_6  : i32 {
      %mul3A_9 = arith.constant 8 : i32
      %mul3A_10 = arith.muli %scan3A_8, %mul3A_9 : i32
      %add3A_11 = arith.addi %mul3A_2, %mul3A_10 : i32
      %add3A_12 = arith.constant 5120 : i32
      %add3A_13 = arith.addi %add3A_12, %add3A_11 : i32
      "tpu.region"() ({
        %run_scoped3A = tpu.sem_alloc : memref<!tpu.dma_semaphore, #tpu.memory_space<semaphore_mem>>
        %dma_start3A_204 = arith.constant 0 : i32
        %dma_start3A_205 = tpu.memref_slice %arg3[%add3A_13, %dma_start3A_204] : memref<6400x128xi32, #tpu.memory_space<hbm>> -> memref<8x128xi32, #tpu.memory_space<hbm>>
        %dma_start3A_206 = arith.constant 0 : i32
        %dma_start3A_207 = tpu.memref_slice %arg3[%add3A_13, %dma_start3A_206] : memref<6400x128xi32, #tpu.memory_space<hbm>> -> memref<8x128xi32, #tpu.memory_space<hbm>>
        tpu.enqueue_dma source(%dma_start3A_207 : memref<8x128xi32, #tpu.memory_space<hbm>>) target(%arg5 : memref<8x128xi32, #tpu.memory_space<vmem>>) target_semaphore(%run_scoped3A : memref<!tpu.dma_semaphore, #tpu.memory_space<semaphore_mem>>)
        %dma_wait3A_208 = arith.constant 0 : i32
        %dma_wait3A_209 = tpu.memref_slice %arg3[%add3A_13, %dma_wait3A_208] : memref<6400x128xi32, #tpu.memory_space<hbm>> -> memref<8x128xi32, #tpu.memory_space<hbm>>
        %dma_wait3A_210 = arith.constant 0 : i32
        %dma_wait3A_211 = tpu.memref_slice %arg3[%add3A_13, %dma_wait3A_210] : memref<6400x128xi32, #tpu.memory_space<hbm>> -> memref<8x128xi32, #tpu.memory_space<hbm>>
        tpu.wait_dma2 semaphore(%run_scoped3A : memref<!tpu.dma_semaphore, #tpu.memory_space<semaphore_mem>>) src(%dma_wait3A_211 : memref<8x128xi32, #tpu.memory_space<hbm>>) dst(%arg5 : memref<8x128xi32, #tpu.memory_space<vmem>>)
        tpu.yield
      }) : () -> ()
      %dma_start3A = arith.constant 0 : i32
      %dma_start3A_14 = arith.constant 0 : i32
      %dma_start3A_15 = arith.constant 0 : i32
      %dma_start3A_16 = arith.constant 0 : i32
      %dma_start3A_17 = tpu.memref_slice %arg6[%dma_start3A_14, %dma_start3A_15, %dma_start3A_16] : memref<8x128x32xf32, #tpu.memory_space<vmem>> -> memref<1x128x32xf32, #tpu.memory_space<vmem>>
      %dma_start3A_18 = tpu.memref_squeeze %dma_start3A_17 : memref<1x128x32xf32, #tpu.memory_space<vmem>> -> memref<128x32xf32, #tpu.memory_space<vmem>>
      %dma_start3A_19 = arith.constant 0 : i32
      %dma_start3A_20 = tpu.memref_slice %arg5[%dma_start3A, %dma_start3A_19] : memref<8x128xi32, #tpu.memory_space<vmem>> -> memref<1x128xi32, #tpu.memory_space<vmem>>
      %dma_start3A_21 = tpu.memref_squeeze %dma_start3A_20 : memref<1x128xi32, #tpu.memory_space<vmem>> -> memref<128xi32, #tpu.memory_space<vmem>>
      %dma_start3A_22 = arith.constant 0 : i32
      %dma_start3A_23 = arith.constant 0 : i32
      %dma_start3A_24 = tpu.memref_slice %arg2[%dma_start3A_22, %dma_start3A_23] : memref<1000000x32xf32, #tpu.memory_space<hbm>> -> memref<1000000x32xf32, #tpu.memory_space<hbm>>
      tpu.enqueue_indirect_dma source(%dma_start3A_24 : memref<1000000x32xf32, #tpu.memory_space<hbm>>) target(%dma_start3A_18 : memref<128x32xf32, #tpu.memory_space<vmem>>) offsets(%dma_start3A_21 : memref<128xi32, #tpu.memory_space<vmem>>) semaphore(%arg7 : memref<!tpu.dma_semaphore, #tpu.memory_space<semaphore_mem>>)
      %dma_start3A_25 = arith.constant 1 : i32
      %dma_start3A_26 = arith.constant 1 : i32
      %dma_start3A_27 = arith.constant 0 : i32
      %dma_start3A_28 = arith.constant 0 : i32
      %dma_start3A_29 = tpu.memref_slice %arg6[%dma_start3A_26, %dma_start3A_27, %dma_start3A_28] : memref<8x128x32xf32, #tpu.memory_space<vmem>> -> memref<1x128x32xf32, #tpu.memory_space<vmem>>
      %dma_start3A_30 = tpu.memref_squeeze %dma_start3A_29 : memref<1x128x32xf32, #tpu.memory_space<vmem>> -> memref<128x32xf32, #tpu.memory_space<vmem>>
      %dma_start3A_31 = arith.constant 0 : i32
      %dma_start3A_32 = tpu.memref_slice %arg5[%dma_start3A_25, %dma_start3A_31] : memref<8x128xi32, #tpu.memory_space<vmem>> -> memref<1x128xi32, #tpu.memory_space<vmem>>
      %dma_start3A_33 = tpu.memref_squeeze %dma_start3A_32 : memref<1x128xi32, #tpu.memory_space<vmem>> -> memref<128xi32, #tpu.memory_space<vmem>>
      %dma_start3A_34 = arith.constant 0 : i32
      %dma_start3A_35 = arith.constant 0 : i32
      %dma_start3A_36 = tpu.memref_slice %arg2[%dma_start3A_34, %dma_start3A_35] : memref<1000000x32xf32, #tpu.memory_space<hbm>> -> memref<1000000x32xf32, #tpu.memory_space<hbm>>
      tpu.enqueue_indirect_dma source(%dma_start3A_36 : memref<1000000x32xf32, #tpu.memory_space<hbm>>) target(%dma_start3A_30 : memref<128x32xf32, #tpu.memory_space<vmem>>) offsets(%dma_start3A_33 : memref<128xi32, #tpu.memory_space<vmem>>) semaphore(%arg7 : memref<!tpu.dma_semaphore, #tpu.memory_space<semaphore_mem>>)
      %dma_start3A_37 = arith.constant 2 : i32
      %dma_start3A_38 = arith.constant 2 : i32
      %dma_start3A_39 = arith.constant 0 : i32
      %dma_start3A_40 = arith.constant 0 : i32
      %dma_start3A_41 = tpu.memref_slice %arg6[%dma_start3A_38, %dma_start3A_39, %dma_start3A_40] : memref<8x128x32xf32, #tpu.memory_space<vmem>> -> memref<1x128x32xf32, #tpu.memory_space<vmem>>
      %dma_start3A_42 = tpu.memref_squeeze %dma_start3A_41 : memref<1x128x32xf32, #tpu.memory_space<vmem>> -> memref<128x32xf32, #tpu.memory_space<vmem>>
      %dma_start3A_43 = arith.constant 0 : i32
      %dma_start3A_44 = tpu.memref_slice %arg5[%dma_start3A_37, %dma_start3A_43] : memref<8x128xi32, #tpu.memory_space<vmem>> -> memref<1x128xi32, #tpu.memory_space<vmem>>
      %dma_start3A_45 = tpu.memref_squeeze %dma_start3A_44 : memref<1x128xi32, #tpu.memory_space<vmem>> -> memref<128xi32, #tpu.memory_space<vmem>>
      %dma_start3A_46 = arith.constant 0 : i32
      %dma_start3A_47 = arith.constant 0 : i32
      %dma_start3A_48 = tpu.memref_slice %arg2[%dma_start3A_46, %dma_start3A_47] : memref<1000000x32xf32, #tpu.memory_space<hbm>> -> memref<1000000x32xf32, #tpu.memory_space<hbm>>
      tpu.enqueue_indirect_dma source(%dma_start3A_48 : memref<1000000x32xf32, #tpu.memory_space<hbm>>) target(%dma_start3A_42 : memref<128x32xf32, #tpu.memory_space<vmem>>) offsets(%dma_start3A_45 : memref<128xi32, #tpu.memory_space<vmem>>) semaphore(%arg7 : memref<!tpu.dma_semaphore, #tpu.memory_space<semaphore_mem>>)
      %dma_start3A_49 = arith.constant 3 : i32
      %dma_start3A_50 = arith.constant 3 : i32
      %dma_start3A_51 = arith.constant 0 : i32
      %dma_start3A_52 = arith.constant 0 : i32
      %dma_start3A_53 = tpu.memref_slice %arg6[%dma_start3A_50, %dma_start3A_51, %dma_start3A_52] : memref<8x128x32xf32, #tpu.memory_space<vmem>> -> memref<1x128x32xf32, #tpu.memory_space<vmem>>
      %dma_start3A_54 = tpu.memref_squeeze %dma_start3A_53 : memref<1x128x32xf32, #tpu.memory_space<vmem>> -> memref<128x32xf32, #tpu.memory_space<vmem>>
      %dma_start3A_55 = arith.constant 0 : i32
      %dma_start3A_56 = tpu.memref_slice %arg5[%dma_start3A_49, %dma_start3A_55] : memref<8x128xi32, #tpu.memory_space<vmem>> -> memref<1x128xi32, #tpu.memory_space<vmem>>
      %dma_start3A_57 = tpu.memref_squeeze %dma_start3A_56 : memref<1x128xi32, #tpu.memory_space<vmem>> -> memref<128xi32, #tpu.memory_space<vmem>>
      %dma_start3A_58 = arith.constant 0 : i32
      %dma_start3A_59 = arith.constant 0 : i32
      %dma_start3A_60 = tpu.memref_slice %arg2[%dma_start3A_58, %dma_start3A_59] : memref<1000000x32xf32, #tpu.memory_space<hbm>> -> memref<1000000x32xf32, #tpu.memory_space<hbm>>
      tpu.enqueue_indirect_dma source(%dma_start3A_60 : memref<1000000x32xf32, #tpu.memory_space<hbm>>) target(%dma_start3A_54 : memref<128x32xf32, #tpu.memory_space<vmem>>) offsets(%dma_start3A_57 : memref<128xi32, #tpu.memory_space<vmem>>) semaphore(%arg7 : memref<!tpu.dma_semaphore, #tpu.memory_space<semaphore_mem>>)
      %dma_start3A_61 = arith.constant 4 : i32
      %dma_start3A_62 = arith.constant 4 : i32
      %dma_start3A_63 = arith.constant 0 : i32
      %dma_start3A_64 = arith.constant 0 : i32
      %dma_start3A_65 = tpu.memref_slice %arg6[%dma_start3A_62, %dma_start3A_63, %dma_start3A_64] : memref<8x128x32xf32, #tpu.memory_space<vmem>> -> memref<1x128x32xf32, #tpu.memory_space<vmem>>
      %dma_start3A_66 = tpu.memref_squeeze %dma_start3A_65 : memref<1x128x32xf32, #tpu.memory_space<vmem>> -> memref<128x32xf32, #tpu.memory_space<vmem>>
      %dma_start3A_67 = arith.constant 0 : i32
      %dma_start3A_68 = tpu.memref_slice %arg5[%dma_start3A_61, %dma_start3A_67] : memref<8x128xi32, #tpu.memory_space<vmem>> -> memref<1x128xi32, #tpu.memory_space<vmem>>
      %dma_start3A_69 = tpu.memref_squeeze %dma_start3A_68 : memref<1x128xi32, #tpu.memory_space<vmem>> -> memref<128xi32, #tpu.memory_space<vmem>>
      %dma_start3A_70 = arith.constant 0 : i32
      %dma_start3A_71 = arith.constant 0 : i32
      %dma_start3A_72 = tpu.memref_slice %arg2[%dma_start3A_70, %dma_start3A_71] : memref<1000000x32xf32, #tpu.memory_space<hbm>> -> memref<1000000x32xf32, #tpu.memory_space<hbm>>
      tpu.enqueue_indirect_dma source(%dma_start3A_72 : memref<1000000x32xf32, #tpu.memory_space<hbm>>) target(%dma_start3A_66 : memref<128x32xf32, #tpu.memory_space<vmem>>) offsets(%dma_start3A_69 : memref<128xi32, #tpu.memory_space<vmem>>) semaphore(%arg7 : memref<!tpu.dma_semaphore, #tpu.memory_space<semaphore_mem>>)
      %dma_start3A_73 = arith.constant 5 : i32
      %dma_start3A_74 = arith.constant 5 : i32
      %dma_start3A_75 = arith.constant 0 : i32
      %dma_start3A_76 = arith.constant 0 : i32
      %dma_start3A_77 = tpu.memref_slice %arg6[%dma_start3A_74, %dma_start3A_75, %dma_start3A_76] : memref<8x128x32xf32, #tpu.memory_space<vmem>> -> memref<1x128x32xf32, #tpu.memory_space<vmem>>
      %dma_start3A_78 = tpu.memref_squeeze %dma_start3A_77 : memref<1x128x32xf32, #tpu.memory_space<vmem>> -> memref<128x32xf32, #tpu.memory_space<vmem>>
      %dma_start3A_79 = arith.constant 0 : i32
      %dma_start3A_80 = tpu.memref_slice %arg5[%dma_start3A_73, %dma_start3A_79] : memref<8x128xi32, #tpu.memory_space<vmem>> -> memref<1x128xi32, #tpu.memory_space<vmem>>
      %dma_start3A_81 = tpu.memref_squeeze %dma_start3A_80 : memref<1x128xi32, #tpu.memory_space<vmem>> -> memref<128xi32, #tpu.memory_space<vmem>>
      %dma_start3A_82 = arith.constant 0 : i32
      %dma_start3A_83 = arith.constant 0 : i32
      %dma_start3A_84 = tpu.memref_slice %arg2[%dma_start3A_82, %dma_start3A_83] : memref<1000000x32xf32, #tpu.memory_space<hbm>> -> memref<1000000x32xf32, #tpu.memory_space<hbm>>
      tpu.enqueue_indirect_dma source(%dma_start3A_84 : memref<1000000x32xf32, #tpu.memory_space<hbm>>) target(%dma_start3A_78 : memref<128x32xf32, #tpu.memory_space<vmem>>) offsets(%dma_start3A_81 : memref<128xi32, #tpu.memory_space<vmem>>) semaphore(%arg7 : memref<!tpu.dma_semaphore, #tpu.memory_space<semaphore_mem>>)
      %dma_start3A_85 = arith.constant 6 : i32
      %dma_start3A_86 = arith.constant 6 : i32
      %dma_start3A_87 = arith.constant 0 : i32
      %dma_start3A_88 = arith.constant 0 : i32
      %dma_start3A_89 = tpu.memref_slice %arg6[%dma_start3A_86, %dma_start3A_87, %dma_start3A_88] : memref<8x128x32xf32, #tpu.memory_space<vmem>> -> memref<1x128x32xf32, #tpu.memory_space<vmem>>
      %dma_start3A_90 = tpu.memref_squeeze %dma_start3A_89 : memref<1x128x32xf32, #tpu.memory_space<vmem>> -> memref<128x32xf32, #tpu.memory_space<vmem>>
      %dma_start3A_91 = arith.constant 0 : i32
      %dma_start3A_92 = tpu.memref_slice %arg5[%dma_start3A_85, %dma_start3A_91] : memref<8x128xi32, #tpu.memory_space<vmem>> -> memref<1x128xi32, #tpu.memory_space<vmem>>
      %dma_start3A_93 = tpu.memref_squeeze %dma_start3A_92 : memref<1x128xi32, #tpu.memory_space<vmem>> -> memref<128xi32, #tpu.memory_space<vmem>>
      %dma_start3A_94 = arith.constant 0 : i32
      %dma_start3A_95 = arith.constant 0 : i32
      %dma_start3A_96 = tpu.memref_slice %arg2[%dma_start3A_94, %dma_start3A_95] : memref<1000000x32xf32, #tpu.memory_space<hbm>> -> memref<1000000x32xf32, #tpu.memory_space<hbm>>
      tpu.enqueue_indirect_dma source(%dma_start3A_96 : memref<1000000x32xf32, #tpu.memory_space<hbm>>) target(%dma_start3A_90 : memref<128x32xf32, #tpu.memory_space<vmem>>) offsets(%dma_start3A_93 : memref<128xi32, #tpu.memory_space<vmem>>) semaphore(%arg7 : memref<!tpu.dma_semaphore, #tpu.memory_space<semaphore_mem>>)
      %dma_start3A_97 = arith.constant 7 : i32
      %dma_start3A_98 = arith.constant 7 : i32
      %dma_start3A_99 = arith.constant 0 : i32
      %dma_start3A_100 = arith.constant 0 : i32
      %dma_start3A_101 = tpu.memref_slice %arg6[%dma_start3A_98, %dma_start3A_99, %dma_start3A_100] : memref<8x128x32xf32, #tpu.memory_space<vmem>> -> memref<1x128x32xf32, #tpu.memory_space<vmem>>
      %dma_start3A_102 = tpu.memref_squeeze %dma_start3A_101 : memref<1x128x32xf32, #tpu.memory_space<vmem>> -> memref<128x32xf32, #tpu.memory_space<vmem>>
      %dma_start3A_103 = arith.constant 0 : i32
      %dma_start3A_104 = tpu.memref_slice %arg5[%dma_start3A_97, %dma_start3A_103] : memref<8x128xi32, #tpu.memory_space<vmem>> -> memref<1x128xi32, #tpu.memory_space<vmem>>
      %dma_start3A_105 = tpu.memref_squeeze %dma_start3A_104 : memref<1x128xi32, #tpu.memory_space<vmem>> -> memref<128xi32, #tpu.memory_space<vmem>>
      %dma_start3A_106 = arith.constant 0 : i32
      %dma_start3A_107 = arith.constant 0 : i32
      %dma_start3A_108 = tpu.memref_slice %arg2[%dma_start3A_106, %dma_start3A_107] : memref<1000000x32xf32, #tpu.memory_space<hbm>> -> memref<1000000x32xf32, #tpu.memory_space<hbm>>
      tpu.enqueue_indirect_dma source(%dma_start3A_108 : memref<1000000x32xf32, #tpu.memory_space<hbm>>) target(%dma_start3A_102 : memref<128x32xf32, #tpu.memory_space<vmem>>) offsets(%dma_start3A_105 : memref<128xi32, #tpu.memory_space<vmem>>) semaphore(%arg7 : memref<!tpu.dma_semaphore, #tpu.memory_space<semaphore_mem>>)
      %dma_wait3A = arith.constant 0 : i32
      %dma_wait3A_109 = arith.constant 0 : i32
      %dma_wait3A_110 = arith.constant 0 : i32
      %dma_wait3A_111 = arith.constant 0 : i32
      %dma_wait3A_112 = tpu.memref_slice %arg6[%dma_wait3A_109, %dma_wait3A_110, %dma_wait3A_111] : memref<8x128x32xf32, #tpu.memory_space<vmem>> -> memref<1x128x32xf32, #tpu.memory_space<vmem>>
      %dma_wait3A_113 = tpu.memref_squeeze %dma_wait3A_112 : memref<1x128x32xf32, #tpu.memory_space<vmem>> -> memref<128x32xf32, #tpu.memory_space<vmem>>
      %dma_wait3A_114 = arith.constant 0 : i32
      %dma_wait3A_115 = tpu.memref_slice %arg5[%dma_wait3A, %dma_wait3A_114] : memref<8x128xi32, #tpu.memory_space<vmem>> -> memref<1x128xi32, #tpu.memory_space<vmem>>
      %dma_wait3A_116 = tpu.memref_squeeze %dma_wait3A_115 : memref<1x128xi32, #tpu.memory_space<vmem>> -> memref<128xi32, #tpu.memory_space<vmem>>
      %dma_wait3A_117 = arith.constant 0 : i32
      %dma_wait3A_118 = arith.constant 0 : i32
      %dma_wait3A_119 = tpu.memref_slice %arg2[%dma_wait3A_117, %dma_wait3A_118] : memref<1000000x32xf32, #tpu.memory_space<hbm>> -> memref<1000000x32xf32, #tpu.memory_space<hbm>>
      tpu.wait_indirect_dma semaphore(%arg7 : memref<!tpu.dma_semaphore, #tpu.memory_space<semaphore_mem>>) src(%dma_wait3A_119 : memref<1000000x32xf32, #tpu.memory_space<hbm>>) dst(%dma_wait3A_113 : memref<128x32xf32, #tpu.memory_space<vmem>>)
      %dma_wait3A_120 = arith.constant 1 : i32
      %dma_wait3A_121 = arith.constant 1 : i32
      %dma_wait3A_122 = arith.constant 0 : i32
      %dma_wait3A_123 = arith.constant 0 : i32
      %dma_wait3A_124 = tpu.memref_slice %arg6[%dma_wait3A_121, %dma_wait3A_122, %dma_wait3A_123] : memref<8x128x32xf32, #tpu.memory_space<vmem>> -> memref<1x128x32xf32, #tpu.memory_space<vmem>>
      %dma_wait3A_125 = tpu.memref_squeeze %dma_wait3A_124 : memref<1x128x32xf32, #tpu.memory_space<vmem>> -> memref<128x32xf32, #tpu.memory_space<vmem>>
      %dma_wait3A_126 = arith.constant 0 : i32
      %dma_wait3A_127 = tpu.memref_slice %arg5[%dma_wait3A_120, %dma_wait3A_126] : memref<8x128xi32, #tpu.memory_space<vmem>> -> memref<1x128xi32, #tpu.memory_space<vmem>>
      %dma_wait3A_128 = tpu.memref_squeeze %dma_wait3A_127 : memref<1x128xi32, #tpu.memory_space<vmem>> -> memref<128xi32, #tpu.memory_space<vmem>>
      %dma_wait3A_129 = arith.constant 0 : i32
      %dma_wait3A_130 = arith.constant 0 : i32
      %dma_wait3A_131 = tpu.memref_slice %arg2[%dma_wait3A_129, %dma_wait3A_130] : memref<1000000x32xf32, #tpu.memory_space<hbm>> -> memref<1000000x32xf32, #tpu.memory_space<hbm>>
      tpu.wait_indirect_dma semaphore(%arg7 : memref<!tpu.dma_semaphore, #tpu.memory_space<semaphore_mem>>) src(%dma_wait3A_131 : memref<1000000x32xf32, #tpu.memory_space<hbm>>) dst(%dma_wait3A_125 : memref<128x32xf32, #tpu.memory_space<vmem>>)
      %dma_wait3A_132 = arith.constant 2 : i32
      %dma_wait3A_133 = arith.constant 2 : i32
      %dma_wait3A_134 = arith.constant 0 : i32
      %dma_wait3A_135 = arith.constant 0 : i32
      %dma_wait3A_136 = tpu.memref_slice %arg6[%dma_wait3A_133, %dma_wait3A_134, %dma_wait3A_135] : memref<8x128x32xf32, #tpu.memory_space<vmem>> -> memref<1x128x32xf32, #tpu.memory_space<vmem>>
      %dma_wait3A_137 = tpu.memref_squeeze %dma_wait3A_136 : memref<1x128x32xf32, #tpu.memory_space<vmem>> -> memref<128x32xf32, #tpu.memory_space<vmem>>
      %dma_wait3A_138 = arith.constant 0 : i32
      %dma_wait3A_139 = tpu.memref_slice %arg5[%dma_wait3A_132, %dma_wait3A_138] : memref<8x128xi32, #tpu.memory_space<vmem>> -> memref<1x128xi32, #tpu.memory_space<vmem>>
      %dma_wait3A_140 = tpu.memref_squeeze %dma_wait3A_139 : memref<1x128xi32, #tpu.memory_space<vmem>> -> memref<128xi32, #tpu.memory_space<vmem>>
      %dma_wait3A_141 = arith.constant 0 : i32
      %dma_wait3A_142 = arith.constant 0 : i32
      %dma_wait3A_143 = tpu.memref_slice %arg2[%dma_wait3A_141, %dma_wait3A_142] : memref<1000000x32xf32, #tpu.memory_space<hbm>> -> memref<1000000x32xf32, #tpu.memory_space<hbm>>
      tpu.wait_indirect_dma semaphore(%arg7 : memref<!tpu.dma_semaphore, #tpu.memory_space<semaphore_mem>>) src(%dma_wait3A_143 : memref<1000000x32xf32, #tpu.memory_space<hbm>>) dst(%dma_wait3A_137 : memref<128x32xf32, #tpu.memory_space<vmem>>)
      %dma_wait3A_144 = arith.constant 3 : i32
      %dma_wait3A_145 = arith.constant 3 : i32
      %dma_wait3A_146 = arith.constant 0 : i32
      %dma_wait3A_147 = arith.constant 0 : i32
      %dma_wait3A_148 = tpu.memref_slice %arg6[%dma_wait3A_145, %dma_wait3A_146, %dma_wait3A_147] : memref<8x128x32xf32, #tpu.memory_space<vmem>> -> memref<1x128x32xf32, #tpu.memory_space<vmem>>
      %dma_wait3A_149 = tpu.memref_squeeze %dma_wait3A_148 : memref<1x128x32xf32, #tpu.memory_space<vmem>> -> memref<128x32xf32, #tpu.memory_space<vmem>>
      %dma_wait3A_150 = arith.constant 0 : i32
      %dma_wait3A_151 = tpu.memref_slice %arg5[%dma_wait3A_144, %dma_wait3A_150] : memref<8x128xi32, #tpu.memory_space<vmem>> -> memref<1x128xi32, #tpu.memory_space<vmem>>
      %dma_wait3A_152 = tpu.memref_squeeze %dma_wait3A_151 : memref<1x128xi32, #tpu.memory_space<vmem>> -> memref<128xi32, #tpu.memory_space<vmem>>
      %dma_wait3A_153 = arith.constant 0 : i32
      %dma_wait3A_154 = arith.constant 0 : i32
      %dma_wait3A_155 = tpu.memref_slice %arg2[%dma_wait3A_153, %dma_wait3A_154] : memref<1000000x32xf32, #tpu.memory_space<hbm>> -> memref<1000000x32xf32, #tpu.memory_space<hbm>>
      tpu.wait_indirect_dma semaphore(%arg7 : memref<!tpu.dma_semaphore, #tpu.memory_space<semaphore_mem>>) src(%dma_wait3A_155 : memref<1000000x32xf32, #tpu.memory_space<hbm>>) dst(%dma_wait3A_149 : memref<128x32xf32, #tpu.memory_space<vmem>>)
      %dma_wait3A_156 = arith.constant 4 : i32
      %dma_wait3A_157 = arith.constant 4 : i32
      %dma_wait3A_158 = arith.constant 0 : i32
      %dma_wait3A_159 = arith.constant 0 : i32
      %dma_wait3A_160 = tpu.memref_slice %arg6[%dma_wait3A_157, %dma_wait3A_158, %dma_wait3A_159] : memref<8x128x32xf32, #tpu.memory_space<vmem>> -> memref<1x128x32xf32, #tpu.memory_space<vmem>>
      %dma_wait3A_161 = tpu.memref_squeeze %dma_wait3A_160 : memref<1x128x32xf32, #tpu.memory_space<vmem>> -> memref<128x32xf32, #tpu.memory_space<vmem>>
      %dma_wait3A_162 = arith.constant 0 : i32
      %dma_wait3A_163 = tpu.memref_slice %arg5[%dma_wait3A_156, %dma_wait3A_162] : memref<8x128xi32, #tpu.memory_space<vmem>> -> memref<1x128xi32, #tpu.memory_space<vmem>>
      %dma_wait3A_164 = tpu.memref_squeeze %dma_wait3A_163 : memref<1x128xi32, #tpu.memory_space<vmem>> -> memref<128xi32, #tpu.memory_space<vmem>>
      %dma_wait3A_165 = arith.constant 0 : i32
      %dma_wait3A_166 = arith.constant 0 : i32
      %dma_wait3A_167 = tpu.memref_slice %arg2[%dma_wait3A_165, %dma_wait3A_166] : memref<1000000x32xf32, #tpu.memory_space<hbm>> -> memref<1000000x32xf32, #tpu.memory_space<hbm>>
      tpu.wait_indirect_dma semaphore(%arg7 : memref<!tpu.dma_semaphore, #tpu.memory_space<semaphore_mem>>) src(%dma_wait3A_167 : memref<1000000x32xf32, #tpu.memory_space<hbm>>) dst(%dma_wait3A_161 : memref<128x32xf32, #tpu.memory_space<vmem>>)
      %dma_wait3A_168 = arith.constant 5 : i32
      %dma_wait3A_169 = arith.constant 5 : i32
      %dma_wait3A_170 = arith.constant 0 : i32
      %dma_wait3A_171 = arith.constant 0 : i32
      %dma_wait3A_172 = tpu.memref_slice %arg6[%dma_wait3A_169, %dma_wait3A_170, %dma_wait3A_171] : memref<8x128x32xf32, #tpu.memory_space<vmem>> -> memref<1x128x32xf32, #tpu.memory_space<vmem>>
      %dma_wait3A_173 = tpu.memref_squeeze %dma_wait3A_172 : memref<1x128x32xf32, #tpu.memory_space<vmem>> -> memref<128x32xf32, #tpu.memory_space<vmem>>
      %dma_wait3A_174 = arith.constant 0 : i32
      %dma_wait3A_175 = tpu.memref_slice %arg5[%dma_wait3A_168, %dma_wait3A_174] : memref<8x128xi32, #tpu.memory_space<vmem>> -> memref<1x128xi32, #tpu.memory_space<vmem>>
      %dma_wait3A_176 = tpu.memref_squeeze %dma_wait3A_175 : memref<1x128xi32, #tpu.memory_space<vmem>> -> memref<128xi32, #tpu.memory_space<vmem>>
      %dma_wait3A_177 = arith.constant 0 : i32
      %dma_wait3A_178 = arith.constant 0 : i32
      %dma_wait3A_179 = tpu.memref_slice %arg2[%dma_wait3A_177, %dma_wait3A_178] : memref<1000000x32xf32, #tpu.memory_space<hbm>> -> memref<1000000x32xf32, #tpu.memory_space<hbm>>
      tpu.wait_indirect_dma semaphore(%arg7 : memref<!tpu.dma_semaphore, #tpu.memory_space<semaphore_mem>>) src(%dma_wait3A_179 : memref<1000000x32xf32, #tpu.memory_space<hbm>>) dst(%dma_wait3A_173 : memref<128x32xf32, #tpu.memory_space<vmem>>)
      %dma_wait3A_180 = arith.constant 6 : i32
      %dma_wait3A_181 = arith.constant 6 : i32
      %dma_wait3A_182 = arith.constant 0 : i32
      %dma_wait3A_183 = arith.constant 0 : i32
      %dma_wait3A_184 = tpu.memref_slice %arg6[%dma_wait3A_181, %dma_wait3A_182, %dma_wait3A_183] : memref<8x128x32xf32, #tpu.memory_space<vmem>> -> memref<1x128x32xf32, #tpu.memory_space<vmem>>
      %dma_wait3A_185 = tpu.memref_squeeze %dma_wait3A_184 : memref<1x128x32xf32, #tpu.memory_space<vmem>> -> memref<128x32xf32, #tpu.memory_space<vmem>>
      %dma_wait3A_186 = arith.constant 0 : i32
      %dma_wait3A_187 = tpu.memref_slice %arg5[%dma_wait3A_180, %dma_wait3A_186] : memref<8x128xi32, #tpu.memory_space<vmem>> -> memref<1x128xi32, #tpu.memory_space<vmem>>
      %dma_wait3A_188 = tpu.memref_squeeze %dma_wait3A_187 : memref<1x128xi32, #tpu.memory_space<vmem>> -> memref<128xi32, #tpu.memory_space<vmem>>
      %dma_wait3A_189 = arith.constant 0 : i32
      %dma_wait3A_190 = arith.constant 0 : i32
      %dma_wait3A_191 = tpu.memref_slice %arg2[%dma_wait3A_189, %dma_wait3A_190] : memref<1000000x32xf32, #tpu.memory_space<hbm>> -> memref<1000000x32xf32, #tpu.memory_space<hbm>>
      tpu.wait_indirect_dma semaphore(%arg7 : memref<!tpu.dma_semaphore, #tpu.memory_space<semaphore_mem>>) src(%dma_wait3A_191 : memref<1000000x32xf32, #tpu.memory_space<hbm>>) dst(%dma_wait3A_185 : memref<128x32xf32, #tpu.memory_space<vmem>>)
      %dma_wait3A_192 = arith.constant 7 : i32
      %dma_wait3A_193 = arith.constant 7 : i32
      %dma_wait3A_194 = arith.constant 0 : i32
      %dma_wait3A_195 = arith.constant 0 : i32
      %dma_wait3A_196 = tpu.memref_slice %arg6[%dma_wait3A_193, %dma_wait3A_194, %dma_wait3A_195] : memref<8x128x32xf32, #tpu.memory_space<vmem>> -> memref<1x128x32xf32, #tpu.memory_space<vmem>>
      %dma_wait3A_197 = tpu.memref_squeeze %dma_wait3A_196 : memref<1x128x32xf32, #tpu.memory_space<vmem>> -> memref<128x32xf32, #tpu.memory_space<vmem>>
      %dma_wait3A_198 = arith.constant 0 : i32
      %dma_wait3A_199 = tpu.memref_slice %arg5[%dma_wait3A_192, %dma_wait3A_198] : memref<8x128xi32, #tpu.memory_space<vmem>> -> memref<1x128xi32, #tpu.memory_space<vmem>>
      %dma_wait3A_200 = tpu.memref_squeeze %dma_wait3A_199 : memref<1x128xi32, #tpu.memory_space<vmem>> -> memref<128xi32, #tpu.memory_space<vmem>>
      %dma_wait3A_201 = arith.constant 0 : i32
      %dma_wait3A_202 = arith.constant 0 : i32
      %dma_wait3A_203 = tpu.memref_slice %arg2[%dma_wait3A_201, %dma_wait3A_202] : memref<1000000x32xf32, #tpu.memory_space<hbm>> -> memref<1000000x32xf32, #tpu.memory_space<hbm>>
      tpu.wait_indirect_dma semaphore(%arg7 : memref<!tpu.dma_semaphore, #tpu.memory_space<semaphore_mem>>) src(%dma_wait3A_203 : memref<1000000x32xf32, #tpu.memory_space<hbm>>) dst(%dma_wait3A_197 : memref<128x32xf32, #tpu.memory_space<vmem>>)
      "tpu.region"() ({
        %run_scoped3A = tpu.sem_alloc : memref<!tpu.dma_semaphore, #tpu.memory_space<semaphore_mem>>
        %dma_start3A_204 = arith.constant 0 : i32
        %dma_start3A_205 = arith.constant 0 : i32
        %dma_start3A_206 = tpu.memref_slice %arg4[%add3A_11, %dma_start3A_204, %dma_start3A_205] : memref<1280x128x32xf32, #tpu.memory_space<hbm>> -> memref<8x128x32xf32, #tpu.memory_space<hbm>>
        %dma_start3A_207 = arith.constant 0 : i32
        %dma_start3A_208 = arith.constant 0 : i32
        %dma_start3A_209 = tpu.memref_slice %arg4[%add3A_11, %dma_start3A_207, %dma_start3A_208] : memref<1280x128x32xf32, #tpu.memory_space<hbm>> -> memref<8x128x32xf32, #tpu.memory_space<hbm>>
        tpu.enqueue_dma source(%arg6 : memref<8x128x32xf32, #tpu.memory_space<vmem>>) target(%dma_start3A_209 : memref<8x128x32xf32, #tpu.memory_space<hbm>>) target_semaphore(%run_scoped3A : memref<!tpu.dma_semaphore, #tpu.memory_space<semaphore_mem>>)
        %dma_wait3A_210 = arith.constant 0 : i32
        %dma_wait3A_211 = arith.constant 0 : i32
        %dma_wait3A_212 = tpu.memref_slice %arg4[%add3A_11, %dma_wait3A_210, %dma_wait3A_211] : memref<1280x128x32xf32, #tpu.memory_space<hbm>> -> memref<8x128x32xf32, #tpu.memory_space<hbm>>
        %dma_wait3A_213 = arith.constant 0 : i32
        %dma_wait3A_214 = arith.constant 0 : i32
        %dma_wait3A_215 = tpu.memref_slice %arg4[%add3A_11, %dma_wait3A_213, %dma_wait3A_214] : memref<1280x128x32xf32, #tpu.memory_space<hbm>> -> memref<8x128x32xf32, #tpu.memory_space<hbm>>
        tpu.wait_dma2 semaphore(%run_scoped3A : memref<!tpu.dma_semaphore, #tpu.memory_space<semaphore_mem>>) src(%arg6 : memref<8x128x32xf32, #tpu.memory_space<vmem>>) dst(%dma_wait3A_215 : memref<8x128x32xf32, #tpu.memory_space<hbm>>)
        tpu.yield
      }) : () -> ()
    }
    %scan3A_7 = arith.constant 5 : i32
    return
  }
}

module attributes {stable_mosaic.version = 14 : i64} {
  func.func @_seg_body(%arg0: i32, %arg1: memref<4x1024x128xf32, #tpu.memory_space<vmem>>, %arg2: memref<2048x128xf32, #tpu.memory_space<vmem>>, %arg3: memref<2048x128xf32, #tpu.memory_space<vmem>>, %arg4: memref<64x512xf32, #tpu.memory_space<vmem>>, %arg5: memref<128x512xf32, #tpu.memory_space<vmem>>, %arg6: memref<1x512xf32, #tpu.memory_space<vmem>>, %arg7: memref<2048x128xf32, #tpu.memory_space<vmem>>, %arg8: memref<2048x128xf32, #tpu.memory_space<vmem>>, %arg9: memref<2048x128xf32, #tpu.memory_space<vmem>>, %arg10: memref<2048x128xf32, #tpu.memory_space<vmem>>) attributes {dimension_semantics = [#tpu.dimension_semantics<arbitrary>], iteration_bounds = array<i64: 10>, scalar_prefetch = 0 : i64, scratch_operands = 2 : i64, tpu.core_type = #tpu.core_type<tc>, window_params = [{transform_indices = @transform_0, window_bounds = array<i64: 4, 1024, 128>}, {pipeline_mode = #tpu.pipeline_mode<synchronous>, transform_indices = @transform_1, window_bounds = array<i64: 2048, 128>}, {pipeline_mode = #tpu.pipeline_mode<synchronous>, transform_indices = @transform_2, window_bounds = array<i64: 2048, 128>}, {pipeline_mode = #tpu.pipeline_mode<synchronous>, transform_indices = @transform_3, window_bounds = array<i64: 64, 512>}, {pipeline_mode = #tpu.pipeline_mode<synchronous>, transform_indices = @transform_4, window_bounds = array<i64: 128, 512>}, {pipeline_mode = #tpu.pipeline_mode<synchronous>, transform_indices = @transform_5, window_bounds = array<i64: 1, 512>}, {pipeline_mode = #tpu.pipeline_mode<synchronous>, transform_indices = @transform_6, window_bounds = array<i64: 2048, 128>}, {pipeline_mode = #tpu.pipeline_mode<synchronous>, transform_indices = @transform_7, window_bounds = array<i64: 2048, 128>}]} {
    %eq3A = arith.constant 0 : i32
    %eq3A_0 = arith.cmpi eq, %arg0, %eq3A : i32
    %convert_element_type3A = arith.extui %eq3A_0 : i1 to i32
    %cond3A = arith.constant 0 : i32
    %cond3A_1 = arith.cmpi ne, %convert_element_type3A, %cond3A : i32
    scf.if %cond3A_1 {
      %get3A_204 = arith.constant 0 : index
      %get3A_205 = arith.constant 0 : index
      %get3A_206 = vector.load %arg2[%get3A_204, %get3A_205] : memref<2048x128xf32, #tpu.memory_space<vmem>>, vector<2048x128xf32>
      %swap3A_207 = arith.constant 0 : index
      %swap3A_208 = arith.constant 0 : index
      %swap3A_209 = vector.load %arg9[%swap3A_207, %swap3A_208] : memref<2048x128xf32, #tpu.memory_space<vmem>>, vector<2048x128xf32>
      tpu.vector_store %arg9[%swap3A_207, %swap3A_208], %get3A_206 {strides = array<i32>} : memref<2048x128xf32, #tpu.memory_space<vmem>>, vector<2048x128xf32>,
      %get3A_210 = arith.constant 0 : index
      %get3A_211 = arith.constant 0 : index
      %get3A_212 = vector.load %arg3[%get3A_210, %get3A_211] : memref<2048x128xf32, #tpu.memory_space<vmem>>, vector<2048x128xf32>
      %swap3A_213 = arith.constant 0 : index
      %swap3A_214 = arith.constant 0 : index
      %swap3A_215 = vector.load %arg10[%swap3A_213, %swap3A_214] : memref<2048x128xf32, #tpu.memory_space<vmem>>, vector<2048x128xf32>
      tpu.vector_store %arg10[%swap3A_213, %swap3A_214], %get3A_212 {strides = array<i32>} : memref<2048x128xf32, #tpu.memory_space<vmem>>, vector<2048x128xf32>,
    } else {
    }
    %get3A = arith.constant 0 : index
    %get3A_2 = arith.constant 0 : index
    %get3A_3 = vector.load %arg9[%get3A, %get3A_2] : memref<2048x128xf32, #tpu.memory_space<vmem>>, vector<2048x128xf32>
    %get3A_4 = arith.constant 0 : index
    %get3A_5 = arith.constant 0 : index
    %get3A_6 = vector.load %arg10[%get3A_4, %get3A_5] : memref<2048x128xf32, #tpu.memory_space<vmem>>, vector<2048x128xf32>
    %get3A_7 = arith.constant 0 : index
    %get3A_8 = arith.constant 0 : index
    %get3A_9 = vector.load %arg4[%get3A_7, %get3A_8] : memref<64x512xf32, #tpu.memory_space<vmem>>, vector<64x512xf32>
    %get3A_10 = arith.constant 0 : index
    %get3A_11 = arith.constant 0 : index
    %get3A_12 = vector.load %arg5[%get3A_10, %get3A_11] : memref<128x512xf32, #tpu.memory_space<vmem>>, vector<128x512xf32>
    %get3A_13 = arith.constant 0 : index
    %get3A_14 = arith.constant 0 : index
    %get3A_15 = vector.load %arg6[%get3A_13, %get3A_14] : memref<1x512xf32, #tpu.memory_space<vmem>>, vector<1x512xf32>
    %get3A_16 = arith.constant 0 : index
    %get3A_17 = arith.constant 0 : index
    %get3A_18 = arith.constant 0 : index
    %get3A_19 = vector.load %arg1[%get3A_16, %get3A_17, %get3A_18] : memref<4x1024x128xf32, #tpu.memory_space<vmem>>, vector<1x1024x128xf32>
    %get3A_20 = vector.shape_cast %get3A_19 : vector<1x1024x128xf32> to vector<1024x128xf32>
    %slice3A = vector.extract_strided_slice %get3A_20 {offsets = [0, 0], sizes = [1024, 64], strides = [1, 1]} : vector<1024x128xf32> to vector<1024x64xf32>
    %slice3A_21 = vector.extract_strided_slice %get3A_20 {offsets = [0, 64], sizes = [1024, 64], strides = [1, 1]} : vector<1024x128xf32> to vector<1024x64xf32>
    %concatenate3A = tpu.concatenate %slice3A, %slice3A_21 in 0 : vector<1024x64xf32>, vector<1024x64xf32> -> vector<2048x64xf32>
    %dot_general3A = arith.constant dense<0.000000e+00> : vector<2048x512xf32>
    %dot_general3A_22 = tpu.matmul %concatenate3A, %get3A_9, %dot_general3A {dimension_numbers = #tpu.dot_dimension_numbers<[1], [0], [0], [1], [0, 0, 1, 1], [], []>, transpose_lhs_hint = false} : vector<2048x64xf32>, vector<64x512xf32>, vector<2048x512xf32> -> vector<2048x512xf32>
    %dot_general3A_23 = arith.constant dense<0.000000e+00> : vector<2048x512xf32>
    %dot_general3A_24 = tpu.matmul %get3A_3, %get3A_12, %dot_general3A_23 {dimension_numbers = #tpu.dot_dimension_numbers<[1], [0], [0], [1], [0, 0, 1, 1], [], []>, transpose_lhs_hint = false} : vector<2048x128xf32>, vector<128x512xf32>, vector<2048x512xf32> -> vector<2048x512xf32>
    %add3A = arith.addf %dot_general3A_22, %dot_general3A_24 : vector<2048x512xf32>
    %add3A_25 = vector.broadcast %get3A_15 : vector<1x512xf32> to vector<2048x512xf32>
    %add3A_26 = arith.addf %add3A, %add3A_25 : vector<2048x512xf32>
    %slice3A_27 = vector.extract_strided_slice %add3A_26 {offsets = [0, 0], sizes = [2048, 128], strides = [1, 1]} : vector<2048x512xf32> to vector<2048x128xf32>
    %tanh3A = math.tanh %slice3A_27 : vector<2048x128xf32>
    %mul3A = arith.constant 5.000000e-01 : f32
    %mul3A_28 = vector.broadcast %mul3A : f32 to vector<2048x128xf32>
    %mul3A_29 = arith.mulf %mul3A_28, %tanh3A : vector<2048x128xf32>
    %add3A_30 = arith.constant 5.000000e-01 : f32
    %add3A_31 = vector.broadcast %add3A_30 : f32 to vector<2048x128xf32>
    %add3A_32 = arith.addf %mul3A_29, %add3A_31 : vector<2048x128xf32>
    %slice3A_33 = vector.extract_strided_slice %add3A_26 {offsets = [0, 128], sizes = [2048, 128], strides = [1, 1]} : vector<2048x512xf32> to vector<2048x128xf32>
    %tanh3A_34 = math.tanh %slice3A_33 : vector<2048x128xf32>
    %mul3A_35 = arith.constant 5.000000e-01 : f32
    %mul3A_36 = vector.broadcast %mul3A_35 : f32 to vector<2048x128xf32>
    %mul3A_37 = arith.mulf %mul3A_36, %tanh3A_34 : vector<2048x128xf32>
    %add3A_38 = arith.constant 5.000000e-01 : f32
    %add3A_39 = vector.broadcast %add3A_38 : f32 to vector<2048x128xf32>
    %add3A_40 = arith.addf %mul3A_37, %add3A_39 : vector<2048x128xf32>
    %slice3A_41 = vector.extract_strided_slice %add3A_26 {offsets = [0, 256], sizes = [2048, 128], strides = [1, 1]} : vector<2048x512xf32> to vector<2048x128xf32>
    %tanh3A_42 = math.tanh %slice3A_41 : vector<2048x128xf32>
    %slice3A_43 = vector.extract_strided_slice %add3A_26 {offsets = [0, 384], sizes = [2048, 128], strides = [1, 1]} : vector<2048x512xf32> to vector<2048x128xf32>
    %tanh3A_44 = math.tanh %slice3A_43 : vector<2048x128xf32>
    %mul3A_45 = arith.constant 5.000000e-01 : f32
    %mul3A_46 = vector.broadcast %mul3A_45 : f32 to vector<2048x128xf32>
    %mul3A_47 = arith.mulf %mul3A_46, %tanh3A_44 : vector<2048x128xf32>
    %add3A_48 = arith.constant 5.000000e-01 : f32
    %add3A_49 = vector.broadcast %add3A_48 : f32 to vector<2048x128xf32>
    %add3A_50 = arith.addf %mul3A_47, %add3A_49 : vector<2048x128xf32>
    %mul3A_51 = arith.mulf %add3A_40, %get3A_6 : vector<2048x128xf32>
    %mul3A_52 = arith.mulf %add3A_32, %tanh3A_42 : vector<2048x128xf32>
    %add3A_53 = arith.addf %mul3A_51, %mul3A_52 : vector<2048x128xf32>
    %tanh3A_54 = math.tanh %add3A_53 : vector<2048x128xf32>
    %mul3A_55 = arith.mulf %add3A_50, %tanh3A_54 : vector<2048x128xf32>
    %get3A_56 = arith.constant 1 : index
    %get3A_57 = arith.constant 0 : index
    %get3A_58 = arith.constant 0 : index
    %get3A_59 = vector.load %arg1[%get3A_56, %get3A_57, %get3A_58] : memref<4x1024x128xf32, #tpu.memory_space<vmem>>, vector<1x1024x128xf32>
    %get3A_60 = vector.shape_cast %get3A_59 : vector<1x1024x128xf32> to vector<1024x128xf32>
    %slice3A_61 = vector.extract_strided_slice %get3A_60 {offsets = [0, 0], sizes = [1024, 64], strides = [1, 1]} : vector<1024x128xf32> to vector<1024x64xf32>
    %slice3A_62 = vector.extract_strided_slice %get3A_60 {offsets = [0, 64], sizes = [1024, 64], strides = [1, 1]} : vector<1024x128xf32> to vector<1024x64xf32>
    %concatenate3A_63 = tpu.concatenate %slice3A_61, %slice3A_62 in 0 : vector<1024x64xf32>, vector<1024x64xf32> -> vector<2048x64xf32>
    %dot_general3A_64 = arith.constant dense<0.000000e+00> : vector<2048x512xf32>
    %dot_general3A_65 = tpu.matmul %concatenate3A_63, %get3A_9, %dot_general3A_64 {dimension_numbers = #tpu.dot_dimension_numbers<[1], [0], [0], [1], [0, 0, 1, 1], [], []>, transpose_lhs_hint = false} : vector<2048x64xf32>, vector<64x512xf32>, vector<2048x512xf32> -> vector<2048x512xf32>
    %dot_general3A_66 = arith.constant dense<0.000000e+00> : vector<2048x512xf32>
    %dot_general3A_67 = tpu.matmul %mul3A_55, %get3A_12, %dot_general3A_66 {dimension_numbers = #tpu.dot_dimension_numbers<[1], [0], [0], [1], [0, 0, 1, 1], [], []>, transpose_lhs_hint = false} : vector<2048x128xf32>, vector<128x512xf32>, vector<2048x512xf32> -> vector<2048x512xf32>
    %add3A_68 = arith.addf %dot_general3A_65, %dot_general3A_67 : vector<2048x512xf32>
    %add3A_69 = vector.broadcast %get3A_15 : vector<1x512xf32> to vector<2048x512xf32>
    %add3A_70 = arith.addf %add3A_68, %add3A_69 : vector<2048x512xf32>
    %slice3A_71 = vector.extract_strided_slice %add3A_70 {offsets = [0, 0], sizes = [2048, 128], strides = [1, 1]} : vector<2048x512xf32> to vector<2048x128xf32>
    %tanh3A_72 = math.tanh %slice3A_71 : vector<2048x128xf32>
    %mul3A_73 = arith.constant 5.000000e-01 : f32
    %mul3A_74 = vector.broadcast %mul3A_73 : f32 to vector<2048x128xf32>
    %mul3A_75 = arith.mulf %mul3A_74, %tanh3A_72 : vector<2048x128xf32>
    %add3A_76 = arith.constant 5.000000e-01 : f32
    %add3A_77 = vector.broadcast %add3A_76 : f32 to vector<2048x128xf32>
    %add3A_78 = arith.addf %mul3A_75, %add3A_77 : vector<2048x128xf32>
    %slice3A_79 = vector.extract_strided_slice %add3A_70 {offsets = [0, 128], sizes = [2048, 128], strides = [1, 1]} : vector<2048x512xf32> to vector<2048x128xf32>
    %tanh3A_80 = math.tanh %slice3A_79 : vector<2048x128xf32>
    %mul3A_81 = arith.constant 5.000000e-01 : f32
    %mul3A_82 = vector.broadcast %mul3A_81 : f32 to vector<2048x128xf32>
    %mul3A_83 = arith.mulf %mul3A_82, %tanh3A_80 : vector<2048x128xf32>
    %add3A_84 = arith.constant 5.000000e-01 : f32
    %add3A_85 = vector.broadcast %add3A_84 : f32 to vector<2048x128xf32>
    %add3A_86 = arith.addf %mul3A_83, %add3A_85 : vector<2048x128xf32>
    %slice3A_87 = vector.extract_strided_slice %add3A_70 {offsets = [0, 256], sizes = [2048, 128], strides = [1, 1]} : vector<2048x512xf32> to vector<2048x128xf32>
    %tanh3A_88 = math.tanh %slice3A_87 : vector<2048x128xf32>
    %slice3A_89 = vector.extract_strided_slice %add3A_70 {offsets = [0, 384], sizes = [2048, 128], strides = [1, 1]} : vector<2048x512xf32> to vector<2048x128xf32>
    %tanh3A_90 = math.tanh %slice3A_89 : vector<2048x128xf32>
    %mul3A_91 = arith.constant 5.000000e-01 : f32
    %mul3A_92 = vector.broadcast %mul3A_91 : f32 to vector<2048x128xf32>
    %mul3A_93 = arith.mulf %mul3A_92, %tanh3A_90 : vector<2048x128xf32>
    %add3A_94 = arith.constant 5.000000e-01 : f32
    %add3A_95 = vector.broadcast %add3A_94 : f32 to vector<2048x128xf32>
    %add3A_96 = arith.addf %mul3A_93, %add3A_95 : vector<2048x128xf32>
    %mul3A_97 = arith.mulf %add3A_86, %add3A_53 : vector<2048x128xf32>
    %mul3A_98 = arith.mulf %add3A_78, %tanh3A_88 : vector<2048x128xf32>
    %add3A_99 = arith.addf %mul3A_97, %mul3A_98 : vector<2048x128xf32>
    %tanh3A_100 = math.tanh %add3A_99 : vector<2048x128xf32>
    %mul3A_101 = arith.mulf %add3A_96, %tanh3A_100 : vector<2048x128xf32>
    %get3A_102 = arith.constant 2 : index
    %get3A_103 = arith.constant 0 : index
    %get3A_104 = arith.constant 0 : index
    %get3A_105 = vector.load %arg1[%get3A_102, %get3A_103, %get3A_104] : memref<4x1024x128xf32, #tpu.memory_space<vmem>>, vector<1x1024x128xf32>
    %get3A_106 = vector.shape_cast %get3A_105 : vector<1x1024x128xf32> to vector<1024x128xf32>
    %slice3A_107 = vector.extract_strided_slice %get3A_106 {offsets = [0, 0], sizes = [1024, 64], strides = [1, 1]} : vector<1024x128xf32> to vector<1024x64xf32>
    %slice3A_108 = vector.extract_strided_slice %get3A_106 {offsets = [0, 64], sizes = [1024, 64], strides = [1, 1]} : vector<1024x128xf32> to vector<1024x64xf32>
    %concatenate3A_109 = tpu.concatenate %slice3A_107, %slice3A_108 in 0 : vector<1024x64xf32>, vector<1024x64xf32> -> vector<2048x64xf32>
    %dot_general3A_110 = arith.constant dense<0.000000e+00> : vector<2048x512xf32>
    %dot_general3A_111 = tpu.matmul %concatenate3A_109, %get3A_9, %dot_general3A_110 {dimension_numbers = #tpu.dot_dimension_numbers<[1], [0], [0], [1], [0, 0, 1, 1], [], []>, transpose_lhs_hint = false} : vector<2048x64xf32>, vector<64x512xf32>, vector<2048x512xf32> -> vector<2048x512xf32>
    %dot_general3A_112 = arith.constant dense<0.000000e+00> : vector<2048x512xf32>
    %dot_general3A_113 = tpu.matmul %mul3A_101, %get3A_12, %dot_general3A_112 {dimension_numbers = #tpu.dot_dimension_numbers<[1], [0], [0], [1], [0, 0, 1, 1], [], []>, transpose_lhs_hint = false} : vector<2048x128xf32>, vector<128x512xf32>, vector<2048x512xf32> -> vector<2048x512xf32>
    %add3A_114 = arith.addf %dot_general3A_111, %dot_general3A_113 : vector<2048x512xf32>
    %add3A_115 = vector.broadcast %get3A_15 : vector<1x512xf32> to vector<2048x512xf32>
    %add3A_116 = arith.addf %add3A_114, %add3A_115 : vector<2048x512xf32>
    %slice3A_117 = vector.extract_strided_slice %add3A_116 {offsets = [0, 0], sizes = [2048, 128], strides = [1, 1]} : vector<2048x512xf32> to vector<2048x128xf32>
    %tanh3A_118 = math.tanh %slice3A_117 : vector<2048x128xf32>
    %mul3A_119 = arith.constant 5.000000e-01 : f32
    %mul3A_120 = vector.broadcast %mul3A_119 : f32 to vector<2048x128xf32>
    %mul3A_121 = arith.mulf %mul3A_120, %tanh3A_118 : vector<2048x128xf32>
    %add3A_122 = arith.constant 5.000000e-01 : f32
    %add3A_123 = vector.broadcast %add3A_122 : f32 to vector<2048x128xf32>
    %add3A_124 = arith.addf %mul3A_121, %add3A_123 : vector<2048x128xf32>
    %slice3A_125 = vector.extract_strided_slice %add3A_116 {offsets = [0, 128], sizes = [2048, 128], strides = [1, 1]} : vector<2048x512xf32> to vector<2048x128xf32>
    %tanh3A_126 = math.tanh %slice3A_125 : vector<2048x128xf32>
    %mul3A_127 = arith.constant 5.000000e-01 : f32
    %mul3A_128 = vector.broadcast %mul3A_127 : f32 to vector<2048x128xf32>
    %mul3A_129 = arith.mulf %mul3A_128, %tanh3A_126 : vector<2048x128xf32>
    %add3A_130 = arith.constant 5.000000e-01 : f32
    %add3A_131 = vector.broadcast %add3A_130 : f32 to vector<2048x128xf32>
    %add3A_132 = arith.addf %mul3A_129, %add3A_131 : vector<2048x128xf32>
    %slice3A_133 = vector.extract_strided_slice %add3A_116 {offsets = [0, 256], sizes = [2048, 128], strides = [1, 1]} : vector<2048x512xf32> to vector<2048x128xf32>
    %tanh3A_134 = math.tanh %slice3A_133 : vector<2048x128xf32>
    %slice3A_135 = vector.extract_strided_slice %add3A_116 {offsets = [0, 384], sizes = [2048, 128], strides = [1, 1]} : vector<2048x512xf32> to vector<2048x128xf32>
    %tanh3A_136 = math.tanh %slice3A_135 : vector<2048x128xf32>
    %mul3A_137 = arith.constant 5.000000e-01 : f32
    %mul3A_138 = vector.broadcast %mul3A_137 : f32 to vector<2048x128xf32>
    %mul3A_139 = arith.mulf %mul3A_138, %tanh3A_136 : vector<2048x128xf32>
    %add3A_140 = arith.constant 5.000000e-01 : f32
    %add3A_141 = vector.broadcast %add3A_140 : f32 to vector<2048x128xf32>
    %add3A_142 = arith.addf %mul3A_139, %add3A_141 : vector<2048x128xf32>
    %mul3A_143 = arith.mulf %add3A_132, %add3A_99 : vector<2048x128xf32>
    %mul3A_144 = arith.mulf %add3A_124, %tanh3A_134 : vector<2048x128xf32>
    %add3A_145 = arith.addf %mul3A_143, %mul3A_144 : vector<2048x128xf32>
    %tanh3A_146 = math.tanh %add3A_145 : vector<2048x128xf32>
    %mul3A_147 = arith.mulf %add3A_142, %tanh3A_146 : vector<2048x128xf32>
    %get3A_148 = arith.constant 3 : index
    %get3A_149 = arith.constant 0 : index
    %get3A_150 = arith.constant 0 : index
    %get3A_151 = vector.load %arg1[%get3A_148, %get3A_149, %get3A_150] : memref<4x1024x128xf32, #tpu.memory_space<vmem>>, vector<1x1024x128xf32>
    %get3A_152 = vector.shape_cast %get3A_151 : vector<1x1024x128xf32> to vector<1024x128xf32>
    %slice3A_153 = vector.extract_strided_slice %get3A_152 {offsets = [0, 0], sizes = [1024, 64], strides = [1, 1]} : vector<1024x128xf32> to vector<1024x64xf32>
    %slice3A_154 = vector.extract_strided_slice %get3A_152 {offsets = [0, 64], sizes = [1024, 64], strides = [1, 1]} : vector<1024x128xf32> to vector<1024x64xf32>
    %concatenate3A_155 = tpu.concatenate %slice3A_153, %slice3A_154 in 0 : vector<1024x64xf32>, vector<1024x64xf32> -> vector<2048x64xf32>
    %dot_general3A_156 = arith.constant dense<0.000000e+00> : vector<2048x512xf32>
    %dot_general3A_157 = tpu.matmul %concatenate3A_155, %get3A_9, %dot_general3A_156 {dimension_numbers = #tpu.dot_dimension_numbers<[1], [0], [0], [1], [0, 0, 1, 1], [], []>, transpose_lhs_hint = false} : vector<2048x64xf32>, vector<64x512xf32>, vector<2048x512xf32> -> vector<2048x512xf32>
    %dot_general3A_158 = arith.constant dense<0.000000e+00> : vector<2048x512xf32>
    %dot_general3A_159 = tpu.matmul %mul3A_147, %get3A_12, %dot_general3A_158 {dimension_numbers = #tpu.dot_dimension_numbers<[1], [0], [0], [1], [0, 0, 1, 1], [], []>, transpose_lhs_hint = false} : vector<2048x128xf32>, vector<128x512xf32>, vector<2048x512xf32> -> vector<2048x512xf32>
    %add3A_160 = arith.addf %dot_general3A_157, %dot_general3A_159 : vector<2048x512xf32>
    %add3A_161 = vector.broadcast %get3A_15 : vector<1x512xf32> to vector<2048x512xf32>
    %add3A_162 = arith.addf %add3A_160, %add3A_161 : vector<2048x512xf32>
    %slice3A_163 = vector.extract_strided_slice %add3A_162 {offsets = [0, 0], sizes = [2048, 128], strides = [1, 1]} : vector<2048x512xf32> to vector<2048x128xf32>
    %tanh3A_164 = math.tanh %slice3A_163 : vector<2048x128xf32>
    %mul3A_165 = arith.constant 5.000000e-01 : f32
    %mul3A_166 = vector.broadcast %mul3A_165 : f32 to vector<2048x128xf32>
    %mul3A_167 = arith.mulf %mul3A_166, %tanh3A_164 : vector<2048x128xf32>
    %add3A_168 = arith.constant 5.000000e-01 : f32
    %add3A_169 = vector.broadcast %add3A_168 : f32 to vector<2048x128xf32>
    %add3A_170 = arith.addf %mul3A_167, %add3A_169 : vector<2048x128xf32>
    %slice3A_171 = vector.extract_strided_slice %add3A_162 {offsets = [0, 128], sizes = [2048, 128], strides = [1, 1]} : vector<2048x512xf32> to vector<2048x128xf32>
    %tanh3A_172 = math.tanh %slice3A_171 : vector<2048x128xf32>
    %mul3A_173 = arith.constant 5.000000e-01 : f32
    %mul3A_174 = vector.broadcast %mul3A_173 : f32 to vector<2048x128xf32>
    %mul3A_175 = arith.mulf %mul3A_174, %tanh3A_172 : vector<2048x128xf32>
    %add3A_176 = arith.constant 5.000000e-01 : f32
    %add3A_177 = vector.broadcast %add3A_176 : f32 to vector<2048x128xf32>
    %add3A_178 = arith.addf %mul3A_175, %add3A_177 : vector<2048x128xf32>
    %slice3A_179 = vector.extract_strided_slice %add3A_162 {offsets = [0, 256], sizes = [2048, 128], strides = [1, 1]} : vector<2048x512xf32> to vector<2048x128xf32>
    %tanh3A_180 = math.tanh %slice3A_179 : vector<2048x128xf32>
    %slice3A_181 = vector.extract_strided_slice %add3A_162 {offsets = [0, 384], sizes = [2048, 128], strides = [1, 1]} : vector<2048x512xf32> to vector<2048x128xf32>
    %tanh3A_182 = math.tanh %slice3A_181 : vector<2048x128xf32>
    %mul3A_183 = arith.constant 5.000000e-01 : f32
    %mul3A_184 = vector.broadcast %mul3A_183 : f32 to vector<2048x128xf32>
    %mul3A_185 = arith.mulf %mul3A_184, %tanh3A_182 : vector<2048x128xf32>
    %add3A_186 = arith.constant 5.000000e-01 : f32
    %add3A_187 = vector.broadcast %add3A_186 : f32 to vector<2048x128xf32>
    %add3A_188 = arith.addf %mul3A_185, %add3A_187 : vector<2048x128xf32>
    %mul3A_189 = arith.mulf %add3A_178, %add3A_145 : vector<2048x128xf32>
    %mul3A_190 = arith.mulf %add3A_170, %tanh3A_180 : vector<2048x128xf32>
    %add3A_191 = arith.addf %mul3A_189, %mul3A_190 : vector<2048x128xf32>
    %tanh3A_192 = math.tanh %add3A_191 : vector<2048x128xf32>
    %mul3A_193 = arith.mulf %add3A_188, %tanh3A_192 : vector<2048x128xf32>
    %swap3A = arith.constant 0 : index
    %swap3A_194 = arith.constant 0 : index
    %swap3A_195 = vector.load %arg10[%swap3A, %swap3A_194] : memref<2048x128xf32, #tpu.memory_space<vmem>>, vector<2048x128xf32>
    tpu.vector_store %arg10[%swap3A, %swap3A_194], %add3A_191 {strides = array<i32>} : memref<2048x128xf32, #tpu.memory_space<vmem>>, vector<2048x128xf32>,
    %swap3A_196 = arith.constant 0 : index
    %swap3A_197 = arith.constant 0 : index
    %swap3A_198 = vector.load %arg9[%swap3A_196, %swap3A_197] : memref<2048x128xf32, #tpu.memory_space<vmem>>, vector<2048x128xf32>
    tpu.vector_store %arg9[%swap3A_196, %swap3A_197], %mul3A_193 {strides = array<i32>} : memref<2048x128xf32, #tpu.memory_space<vmem>>, vector<2048x128xf32>,
    %eq3A_199 = arith.constant 9 : i32
    %eq3A_200 = arith.cmpi eq, %arg0, %eq3A_199 : i32
    %convert_element_type3A_201 = arith.extui %eq3A_200 : i1 to i32
    %cond3A_202 = arith.constant 0 : i32
    %cond3A_203 = arith.cmpi ne, %convert_element_type3A_201, %cond3A_202 : i32
    scf.if %cond3A_203 {
      %swap3A_204 = arith.constant 0 : index
      %swap3A_205 = arith.constant 0 : index
      %swap3A_206 = vector.load %arg7[%swap3A_204, %swap3A_205] : memref<2048x128xf32, #tpu.memory_space<vmem>>, vector<2048x128xf32>
      tpu.vector_store %arg7[%swap3A_204, %swap3A_205], %mul3A_193 {strides = array<i32>} : memref<2048x128xf32, #tpu.memory_space<vmem>>, vector<2048x128xf32>,
      %swap3A_207 = arith.constant 0 : index
      %swap3A_208 = arith.constant 0 : index
      %swap3A_209 = vector.load %arg8[%swap3A_207, %swap3A_208] : memref<2048x128xf32, #tpu.memory_space<vmem>>, vector<2048x128xf32>
      tpu.vector_store %arg8[%swap3A_207, %swap3A_208], %add3A_191 {strides = array<i32>} : memref<2048x128xf32, #tpu.memory_space<vmem>>, vector<2048x128xf32>,
    } else {
    }
    return
  }
  func.func @transform_0(%arg0: i32) -> (i32, i32, i32) {
    %c0_i32 = arith.constant 0 : i32
    %c0_i32_0 = arith.constant 0 : i32
    %c0_i32_1 = arith.constant 0 : i32
    return %arg0, %c0_i32, %c0_i32_0 : i32, i32, i32
  }
  func.func @transform_1(%arg0: i32) -> (i32, i32) {
    %c0_i32 = arith.constant 0 : i32
    %c0_i32_0 = arith.constant 0 : i32
    %c0_i32_1 = arith.constant 0 : i32
    return %c0_i32, %c0_i32_0 : i32, i32
  }
  func.func @transform_2(%arg0: i32) -> (i32, i32) {
    %c0_i32 = arith.constant 0 : i32
    %c0_i32_0 = arith.constant 0 : i32
    %c0_i32_1 = arith.constant 0 : i32
    return %c0_i32, %c0_i32_0 : i32, i32
  }
  func.func @transform_3(%arg0: i32) -> (i32, i32) {
    %c0_i32 = arith.constant 0 : i32
    %c0_i32_0 = arith.constant 0 : i32
    %c0_i32_1 = arith.constant 0 : i32
    return %c0_i32, %c0_i32_0 : i32, i32
  }
  func.func @transform_4(%arg0: i32) -> (i32, i32) {
    %c0_i32 = arith.constant 0 : i32
    %c0_i32_0 = arith.constant 0 : i32
    %c0_i32_1 = arith.constant 0 : i32
    return %c0_i32, %c0_i32_0 : i32, i32
  }
  func.func @transform_5(%arg0: i32) -> (i32, i32) {
    %c0_i32 = arith.constant 0 : i32
    %c0_i32_0 = arith.constant 0 : i32
    %c0_i32_1 = arith.constant 0 : i32
    return %c0_i32, %c0_i32_0 : i32, i32
  }
  func.func @transform_6(%arg0: i32) -> (i32, i32) {
    %c0_i32 = arith.constant 0 : i32
    %c0_i32_0 = arith.constant 0 : i32
    %c0_i32_1 = arith.constant 0 : i32
    return %c0_i32, %c0_i32_0 : i32, i32
  }
  func.func @transform_7(%arg0: i32) -> (i32, i32) {
    %c0_i32 = arith.constant 0 : i32
    %c0_i32_0 = arith.constant 0 : i32
    %c0_i32_1 = arith.constant 0 : i32
    return %c0_i32, %c0_i32_0 : i32, i32
  }
}

module attributes {stable_mosaic.version = 14 : i64} {
  func.func @_seg_body(%arg0: i32, %arg1: memref<4x1024x128xf32, #tpu.memory_space<vmem>>, %arg2: memref<2048x128xf32, #tpu.memory_space<vmem>>, %arg3: memref<2048x128xf32, #tpu.memory_space<vmem>>, %arg4: memref<64x512xf32, #tpu.memory_space<vmem>>, %arg5: memref<128x512xf32, #tpu.memory_space<vmem>>, %arg6: memref<1x512xf32, #tpu.memory_space<vmem>>, %arg7: memref<2048x128xf32, #tpu.memory_space<vmem>>, %arg8: memref<2048x128xf32, #tpu.memory_space<vmem>>, %arg9: memref<2048x128xf32, #tpu.memory_space<vmem>>, %arg10: memref<2048x128xf32, #tpu.memory_space<vmem>>) attributes {dimension_semantics = [#tpu.dimension_semantics<arbitrary>], iteration_bounds = array<i64: 10>, scalar_prefetch = 0 : i64, scratch_operands = 2 : i64, tpu.core_type = #tpu.core_type<tc>, window_params = [{transform_indices = @transform_0, window_bounds = array<i64: 4, 1024, 128>}, {pipeline_mode = #tpu.pipeline_mode<synchronous>, transform_indices = @transform_1, window_bounds = array<i64: 2048, 128>}, {pipeline_mode = #tpu.pipeline_mode<synchronous>, transform_indices = @transform_2, window_bounds = array<i64: 2048, 128>}, {pipeline_mode = #tpu.pipeline_mode<synchronous>, transform_indices = @transform_3, window_bounds = array<i64: 64, 512>}, {pipeline_mode = #tpu.pipeline_mode<synchronous>, transform_indices = @transform_4, window_bounds = array<i64: 128, 512>}, {pipeline_mode = #tpu.pipeline_mode<synchronous>, transform_indices = @transform_5, window_bounds = array<i64: 1, 512>}, {pipeline_mode = #tpu.pipeline_mode<synchronous>, transform_indices = @transform_6, window_bounds = array<i64: 2048, 128>}, {pipeline_mode = #tpu.pipeline_mode<synchronous>, transform_indices = @transform_7, window_bounds = array<i64: 2048, 128>}]} {
    %eq3A = arith.constant 0 : i32
    %eq3A_0 = arith.cmpi eq, %arg0, %eq3A : i32
    %convert_element_type3A = arith.extui %eq3A_0 : i1 to i32
    %cond3A = arith.constant 0 : i32
    %cond3A_1 = arith.cmpi ne, %convert_element_type3A, %cond3A : i32
    scf.if %cond3A_1 {
      %get3A_204 = arith.constant 0 : index
      %get3A_205 = arith.constant 0 : index
      %get3A_206 = vector.load %arg2[%get3A_204, %get3A_205] : memref<2048x128xf32, #tpu.memory_space<vmem>>, vector<2048x128xf32>
      %swap3A_207 = arith.constant 0 : index
      %swap3A_208 = arith.constant 0 : index
      %swap3A_209 = vector.load %arg9[%swap3A_207, %swap3A_208] : memref<2048x128xf32, #tpu.memory_space<vmem>>, vector<2048x128xf32>
      tpu.vector_store %arg9[%swap3A_207, %swap3A_208], %get3A_206 {strides = array<i32>} : memref<2048x128xf32, #tpu.memory_space<vmem>>, vector<2048x128xf32>,
      %get3A_210 = arith.constant 0 : index
      %get3A_211 = arith.constant 0 : index
      %get3A_212 = vector.load %arg3[%get3A_210, %get3A_211] : memref<2048x128xf32, #tpu.memory_space<vmem>>, vector<2048x128xf32>
      %swap3A_213 = arith.constant 0 : index
      %swap3A_214 = arith.constant 0 : index
      %swap3A_215 = vector.load %arg10[%swap3A_213, %swap3A_214] : memref<2048x128xf32, #tpu.memory_space<vmem>>, vector<2048x128xf32>
      tpu.vector_store %arg10[%swap3A_213, %swap3A_214], %get3A_212 {strides = array<i32>} : memref<2048x128xf32, #tpu.memory_space<vmem>>, vector<2048x128xf32>,
    } else {
    }
    %get3A = arith.constant 0 : index
    %get3A_2 = arith.constant 0 : index
    %get3A_3 = vector.load %arg9[%get3A, %get3A_2] : memref<2048x128xf32, #tpu.memory_space<vmem>>, vector<2048x128xf32>
    %get3A_4 = arith.constant 0 : index
    %get3A_5 = arith.constant 0 : index
    %get3A_6 = vector.load %arg10[%get3A_4, %get3A_5] : memref<2048x128xf32, #tpu.memory_space<vmem>>, vector<2048x128xf32>
    %get3A_7 = arith.constant 0 : index
    %get3A_8 = arith.constant 0 : index
    %get3A_9 = vector.load %arg4[%get3A_7, %get3A_8] : memref<64x512xf32, #tpu.memory_space<vmem>>, vector<64x512xf32>
    %get3A_10 = arith.constant 0 : index
    %get3A_11 = arith.constant 0 : index
    %get3A_12 = vector.load %arg5[%get3A_10, %get3A_11] : memref<128x512xf32, #tpu.memory_space<vmem>>, vector<128x512xf32>
    %get3A_13 = arith.constant 0 : index
    %get3A_14 = arith.constant 0 : index
    %get3A_15 = vector.load %arg6[%get3A_13, %get3A_14] : memref<1x512xf32, #tpu.memory_space<vmem>>, vector<1x512xf32>
    %get3A_16 = arith.constant 0 : index
    %get3A_17 = arith.constant 0 : index
    %get3A_18 = arith.constant 0 : index
    %get3A_19 = vector.load %arg1[%get3A_16, %get3A_17, %get3A_18] : memref<4x1024x128xf32, #tpu.memory_space<vmem>>, vector<1x1024x128xf32>
    %get3A_20 = vector.shape_cast %get3A_19 : vector<1x1024x128xf32> to vector<1024x128xf32>
    %slice3A = vector.extract_strided_slice %get3A_20 {offsets = [0, 0], sizes = [1024, 64], strides = [1, 1]} : vector<1024x128xf32> to vector<1024x64xf32>
    %slice3A_21 = vector.extract_strided_slice %get3A_20 {offsets = [0, 64], sizes = [1024, 64], strides = [1, 1]} : vector<1024x128xf32> to vector<1024x64xf32>
    %concatenate3A = tpu.concatenate %slice3A, %slice3A_21 in 0 : vector<1024x64xf32>, vector<1024x64xf32> -> vector<2048x64xf32>
    %dot_general3A = arith.constant dense<0.000000e+00> : vector<2048x512xf32>
    %dot_general3A_22 = tpu.matmul %concatenate3A, %get3A_9, %dot_general3A {dimension_numbers = #tpu.dot_dimension_numbers<[1], [0], [0], [1], [0, 0, 1, 1], [], []>, transpose_lhs_hint = false} : vector<2048x64xf32>, vector<64x512xf32>, vector<2048x512xf32> -> vector<2048x512xf32>
    %dot_general3A_23 = arith.constant dense<0.000000e+00> : vector<2048x512xf32>
    %dot_general3A_24 = tpu.matmul %get3A_3, %get3A_12, %dot_general3A_23 {dimension_numbers = #tpu.dot_dimension_numbers<[1], [0], [0], [1], [0, 0, 1, 1], [], []>, transpose_lhs_hint = false} : vector<2048x128xf32>, vector<128x512xf32>, vector<2048x512xf32> -> vector<2048x512xf32>
    %add3A = arith.addf %dot_general3A_22, %dot_general3A_24 : vector<2048x512xf32>
    %add3A_25 = vector.broadcast %get3A_15 : vector<1x512xf32> to vector<2048x512xf32>
    %add3A_26 = arith.addf %add3A, %add3A_25 : vector<2048x512xf32>
    %slice3A_27 = vector.extract_strided_slice %add3A_26 {offsets = [0, 0], sizes = [2048, 128], strides = [1, 1]} : vector<2048x512xf32> to vector<2048x128xf32>
    %tanh3A = math.tanh %slice3A_27 : vector<2048x128xf32>
    %mul3A = arith.constant 5.000000e-01 : f32
    %mul3A_28 = vector.broadcast %mul3A : f32 to vector<2048x128xf32>
    %mul3A_29 = arith.mulf %mul3A_28, %tanh3A : vector<2048x128xf32>
    %add3A_30 = arith.constant 5.000000e-01 : f32
    %add3A_31 = vector.broadcast %add3A_30 : f32 to vector<2048x128xf32>
    %add3A_32 = arith.addf %mul3A_29, %add3A_31 : vector<2048x128xf32>
    %slice3A_33 = vector.extract_strided_slice %add3A_26 {offsets = [0, 128], sizes = [2048, 128], strides = [1, 1]} : vector<2048x512xf32> to vector<2048x128xf32>
    %tanh3A_34 = math.tanh %slice3A_33 : vector<2048x128xf32>
    %mul3A_35 = arith.constant 5.000000e-01 : f32
    %mul3A_36 = vector.broadcast %mul3A_35 : f32 to vector<2048x128xf32>
    %mul3A_37 = arith.mulf %mul3A_36, %tanh3A_34 : vector<2048x128xf32>
    %add3A_38 = arith.constant 5.000000e-01 : f32
    %add3A_39 = vector.broadcast %add3A_38 : f32 to vector<2048x128xf32>
    %add3A_40 = arith.addf %mul3A_37, %add3A_39 : vector<2048x128xf32>
    %slice3A_41 = vector.extract_strided_slice %add3A_26 {offsets = [0, 256], sizes = [2048, 128], strides = [1, 1]} : vector<2048x512xf32> to vector<2048x128xf32>
    %tanh3A_42 = math.tanh %slice3A_41 : vector<2048x128xf32>
    %slice3A_43 = vector.extract_strided_slice %add3A_26 {offsets = [0, 384], sizes = [2048, 128], strides = [1, 1]} : vector<2048x512xf32> to vector<2048x128xf32>
    %tanh3A_44 = math.tanh %slice3A_43 : vector<2048x128xf32>
    %mul3A_45 = arith.constant 5.000000e-01 : f32
    %mul3A_46 = vector.broadcast %mul3A_45 : f32 to vector<2048x128xf32>
    %mul3A_47 = arith.mulf %mul3A_46, %tanh3A_44 : vector<2048x128xf32>
    %add3A_48 = arith.constant 5.000000e-01 : f32
    %add3A_49 = vector.broadcast %add3A_48 : f32 to vector<2048x128xf32>
    %add3A_50 = arith.addf %mul3A_47, %add3A_49 : vector<2048x128xf32>
    %mul3A_51 = arith.mulf %add3A_40, %get3A_6 : vector<2048x128xf32>
    %mul3A_52 = arith.mulf %add3A_32, %tanh3A_42 : vector<2048x128xf32>
    %add3A_53 = arith.addf %mul3A_51, %mul3A_52 : vector<2048x128xf32>
    %tanh3A_54 = math.tanh %add3A_53 : vector<2048x128xf32>
    %mul3A_55 = arith.mulf %add3A_50, %tanh3A_54 : vector<2048x128xf32>
    %get3A_56 = arith.constant 1 : index
    %get3A_57 = arith.constant 0 : index
    %get3A_58 = arith.constant 0 : index
    %get3A_59 = vector.load %arg1[%get3A_56, %get3A_57, %get3A_58] : memref<4x1024x128xf32, #tpu.memory_space<vmem>>, vector<1x1024x128xf32>
    %get3A_60 = vector.shape_cast %get3A_59 : vector<1x1024x128xf32> to vector<1024x128xf32>
    %slice3A_61 = vector.extract_strided_slice %get3A_60 {offsets = [0, 0], sizes = [1024, 64], strides = [1, 1]} : vector<1024x128xf32> to vector<1024x64xf32>
    %slice3A_62 = vector.extract_strided_slice %get3A_60 {offsets = [0, 64], sizes = [1024, 64], strides = [1, 1]} : vector<1024x128xf32> to vector<1024x64xf32>
    %concatenate3A_63 = tpu.concatenate %slice3A_61, %slice3A_62 in 0 : vector<1024x64xf32>, vector<1024x64xf32> -> vector<2048x64xf32>
    %dot_general3A_64 = arith.constant dense<0.000000e+00> : vector<2048x512xf32>
    %dot_general3A_65 = tpu.matmul %concatenate3A_63, %get3A_9, %dot_general3A_64 {dimension_numbers = #tpu.dot_dimension_numbers<[1], [0], [0], [1], [0, 0, 1, 1], [], []>, transpose_lhs_hint = false} : vector<2048x64xf32>, vector<64x512xf32>, vector<2048x512xf32> -> vector<2048x512xf32>
    %dot_general3A_66 = arith.constant dense<0.000000e+00> : vector<2048x512xf32>
    %dot_general3A_67 = tpu.matmul %mul3A_55, %get3A_12, %dot_general3A_66 {dimension_numbers = #tpu.dot_dimension_numbers<[1], [0], [0], [1], [0, 0, 1, 1], [], []>, transpose_lhs_hint = false} : vector<2048x128xf32>, vector<128x512xf32>, vector<2048x512xf32> -> vector<2048x512xf32>
    %add3A_68 = arith.addf %dot_general3A_65, %dot_general3A_67 : vector<2048x512xf32>
    %add3A_69 = vector.broadcast %get3A_15 : vector<1x512xf32> to vector<2048x512xf32>
    %add3A_70 = arith.addf %add3A_68, %add3A_69 : vector<2048x512xf32>
    %slice3A_71 = vector.extract_strided_slice %add3A_70 {offsets = [0, 0], sizes = [2048, 128], strides = [1, 1]} : vector<2048x512xf32> to vector<2048x128xf32>
    %tanh3A_72 = math.tanh %slice3A_71 : vector<2048x128xf32>
    %mul3A_73 = arith.constant 5.000000e-01 : f32
    %mul3A_74 = vector.broadcast %mul3A_73 : f32 to vector<2048x128xf32>
    %mul3A_75 = arith.mulf %mul3A_74, %tanh3A_72 : vector<2048x128xf32>
    %add3A_76 = arith.constant 5.000000e-01 : f32
    %add3A_77 = vector.broadcast %add3A_76 : f32 to vector<2048x128xf32>
    %add3A_78 = arith.addf %mul3A_75, %add3A_77 : vector<2048x128xf32>
    %slice3A_79 = vector.extract_strided_slice %add3A_70 {offsets = [0, 128], sizes = [2048, 128], strides = [1, 1]} : vector<2048x512xf32> to vector<2048x128xf32>
    %tanh3A_80 = math.tanh %slice3A_79 : vector<2048x128xf32>
    %mul3A_81 = arith.constant 5.000000e-01 : f32
    %mul3A_82 = vector.broadcast %mul3A_81 : f32 to vector<2048x128xf32>
    %mul3A_83 = arith.mulf %mul3A_82, %tanh3A_80 : vector<2048x128xf32>
    %add3A_84 = arith.constant 5.000000e-01 : f32
    %add3A_85 = vector.broadcast %add3A_84 : f32 to vector<2048x128xf32>
    %add3A_86 = arith.addf %mul3A_83, %add3A_85 : vector<2048x128xf32>
    %slice3A_87 = vector.extract_strided_slice %add3A_70 {offsets = [0, 256], sizes = [2048, 128], strides = [1, 1]} : vector<2048x512xf32> to vector<2048x128xf32>
    %tanh3A_88 = math.tanh %slice3A_87 : vector<2048x128xf32>
    %slice3A_89 = vector.extract_strided_slice %add3A_70 {offsets = [0, 384], sizes = [2048, 128], strides = [1, 1]} : vector<2048x512xf32> to vector<2048x128xf32>
    %tanh3A_90 = math.tanh %slice3A_89 : vector<2048x128xf32>
    %mul3A_91 = arith.constant 5.000000e-01 : f32
    %mul3A_92 = vector.broadcast %mul3A_91 : f32 to vector<2048x128xf32>
    %mul3A_93 = arith.mulf %mul3A_92, %tanh3A_90 : vector<2048x128xf32>
    %add3A_94 = arith.constant 5.000000e-01 : f32
    %add3A_95 = vector.broadcast %add3A_94 : f32 to vector<2048x128xf32>
    %add3A_96 = arith.addf %mul3A_93, %add3A_95 : vector<2048x128xf32>
    %mul3A_97 = arith.mulf %add3A_86, %add3A_53 : vector<2048x128xf32>
    %mul3A_98 = arith.mulf %add3A_78, %tanh3A_88 : vector<2048x128xf32>
    %add3A_99 = arith.addf %mul3A_97, %mul3A_98 : vector<2048x128xf32>
    %tanh3A_100 = math.tanh %add3A_99 : vector<2048x128xf32>
    %mul3A_101 = arith.mulf %add3A_96, %tanh3A_100 : vector<2048x128xf32>
    %get3A_102 = arith.constant 2 : index
    %get3A_103 = arith.constant 0 : index
    %get3A_104 = arith.constant 0 : index
    %get3A_105 = vector.load %arg1[%get3A_102, %get3A_103, %get3A_104] : memref<4x1024x128xf32, #tpu.memory_space<vmem>>, vector<1x1024x128xf32>
    %get3A_106 = vector.shape_cast %get3A_105 : vector<1x1024x128xf32> to vector<1024x128xf32>
    %slice3A_107 = vector.extract_strided_slice %get3A_106 {offsets = [0, 0], sizes = [1024, 64], strides = [1, 1]} : vector<1024x128xf32> to vector<1024x64xf32>
    %slice3A_108 = vector.extract_strided_slice %get3A_106 {offsets = [0, 64], sizes = [1024, 64], strides = [1, 1]} : vector<1024x128xf32> to vector<1024x64xf32>
    %concatenate3A_109 = tpu.concatenate %slice3A_107, %slice3A_108 in 0 : vector<1024x64xf32>, vector<1024x64xf32> -> vector<2048x64xf32>
    %dot_general3A_110 = arith.constant dense<0.000000e+00> : vector<2048x512xf32>
    %dot_general3A_111 = tpu.matmul %concatenate3A_109, %get3A_9, %dot_general3A_110 {dimension_numbers = #tpu.dot_dimension_numbers<[1], [0], [0], [1], [0, 0, 1, 1], [], []>, transpose_lhs_hint = false} : vector<2048x64xf32>, vector<64x512xf32>, vector<2048x512xf32> -> vector<2048x512xf32>
    %dot_general3A_112 = arith.constant dense<0.000000e+00> : vector<2048x512xf32>
    %dot_general3A_113 = tpu.matmul %mul3A_101, %get3A_12, %dot_general3A_112 {dimension_numbers = #tpu.dot_dimension_numbers<[1], [0], [0], [1], [0, 0, 1, 1], [], []>, transpose_lhs_hint = false} : vector<2048x128xf32>, vector<128x512xf32>, vector<2048x512xf32> -> vector<2048x512xf32>
    %add3A_114 = arith.addf %dot_general3A_111, %dot_general3A_113 : vector<2048x512xf32>
    %add3A_115 = vector.broadcast %get3A_15 : vector<1x512xf32> to vector<2048x512xf32>
    %add3A_116 = arith.addf %add3A_114, %add3A_115 : vector<2048x512xf32>
    %slice3A_117 = vector.extract_strided_slice %add3A_116 {offsets = [0, 0], sizes = [2048, 128], strides = [1, 1]} : vector<2048x512xf32> to vector<2048x128xf32>
    %tanh3A_118 = math.tanh %slice3A_117 : vector<2048x128xf32>
    %mul3A_119 = arith.constant 5.000000e-01 : f32
    %mul3A_120 = vector.broadcast %mul3A_119 : f32 to vector<2048x128xf32>
    %mul3A_121 = arith.mulf %mul3A_120, %tanh3A_118 : vector<2048x128xf32>
    %add3A_122 = arith.constant 5.000000e-01 : f32
    %add3A_123 = vector.broadcast %add3A_122 : f32 to vector<2048x128xf32>
    %add3A_124 = arith.addf %mul3A_121, %add3A_123 : vector<2048x128xf32>
    %slice3A_125 = vector.extract_strided_slice %add3A_116 {offsets = [0, 128], sizes = [2048, 128], strides = [1, 1]} : vector<2048x512xf32> to vector<2048x128xf32>
    %tanh3A_126 = math.tanh %slice3A_125 : vector<2048x128xf32>
    %mul3A_127 = arith.constant 5.000000e-01 : f32
    %mul3A_128 = vector.broadcast %mul3A_127 : f32 to vector<2048x128xf32>
    %mul3A_129 = arith.mulf %mul3A_128, %tanh3A_126 : vector<2048x128xf32>
    %add3A_130 = arith.constant 5.000000e-01 : f32
    %add3A_131 = vector.broadcast %add3A_130 : f32 to vector<2048x128xf32>
    %add3A_132 = arith.addf %mul3A_129, %add3A_131 : vector<2048x128xf32>
    %slice3A_133 = vector.extract_strided_slice %add3A_116 {offsets = [0, 256], sizes = [2048, 128], strides = [1, 1]} : vector<2048x512xf32> to vector<2048x128xf32>
    %tanh3A_134 = math.tanh %slice3A_133 : vector<2048x128xf32>
    %slice3A_135 = vector.extract_strided_slice %add3A_116 {offsets = [0, 384], sizes = [2048, 128], strides = [1, 1]} : vector<2048x512xf32> to vector<2048x128xf32>
    %tanh3A_136 = math.tanh %slice3A_135 : vector<2048x128xf32>
    %mul3A_137 = arith.constant 5.000000e-01 : f32
    %mul3A_138 = vector.broadcast %mul3A_137 : f32 to vector<2048x128xf32>
    %mul3A_139 = arith.mulf %mul3A_138, %tanh3A_136 : vector<2048x128xf32>
    %add3A_140 = arith.constant 5.000000e-01 : f32
    %add3A_141 = vector.broadcast %add3A_140 : f32 to vector<2048x128xf32>
    %add3A_142 = arith.addf %mul3A_139, %add3A_141 : vector<2048x128xf32>
    %mul3A_143 = arith.mulf %add3A_132, %add3A_99 : vector<2048x128xf32>
    %mul3A_144 = arith.mulf %add3A_124, %tanh3A_134 : vector<2048x128xf32>
    %add3A_145 = arith.addf %mul3A_143, %mul3A_144 : vector<2048x128xf32>
    %tanh3A_146 = math.tanh %add3A_145 : vector<2048x128xf32>
    %mul3A_147 = arith.mulf %add3A_142, %tanh3A_146 : vector<2048x128xf32>
    %get3A_148 = arith.constant 3 : index
    %get3A_149 = arith.constant 0 : index
    %get3A_150 = arith.constant 0 : index
    %get3A_151 = vector.load %arg1[%get3A_148, %get3A_149, %get3A_150] : memref<4x1024x128xf32, #tpu.memory_space<vmem>>, vector<1x1024x128xf32>
    %get3A_152 = vector.shape_cast %get3A_151 : vector<1x1024x128xf32> to vector<1024x128xf32>
    %slice3A_153 = vector.extract_strided_slice %get3A_152 {offsets = [0, 0], sizes = [1024, 64], strides = [1, 1]} : vector<1024x128xf32> to vector<1024x64xf32>
    %slice3A_154 = vector.extract_strided_slice %get3A_152 {offsets = [0, 64], sizes = [1024, 64], strides = [1, 1]} : vector<1024x128xf32> to vector<1024x64xf32>
    %concatenate3A_155 = tpu.concatenate %slice3A_153, %slice3A_154 in 0 : vector<1024x64xf32>, vector<1024x64xf32> -> vector<2048x64xf32>
    %dot_general3A_156 = arith.constant dense<0.000000e+00> : vector<2048x512xf32>
    %dot_general3A_157 = tpu.matmul %concatenate3A_155, %get3A_9, %dot_general3A_156 {dimension_numbers = #tpu.dot_dimension_numbers<[1], [0], [0], [1], [0, 0, 1, 1], [], []>, transpose_lhs_hint = false} : vector<2048x64xf32>, vector<64x512xf32>, vector<2048x512xf32> -> vector<2048x512xf32>
    %dot_general3A_158 = arith.constant dense<0.000000e+00> : vector<2048x512xf32>
    %dot_general3A_159 = tpu.matmul %mul3A_147, %get3A_12, %dot_general3A_158 {dimension_numbers = #tpu.dot_dimension_numbers<[1], [0], [0], [1], [0, 0, 1, 1], [], []>, transpose_lhs_hint = false} : vector<2048x128xf32>, vector<128x512xf32>, vector<2048x512xf32> -> vector<2048x512xf32>
    %add3A_160 = arith.addf %dot_general3A_157, %dot_general3A_159 : vector<2048x512xf32>
    %add3A_161 = vector.broadcast %get3A_15 : vector<1x512xf32> to vector<2048x512xf32>
    %add3A_162 = arith.addf %add3A_160, %add3A_161 : vector<2048x512xf32>
    %slice3A_163 = vector.extract_strided_slice %add3A_162 {offsets = [0, 0], sizes = [2048, 128], strides = [1, 1]} : vector<2048x512xf32> to vector<2048x128xf32>
    %tanh3A_164 = math.tanh %slice3A_163 : vector<2048x128xf32>
    %mul3A_165 = arith.constant 5.000000e-01 : f32
    %mul3A_166 = vector.broadcast %mul3A_165 : f32 to vector<2048x128xf32>
    %mul3A_167 = arith.mulf %mul3A_166, %tanh3A_164 : vector<2048x128xf32>
    %add3A_168 = arith.constant 5.000000e-01 : f32
    %add3A_169 = vector.broadcast %add3A_168 : f32 to vector<2048x128xf32>
    %add3A_170 = arith.addf %mul3A_167, %add3A_169 : vector<2048x128xf32>
    %slice3A_171 = vector.extract_strided_slice %add3A_162 {offsets = [0, 128], sizes = [2048, 128], strides = [1, 1]} : vector<2048x512xf32> to vector<2048x128xf32>
    %tanh3A_172 = math.tanh %slice3A_171 : vector<2048x128xf32>
    %mul3A_173 = arith.constant 5.000000e-01 : f32
    %mul3A_174 = vector.broadcast %mul3A_173 : f32 to vector<2048x128xf32>
    %mul3A_175 = arith.mulf %mul3A_174, %tanh3A_172 : vector<2048x128xf32>
    %add3A_176 = arith.constant 5.000000e-01 : f32
    %add3A_177 = vector.broadcast %add3A_176 : f32 to vector<2048x128xf32>
    %add3A_178 = arith.addf %mul3A_175, %add3A_177 : vector<2048x128xf32>
    %slice3A_179 = vector.extract_strided_slice %add3A_162 {offsets = [0, 256], sizes = [2048, 128], strides = [1, 1]} : vector<2048x512xf32> to vector<2048x128xf32>
    %tanh3A_180 = math.tanh %slice3A_179 : vector<2048x128xf32>
    %slice3A_181 = vector.extract_strided_slice %add3A_162 {offsets = [0, 384], sizes = [2048, 128], strides = [1, 1]} : vector<2048x512xf32> to vector<2048x128xf32>
    %tanh3A_182 = math.tanh %slice3A_181 : vector<2048x128xf32>
    %mul3A_183 = arith.constant 5.000000e-01 : f32
    %mul3A_184 = vector.broadcast %mul3A_183 : f32 to vector<2048x128xf32>
    %mul3A_185 = arith.mulf %mul3A_184, %tanh3A_182 : vector<2048x128xf32>
    %add3A_186 = arith.constant 5.000000e-01 : f32
    %add3A_187 = vector.broadcast %add3A_186 : f32 to vector<2048x128xf32>
    %add3A_188 = arith.addf %mul3A_185, %add3A_187 : vector<2048x128xf32>
    %mul3A_189 = arith.mulf %add3A_178, %add3A_145 : vector<2048x128xf32>
    %mul3A_190 = arith.mulf %add3A_170, %tanh3A_180 : vector<2048x128xf32>
    %add3A_191 = arith.addf %mul3A_189, %mul3A_190 : vector<2048x128xf32>
    %tanh3A_192 = math.tanh %add3A_191 : vector<2048x128xf32>
    %mul3A_193 = arith.mulf %add3A_188, %tanh3A_192 : vector<2048x128xf32>
    %swap3A = arith.constant 0 : index
    %swap3A_194 = arith.constant 0 : index
    %swap3A_195 = vector.load %arg10[%swap3A, %swap3A_194] : memref<2048x128xf32, #tpu.memory_space<vmem>>, vector<2048x128xf32>
    tpu.vector_store %arg10[%swap3A, %swap3A_194], %add3A_191 {strides = array<i32>} : memref<2048x128xf32, #tpu.memory_space<vmem>>, vector<2048x128xf32>,
    %swap3A_196 = arith.constant 0 : index
    %swap3A_197 = arith.constant 0 : index
    %swap3A_198 = vector.load %arg9[%swap3A_196, %swap3A_197] : memref<2048x128xf32, #tpu.memory_space<vmem>>, vector<2048x128xf32>
    tpu.vector_store %arg9[%swap3A_196, %swap3A_197], %mul3A_193 {strides = array<i32>} : memref<2048x128xf32, #tpu.memory_space<vmem>>, vector<2048x128xf32>,
    %eq3A_199 = arith.constant 9 : i32
    %eq3A_200 = arith.cmpi eq, %arg0, %eq3A_199 : i32
    %convert_element_type3A_201 = arith.extui %eq3A_200 : i1 to i32
    %cond3A_202 = arith.constant 0 : i32
    %cond3A_203 = arith.cmpi ne, %convert_element_type3A_201, %cond3A_202 : i32
    scf.if %cond3A_203 {
      %swap3A_204 = arith.constant 0 : index
      %swap3A_205 = arith.constant 0 : index
      %swap3A_206 = vector.load %arg7[%swap3A_204, %swap3A_205] : memref<2048x128xf32, #tpu.memory_space<vmem>>, vector<2048x128xf32>
      tpu.vector_store %arg7[%swap3A_204, %swap3A_205], %mul3A_193 {strides = array<i32>} : memref<2048x128xf32, #tpu.memory_space<vmem>>, vector<2048x128xf32>,
      %swap3A_207 = arith.constant 0 : index
      %swap3A_208 = arith.constant 0 : index
      %swap3A_209 = vector.load %arg8[%swap3A_207, %swap3A_208] : memref<2048x128xf32, #tpu.memory_space<vmem>>, vector<2048x128xf32>
      tpu.vector_store %arg8[%swap3A_207, %swap3A_208], %add3A_191 {strides = array<i32>} : memref<2048x128xf32, #tpu.memory_space<vmem>>, vector<2048x128xf32>,
    } else {
    }
    return
  }
  func.func @transform_0(%arg0: i32) -> (i32, i32, i32) {
    %c0_i32 = arith.constant 0 : i32
    %c0_i32_0 = arith.constant 0 : i32
    %c0_i32_1 = arith.constant 0 : i32
    return %arg0, %c0_i32, %c0_i32_0 : i32, i32, i32
  }
  func.func @transform_1(%arg0: i32) -> (i32, i32) {
    %c0_i32 = arith.constant 0 : i32
    %c0_i32_0 = arith.constant 0 : i32
    %c0_i32_1 = arith.constant 0 : i32
    return %c0_i32, %c0_i32_0 : i32, i32
  }
  func.func @transform_2(%arg0: i32) -> (i32, i32) {
    %c0_i32 = arith.constant 0 : i32
    %c0_i32_0 = arith.constant 0 : i32
    %c0_i32_1 = arith.constant 0 : i32
    return %c0_i32, %c0_i32_0 : i32, i32
  }
  func.func @transform_3(%arg0: i32) -> (i32, i32) {
    %c0_i32 = arith.constant 0 : i32
    %c0_i32_0 = arith.constant 0 : i32
    %c0_i32_1 = arith.constant 0 : i32
    return %c0_i32, %c0_i32_0 : i32, i32
  }
  func.func @transform_4(%arg0: i32) -> (i32, i32) {
    %c0_i32 = arith.constant 0 : i32
    %c0_i32_0 = arith.constant 0 : i32
    %c0_i32_1 = arith.constant 0 : i32
    return %c0_i32, %c0_i32_0 : i32, i32
  }
  func.func @transform_5(%arg0: i32) -> (i32, i32) {
    %c0_i32 = arith.constant 0 : i32
    %c0_i32_0 = arith.constant 0 : i32
    %c0_i32_1 = arith.constant 0 : i32
    return %c0_i32, %c0_i32_0 : i32, i32
  }
  func.func @transform_6(%arg0: i32) -> (i32, i32) {
    %c0_i32 = arith.constant 0 : i32
    %c0_i32_0 = arith.constant 0 : i32
    %c0_i32_1 = arith.constant 0 : i32
    return %c0_i32, %c0_i32_0 : i32, i32
  }
  func.func @transform_7(%arg0: i32) -> (i32, i32) {
    %c0_i32 = arith.constant 0 : i32
    %c0_i32_0 = arith.constant 0 : i32
    %c0_i32_1 = arith.constant 0 : i32
    return %c0_i32, %c0_i32_0 : i32, i32
  }
}

module attributes {stable_mosaic.version = 14 : i64} {
  func.func @_fc_body(%arg0: memref<2048x128xf32, #tpu.memory_space<vmem>>, %arg1: memref<128x64xf32, #tpu.memory_space<vmem>>, %arg2: memref<1x64xf32, #tpu.memory_space<vmem>>, %arg3: memref<64x4xf32, #tpu.memory_space<vmem>>, %arg4: memref<1x4xf32, #tpu.memory_space<vmem>>, %arg5: memref<2048x4xf32, #tpu.memory_space<vmem>>) attributes {dimension_semantics = [], scalar_prefetch = 0 : i64, scratch_operands = 0 : i64, tpu.core_type = #tpu.core_type<tc>} {
    %get3A = arith.constant 0 : index
    %get3A_0 = arith.constant 0 : index
    %get3A_1 = vector.load %arg0[%get3A, %get3A_0] : memref<2048x128xf32, #tpu.memory_space<vmem>>, vector<2048x128xf32>
    %get3A_2 = arith.constant 0 : index
    %get3A_3 = arith.constant 0 : index
    %get3A_4 = vector.load %arg1[%get3A_2, %get3A_3] : memref<128x64xf32, #tpu.memory_space<vmem>>, vector<128x64xf32>
    %dot_general3A = arith.constant dense<0.000000e+00> : vector<2048x64xf32>
    %dot_general3A_5 = tpu.matmul %get3A_1, %get3A_4, %dot_general3A {dimension_numbers = #tpu.dot_dimension_numbers<[1], [0], [0], [1], [0, 0, 1, 1], [], []>, transpose_lhs_hint = false} : vector<2048x128xf32>, vector<128x64xf32>, vector<2048x64xf32> -> vector<2048x64xf32>
    %get3A_6 = arith.constant 0 : index
    %get3A_7 = arith.constant 0 : index
    %get3A_8 = vector.load %arg2[%get3A_6, %get3A_7] : memref<1x64xf32, #tpu.memory_space<vmem>>, vector<1x64xf32>
    %add3A = vector.broadcast %get3A_8 : vector<1x64xf32> to vector<2048x64xf32>
    %add3A_9 = arith.addf %dot_general3A_5, %add3A : vector<2048x64xf32>
    %max3A = arith.constant 0.000000e+00 : f32
    %max3A_10 = vector.broadcast %max3A : f32 to vector<2048x64xf32>
    %max3A_11 = arith.maximumf %add3A_9, %max3A_10 : vector<2048x64xf32>
    %get3A_12 = arith.constant 0 : index
    %get3A_13 = arith.constant 0 : index
    %get3A_14 = vector.load %arg3[%get3A_12, %get3A_13] : memref<64x4xf32, #tpu.memory_space<vmem>>, vector<64x4xf32>
    %dot_general3A_15 = arith.constant dense<0.000000e+00> : vector<2048x4xf32>
    %dot_general3A_16 = tpu.matmul %max3A_11, %get3A_14, %dot_general3A_15 {dimension_numbers = #tpu.dot_dimension_numbers<[1], [0], [0], [1], [0, 0, 1, 1], [], []>, transpose_lhs_hint = false} : vector<2048x64xf32>, vector<64x4xf32>, vector<2048x4xf32> -> vector<2048x4xf32>
    %get3A_17 = arith.constant 0 : index
    %get3A_18 = arith.constant 0 : index
    %get3A_19 = vector.load %arg4[%get3A_17, %get3A_18] : memref<1x4xf32, #tpu.memory_space<vmem>>, vector<1x4xf32>
    %add3A_20 = vector.broadcast %get3A_19 : vector<1x4xf32> to vector<2048x4xf32>
    %add3A_21 = arith.addf %dot_general3A_16, %add3A_20 : vector<2048x4xf32>
    %swap3A = arith.constant 0 : index
    %swap3A_22 = arith.constant 0 : index
    %swap3A_23 = vector.load %arg5[%swap3A, %swap3A_22] : memref<2048x4xf32, #tpu.memory_space<vmem>>, vector<2048x4xf32>
    tpu.vector_store %arg5[%swap3A, %swap3A_22], %add3A_21 {strides = array<i32>} : memref<2048x4xf32, #tpu.memory_space<vmem>>, vector<2048x4xf32>,
    return
  }
}

</mosaic_0001>

<sc_bundles>
// kernel: kernel.13.cloned.1.call-start
scs
__scs_entry_jumppad:
0x0: {  	(pc) =	sbr.rel $0x88, $3  }
0x1: {  	(tag) =	ssettag $0x0;
	lr =	simm.s32 $0x1  }
0x2: {  	[smem:$0x3F97] =	sst lr;
	_ =	strace $0xD0000000  }
0x3: {  	_ = 	snop  }
0x4: {  	_ = 	snop  }
0x5: {  	_ = 	snop  }
0x6: {  	_ = 	snop  }
0x7: {  	_ = 	snop  }
__scs_overlays_trampoline_lowered:
0x8: {  	[smem:$0x3FA6] =	sst s0  }
0x9: {  	[smem:$0x3FA7] =	sst s1  }
0xa: {  	[smem:$0x3FA8] =	sst s2  }
0xb: {  	[smem:$0x3FA9] =	sst s3  }
0xc: {  	[smem:$0x3FAA] =	sst s4  }
0xd: {  	[smem:$0x3FAB] =	sst s5  }
0xe: {  	[smem:$0x3FAC] =	sst s6  }
0xf: {  	[smem:$0x3FAD] =	sst s7  }
0x10: {  	[smem:$0x3FAE] =	sst s8  }
0x11: {  	[smem:$0x3FAF] =	sst s9;
	s0 =	simm.s32 @!p0 $0x0  }
0x12: {  	s1 =	sld [smem:$0x3F95];
	s0 =	simm.s32 @p0 $0x1  }
0x13: {  	[smem:$0x3FB0] =	sst s0;
	s0 =	simm.s32 @!p1 $0x0  }
0x14: {  	s2 =	sld [smem:$0x3F94];
	s0 =	simm.s32 @p1 $0x1  }
0x15: {  	[smem:$0x3FB1] =	sst s0;
	s0 =	simm.s32 @!p2 $0x0  }
0x16: {  	s3 =	sld [smem:$0x3FDB];
	s0 =	simm.s32 @p2 $0x1  }
0x17: {  	s4 =	simm.s32 $0x1BF5;
	[smem:$0x3FB3] =	sst s0  }
0x18: {  	s0 =	sld [smem:$0x3F96];
	_ =	swait.ge [sflag:s4], $0x0  }
0x19: {  	s7 =	sld [smem:$0x3F97]  }
0x1a: {  	s8 =	sadd.s32 $0xFFFFE003, lr  }
0x1b: {  	s9 =	sadd.s32 $0xFFFFFEF7, lr;
	s5 =	simm.s32 $0xFFFFFFFF;
	p2 =	slt.u32 s8, $0xFFFFF086  }
0x1c: {  	p1 =	slt.u32 s9, $0xF7A;
	s5 =	simm.s32 @!p2 $0x0  }
0x1d: {  	s5 =	simm.s32 @p1 $0x1;
	p0 =	seq.s32 s7, s2  }
0x1e: {  	s7 =	smul.u32 @!p0 $0xF7A, s2;
	p2 =	seq.s32 @!p0 s5, $0x0  }
0x1f: {  	s9 =	smul.u32 $0xF7A, s1;
	s8 =	simm.s32 @!p0 $0x1BF5;
	p2 =	por !p2, p0  }
0x20: {  	[sflag:s8] =	ssyncset.s32 @!p0 $0xFFFFF086;
	s6 =	sadd.s32 @!p0 s3, s7;
	s7 =	simm.s32 @!p0 $0x108  }
0x21: {  	s3 =	sadd.s32 s3, s9;
	s6 =	sadd.s32 @!p0 $0x88, s6;
	s7 =	simm.s32 @p2 $0x1082  }
0x22: {  	[simem:s7], [sflag:s8] =	dma.local @!p0 [hbm:s6], $0xF7A  }
0x23: {  	s9 =	sor.u32 $0xD0000000, s2;
	s6 =	simm.s32 $0x108;
	_ =	swait.ge @!p0 [sflag:s8], $0x0  }
0x24: {  	s3 =	sadd.s32 $0x88, s3;
	s6 =	simm.s32 @!p1 $0x1082;
	[sflag:s4] =	ssyncset.s32 $0xFFFFF086  }
0x25: {  	[simem:s6], [sflag:s4] =	dma.local [hbm:s3], $0xF7A  }
0x26: {  	[smem:$0x3F97] =	sst s1;
	(tag) =	ssettag s2;
	_ =	strace s9  }
0x27: {  	s1 =	sld [smem:$0x3FA7]  }
0x28: {  	s2 =	sld [smem:$0x3FA8]  }
0x29: {  	s4 =	sld [smem:$0x3FAA]  }
0x2a: {  	p0 =	seq.s32 s5, $0x0;
	s5 =	sld [smem:$0x3FAB]  }
0x2b: {  	s6 =	sld [smem:$0x3FAC]  }
0x2c: {  	s7 =	sld [smem:$0x3FAD]  }
0x2d: {  	s3 =	simm.s32 $0x108;
	s8 =	sld [smem:$0x3FAE]  }
0x2e: {  	s3 =	simm.s32 @!p0 $0x1082;
	s9 =	sld [smem:$0x3FAF]  }
0x2f: {  	lr =	sadd.s32 s0, s3;
	s0 =	sld [smem:$0x3FA6]  }
0x30: {  	s3 =	sld [smem:$0x3FA9]  }
0x31: {  	[smem:$0x3FB2] =	sst s10  }
0x32: {  	s10 =	sld [smem:$0x3FB0];
	_ =	sdelay $0x3  }
0x33: {  	p0 =	seq.s32 s10, $0x1;
	s10 =	sld [smem:$0x3FB2];
	_ =	sdelay $0x3  }
0x34: {  	[smem:$0x3FB2] =	sst s10  }
0x35: {  	s10 =	sld [smem:$0x3FB1];
	_ =	sdelay $0x3  }
0x36: {  	p1 =	seq.s32 s10, $0x1;
	s10 =	sld [smem:$0x3FB2];
	_ =	sdelay $0x3  }
0x37: {  	[smem:$0x3FB2] =	sst s10  }
0x38: {  	s10 =	sld [smem:$0x3FB3]  }
0x39: {  	_ = 	snop;
	(pc) =	sbr.ind lr, $3  }
0x3a: {  	_ = 	snop  }
0x3b: {  	_ = 	snop  }
0x3c: {  	p2 =	seq.s32 s10, $0x1;
	s10 =	sld [smem:$0x3FB2]  }
0x3d: {  	_ =	shalt  }
0x3e: {  	_ =	shalt  }
0x3f: {  	_ =	shalt  }
0x40: {  	_ =	shalt  }
0x41: {  	_ =	shalt  }
0x42: {  	_ =	shalt  }
0x43: {  	_ =	shalt  }
0x44: {  	_ =	shalt  }
0x45: {  	_ =	shalt  }
0x46: {  	_ =	shalt  }
0x47: {  	_ =	shalt  }
0x48: {  	_ =	shalt  }
0x49: {  	_ =	shalt  }
0x4a: {  	_ =	shalt  }
0x4b: {  	_ =	shalt  }
0x4c: {  	_ =	shalt  }
0x4d: {  	_ =	shalt  }
0x4e: {  	_ =	shalt  }
0x4f: {  	_ =	shalt  }
0x50: {  	_ =	shalt  }
0x51: {  	_ =	shalt  }
0x52: {  	_ =	shalt  }
0x53: {  	_ =	shalt  }
0x54: {  	_ =	shalt  }
0x55: {  	_ =	shalt  }
0x56: {  	_ =	shalt  }
0x57: {  	_ =	shalt  }
0x58: {  	_ =	shalt  }
0x59: {  	_ =	shalt  }
0x5a: {  	_ =	shalt  }
0x5b: {  	_ =	shalt  }
0x5c: {  	_ =	shalt  }
0x5d: {  	_ =	shalt  }
0x5e: {  	_ =	shalt  }
0x5f: {  	_ =	shalt  }
0x60: {  	_ =	shalt  }
0x61: {  	_ =	shalt  }
0x62: {  	_ =	shalt  }
0x63: {  	_ =	shalt  }
0x64: {  	_ =	shalt  }
0x65: {  	_ =	shalt  }
0x66: {  	_ =	shalt  }
0x67: {  	_ =	shalt  }
0x68: {  	_ =	shalt  }
0x69: {  	_ =	shalt  }
0x6a: {  	_ =	shalt  }
0x6b: {  	_ =	shalt  }
0x6c: {  	_ =	shalt  }
0x6d: {  	_ =	shalt  }
0x6e: {  	_ =	shalt  }
0x6f: {  	_ =	shalt  }
0x70: {  	_ =	shalt  }
0x71: {  	_ =	shalt  }
0x72: {  	_ =	shalt  }
0x73: {  	_ =	shalt  }
0x74: {  	_ =	shalt  }
0x75: {  	_ =	shalt  }
0x76: {  	_ =	shalt  }
0x77: {  	_ =	shalt  }
0x78: {  	_ =	shalt  }
0x79: {  	_ =	shalt  }
0x7a: {  	_ =	shalt  }
0x7b: {  	_ =	shalt  }
0x7c: {  	_ =	shalt  }
0x7d: {  	_ =	shalt  }
0x7e: {  	_ =	shalt  }
0x7f: {  	_ =	shalt  }
0x80: {  	_ =	shalt  }
0x81: {  	_ =	shalt  }
0x82: {  	_ =	shalt  }
0x83: {  	_ =	shalt  }
0x84: {  	_ =	shalt  }
0x85: {  	_ =	shalt  }
0x86: {  	_ =	shalt  }
0x87: {  	_ =	shalt  }
.Lfunc_end0:
.L_simem_size_0:
called_computation_lowered:
.L_overlay_start_0:
0x88: {  	s2 =	sld [smem:$0x3FD9]  }
0x89: {  	s3 =	sld [smem:$0x3FFE];
	_ =	sdelay $0x1  }
0x8a: {  	s1 =	srdreg.scid  }
0x8b: {  	s0 =	sand.u32 $0x1, s1  }
0x8c: {  	s16 =	sshll.u32 s0, $0xA;
	s2 =	sadd.s32 s3, s2  }
0x8d: {  	s2 =	sadd.s32 s2, s16  }
0x8e: {  	[smem:$0x3FBE] =	sst s2  }
0x8f: {  	_ = 	snop  }
0x90: {  	(tm) =	ssettm $0x1  }
0x91: {  	s17 =	sld [smem:$0x3FFB];
	_ =	sdelay $0x3  }
0x92: {  	_ =	strace s17  }
0x93: {  	s2 =	sld [smem:$0x3FFC];
	_ =	sdelay $0x3  }
0x94: {  	_ =	strace s2  }
0x95: {  	s2 =	sld [smem:$0x3FFD];
	_ =	sdelay $0x3  }
0x96: {  	_ =	strace s2  }
0x97: {  	_ =	strace $0x8FFFFFFF  }
0x98: {  	s18 =	sld [smem:$0x3FDB];
	_ =	sdelay $0x1  }
0x99: {  	s19 =	simm.s32 $_scs_section_size  }
0x9a: {  	s4 =	simm.s32 $_size__tile_overlayer_lowered;
	s5 =	simm.s32 $_tile_overlayer_lowered  }
0x9b: {  	s22 =	simm.s32 $0x1BFF;
	s21 =	sshll.u32 s5, $0x1;
	s2 =	sadd.s32 s19, s18  }
0x9c: {  	s6 =	simm.s32 $0x0;
	s20 =	sshll.u32 s4, $0x1;
	s4 =	sadd.s32 s21, s2  }
0x9d: {  	[timem:s6], [sflag:s22] =	dma.local [hbm:s4], s20  }
0x9e: {  	_ =	swait.ge [sflag:s22], s20  }
0x9f: {  	s3 =	ssub.s32 $0x0, s20;
	[sflag:s22] =	ssyncset.done $0x0  }
0xa0: {  	[sflag:s22] =	ssyncadd.s32 s3;
	_ =	sdelay $0x1  }
0xa1: {  	s23 =	simm.s32 $0x1B8B  }
0xa2: {  	_ =	swait.ge [sflag:s23], $0x1  }
0xa3: {  	[sflag:s23] =	ssyncset.done $0x0  }
0xa4: {  	s25 =	simm.s32 $0x1B8E;
	s24 =	sld [smem:$0x3FFE];
	[sflag:s23] =	ssyncadd.s32 $0xFFFFFFFF  }
0xa5: {  	s26 =	simm.s32 $execute0_lowered;
	[smem:$0x3FD2] =	sst s25  }
0xa6: {  	s4 =	sshll.u32 s26, $0x1;
	_ =	strace $0x80000046;
	[dreg:$0x1] =	wrdreg $0xFFFFFFFF  }
0xa7: {  	s28 =	simm.s32 $_size_execute0_lowered;
	s2 =	sadd.s32 s2, s4;
	[dreg:$0x0] =	wrdreg $0x0  }
0xa8: {  	s4 =	sshll.u32 s28, $0x1;
	[dreg:$0x2] =	wrdreg s2  }
0xa9: {  	[dreg:$0x3] =	wrdreg s4  }
0xaa: {  	[dreg:$0x4] =	wrdreg $0xC0  }
0xab: {  	_ =	task [dreg:s6], $0x5FFFF  }
0xac: {  	[dreg:$0x1] =	wrdreg $0xFFFFFFFF  }
0xad: {  	[dreg:$0x0] =	wrdreg $0x60  }
0xae: {  	[dreg:$0x2] =	wrdreg s24  }
0xaf: {  	[dreg:$0x3] =	wrdreg $0x9  }
0xb0: {  	_ =	task.clear_ibuf [dreg:s6], $0x4FFFF;
	_ =	strace $0x90000046  }
0xb1: {  	s29 =	simm.s32 $0x9;
	_ =	strace $0x80000048  }
0xb2: {  	_ =	swait.ge [sflag:s29], $0x1  }
0xb3: {  	[sflag:s29] =	ssyncadd.s32 $0xFFFFFFFF  }
0xb4: {  	_ =	strace $0x90000048  }
0xb5: {  	_ =	sfence  }
0xb6: {  	s30 =	sld [smem:$0x0];
	_ =	sdelay $0x2  }
0xb7: {  	s31 =	sshll.u32 s1, $0xD;
	s1 =	sshrl.u32 s1, $0x2  }
0xb8: {  	s3 =	sand.u32 $0x4000, s31;
	s1 =	sadd.s32 s1, s30  }
0xb9: {  	s0 =	sor.u32 s3, s0;
	s1 =	sshll.u32 s1, $0x11  }
0xba: {  	s0 =	sor.u32 s1, s0  }
0xbb: {  	s0 =	sadd.s32 $0x8F2B, s0  }
0xbc: {  	[sflag:s0] =	ssyncadd.remote.s32 $0x1  }
0xbd: {  	_ =	sfence.sel $0xFFFF  }
0xbe: {  	[dreg:$0x0] =	wrdreg $0xFFFFFFFF;
	(pc) =	sbr.abs _section_cstart, $3  }
0xbf: {  	[dreg:$0x1] =	wrdreg $0xFFFFFFFF  }
0xc0: {  	_ =	task.clear_ibuf [dreg:s6], $0x2FFFF;
	_ =	strace $0x9FFFFFFF  }
0xc1: {  	(tm) =	ssettm $0x7FFFFFFF  }
tec
execute0_lowered:
.L_overlay_start_1:
0x0: {  	(tag) =	ssettag $0x1  }
0x1: {  	s4 =	rddreg [dreg:$0x0]  }
0x2: {  	s0 =	rddreg [dreg:$0x1]  }
0x3: {  	s1 =	stileid.u32;
	s2 =	simm.s32 $0x0;
	s3 =	srdreg.scid  }
0x4: {  	s10 =	simm.s32 $0x1400;
	s11 =	simm.s32 $0x100;
	s12 =	simm.s32 $0x2400  }
0x5: {  	s13 =	simm.s32 $0x180;
	s14 =	simm.s32 $0x3400;
	s15 =	simm.s32 $0x200  }
0x6: {  	s16 =	simm.s32 $0x4400;
	s17 =	simm.s32 $0x280;
	s18 =	simm.s32 $0x5400  }
0x7: {  	s19 =	simm.s32 $0x300;
	s20 =	simm.s32 $0x6400;
	s21 =	simm.s32 $0x380  }
0x8: {  	s22 =	simm.s32 $0x7400;
	s23 =	simm.s32 $0x1;
	s5 =	smul.u32 $0x500, s1  }
0x9: {  	s24 =	simm.s32 $0x0;
	s6 =	smul.u32 $0xA000, s1;
	s7 =	sand.u32 $0x1, s3  }
0xa: {  	[smem:$0x7FF] =	sst s2;
	s3 =	sadd.s32 $0xF45800, s4;
	s8 =	smul.u32 $0x5000, s7  }
0xb: {  	_ =	strace $0x80000047;
	s9 =	ssub.s32 $0x2, s7;
	s7 =	smul.u32 $0x280, s7  }
0xc: {  	s5 =	sadd.s32 s5, s4;
	s4 =	sadd.s32 s6, s4;
	s31 =	sshrl.u32 s9, $0x1  }
0xd: {  	s6 =	ssub.s32 s9, s31;
	s8 =	sadd.s32 s8, s4;
	s7 =	sadd.s32 s7, s5  }
0xe: {  	s9 =	simm.s32 $0x400;
	s4 =	smax.u32 s6, $0x1;
	s5 =	sadd.s32 $0x3400, s8  }
0xf: {  	s6 =	sadd.s32 $0x643400, s7;
	s7 =	simm.s32 $0x2;
	s8 =	simm.s32 $0x80  }
.LBB2_1:
0x10: {  	s25 =	sadd.s32 $0x0, s6  }
0x11: {  	[tilespmem:s2], [sflag:$0x2] =	stream.linear.gather [hbm4b:s25+s2], $0x400, $0x38;
	[tilespmem:$0x8400] =	vst v63  }
0x12: {  	_ =	swait.ge [sflag:s7], $0x400  }
0x13: {  	[sflag:s7] =	ssyncset.done $0x0  }
0x14: {  	[sflag:s7] =	ssyncadd.s32 $0xFFFFFC00  }
0x15: {  	[tilespmem:s9], [sflag:$0x1] =	stream.indirect.gather [hbm4b:s3+s8], $0x20, s2, s8, $0xb8;
	[tilespmem:$0x8400] =	vst v63  }
0x16: {  	_ = 	snop  }
0x17: {  	[tilespmem:s10], [sflag:$0x1] =	stream.indirect.gather [hbm4b:s3+s8], $0x20, s8, s8, $0xb8;
	[tilespmem:$0x8400] =	vst v63  }
0x18: {  	_ = 	snop  }
0x19: {  	[tilespmem:s12], [sflag:$0x1] =	stream.indirect.gather [hbm4b:s3+s8], $0x20, s11, s8, $0xb8;
	[tilespmem:$0x8400] =	vst v63  }
0x1a: {  	_ = 	snop  }
0x1b: {  	[tilespmem:s14], [sflag:$0x1] =	stream.indirect.gather [hbm4b:s3+s8], $0x20, s13, s8, $0xb8;
	[tilespmem:$0x8400] =	vst v63  }
0x1c: {  	_ = 	snop  }
0x1d: {  	[tilespmem:s16], [sflag:$0x1] =	stream.indirect.gather [hbm4b:s3+s8], $0x20, s15, s8, $0xb8;
	[tilespmem:$0x8400] =	vst v63  }
0x1e: {  	_ = 	snop  }
0x1f: {  	[tilespmem:s18], [sflag:$0x1] =	stream.indirect.gather [hbm4b:s3+s8], $0x20, s17, s8, $0xb8;
	[tilespmem:$0x8400] =	vst v63  }
0x20: {  	_ = 	snop  }
0x21: {  	[tilespmem:s20], [sflag:$0x1] =	stream.indirect.gather [hbm4b:s3+s8], $0x20, s19, s8, $0xb8;
	[tilespmem:$0x8400] =	vst v63  }
0x22: {  	_ = 	snop  }
0x23: {  	[tilespmem:s22], [sflag:$0x1] =	stream.indirect.gather [hbm4b:s3+s8], $0x20, s21, s8, $0xb8;
	[tilespmem:$0x8400] =	vst v63  }
0x24: {  	_ =	swait.ge [sflag:s23], $0x1000  }
0x25: {  	[sflag:s23] =	ssyncset.done $0x0  }
0x26: {  	[sflag:s23] =	ssyncadd.s32 $0xFFFFF000  }
0x27: {  	_ =	swait.ge [sflag:s23], $0x1000  }
0x28: {  	[sflag:s23] =	ssyncset.done $0x0  }
0x29: {  	[sflag:s23] =	ssyncadd.s32 $0xFFFFF000  }
0x2a: {  	_ =	swait.ge [sflag:s23], $0x1000  }
0x2b: {  	[sflag:s23] =	ssyncset.done $0x0  }
0x2c: {  	[sflag:s23] =	ssyncadd.s32 $0xFFFFF000  }
0x2d: {  	_ =	swait.ge [sflag:s23], $0x1000  }
0x2e: {  	[sflag:s23] =	ssyncset.done $0x0  }
0x2f: {  	[sflag:s23] =	ssyncadd.s32 $0xFFFFF000  }
0x30: {  	_ =	swait.ge [sflag:s23], $0x1000  }
0x31: {  	[sflag:s23] =	ssyncset.done $0x0  }
0x32: {  	[sflag:s23] =	ssyncadd.s32 $0xFFFFF000  }
0x33: {  	_ =	swait.ge [sflag:s23], $0x1000  }
0x34: {  	[sflag:s23] =	ssyncset.done $0x0  }
0x35: {  	[sflag:s23] =	ssyncadd.s32 $0xFFFFF000  }
0x36: {  	_ =	swait.ge [sflag:s23], $0x1000  }
0x37: {  	[sflag:s23] =	ssyncset.done $0x0  }
0x38: {  	[sflag:s23] =	ssyncadd.s32 $0xFFFFF000  }
0x39: {  	_ =	swait.ge [sflag:s23], $0x1000  }
0x3a: {  	[sflag:s23] =	ssyncset.done $0x0  }
0x3b: {  	[sflag:s23] =	ssyncadd.s32 $0xFFFFF000  }
0x3c: {  	[hbm4b:s5+s2] =	stream.linear.scatter [tilespmem:s9], [sflag:$0x2], $0x8000, $0x38;
	[tilespmem:$0x8400] =	vst v63  }
0x3d: {  	s26 =	simm.s32 $0x80;
	_ =	swait.ge [sflag:s7], $0x8000  }
0x3e: {  	s29 =	simm.s32 $0x100;
	s25 =	sadd.s32 $0x1000, s5;
	[sflag:s7] =	ssyncset.done $0x0  }
.LBB2_2:
0x3f: {  	s30 =	sadd.s32 s26, s6  }
0x40: {  	[sflag:s7] =	ssyncadd.s32 $0xFFFF8000;
	s26 =	smov.u32 s29;
	s28 =	sadd.s32 $0x80, s29  }
0x41: {  	[tilespmem:s2], [sflag:$0x2] =	stream.linear.gather [hbm4b:s30+s2], $0x400, $0x38;
	[tilespmem:$0x8400] =	vst v63  }
0x42: {  	p0 =	sne.s32 s29, $0x200;
	_ =	swait.ge [sflag:s7], $0x400  }
0x43: {  	[sflag:s7] =	ssyncset.done $0x0  }
0x44: {  	[sflag:s7] =	ssyncadd.s32 $0xFFFFFC00  }
0x45: {  	[tilespmem:s9], [sflag:$0x1] =	stream.indirect.gather [hbm4b:s3+s8], $0x20, s2, s8, $0xb8;
	[tilespmem:$0x8400] =	vst v63  }
0x46: {  	_ = 	snop  }
0x47: {  	[tilespmem:s10], [sflag:$0x1] =	stream.indirect.gather [hbm4b:s3+s8], $0x20, s8, s8, $0xb8;
	[tilespmem:$0x8400] =	vst v63  }
0x48: {  	_ = 	snop  }
0x49: {  	[tilespmem:s12], [sflag:$0x1] =	stream.indirect.gather [hbm4b:s3+s8], $0x20, s11, s8, $0xb8;
	[tilespmem:$0x8400] =	vst v63  }
0x4a: {  	_ = 	snop  }
0x4b: {  	[tilespmem:s14], [sflag:$0x1] =	stream.indirect.gather [hbm4b:s3+s8], $0x20, s13, s8, $0xb8;
	[tilespmem:$0x8400] =	vst v63  }
0x4c: {  	_ = 	snop  }
0x4d: {  	[tilespmem:s16], [sflag:$0x1] =	stream.indirect.gather [hbm4b:s3+s8], $0x20, s15, s8, $0xb8;
	[tilespmem:$0x8400] =	vst v63  }
0x4e: {  	_ = 	snop  }
0x4f: {  	[tilespmem:s18], [sflag:$0x1] =	stream.indirect.gather [hbm4b:s3+s8], $0x20, s17, s8, $0xb8;
	[tilespmem:$0x8400] =	vst v63  }
0x50: {  	_ = 	snop  }
0x51: {  	[tilespmem:s20], [sflag:$0x1] =	stream.indirect.gather [hbm4b:s3+s8], $0x20, s19, s8, $0xb8;
	[tilespmem:$0x8400] =	vst v63  }
0x52: {  	_ = 	snop  }
0x53: {  	[tilespmem:s22], [sflag:$0x1] =	stream.indirect.gather [hbm4b:s3+s8], $0x20, s21, s8, $0xb8;
	[tilespmem:$0x8400] =	vst v63  }
0x54: {  	_ =	swait.ge [sflag:s23], $0x1000  }
0x55: {  	[sflag:s23] =	ssyncset.done $0x0  }
0x56: {  	[sflag:s23] =	ssyncadd.s32 $0xFFFFF000  }
0x57: {  	_ =	swait.ge [sflag:s23], $0x1000  }
0x58: {  	[sflag:s23] =	ssyncset.done $0x0  }
0x59: {  	[sflag:s23] =	ssyncadd.s32 $0xFFFFF000  }
0x5a: {  	_ =	swait.ge [sflag:s23], $0x1000  }
0x5b: {  	[sflag:s23] =	ssyncset.done $0x0  }
0x5c: {  	[sflag:s23] =	ssyncadd.s32 $0xFFFFF000  }
0x5d: {  	_ =	swait.ge [sflag:s23], $0x1000  }
0x5e: {  	[sflag:s23] =	ssyncset.done $0x0  }
0x5f: {  	[sflag:s23] =	ssyncadd.s32 $0xFFFFF000  }
0x60: {  	_ =	swait.ge [sflag:s23], $0x1000  }
0x61: {  	[sflag:s23] =	ssyncset.done $0x0  }
0x62: {  	[sflag:s23] =	ssyncadd.s32 $0xFFFFF000  }
0x63: {  	_ =	swait.ge [sflag:s23], $0x1000  }
0x64: {  	[sflag:s23] =	ssyncset.done $0x0  }
0x65: {  	[sflag:s23] =	ssyncadd.s32 $0xFFFFF000  }
0x66: {  	_ =	swait.ge [sflag:s23], $0x1000  }
0x67: {  	[sflag:s23] =	ssyncset.done $0x0  }
0x68: {  	[sflag:s23] =	ssyncadd.s32 $0xFFFFF000  }
0x69: {  	_ =	swait.ge [sflag:s23], $0x1000  }
.Ltmp0:
0x6a: {  	[sflag:s23] =	ssyncset.done $0x0;
	(pc) =	sbr.rel @p0 .LBB2_2-.Ltmp0, $4  }
0x6b: {  	[sflag:s23] =	ssyncadd.s32 $0xFFFFF000  }
0x6c: {  	[hbm4b:s25+s2] =	stream.linear.scatter [tilespmem:s9], [sflag:$0x2], $0x8000, $0x38;
	[tilespmem:$0x8400] =	vst v63  }
0x6d: {  	_ =	swait.ge [sflag:s7], $0x8000  }
0x6e: {  	s29 =	smov.u32 s28;
	s25 =	sadd.s32 $0x1000, s25;
	[sflag:s7] =	ssyncset.done $0x0  }
0x6f: {  	s26 =	sadd.s32 s26, s6;
	[sflag:s7] =	ssyncadd.s32 $0xFFFF8000  }
0x70: {  	[tilespmem:s2], [sflag:$0x2] =	stream.linear.gather [hbm4b:s26+s2], $0x400, $0x38;
	[tilespmem:$0x8400] =	vst v63  }
0x71: {  	_ =	swait.ge [sflag:s7], $0x400  }
0x72: {  	[sflag:s7] =	ssyncset.done $0x0  }
0x73: {  	[sflag:s7] =	ssyncadd.s32 $0xFFFFFC00  }
0x74: {  	[tilespmem:s9], [sflag:$0x1] =	stream.indirect.gather [hbm4b:s3+s8], $0x20, s2, s8, $0xb8;
	[tilespmem:$0x8400] =	vst v63  }
0x75: {  	_ = 	snop  }
0x76: {  	[tilespmem:s10], [sflag:$0x1] =	stream.indirect.gather [hbm4b:s3+s8], $0x20, s8, s8, $0xb8;
	[tilespmem:$0x8400] =	vst v63  }
0x77: {  	_ = 	snop  }
0x78: {  	[tilespmem:s12], [sflag:$0x1] =	stream.indirect.gather [hbm4b:s3+s8], $0x20, s11, s8, $0xb8;
	[tilespmem:$0x8400] =	vst v63  }
0x79: {  	_ = 	snop  }
0x7a: {  	[tilespmem:s14], [sflag:$0x1] =	stream.indirect.gather [hbm4b:s3+s8], $0x20, s13, s8, $0xb8;
	[tilespmem:$0x8400] =	vst v63  }
0x7b: {  	_ = 	snop  }
0x7c: {  	[tilespmem:s16], [sflag:$0x1] =	stream.indirect.gather [hbm4b:s3+s8], $0x20, s15, s8, $0xb8;
	[tilespmem:$0x8400] =	vst v63  }
0x7d: {  	_ = 	snop  }
0x7e: {  	[tilespmem:s18], [sflag:$0x1] =	stream.indirect.gather [hbm4b:s3+s8], $0x20, s17, s8, $0xb8;
	[tilespmem:$0x8400] =	vst v63  }
0x7f: {  	_ = 	snop  }
0x80: {  	[tilespmem:s20], [sflag:$0x1] =	stream.indirect.gather [hbm4b:s3+s8], $0x20, s19, s8, $0xb8;
	[tilespmem:$0x8400] =	vst v63  }
0x81: {  	_ = 	snop  }
0x82: {  	[tilespmem:s22], [sflag:$0x1] =	stream.indirect.gather [hbm4b:s3+s8], $0x20, s21, s8, $0xb8;
	[tilespmem:$0x8400] =	vst v63  }
0x83: {  	_ =	swait.ge [sflag:s23], $0x1000  }
0x84: {  	[sflag:s23] =	ssyncset.done $0x0  }
0x85: {  	[sflag:s23] =	ssyncadd.s32 $0xFFFFF000  }
0x86: {  	_ =	swait.ge [sflag:s23], $0x1000  }
0x87: {  	[sflag:s23] =	ssyncset.done $0x0  }
0x88: {  	[sflag:s23] =	ssyncadd.s32 $0xFFFFF000  }
0x89: {  	_ =	swait.ge [sflag:s23], $0x1000  }
0x8a: {  	[sflag:s23] =	ssyncset.done $0x0  }
0x8b: {  	[sflag:s23] =	ssyncadd.s32 $0xFFFFF000  }
0x8c: {  	_ =	swait.ge [sflag:s23], $0x1000  }
0x8d: {  	[sflag:s23] =	ssyncset.done $0x0  }
0x8e: {  	[sflag:s23] =	ssyncadd.s32 $0xFFFFF000  }
0x8f: {  	_ =	swait.ge [sflag:s23], $0x1000  }
0x90: {  	[sflag:s23] =	ssyncset.done $0x0  }
0x91: {  	[sflag:s23] =	ssyncadd.s32 $0xFFFFF000  }
0x92: {  	_ =	swait.ge [sflag:s23], $0x1000  }
0x93: {  	[sflag:s23] =	ssyncset.done $0x0  }
0x94: {  	[sflag:s23] =	ssyncadd.s32 $0xFFFFF000  }
0x95: {  	_ =	swait.ge [sflag:s23], $0x1000  }
0x96: {  	[sflag:s23] =	ssyncset.done $0x0  }
0x97: {  	[sflag:s23] =	ssyncadd.s32 $0xFFFFF000  }
0x98: {  	s24 =	sadd.s32 $0x1, s24;
	_ =	swait.ge [sflag:s23], $0x1000  }
0x99: {  	p0 =	sne.s32 s24, s4;
	[sflag:s23] =	ssyncset.done $0x0  }
.Ltmp1:
0x9a: {  	[sflag:s23] =	ssyncadd.s32 $0xFFFFF000;
	(pc) =	sbr.rel @p0 .LBB2_1-.Ltmp1, $4  }
0x9b: {  	[hbm4b:s25+s2] =	stream.linear.scatter [tilespmem:s9], [sflag:$0x2], $0x8000, $0x38;
	[tilespmem:$0x8400] =	vst v63  }
0x9c: {  	_ =	swait.ge [sflag:s7], $0x8000  }
0x9d: {  	[sflag:s7] =	ssyncset.done $0x0  }
0x9e: {  	[sflag:s7] =	ssyncadd.s32 $0xFFFF8000  }
0x9f: {  	_ =	sfence.sel $0x180000  }
0xa0: {  	[bflag:$0x0] =	sbarrier.arrive $0xFFFF  }
0xa1: {  	p0 =	sne.s32 s1, $0x0;
	_ =	strace $0x90000047  }
0xa2: {  	s0 =	sadd.s32 @!p0 $0x100000, s0;
	[bflag:$0x2] =	sbarrier.arrive $0xFFFF  }
0xa3: {  	[sflag:s0] =	ssyncadd.tile.s32 @!p0 $0x1;
	_ =	shalt  }
.Lfunc_end2:
_tile_overlayer_lowered:
.L_overlay_start_2:
0xa4: {  	(tag) =	ssettag $0x2  }
0xa5: {  	s0 =	rddreg [dreg:$0x0];
	s2 =	stileid.u32  }
0xa6: {  	s1 =	rddreg [dreg:$0x1];
	p0 =	sne.s32 s2, $0x0  }
0xa7: {  	s3 =	rddreg [dreg:$0x2];
	[bflag:$0x3] =	sbarrier.arrive $0xFFFF;
	s2 =	simm.s32 @!p0 $0x1C02  }
0xa8: {  	[timem:s3], [sflag:s2] =	dma.local @!p0 [hbm:s0], s1  }
0xa9: {  	s0 =	simm.s32 @!p0 $0x2  }
0xaa: {  	_ =	swait.ge @!p0 [sflag:s0], s1  }
0xab: {  	s1 =	ssub.s32 @!p0 $0x0, s1;
	[sflag:s0] =	ssyncset.done @!p0 $0x0  }
0xac: {  	[sflag:s0] =	ssyncadd.s32 @!p0 s1  }
0xad: {  	[bflag:$0x3] =	sbarrier.arrive $0xFFFF  }
0xae: {  	_ =	shalt  }

// kernel: kernel.16.cloned.1.call-start
scs
__scs_entry_jumppad:
0x0: {  	(pc) =	sbr.rel $0x88, $3  }
0x1: {  	(tag) =	ssettag $0x0;
	lr =	simm.s32 $0x1  }
0x2: {  	[smem:$0x3F97] =	sst lr;
	_ =	strace $0xD0000000  }
0x3: {  	_ = 	snop  }
0x4: {  	_ = 	snop  }
0x5: {  	_ = 	snop  }
0x6: {  	_ = 	snop  }
0x7: {  	_ = 	snop  }
__scs_overlays_trampoline_lowered:
0x8: {  	[smem:$0x3FA6] =	sst s0  }
0x9: {  	[smem:$0x3FA7] =	sst s1  }
0xa: {  	[smem:$0x3FA8] =	sst s2  }
0xb: {  	[smem:$0x3FA9] =	sst s3  }
0xc: {  	[smem:$0x3FAA] =	sst s4  }
0xd: {  	[smem:$0x3FAB] =	sst s5  }
0xe: {  	[smem:$0x3FAC] =	sst s6  }
0xf: {  	[smem:$0x3FAD] =	sst s7  }
0x10: {  	[smem:$0x3FAE] =	sst s8  }
0x11: {  	[smem:$0x3FAF] =	sst s9;
	s0 =	simm.s32 @!p0 $0x0  }
0x12: {  	s1 =	sld [smem:$0x3F95];
	s0 =	simm.s32 @p0 $0x1  }
0x13: {  	[smem:$0x3FB0] =	sst s0;
	s0 =	simm.s32 @!p1 $0x0  }
0x14: {  	s2 =	sld [smem:$0x3F94];
	s0 =	simm.s32 @p1 $0x1  }
0x15: {  	[smem:$0x3FB1] =	sst s0;
	s0 =	simm.s32 @!p2 $0x0  }
0x16: {  	s3 =	sld [smem:$0x3FDB];
	s0 =	simm.s32 @p2 $0x1  }
0x17: {  	s4 =	simm.s32 $0x1BF5;
	[smem:$0x3FB3] =	sst s0  }
0x18: {  	s0 =	sld [smem:$0x3F96];
	_ =	swait.ge [sflag:s4], $0x0  }
0x19: {  	s7 =	sld [smem:$0x3F97]  }
0x1a: {  	s8 =	sadd.s32 $0xFFFFE003, lr  }
0x1b: {  	s9 =	sadd.s32 $0xFFFFFEF7, lr;
	s5 =	simm.s32 $0xFFFFFFFF;
	p2 =	slt.u32 s8, $0xFFFFF086  }
0x1c: {  	p1 =	slt.u32 s9, $0xF7A;
	s5 =	simm.s32 @!p2 $0x0  }
0x1d: {  	s5 =	simm.s32 @p1 $0x1;
	p0 =	seq.s32 s7, s2  }
0x1e: {  	s7 =	smul.u32 @!p0 $0xF7A, s2;
	p2 =	seq.s32 @!p0 s5, $0x0  }
0x1f: {  	s9 =	smul.u32 $0xF7A, s1;
	s8 =	simm.s32 @!p0 $0x1BF5;
	p2 =	por !p2, p0  }
0x20: {  	[sflag:s8] =	ssyncset.s32 @!p0 $0xFFFFF086;
	s6 =	sadd.s32 @!p0 s3, s7;
	s7 =	simm.s32 @!p0 $0x108  }
0x21: {  	s3 =	sadd.s32 s3, s9;
	s6 =	sadd.s32 @!p0 $0x88, s6;
	s7 =	simm.s32 @p2 $0x1082  }
0x22: {  	[simem:s7], [sflag:s8] =	dma.local @!p0 [hbm:s6], $0xF7A  }
0x23: {  	s9 =	sor.u32 $0xD0000000, s2;
	s6 =	simm.s32 $0x108;
	_ =	swait.ge @!p0 [sflag:s8], $0x0  }
0x24: {  	s3 =	sadd.s32 $0x88, s3;
	s6 =	simm.s32 @!p1 $0x1082;
	[sflag:s4] =	ssyncset.s32 $0xFFFFF086  }
0x25: {  	[simem:s6], [sflag:s4] =	dma.local [hbm:s3], $0xF7A  }
0x26: {  	[smem:$0x3F97] =	sst s1;
	(tag) =	ssettag s2;
	_ =	strace s9  }
0x27: {  	s1 =	sld [smem:$0x3FA7]  }
0x28: {  	s2 =	sld [smem:$0x3FA8]  }
0x29: {  	s4 =	sld [smem:$0x3FAA]  }
0x2a: {  	p0 =	seq.s32 s5, $0x0;
	s5 =	sld [smem:$0x3FAB]  }
0x2b: {  	s6 =	sld [smem:$0x3FAC]  }
0x2c: {  	s7 =	sld [smem:$0x3FAD]  }
0x2d: {  	s3 =	simm.s32 $0x108;
	s8 =	sld [smem:$0x3FAE]  }
0x2e: {  	s3 =	simm.s32 @!p0 $0x1082;
	s9 =	sld [smem:$0x3FAF]  }
0x2f: {  	lr =	sadd.s32 s0, s3;
	s0 =	sld [smem:$0x3FA6]  }
0x30: {  	s3 =	sld [smem:$0x3FA9]  }
0x31: {  	[smem:$0x3FB2] =	sst s10  }
0x32: {  	s10 =	sld [smem:$0x3FB0];
	_ =	sdelay $0x3  }
0x33: {  	p0 =	seq.s32 s10, $0x1;
	s10 =	sld [smem:$0x3FB2];
	_ =	sdelay $0x3  }
0x34: {  	[smem:$0x3FB2] =	sst s10  }
0x35: {  	s10 =	sld [smem:$0x3FB1];
	_ =	sdelay $0x3  }
0x36: {  	p1 =	seq.s32 s10, $0x1;
	s10 =	sld [smem:$0x3FB2];
	_ =	sdelay $0x3  }
0x37: {  	[smem:$0x3FB2] =	sst s10  }
0x38: {  	s10 =	sld [smem:$0x3FB3]  }
0x39: {  	_ = 	snop;
	(pc) =	sbr.ind lr, $3  }
0x3a: {  	_ = 	snop  }
0x3b: {  	_ = 	snop  }
0x3c: {  	p2 =	seq.s32 s10, $0x1;
	s10 =	sld [smem:$0x3FB2]  }
0x3d: {  	_ =	shalt  }
0x3e: {  	_ =	shalt  }
0x3f: {  	_ =	shalt  }
0x40: {  	_ =	shalt  }
0x41: {  	_ =	shalt  }
0x42: {  	_ =	shalt  }
0x43: {  	_ =	shalt  }
0x44: {  	_ =	shalt  }
0x45: {  	_ =	shalt  }
0x46: {  	_ =	shalt  }
0x47: {  	_ =	shalt  }
0x48: {  	_ =	shalt  }
0x49: {  	_ =	shalt  }
0x4a: {  	_ =	shalt  }
0x4b: {  	_ =	shalt  }
0x4c: {  	_ =	shalt  }
0x4d: {  	_ =	shalt  }
0x4e: {  	_ =	shalt  }
0x4f: {  	_ =	shalt  }
0x50: {  	_ =	shalt  }
0x51: {  	_ =	shalt  }
0x52: {  	_ =	shalt  }
0x53: {  	_ =	shalt  }
0x54: {  	_ =	shalt  }
0x55: {  	_ =	shalt  }
0x56: {  	_ =	shalt  }
0x57: {  	_ =	shalt  }
0x58: {  	_ =	shalt  }
0x59: {  	_ =	shalt  }
0x5a: {  	_ =	shalt  }
0x5b: {  	_ =	shalt  }
0x5c: {  	_ =	shalt  }
0x5d: {  	_ =	shalt  }
0x5e: {  	_ =	shalt  }
0x5f: {  	_ =	shalt  }
0x60: {  	_ =	shalt  }
0x61: {  	_ =	shalt  }
0x62: {  	_ =	shalt  }
0x63: {  	_ =	shalt  }
0x64: {  	_ =	shalt  }
0x65: {  	_ =	shalt  }
0x66: {  	_ =	shalt  }
0x67: {  	_ =	shalt  }
0x68: {  	_ =	shalt  }
0x69: {  	_ =	shalt  }
0x6a: {  	_ =	shalt  }
0x6b: {  	_ =	shalt  }
0x6c: {  	_ =	shalt  }
0x6d: {  	_ =	shalt  }
0x6e: {  	_ =	shalt  }
0x6f: {  	_ =	shalt  }
0x70: {  	_ =	shalt  }
0x71: {  	_ =	shalt  }
0x72: {  	_ =	shalt  }
0x73: {  	_ =	shalt  }
0x74: {  	_ =	shalt  }
0x75: {  	_ =	shalt  }
0x76: {  	_ =	shalt  }
0x77: {  	_ =	shalt  }
0x78: {  	_ =	shalt  }
0x79: {  	_ =	shalt  }
0x7a: {  	_ =	shalt  }
0x7b: {  	_ =	shalt  }
0x7c: {  	_ =	shalt  }
0x7d: {  	_ =	shalt  }
0x7e: {  	_ =	shalt  }
0x7f: {  	_ =	shalt  }
0x80: {  	_ =	shalt  }
0x81: {  	_ =	shalt  }
0x82: {  	_ =	shalt  }
0x83: {  	_ =	shalt  }
0x84: {  	_ =	shalt  }
0x85: {  	_ =	shalt  }
0x86: {  	_ =	shalt  }
0x87: {  	_ =	shalt  }
.Lfunc_end0:
.L_simem_size_0:
called_computation.1_lowered:
.L_overlay_start_0:
0x88: {  	s2 =	sld [smem:$0x3FD9]  }
0x89: {  	s3 =	sld [smem:$0x3FFE];
	_ =	sdelay $0x1  }
0x8a: {  	s1 =	srdreg.scid  }
0x8b: {  	s0 =	sand.u32 $0x1, s1  }
0x8c: {  	s17 =	sshll.u32 s0, $0xA;
	s2 =	sadd.s32 s3, s2  }
0x8d: {  	s2 =	sadd.s32 s2, s17  }
0x8e: {  	[smem:$0x3FBE] =	sst s2  }
0x8f: {  	_ = 	snop  }
0x90: {  	(tm) =	ssettm $0x1  }
0x91: {  	s18 =	sld [smem:$0x3FFB];
	_ =	sdelay $0x3  }
0x92: {  	_ =	strace s18  }
0x93: {  	s2 =	sld [smem:$0x3FFC];
	_ =	sdelay $0x3  }
0x94: {  	_ =	strace s2  }
0x95: {  	s2 =	sld [smem:$0x3FFD];
	_ =	sdelay $0x3  }
0x96: {  	_ =	strace s2  }
0x97: {  	_ =	strace $0x8FFFFFFF  }
0x98: {  	s19 =	sld [smem:$0x3FDB];
	_ =	sdelay $0x1  }
0x99: {  	s20 =	simm.s32 $_scs_section_size  }
0x9a: {  	s4 =	simm.s32 $_size__tile_overlayer_lowered;
	s5 =	simm.s32 $_tile_overlayer_lowered  }
0x9b: {  	s6 =	simm.s32 $0x1BFF;
	s21 =	sshll.u32 s5, $0x1;
	s3 =	sadd.s32 s20, s19  }
0x9c: {  	s22 =	simm.s32 $0x0;
	s4 =	sshll.u32 s4, $0x1;
	s5 =	sadd.s32 s21, s3  }
0x9d: {  	[timem:s22], [sflag:s6] =	dma.local [hbm:s5], s4  }
0x9e: {  	_ =	swait.ge [sflag:s6], s4  }
0x9f: {  	s4 =	ssub.s32 $0x0, s4;
	[sflag:s6] =	ssyncset.done $0x0  }
0xa0: {  	[sflag:s6] =	ssyncadd.s32 s4;
	_ =	sdelay $0x1  }
0xa1: {  	s23 =	simm.s32 $0x1B8B  }
0xa2: {  	_ =	swait.ge [sflag:s23], $0x1  }
0xa3: {  	[sflag:s23] =	ssyncset.done $0x0  }
0xa4: {  	[sflag:s23] =	ssyncadd.s32 $0xFFFFFFFF  }
0xa5: {  	s4 =	sld [smem:$0x0]  }
0xa6: {  	s5 =	sand.u32 $0xFFFFFFFE, s1  }
0xa7: {  	p0 =	sne.s32 s1, s5  }
0xa8: {  	s5 =	sshll.u32 @p0 s5, $0xE  }
0xa9: {  	s5 =	sadd.s32 @p0 $0x11B8D, s5;
	s6 =	sshll.u32 @p0 s4, $0x11  }
0xaa: {  	s5 =	sor.u32 @p0 s6, s5  }
0xab: {  	[sflag:s5] =	ssyncadd.remote.s32 @p0 $0x1;
	_ =	sdelay $0x1  }
0xac: {  	s5 =	simm.s32 @p0 $0x1B8D  }
0xad: {  	_ =	swait.eq @p0 [sflag:s5], $0x1  }
0xae: {  	[sflag:s5] =	ssyncadd.s32 @p0 $0xFFFFFFFF  }
0xaf: {  	s6 =	sshll.u32 @!p0 s1, $0xE  }
0xb0: {  	s6 =	sor.u32 @!p0 $0x4000, s6;
	s5 =	simm.s32 @!p0 $0x1B8D  }
0xb1: {  	s4 =	sshll.u32 @!p0 s4, $0x11;
	s6 =	sadd.s32 @!p0 $0x11B8D, s6;
	_ =	swait.eq @!p0 [sflag:s5], $0x1  }
0xb2: {  	s4 =	sor.u32 @!p0 s4, s6;
	[sflag:s5] =	ssyncadd.s32 @!p0 $0xFFFFFFFF  }
0xb3: {  	s25 =	simm.s32 $0x1B8E;
	s24 =	sld [smem:$0x3FFE];
	[sflag:s4] =	ssyncadd.remote.s32 @!p0 $0x1  }
0xb4: {  	s26 =	simm.s32 $execute0_lowered;
	[smem:$0x3FD2] =	sst s25  }
0xb5: {  	s5 =	sshll.u32 s26, $0x1;
	_ =	strace $0x80000049;
	[dreg:$0x1] =	wrdreg $0xFFFFFFFF  }
0xb6: {  	s28 =	simm.s32 $_size_execute0_lowered;
	s3 =	sadd.s32 s3, s5;
	[dreg:$0x0] =	wrdreg $0x0  }
0xb7: {  	s5 =	sshll.u32 s28, $0x1;
	[dreg:$0x2] =	wrdreg s3  }
0xb8: {  	[dreg:$0x3] =	wrdreg s5  }
0xb9: {  	[dreg:$0x4] =	wrdreg $0xC0  }
0xba: {  	_ =	task [dreg:s22], $0x5FFFF  }
0xbb: {  	[dreg:$0x1] =	wrdreg $0xFFFFFFFF  }
0xbc: {  	[dreg:$0x0] =	wrdreg $0x60  }
0xbd: {  	[dreg:$0x2] =	wrdreg s24  }
0xbe: {  	[dreg:$0x3] =	wrdreg $0xA  }
0xbf: {  	_ =	task.clear_ibuf [dreg:s22], $0x4FFFF;
	_ =	strace $0x90000049  }
0xc0: {  	s29 =	simm.s32 $0xA;
	_ =	strace $0x8000004B  }
0xc1: {  	_ =	swait.ge [sflag:s29], $0x1  }
0xc2: {  	[sflag:s29] =	ssyncadd.s32 $0xFFFFFFFF  }
0xc3: {  	_ =	strace $0x9000004B  }
0xc4: {  	_ =	sfence  }
0xc5: {  	s30 =	sld [smem:$0x0];
	_ =	sdelay $0x2  }
0xc6: {  	s31 =	sshll.u32 s1, $0xD;
	s1 =	sshrl.u32 s1, $0x2  }
0xc7: {  	s4 =	sand.u32 $0x4000, s31;
	s1 =	sadd.s32 s1, s30  }
0xc8: {  	s0 =	sor.u32 s4, s0;
	s1 =	sshll.u32 s1, $0x11  }
0xc9: {  	s0 =	sor.u32 s1, s0  }
0xca: {  	s0 =	sadd.s32 $0x8F2B, s0  }
0xcb: {  	[sflag:s0] =	ssyncadd.remote.s32 $0x1  }
0xcc: {  	_ =	sfence.sel $0xFFFF  }
0xcd: {  	[dreg:$0x0] =	wrdreg $0xFFFFFFFF;
	(pc) =	sbr.abs _section_cstart, $3  }
0xce: {  	[dreg:$0x1] =	wrdreg $0xFFFFFFFF  }
0xcf: {  	_ =	task.clear_ibuf [dreg:s22], $0x2FFFF;
	_ =	strace $0x9FFFFFFF  }
0xd0: {  	(tm) =	ssettm $0x7FFFFFFF  }
0xd1: {  	_ =	shalt  }
tec
execute0_lowered:
.L_overlay_start_1:
0x0: {  	(tag) =	ssettag $0x1  }
0x1: {  	s4 =	rddreg [dreg:$0x0]  }
0x2: {  	s0 =	rddreg [dreg:$0x1]  }
0x3: {  	s1 =	stileid.u32;
	s2 =	simm.s32 $0x0;
	s3 =	srdreg.scid  }
0x4: {  	s10 =	simm.s32 $0x1400;
	s11 =	simm.s32 $0x100;
	s12 =	simm.s32 $0x2400  }
0x5: {  	s13 =	simm.s32 $0x180;
	s14 =	simm.s32 $0x3400;
	s15 =	simm.s32 $0x200  }
0x6: {  	s16 =	simm.s32 $0x4400;
	s17 =	simm.s32 $0x280;
	s18 =	simm.s32 $0x5400  }
0x7: {  	s19 =	simm.s32 $0x300;
	s20 =	simm.s32 $0x6400;
	s21 =	simm.s32 $0x380  }
0x8: {  	s22 =	simm.s32 $0x7400;
	s23 =	simm.s32 $0x1;
	s5 =	smul.u32 $0x500, s1  }
0x9: {  	s24 =	simm.s32 $0x0;
	s6 =	smul.u32 $0xA000, s1;
	s7 =	sand.u32 $0x1, s3  }
0xa: {  	[smem:$0x7FF] =	sst s2;
	s3 =	sadd.s32 $0xF45800, s4;
	s8 =	smul.u32 $0x280, s7  }
0xb: {  	_ =	strace $0x8000004A;
	s9 =	ssub.s32 $0x2, s7;
	s7 =	smul.u32 $0x5000, s7  }
0xc: {  	s5 =	sadd.s32 s5, s4;
	s4 =	sadd.s32 s6, s4;
	s31 =	sshrl.u32 s9, $0x1  }
0xd: {  	s6 =	ssub.s32 s9, s31;
	s5 =	sadd.s32 s8, s5;
	s7 =	sadd.s32 s7, s4  }
0xe: {  	s8 =	simm.s32 $0x80;
	s9 =	simm.s32 $0x400;
	s4 =	smax.u32 s6, $0x1  }
0xf: {  	s5 =	sadd.s32 $0x648400, s5;
	s6 =	sadd.s32 $0xA3400, s7;
	s7 =	simm.s32 $0x2  }
.LBB2_1:
0x10: {  	s25 =	sadd.s32 $0x0, s5  }
0x11: {  	[tilespmem:s2], [sflag:$0x2] =	stream.linear.gather [hbm4b:s25+s2], $0x400, $0x38;
	[tilespmem:$0x8400] =	vst v63  }
0x12: {  	_ =	swait.ge [sflag:s7], $0x400  }
0x13: {  	[sflag:s7] =	ssyncset.done $0x0  }
0x14: {  	[sflag:s7] =	ssyncadd.s32 $0xFFFFFC00  }
0x15: {  	[tilespmem:s9], [sflag:$0x1] =	stream.indirect.gather [hbm4b:s3+s8], $0x20, s2, s8, $0xb8;
	[tilespmem:$0x8400] =	vst v63  }
0x16: {  	_ = 	snop  }
0x17: {  	[tilespmem:s10], [sflag:$0x1] =	stream.indirect.gather [hbm4b:s3+s8], $0x20, s8, s8, $0xb8;
	[tilespmem:$0x8400] =	vst v63  }
0x18: {  	_ = 	snop  }
0x19: {  	[tilespmem:s12], [sflag:$0x1] =	stream.indirect.gather [hbm4b:s3+s8], $0x20, s11, s8, $0xb8;
	[tilespmem:$0x8400] =	vst v63  }
0x1a: {  	_ = 	snop  }
0x1b: {  	[tilespmem:s14], [sflag:$0x1] =	stream.indirect.gather [hbm4b:s3+s8], $0x20, s13, s8, $0xb8;
	[tilespmem:$0x8400] =	vst v63  }
0x1c: {  	_ = 	snop  }
0x1d: {  	[tilespmem:s16], [sflag:$0x1] =	stream.indirect.gather [hbm4b:s3+s8], $0x20, s15, s8, $0xb8;
	[tilespmem:$0x8400] =	vst v63  }
0x1e: {  	_ = 	snop  }
0x1f: {  	[tilespmem:s18], [sflag:$0x1] =	stream.indirect.gather [hbm4b:s3+s8], $0x20, s17, s8, $0xb8;
	[tilespmem:$0x8400] =	vst v63  }
0x20: {  	_ = 	snop  }
0x21: {  	[tilespmem:s20], [sflag:$0x1] =	stream.indirect.gather [hbm4b:s3+s8], $0x20, s19, s8, $0xb8;
	[tilespmem:$0x8400] =	vst v63  }
0x22: {  	_ = 	snop  }
0x23: {  	[tilespmem:s22], [sflag:$0x1] =	stream.indirect.gather [hbm4b:s3+s8], $0x20, s21, s8, $0xb8;
	[tilespmem:$0x8400] =	vst v63  }
0x24: {  	_ =	swait.ge [sflag:s23], $0x1000  }
0x25: {  	[sflag:s23] =	ssyncset.done $0x0  }
0x26: {  	[sflag:s23] =	ssyncadd.s32 $0xFFFFF000  }
0x27: {  	_ =	swait.ge [sflag:s23], $0x1000  }
0x28: {  	[sflag:s23] =	ssyncset.done $0x0  }
0x29: {  	[sflag:s23] =	ssyncadd.s32 $0xFFFFF000  }
0x2a: {  	_ =	swait.ge [sflag:s23], $0x1000  }
0x2b: {  	[sflag:s23] =	ssyncset.done $0x0  }
0x2c: {  	[sflag:s23] =	ssyncadd.s32 $0xFFFFF000  }
0x2d: {  	_ =	swait.ge [sflag:s23], $0x1000  }
0x2e: {  	[sflag:s23] =	ssyncset.done $0x0  }
0x2f: {  	[sflag:s23] =	ssyncadd.s32 $0xFFFFF000  }
0x30: {  	_ =	swait.ge [sflag:s23], $0x1000  }
0x31: {  	[sflag:s23] =	ssyncset.done $0x0  }
0x32: {  	[sflag:s23] =	ssyncadd.s32 $0xFFFFF000  }
0x33: {  	_ =	swait.ge [sflag:s23], $0x1000  }
0x34: {  	[sflag:s23] =	ssyncset.done $0x0  }
0x35: {  	[sflag:s23] =	ssyncadd.s32 $0xFFFFF000  }
0x36: {  	_ =	swait.ge [sflag:s23], $0x1000  }
0x37: {  	[sflag:s23] =	ssyncset.done $0x0  }
0x38: {  	[sflag:s23] =	ssyncadd.s32 $0xFFFFF000  }
0x39: {  	_ =	swait.ge [sflag:s23], $0x1000  }
0x3a: {  	[sflag:s23] =	ssyncset.done $0x0  }
0x3b: {  	[sflag:s23] =	ssyncadd.s32 $0xFFFFF000  }
0x3c: {  	[hbm4b:s6+s2] =	stream.linear.scatter [tilespmem:s9], [sflag:$0x2], $0x8000, $0x38;
	[tilespmem:$0x8400] =	vst v63  }
0x3d: {  	s26 =	simm.s32 $0x80;
	_ =	swait.ge [sflag:s7], $0x8000  }
0x3e: {  	s29 =	simm.s32 $0x100;
	s25 =	sadd.s32 $0x1000, s6;
	[sflag:s7] =	ssyncset.done $0x0  }
.LBB2_2:
0x3f: {  	s30 =	sadd.s32 s26, s5  }
0x40: {  	[sflag:s7] =	ssyncadd.s32 $0xFFFF8000;
	s26 =	smov.u32 s29;
	s28 =	sadd.s32 $0x80, s29  }
0x41: {  	[tilespmem:s2], [sflag:$0x2] =	stream.linear.gather [hbm4b:s30+s2], $0x400, $0x38;
	[tilespmem:$0x8400] =	vst v63  }
0x42: {  	p0 =	sne.s32 s29, $0x200;
	_ =	swait.ge [sflag:s7], $0x400  }
0x43: {  	[sflag:s7] =	ssyncset.done $0x0  }
0x44: {  	[sflag:s7] =	ssyncadd.s32 $0xFFFFFC00  }
0x45: {  	[tilespmem:s9], [sflag:$0x1] =	stream.indirect.gather [hbm4b:s3+s8], $0x20, s2, s8, $0xb8;
	[tilespmem:$0x8400] =	vst v63  }
0x46: {  	_ = 	snop  }
0x47: {  	[tilespmem:s10], [sflag:$0x1] =	stream.indirect.gather [hbm4b:s3+s8], $0x20, s8, s8, $0xb8;
	[tilespmem:$0x8400] =	vst v63  }
0x48: {  	_ = 	snop  }
0x49: {  	[tilespmem:s12], [sflag:$0x1] =	stream.indirect.gather [hbm4b:s3+s8], $0x20, s11, s8, $0xb8;
	[tilespmem:$0x8400] =	vst v63  }
0x4a: {  	_ = 	snop  }
0x4b: {  	[tilespmem:s14], [sflag:$0x1] =	stream.indirect.gather [hbm4b:s3+s8], $0x20, s13, s8, $0xb8;
	[tilespmem:$0x8400] =	vst v63  }
0x4c: {  	_ = 	snop  }
0x4d: {  	[tilespmem:s16], [sflag:$0x1] =	stream.indirect.gather [hbm4b:s3+s8], $0x20, s15, s8, $0xb8;
	[tilespmem:$0x8400] =	vst v63  }
0x4e: {  	_ = 	snop  }
0x4f: {  	[tilespmem:s18], [sflag:$0x1] =	stream.indirect.gather [hbm4b:s3+s8], $0x20, s17, s8, $0xb8;
	[tilespmem:$0x8400] =	vst v63  }
0x50: {  	_ = 	snop  }
0x51: {  	[tilespmem:s20], [sflag:$0x1] =	stream.indirect.gather [hbm4b:s3+s8], $0x20, s19, s8, $0xb8;
	[tilespmem:$0x8400] =	vst v63  }
0x52: {  	_ = 	snop  }
0x53: {  	[tilespmem:s22], [sflag:$0x1] =	stream.indirect.gather [hbm4b:s3+s8], $0x20, s21, s8, $0xb8;
	[tilespmem:$0x8400] =	vst v63  }
0x54: {  	_ =	swait.ge [sflag:s23], $0x1000  }
0x55: {  	[sflag:s23] =	ssyncset.done $0x0  }
0x56: {  	[sflag:s23] =	ssyncadd.s32 $0xFFFFF000  }
0x57: {  	_ =	swait.ge [sflag:s23], $0x1000  }
0x58: {  	[sflag:s23] =	ssyncset.done $0x0  }
0x59: {  	[sflag:s23] =	ssyncadd.s32 $0xFFFFF000  }
0x5a: {  	_ =	swait.ge [sflag:s23], $0x1000  }
0x5b: {  	[sflag:s23] =	ssyncset.done $0x0  }
0x5c: {  	[sflag:s23] =	ssyncadd.s32 $0xFFFFF000  }
0x5d: {  	_ =	swait.ge [sflag:s23], $0x1000  }
0x5e: {  	[sflag:s23] =	ssyncset.done $0x0  }
0x5f: {  	[sflag:s23] =	ssyncadd.s32 $0xFFFFF000  }
0x60: {  	_ =	swait.ge [sflag:s23], $0x1000  }
0x61: {  	[sflag:s23] =	ssyncset.done $0x0  }
0x62: {  	[sflag:s23] =	ssyncadd.s32 $0xFFFFF000  }
0x63: {  	_ =	swait.ge [sflag:s23], $0x1000  }
0x64: {  	[sflag:s23] =	ssyncset.done $0x0  }
0x65: {  	[sflag:s23] =	ssyncadd.s32 $0xFFFFF000  }
0x66: {  	_ =	swait.ge [sflag:s23], $0x1000  }
0x67: {  	[sflag:s23] =	ssyncset.done $0x0  }
0x68: {  	[sflag:s23] =	ssyncadd.s32 $0xFFFFF000  }
0x69: {  	_ =	swait.ge [sflag:s23], $0x1000  }
.Ltmp0:
0x6a: {  	[sflag:s23] =	ssyncset.done $0x0;
	(pc) =	sbr.rel @p0 .LBB2_2-.Ltmp0, $4  }
0x6b: {  	[sflag:s23] =	ssyncadd.s32 $0xFFFFF000  }
0x6c: {  	[hbm4b:s25+s2] =	stream.linear.scatter [tilespmem:s9], [sflag:$0x2], $0x8000, $0x38;
	[tilespmem:$0x8400] =	vst v63  }
0x6d: {  	_ =	swait.ge [sflag:s7], $0x8000  }
0x6e: {  	s29 =	smov.u32 s28;
	s25 =	sadd.s32 $0x1000, s25;
	[sflag:s7] =	ssyncset.done $0x0  }
0x6f: {  	s26 =	sadd.s32 s26, s5;
	[sflag:s7] =	ssyncadd.s32 $0xFFFF8000  }
0x70: {  	[tilespmem:s2], [sflag:$0x2] =	stream.linear.gather [hbm4b:s26+s2], $0x400, $0x38;
	[tilespmem:$0x8400] =	vst v63  }
0x71: {  	_ =	swait.ge [sflag:s7], $0x400  }
0x72: {  	[sflag:s7] =	ssyncset.done $0x0  }
0x73: {  	[sflag:s7] =	ssyncadd.s32 $0xFFFFFC00  }
0x74: {  	[tilespmem:s9], [sflag:$0x1] =	stream.indirect.gather [hbm4b:s3+s8], $0x20, s2, s8, $0xb8;
	[tilespmem:$0x8400] =	vst v63  }
0x75: {  	_ = 	snop  }
0x76: {  	[tilespmem:s10], [sflag:$0x1] =	stream.indirect.gather [hbm4b:s3+s8], $0x20, s8, s8, $0xb8;
	[tilespmem:$0x8400] =	vst v63  }
0x77: {  	_ = 	snop  }
0x78: {  	[tilespmem:s12], [sflag:$0x1] =	stream.indirect.gather [hbm4b:s3+s8], $0x20, s11, s8, $0xb8;
	[tilespmem:$0x8400] =	vst v63  }
0x79: {  	_ = 	snop  }
0x7a: {  	[tilespmem:s14], [sflag:$0x1] =	stream.indirect.gather [hbm4b:s3+s8], $0x20, s13, s8, $0xb8;
	[tilespmem:$0x8400] =	vst v63  }
0x7b: {  	_ = 	snop  }
0x7c: {  	[tilespmem:s16], [sflag:$0x1] =	stream.indirect.gather [hbm4b:s3+s8], $0x20, s15, s8, $0xb8;
	[tilespmem:$0x8400] =	vst v63  }
0x7d: {  	_ = 	snop  }
0x7e: {  	[tilespmem:s18], [sflag:$0x1] =	stream.indirect.gather [hbm4b:s3+s8], $0x20, s17, s8, $0xb8;
	[tilespmem:$0x8400] =	vst v63  }
0x7f: {  	_ = 	snop  }
0x80: {  	[tilespmem:s20], [sflag:$0x1] =	stream.indirect.gather [hbm4b:s3+s8], $0x20, s19, s8, $0xb8;
	[tilespmem:$0x8400] =	vst v63  }
0x81: {  	_ = 	snop  }
0x82: {  	[tilespmem:s22], [sflag:$0x1] =	stream.indirect.gather [hbm4b:s3+s8], $0x20, s21, s8, $0xb8;
	[tilespmem:$0x8400] =	vst v63  }
0x83: {  	_ =	swait.ge [sflag:s23], $0x1000  }
0x84: {  	[sflag:s23] =	ssyncset.done $0x0  }
0x85: {  	[sflag:s23] =	ssyncadd.s32 $0xFFFFF000  }
0x86: {  	_ =	swait.ge [sflag:s23], $0x1000  }
0x87: {  	[sflag:s23] =	ssyncset.done $0x0  }
0x88: {  	[sflag:s23] =	ssyncadd.s32 $0xFFFFF000  }
0x89: {  	_ =	swait.ge [sflag:s23], $0x1000  }
0x8a: {  	[sflag:s23] =	ssyncset.done $0x0  }
0x8b: {  	[sflag:s23] =	ssyncadd.s32 $0xFFFFF000  }
0x8c: {  	_ =	swait.ge [sflag:s23], $0x1000  }
0x8d: {  	[sflag:s23] =	ssyncset.done $0x0  }
0x8e: {  	[sflag:s23] =	ssyncadd.s32 $0xFFFFF000  }
0x8f: {  	_ =	swait.ge [sflag:s23], $0x1000  }
0x90: {  	[sflag:s23] =	ssyncset.done $0x0  }
0x91: {  	[sflag:s23] =	ssyncadd.s32 $0xFFFFF000  }
0x92: {  	_ =	swait.ge [sflag:s23], $0x1000  }
0x93: {  	[sflag:s23] =	ssyncset.done $0x0  }
0x94: {  	[sflag:s23] =	ssyncadd.s32 $0xFFFFF000  }
0x95: {  	_ =	swait.ge [sflag:s23], $0x1000  }
0x96: {  	[sflag:s23] =	ssyncset.done $0x0  }
0x97: {  	[sflag:s23] =	ssyncadd.s32 $0xFFFFF000  }
0x98: {  	s24 =	sadd.s32 $0x1, s24;
	_ =	swait.ge [sflag:s23], $0x1000  }
0x99: {  	p0 =	sne.s32 s24, s4;
	[sflag:s23] =	ssyncset.done $0x0  }
.Ltmp1:
0x9a: {  	[sflag:s23] =	ssyncadd.s32 $0xFFFFF000;
	(pc) =	sbr.rel @p0 .LBB2_1-.Ltmp1, $4  }
0x9b: {  	[hbm4b:s25+s2] =	stream.linear.scatter [tilespmem:s9], [sflag:$0x2], $0x8000, $0x38;
	[tilespmem:$0x8400] =	vst v63  }
0x9c: {  	_ =	swait.ge [sflag:s7], $0x8000  }
0x9d: {  	[sflag:s7] =	ssyncset.done $0x0  }
0x9e: {  	[sflag:s7] =	ssyncadd.s32 $0xFFFF8000  }
0x9f: {  	_ =	sfence.sel $0x180000  }
0xa0: {  	[bflag:$0x0] =	sbarrier.arrive $0xFFFF  }
0xa1: {  	p0 =	sne.s32 s1, $0x0;
	_ =	strace $0x9000004A  }
0xa2: {  	s0 =	sadd.s32 @!p0 $0x100000, s0;
	[bflag:$0x2] =	sbarrier.arrive $0xFFFF  }
0xa3: {  	[sflag:s0] =	ssyncadd.tile.s32 @!p0 $0x1;
	_ =	shalt  }
.Lfunc_end2:
_tile_overlayer_lowered:
.L_overlay_start_2:
0xa4: {  	(tag) =	ssettag $0x2  }
0xa5: {  	s0 =	rddreg [dreg:$0x0];
	s2 =	stileid.u32  }
0xa6: {  	s1 =	rddreg [dreg:$0x1];
	p0 =	sne.s32 s2, $0x0  }
0xa7: {  	s3 =	rddreg [dreg:$0x2];
	[bflag:$0x3] =	sbarrier.arrive $0xFFFF;
	s2 =	simm.s32 @!p0 $0x1C02  }
0xa8: {  	[timem:s3], [sflag:s2] =	dma.local @!p0 [hbm:s0], s1  }
0xa9: {  	s0 =	simm.s32 @!p0 $0x2  }
0xaa: {  	_ =	swait.ge @!p0 [sflag:s0], s1  }
0xab: {  	s1 =	ssub.s32 @!p0 $0x0, s1;
	[sflag:s0] =	ssyncset.done @!p0 $0x0  }
0xac: {  	[sflag:s0] =	ssyncadd.s32 @!p0 s1  }
0xad: {  	[bflag:$0x3] =	sbarrier.arrive $0xFFFF  }
0xae: {  	_ =	shalt  }

// kernel: kernel.19.cloned.1.call-start
scs
__scs_entry_jumppad:
0x0: {  	(pc) =	sbr.rel $0x88, $3  }
0x1: {  	(tag) =	ssettag $0x0;
	lr =	simm.s32 $0x1  }
0x2: {  	[smem:$0x3F97] =	sst lr;
	_ =	strace $0xD0000000  }
0x3: {  	_ = 	snop  }
0x4: {  	_ = 	snop  }
0x5: {  	_ = 	snop  }
0x6: {  	_ = 	snop  }
0x7: {  	_ = 	snop  }
__scs_overlays_trampoline_lowered:
0x8: {  	[smem:$0x3FA6] =	sst s0  }
0x9: {  	[smem:$0x3FA7] =	sst s1  }
0xa: {  	[smem:$0x3FA8] =	sst s2  }
0xb: {  	[smem:$0x3FA9] =	sst s3  }
0xc: {  	[smem:$0x3FAA] =	sst s4  }
0xd: {  	[smem:$0x3FAB] =	sst s5  }
0xe: {  	[smem:$0x3FAC] =	sst s6  }
0xf: {  	[smem:$0x3FAD] =	sst s7  }
0x10: {  	[smem:$0x3FAE] =	sst s8  }
0x11: {  	[smem:$0x3FAF] =	sst s9;
	s0 =	simm.s32 @!p0 $0x0  }
0x12: {  	s1 =	sld [smem:$0x3F95];
	s0 =	simm.s32 @p0 $0x1  }
0x13: {  	[smem:$0x3FB0] =	sst s0;
	s0 =	simm.s32 @!p1 $0x0  }
0x14: {  	s2 =	sld [smem:$0x3F94];
	s0 =	simm.s32 @p1 $0x1  }
0x15: {  	[smem:$0x3FB1] =	sst s0;
	s0 =	simm.s32 @!p2 $0x0  }
0x16: {  	s3 =	sld [smem:$0x3FDB];
	s0 =	simm.s32 @p2 $0x1  }
0x17: {  	s4 =	simm.s32 $0x1BF5;
	[smem:$0x3FB3] =	sst s0  }
0x18: {  	s0 =	sld [smem:$0x3F96];
	_ =	swait.ge [sflag:s4], $0x0  }
0x19: {  	s7 =	sld [smem:$0x3F97]  }
0x1a: {  	s8 =	sadd.s32 $0xFFFFE003, lr  }
0x1b: {  	s9 =	sadd.s32 $0xFFFFFEF7, lr;
	s5 =	simm.s32 $0xFFFFFFFF;
	p2 =	slt.u32 s8, $0xFFFFF086  }
0x1c: {  	p1 =	slt.u32 s9, $0xF7A;
	s5 =	simm.s32 @!p2 $0x0  }
0x1d: {  	s5 =	simm.s32 @p1 $0x1;
	p0 =	seq.s32 s7, s2  }
0x1e: {  	s7 =	smul.u32 @!p0 $0xF7A, s2;
	p2 =	seq.s32 @!p0 s5, $0x0  }
0x1f: {  	s9 =	smul.u32 $0xF7A, s1;
	s8 =	simm.s32 @!p0 $0x1BF5;
	p2 =	por !p2, p0  }
0x20: {  	[sflag:s8] =	ssyncset.s32 @!p0 $0xFFFFF086;
	s6 =	sadd.s32 @!p0 s3, s7;
	s7 =	simm.s32 @!p0 $0x108  }
0x21: {  	s3 =	sadd.s32 s3, s9;
	s6 =	sadd.s32 @!p0 $0x88, s6;
	s7 =	simm.s32 @p2 $0x1082  }
0x22: {  	[simem:s7], [sflag:s8] =	dma.local @!p0 [hbm:s6], $0xF7A  }
0x23: {  	s9 =	sor.u32 $0xD0000000, s2;
	s6 =	simm.s32 $0x108;
	_ =	swait.ge @!p0 [sflag:s8], $0x0  }
0x24: {  	s3 =	sadd.s32 $0x88, s3;
	s6 =	simm.s32 @!p1 $0x1082;
	[sflag:s4] =	ssyncset.s32 $0xFFFFF086  }
0x25: {  	[simem:s6], [sflag:s4] =	dma.local [hbm:s3], $0xF7A  }
0x26: {  	[smem:$0x3F97] =	sst s1;
	(tag) =	ssettag s2;
	_ =	strace s9  }
0x27: {  	s1 =	sld [smem:$0x3FA7]  }
0x28: {  	s2 =	sld [smem:$0x3FA8]  }
0x29: {  	s4 =	sld [smem:$0x3FAA]  }
0x2a: {  	p0 =	seq.s32 s5, $0x0;
	s5 =	sld [smem:$0x3FAB]  }
0x2b: {  	s6 =	sld [smem:$0x3FAC]  }
0x2c: {  	s7 =	sld [smem:$0x3FAD]  }
0x2d: {  	s3 =	simm.s32 $0x108;
	s8 =	sld [smem:$0x3FAE]  }
0x2e: {  	s3 =	simm.s32 @!p0 $0x1082;
	s9 =	sld [smem:$0x3FAF]  }
0x2f: {  	lr =	sadd.s32 s0, s3;
	s0 =	sld [smem:$0x3FA6]  }
0x30: {  	s3 =	sld [smem:$0x3FA9]  }
0x31: {  	[smem:$0x3FB2] =	sst s10  }
0x32: {  	s10 =	sld [smem:$0x3FB0];
	_ =	sdelay $0x3  }
0x33: {  	p0 =	seq.s32 s10, $0x1;
	s10 =	sld [smem:$0x3FB2];
	_ =	sdelay $0x3  }
0x34: {  	[smem:$0x3FB2] =	sst s10  }
0x35: {  	s10 =	sld [smem:$0x3FB1];
	_ =	sdelay $0x3  }
0x36: {  	p1 =	seq.s32 s10, $0x1;
	s10 =	sld [smem:$0x3FB2];
	_ =	sdelay $0x3  }
0x37: {  	[smem:$0x3FB2] =	sst s10  }
0x38: {  	s10 =	sld [smem:$0x3FB3]  }
0x39: {  	_ = 	snop;
	(pc) =	sbr.ind lr, $3  }
0x3a: {  	_ = 	snop  }
0x3b: {  	_ = 	snop  }
0x3c: {  	p2 =	seq.s32 s10, $0x1;
	s10 =	sld [smem:$0x3FB2]  }
0x3d: {  	_ =	shalt  }
0x3e: {  	_ =	shalt  }
0x3f: {  	_ =	shalt  }
0x40: {  	_ =	shalt  }
0x41: {  	_ =	shalt  }
0x42: {  	_ =	shalt  }
0x43: {  	_ =	shalt  }
0x44: {  	_ =	shalt  }
0x45: {  	_ =	shalt  }
0x46: {  	_ =	shalt  }
0x47: {  	_ =	shalt  }
0x48: {  	_ =	shalt  }
0x49: {  	_ =	shalt  }
0x4a: {  	_ =	shalt  }
0x4b: {  	_ =	shalt  }
0x4c: {  	_ =	shalt  }
0x4d: {  	_ =	shalt  }
0x4e: {  	_ =	shalt  }
0x4f: {  	_ =	shalt  }
0x50: {  	_ =	shalt  }
0x51: {  	_ =	shalt  }
0x52: {  	_ =	shalt  }
0x53: {  	_ =	shalt  }
0x54: {  	_ =	shalt  }
0x55: {  	_ =	shalt  }
0x56: {  	_ =	shalt  }
0x57: {  	_ =	shalt  }
0x58: {  	_ =	shalt  }
0x59: {  	_ =	shalt  }
0x5a: {  	_ =	shalt  }
0x5b: {  	_ =	shalt  }
0x5c: {  	_ =	shalt  }
0x5d: {  	_ =	shalt  }
0x5e: {  	_ =	shalt  }
0x5f: {  	_ =	shalt  }
0x60: {  	_ =	shalt  }
0x61: {  	_ =	shalt  }
0x62: {  	_ =	shalt  }
0x63: {  	_ =	shalt  }
0x64: {  	_ =	shalt  }
0x65: {  	_ =	shalt  }
0x66: {  	_ =	shalt  }
0x67: {  	_ =	shalt  }
0x68: {  	_ =	shalt  }
0x69: {  	_ =	shalt  }
0x6a: {  	_ =	shalt  }
0x6b: {  	_ =	shalt  }
0x6c: {  	_ =	shalt  }
0x6d: {  	_ =	shalt  }
0x6e: {  	_ =	shalt  }
0x6f: {  	_ =	shalt  }
0x70: {  	_ =	shalt  }
0x71: {  	_ =	shalt  }
0x72: {  	_ =	shalt  }
0x73: {  	_ =	shalt  }
0x74: {  	_ =	shalt  }
0x75: {  	_ =	shalt  }
0x76: {  	_ =	shalt  }
0x77: {  	_ =	shalt  }
0x78: {  	_ =	shalt  }
0x79: {  	_ =	shalt  }
0x7a: {  	_ =	shalt  }
0x7b: {  	_ =	shalt  }
0x7c: {  	_ =	shalt  }
0x7d: {  	_ =	shalt  }
0x7e: {  	_ =	shalt  }
0x7f: {  	_ =	shalt  }
0x80: {  	_ =	shalt  }
0x81: {  	_ =	shalt  }
0x82: {  	_ =	shalt  }
0x83: {  	_ =	shalt  }
0x84: {  	_ =	shalt  }
0x85: {  	_ =	shalt  }
0x86: {  	_ =	shalt  }
0x87: {  	_ =	shalt  }
.Lfunc_end0:
.L_simem_size_0:
called_computation.2_lowered:
.L_overlay_start_0:
0x88: {  	s2 =	sld [smem:$0x3FD9]  }
0x89: {  	s3 =	sld [smem:$0x3FFE];
	_ =	sdelay $0x1  }
0x8a: {  	s1 =	srdreg.scid  }
0x8b: {  	s0 =	sand.u32 $0x1, s1  }
0x8c: {  	s17 =	sshll.u32 s0, $0xA;
	s2 =	sadd.s32 s3, s2  }
0x8d: {  	s2 =	sadd.s32 s2, s17  }
0x8e: {  	[smem:$0x3FBE] =	sst s2  }
0x8f: {  	_ = 	snop  }
0x90: {  	(tm) =	ssettm $0x1  }
0x91: {  	s18 =	sld [smem:$0x3FFB];
	_ =	sdelay $0x3  }
0x92: {  	_ =	strace s18  }
0x93: {  	s2 =	sld [smem:$0x3FFC];
	_ =	sdelay $0x3  }
0x94: {  	_ =	strace s2  }
0x95: {  	s2 =	sld [smem:$0x3FFD];
	_ =	sdelay $0x3  }
0x96: {  	_ =	strace s2  }
0x97: {  	_ =	strace $0x8FFFFFFF  }
0x98: {  	s19 =	sld [smem:$0x3FDB];
	_ =	sdelay $0x1  }
0x99: {  	s20 =	simm.s32 $_scs_section_size  }
0x9a: {  	s4 =	simm.s32 $_size__tile_overlayer_lowered;
	s5 =	simm.s32 $_tile_overlayer_lowered  }
0x9b: {  	s6 =	simm.s32 $0x1BFF;
	s21 =	sshll.u32 s5, $0x1;
	s3 =	sadd.s32 s20, s19  }
0x9c: {  	s22 =	simm.s32 $0x0;
	s4 =	sshll.u32 s4, $0x1;
	s5 =	sadd.s32 s21, s3  }
0x9d: {  	[timem:s22], [sflag:s6] =	dma.local [hbm:s5], s4  }
0x9e: {  	_ =	swait.ge [sflag:s6], s4  }
0x9f: {  	s4 =	ssub.s32 $0x0, s4;
	[sflag:s6] =	ssyncset.done $0x0  }
0xa0: {  	[sflag:s6] =	ssyncadd.s32 s4;
	_ =	sdelay $0x1  }
0xa1: {  	s23 =	simm.s32 $0x1B8B  }
0xa2: {  	_ =	swait.ge [sflag:s23], $0x1  }
0xa3: {  	[sflag:s23] =	ssyncset.done $0x0  }
0xa4: {  	[sflag:s23] =	ssyncadd.s32 $0xFFFFFFFF  }
0xa5: {  	s4 =	sld [smem:$0x0]  }
0xa6: {  	s5 =	sand.u32 $0xFFFFFFFE, s1  }
0xa7: {  	p0 =	sne.s32 s1, s5  }
0xa8: {  	s5 =	sshll.u32 @p0 s5, $0xE  }
0xa9: {  	s5 =	sadd.s32 @p0 $0x11B8D, s5;
	s6 =	sshll.u32 @p0 s4, $0x11  }
0xaa: {  	s5 =	sor.u32 @p0 s6, s5  }
0xab: {  	[sflag:s5] =	ssyncadd.remote.s32 @p0 $0x1;
	_ =	sdelay $0x1  }
0xac: {  	s5 =	simm.s32 @p0 $0x1B8D  }
0xad: {  	_ =	swait.eq @p0 [sflag:s5], $0x1  }
0xae: {  	[sflag:s5] =	ssyncadd.s32 @p0 $0xFFFFFFFF  }
0xaf: {  	s6 =	sshll.u32 @!p0 s1, $0xE  }
0xb0: {  	s6 =	sor.u32 @!p0 $0x4000, s6;
	s5 =	simm.s32 @!p0 $0x1B8D  }
0xb1: {  	s4 =	sshll.u32 @!p0 s4, $0x11;
	s6 =	sadd.s32 @!p0 $0x11B8D, s6;
	_ =	swait.eq @!p0 [sflag:s5], $0x1  }
0xb2: {  	s4 =	sor.u32 @!p0 s4, s6;
	[sflag:s5] =	ssyncadd.s32 @!p0 $0xFFFFFFFF  }
0xb3: {  	s25 =	simm.s32 $0x1B8E;
	s24 =	sld [smem:$0x3FFE];
	[sflag:s4] =	ssyncadd.remote.s32 @!p0 $0x1  }
0xb4: {  	s26 =	simm.s32 $execute0_lowered;
	[smem:$0x3FD2] =	sst s25  }
0xb5: {  	s5 =	sshll.u32 s26, $0x1;
	_ =	strace $0x8000004C;
	[dreg:$0x1] =	wrdreg $0xFFFFFFFF  }
0xb6: {  	s28 =	simm.s32 $_size_execute0_lowered;
	s3 =	sadd.s32 s3, s5;
	[dreg:$0x0] =	wrdreg $0x0  }
0xb7: {  	s5 =	sshll.u32 s28, $0x1;
	[dreg:$0x2] =	wrdreg s3  }
0xb8: {  	[dreg:$0x3] =	wrdreg s5  }
0xb9: {  	[dreg:$0x4] =	wrdreg $0xC0  }
0xba: {  	_ =	task [dreg:s22], $0x5FFFF  }
0xbb: {  	[dreg:$0x1] =	wrdreg $0xFFFFFFFF  }
0xbc: {  	[dreg:$0x0] =	wrdreg $0x60  }
0xbd: {  	[dreg:$0x2] =	wrdreg s24  }
0xbe: {  	[dreg:$0x3] =	wrdreg $0xB  }
0xbf: {  	_ =	task.clear_ibuf [dreg:s22], $0x4FFFF;
	_ =	strace $0x9000004C  }
0xc0: {  	s29 =	simm.s32 $0xB;
	_ =	strace $0x8000004E  }
0xc1: {  	_ =	swait.ge [sflag:s29], $0x1  }
0xc2: {  	[sflag:s29] =	ssyncadd.s32 $0xFFFFFFFF  }
0xc3: {  	_ =	strace $0x9000004E  }
0xc4: {  	_ =	sfence  }
0xc5: {  	s30 =	sld [smem:$0x0];
	_ =	sdelay $0x2  }
0xc6: {  	s31 =	sshll.u32 s1, $0xD;
	s1 =	sshrl.u32 s1, $0x2  }
0xc7: {  	s4 =	sand.u32 $0x4000, s31;
	s1 =	sadd.s32 s1, s30  }
0xc8: {  	s0 =	sor.u32 s4, s0;
	s1 =	sshll.u32 s1, $0x11  }
0xc9: {  	s0 =	sor.u32 s1, s0  }
0xca: {  	s0 =	sadd.s32 $0x8F2B, s0  }
0xcb: {  	[sflag:s0] =	ssyncadd.remote.s32 $0x1  }
0xcc: {  	_ =	sfence.sel $0xFFFF  }
0xcd: {  	[dreg:$0x0] =	wrdreg $0xFFFFFFFF;
	(pc) =	sbr.abs _section_cstart, $3  }
0xce: {  	[dreg:$0x1] =	wrdreg $0xFFFFFFFF  }
0xcf: {  	_ =	task.clear_ibuf [dreg:s22], $0x2FFFF;
	_ =	strace $0x9FFFFFFF  }
0xd0: {  	(tm) =	ssettm $0x7FFFFFFF  }
0xd1: {  	_ =	shalt  }
tec
execute0_lowered:
.L_overlay_start_1:
0x0: {  	(tag) =	ssettag $0x1  }
0x1: {  	s4 =	rddreg [dreg:$0x0]  }
0x2: {  	s0 =	rddreg [dreg:$0x1]  }
0x3: {  	s1 =	stileid.u32;
	s2 =	simm.s32 $0x0;
	s3 =	srdreg.scid  }
0x4: {  	s10 =	simm.s32 $0x1400;
	s11 =	simm.s32 $0x100;
	s12 =	simm.s32 $0x2400  }
0x5: {  	s13 =	simm.s32 $0x180;
	s14 =	simm.s32 $0x3400;
	s15 =	simm.s32 $0x200  }
0x6: {  	s16 =	simm.s32 $0x4400;
	s17 =	simm.s32 $0x280;
	s18 =	simm.s32 $0x5400  }
0x7: {  	s19 =	simm.s32 $0x300;
	s20 =	simm.s32 $0x6400;
	s21 =	simm.s32 $0x380  }
0x8: {  	s22 =	simm.s32 $0x7400;
	s23 =	simm.s32 $0x1;
	s5 =	smul.u32 $0x500, s1  }
0x9: {  	s24 =	simm.s32 $0x0;
	s6 =	smul.u32 $0xA000, s1;
	s7 =	sand.u32 $0x1, s3  }
0xa: {  	[smem:$0x7FF] =	sst s2;
	s3 =	sadd.s32 $0xF45800, s4;
	s8 =	smul.u32 $0x280, s7  }
0xb: {  	_ =	strace $0x8000004D;
	s9 =	ssub.s32 $0x2, s7;
	s7 =	smul.u32 $0x5000, s7  }
0xc: {  	s5 =	sadd.s32 s5, s4;
	s4 =	sadd.s32 s6, s4;
	s31 =	sshrl.u32 s9, $0x1  }
0xd: {  	s6 =	ssub.s32 s9, s31;
	s5 =	sadd.s32 s8, s5;
	s7 =	sadd.s32 s7, s4  }
0xe: {  	s8 =	simm.s32 $0x80;
	s9 =	simm.s32 $0x400;
	s4 =	smax.u32 s6, $0x1  }
0xf: {  	s5 =	sadd.s32 $0x64D400, s5;
	s6 =	sadd.s32 $0x143400, s7;
	s7 =	simm.s32 $0x2  }
.LBB2_1:
0x10: {  	s25 =	sadd.s32 $0x0, s5  }
0x11: {  	[tilespmem:s2], [sflag:$0x2] =	stream.linear.gather [hbm4b:s25+s2], $0x400, $0x38;
	[tilespmem:$0x8400] =	vst v63  }
0x12: {  	_ =	swait.ge [sflag:s7], $0x400  }
0x13: {  	[sflag:s7] =	ssyncset.done $0x0  }
0x14: {  	[sflag:s7] =	ssyncadd.s32 $0xFFFFFC00  }
0x15: {  	[tilespmem:s9], [sflag:$0x1] =	stream.indirect.gather [hbm4b:s3+s8], $0x20, s2, s8, $0xb8;
	[tilespmem:$0x8400] =	vst v63  }
0x16: {  	_ = 	snop  }
0x17: {  	[tilespmem:s10], [sflag:$0x1] =	stream.indirect.gather [hbm4b:s3+s8], $0x20, s8, s8, $0xb8;
	[tilespmem:$0x8400] =	vst v63  }
0x18: {  	_ = 	snop  }
0x19: {  	[tilespmem:s12], [sflag:$0x1] =	stream.indirect.gather [hbm4b:s3+s8], $0x20, s11, s8, $0xb8;
	[tilespmem:$0x8400] =	vst v63  }
0x1a: {  	_ = 	snop  }
0x1b: {  	[tilespmem:s14], [sflag:$0x1] =	stream.indirect.gather [hbm4b:s3+s8], $0x20, s13, s8, $0xb8;
	[tilespmem:$0x8400] =	vst v63  }
0x1c: {  	_ = 	snop  }
0x1d: {  	[tilespmem:s16], [sflag:$0x1] =	stream.indirect.gather [hbm4b:s3+s8], $0x20, s15, s8, $0xb8;
	[tilespmem:$0x8400] =	vst v63  }
0x1e: {  	_ = 	snop  }
0x1f: {  	[tilespmem:s18], [sflag:$0x1] =	stream.indirect.gather [hbm4b:s3+s8], $0x20, s17, s8, $0xb8;
	[tilespmem:$0x8400] =	vst v63  }
0x20: {  	_ = 	snop  }
0x21: {  	[tilespmem:s20], [sflag:$0x1] =	stream.indirect.gather [hbm4b:s3+s8], $0x20, s19, s8, $0xb8;
	[tilespmem:$0x8400] =	vst v63  }
0x22: {  	_ = 	snop  }
0x23: {  	[tilespmem:s22], [sflag:$0x1] =	stream.indirect.gather [hbm4b:s3+s8], $0x20, s21, s8, $0xb8;
	[tilespmem:$0x8400] =	vst v63  }
0x24: {  	_ =	swait.ge [sflag:s23], $0x1000  }
0x25: {  	[sflag:s23] =	ssyncset.done $0x0  }
0x26: {  	[sflag:s23] =	ssyncadd.s32 $0xFFFFF000  }
0x27: {  	_ =	swait.ge [sflag:s23], $0x1000  }
0x28: {  	[sflag:s23] =	ssyncset.done $0x0  }
0x29: {  	[sflag:s23] =	ssyncadd.s32 $0xFFFFF000  }
0x2a: {  	_ =	swait.ge [sflag:s23], $0x1000  }
0x2b: {  	[sflag:s23] =	ssyncset.done $0x0  }
0x2c: {  	[sflag:s23] =	ssyncadd.s32 $0xFFFFF000  }
0x2d: {  	_ =	swait.ge [sflag:s23], $0x1000  }
0x2e: {  	[sflag:s23] =	ssyncset.done $0x0  }
0x2f: {  	[sflag:s23] =	ssyncadd.s32 $0xFFFFF000  }
0x30: {  	_ =	swait.ge [sflag:s23], $0x1000  }
0x31: {  	[sflag:s23] =	ssyncset.done $0x0  }
0x32: {  	[sflag:s23] =	ssyncadd.s32 $0xFFFFF000  }
0x33: {  	_ =	swait.ge [sflag:s23], $0x1000  }
0x34: {  	[sflag:s23] =	ssyncset.done $0x0  }
0x35: {  	[sflag:s23] =	ssyncadd.s32 $0xFFFFF000  }
0x36: {  	_ =	swait.ge [sflag:s23], $0x1000  }
0x37: {  	[sflag:s23] =	ssyncset.done $0x0  }
0x38: {  	[sflag:s23] =	ssyncadd.s32 $0xFFFFF000  }
0x39: {  	_ =	swait.ge [sflag:s23], $0x1000  }
0x3a: {  	[sflag:s23] =	ssyncset.done $0x0  }
0x3b: {  	[sflag:s23] =	ssyncadd.s32 $0xFFFFF000  }
0x3c: {  	[hbm4b:s6+s2] =	stream.linear.scatter [tilespmem:s9], [sflag:$0x2], $0x8000, $0x38;
	[tilespmem:$0x8400] =	vst v63  }
0x3d: {  	s26 =	simm.s32 $0x80;
	_ =	swait.ge [sflag:s7], $0x8000  }
0x3e: {  	s29 =	simm.s32 $0x100;
	s25 =	sadd.s32 $0x1000, s6;
	[sflag:s7] =	ssyncset.done $0x0  }
.LBB2_2:
0x3f: {  	s30 =	sadd.s32 s26, s5  }
0x40: {  	[sflag:s7] =	ssyncadd.s32 $0xFFFF8000;
	s26 =	smov.u32 s29;
	s28 =	sadd.s32 $0x80, s29  }
0x41: {  	[tilespmem:s2], [sflag:$0x2] =	stream.linear.gather [hbm4b:s30+s2], $0x400, $0x38;
	[tilespmem:$0x8400] =	vst v63  }
0x42: {  	p0 =	sne.s32 s29, $0x200;
	_ =	swait.ge [sflag:s7], $0x400  }
0x43: {  	[sflag:s7] =	ssyncset.done $0x0  }
0x44: {  	[sflag:s7] =	ssyncadd.s32 $0xFFFFFC00  }
0x45: {  	[tilespmem:s9], [sflag:$0x1] =	stream.indirect.gather [hbm4b:s3+s8], $0x20, s2, s8, $0xb8;
	[tilespmem:$0x8400] =	vst v63  }
0x46: {  	_ = 	snop  }
0x47: {  	[tilespmem:s10], [sflag:$0x1] =	stream.indirect.gather [hbm4b:s3+s8], $0x20, s8, s8, $0xb8;
	[tilespmem:$0x8400] =	vst v63  }
0x48: {  	_ = 	snop  }
0x49: {  	[tilespmem:s12], [sflag:$0x1] =	stream.indirect.gather [hbm4b:s3+s8], $0x20, s11, s8, $0xb8;
	[tilespmem:$0x8400] =	vst v63  }
0x4a: {  	_ = 	snop  }
0x4b: {  	[tilespmem:s14], [sflag:$0x1] =	stream.indirect.gather [hbm4b:s3+s8], $0x20, s13, s8, $0xb8;
	[tilespmem:$0x8400] =	vst v63  }
0x4c: {  	_ = 	snop  }
0x4d: {  	[tilespmem:s16], [sflag:$0x1] =	stream.indirect.gather [hbm4b:s3+s8], $0x20, s15, s8, $0xb8;
	[tilespmem:$0x8400] =	vst v63  }
0x4e: {  	_ = 	snop  }
0x4f: {  	[tilespmem:s18], [sflag:$0x1] =	stream.indirect.gather [hbm4b:s3+s8], $0x20, s17, s8, $0xb8;
	[tilespmem:$0x8400] =	vst v63  }
0x50: {  	_ = 	snop  }
0x51: {  	[tilespmem:s20], [sflag:$0x1] =	stream.indirect.gather [hbm4b:s3+s8], $0x20, s19, s8, $0xb8;
	[tilespmem:$0x8400] =	vst v63  }
0x52: {  	_ = 	snop  }
0x53: {  	[tilespmem:s22], [sflag:$0x1] =	stream.indirect.gather [hbm4b:s3+s8], $0x20, s21, s8, $0xb8;
	[tilespmem:$0x8400] =	vst v63  }
0x54: {  	_ =	swait.ge [sflag:s23], $0x1000  }
0x55: {  	[sflag:s23] =	ssyncset.done $0x0  }
0x56: {  	[sflag:s23] =	ssyncadd.s32 $0xFFFFF000  }
0x57: {  	_ =	swait.ge [sflag:s23], $0x1000  }
0x58: {  	[sflag:s23] =	ssyncset.done $0x0  }
0x59: {  	[sflag:s23] =	ssyncadd.s32 $0xFFFFF000  }
0x5a: {  	_ =	swait.ge [sflag:s23], $0x1000  }
0x5b: {  	[sflag:s23] =	ssyncset.done $0x0  }
0x5c: {  	[sflag:s23] =	ssyncadd.s32 $0xFFFFF000  }
0x5d: {  	_ =	swait.ge [sflag:s23], $0x1000  }
0x5e: {  	[sflag:s23] =	ssyncset.done $0x0  }
0x5f: {  	[sflag:s23] =	ssyncadd.s32 $0xFFFFF000  }
0x60: {  	_ =	swait.ge [sflag:s23], $0x1000  }
0x61: {  	[sflag:s23] =	ssyncset.done $0x0  }
0x62: {  	[sflag:s23] =	ssyncadd.s32 $0xFFFFF000  }
0x63: {  	_ =	swait.ge [sflag:s23], $0x1000  }
0x64: {  	[sflag:s23] =	ssyncset.done $0x0  }
0x65: {  	[sflag:s23] =	ssyncadd.s32 $0xFFFFF000  }
0x66: {  	_ =	swait.ge [sflag:s23], $0x1000  }
0x67: {  	[sflag:s23] =	ssyncset.done $0x0  }
0x68: {  	[sflag:s23] =	ssyncadd.s32 $0xFFFFF000  }
0x69: {  	_ =	swait.ge [sflag:s23], $0x1000  }
.Ltmp0:
0x6a: {  	[sflag:s23] =	ssyncset.done $0x0;
	(pc) =	sbr.rel @p0 .LBB2_2-.Ltmp0, $4  }
0x6b: {  	[sflag:s23] =	ssyncadd.s32 $0xFFFFF000  }
0x6c: {  	[hbm4b:s25+s2] =	stream.linear.scatter [tilespmem:s9], [sflag:$0x2], $0x8000, $0x38;
	[tilespmem:$0x8400] =	vst v63  }
0x6d: {  	_ =	swait.ge [sflag:s7], $0x8000  }
0x6e: {  	s29 =	smov.u32 s28;
	s25 =	sadd.s32 $0x1000, s25;
	[sflag:s7] =	ssyncset.done $0x0  }
0x6f: {  	s26 =	sadd.s32 s26, s5;
	[sflag:s7] =	ssyncadd.s32 $0xFFFF8000  }
0x70: {  	[tilespmem:s2], [sflag:$0x2] =	stream.linear.gather [hbm4b:s26+s2], $0x400, $0x38;
	[tilespmem:$0x8400] =	vst v63  }
0x71: {  	_ =	swait.ge [sflag:s7], $0x400  }
0x72: {  	[sflag:s7] =	ssyncset.done $0x0  }
0x73: {  	[sflag:s7] =	ssyncadd.s32 $0xFFFFFC00  }
0x74: {  	[tilespmem:s9], [sflag:$0x1] =	stream.indirect.gather [hbm4b:s3+s8], $0x20, s2, s8, $0xb8;
	[tilespmem:$0x8400] =	vst v63  }
0x75: {  	_ = 	snop  }
0x76: {  	[tilespmem:s10], [sflag:$0x1] =	stream.indirect.gather [hbm4b:s3+s8], $0x20, s8, s8, $0xb8;
	[tilespmem:$0x8400] =	vst v63  }
0x77: {  	_ = 	snop  }
0x78: {  	[tilespmem:s12], [sflag:$0x1] =	stream.indirect.gather [hbm4b:s3+s8], $0x20, s11, s8, $0xb8;
	[tilespmem:$0x8400] =	vst v63  }
0x79: {  	_ = 	snop  }
0x7a: {  	[tilespmem:s14], [sflag:$0x1] =	stream.indirect.gather [hbm4b:s3+s8], $0x20, s13, s8, $0xb8;
	[tilespmem:$0x8400] =	vst v63  }
0x7b: {  	_ = 	snop  }
0x7c: {  	[tilespmem:s16], [sflag:$0x1] =	stream.indirect.gather [hbm4b:s3+s8], $0x20, s15, s8, $0xb8;
	[tilespmem:$0x8400] =	vst v63  }
0x7d: {  	_ = 	snop  }
0x7e: {  	[tilespmem:s18], [sflag:$0x1] =	stream.indirect.gather [hbm4b:s3+s8], $0x20, s17, s8, $0xb8;
	[tilespmem:$0x8400] =	vst v63  }
0x7f: {  	_ = 	snop  }
0x80: {  	[tilespmem:s20], [sflag:$0x1] =	stream.indirect.gather [hbm4b:s3+s8], $0x20, s19, s8, $0xb8;
	[tilespmem:$0x8400] =	vst v63  }
0x81: {  	_ = 	snop  }
0x82: {  	[tilespmem:s22], [sflag:$0x1] =	stream.indirect.gather [hbm4b:s3+s8], $0x20, s21, s8, $0xb8;
	[tilespmem:$0x8400] =	vst v63  }
0x83: {  	_ =	swait.ge [sflag:s23], $0x1000  }
0x84: {  	[sflag:s23] =	ssyncset.done $0x0  }
0x85: {  	[sflag:s23] =	ssyncadd.s32 $0xFFFFF000  }
0x86: {  	_ =	swait.ge [sflag:s23], $0x1000  }
0x87: {  	[sflag:s23] =	ssyncset.done $0x0  }
0x88: {  	[sflag:s23] =	ssyncadd.s32 $0xFFFFF000  }
0x89: {  	_ =	swait.ge [sflag:s23], $0x1000  }
0x8a: {  	[sflag:s23] =	ssyncset.done $0x0  }
0x8b: {  	[sflag:s23] =	ssyncadd.s32 $0xFFFFF000  }
0x8c: {  	_ =	swait.ge [sflag:s23], $0x1000  }
0x8d: {  	[sflag:s23] =	ssyncset.done $0x0  }
0x8e: {  	[sflag:s23] =	ssyncadd.s32 $0xFFFFF000  }
0x8f: {  	_ =	swait.ge [sflag:s23], $0x1000  }
0x90: {  	[sflag:s23] =	ssyncset.done $0x0  }
0x91: {  	[sflag:s23] =	ssyncadd.s32 $0xFFFFF000  }
0x92: {  	_ =	swait.ge [sflag:s23], $0x1000  }
0x93: {  	[sflag:s23] =	ssyncset.done $0x0  }
0x94: {  	[sflag:s23] =	ssyncadd.s32 $0xFFFFF000  }
0x95: {  	_ =	swait.ge [sflag:s23], $0x1000  }
0x96: {  	[sflag:s23] =	ssyncset.done $0x0  }
0x97: {  	[sflag:s23] =	ssyncadd.s32 $0xFFFFF000  }
0x98: {  	s24 =	sadd.s32 $0x1, s24;
	_ =	swait.ge [sflag:s23], $0x1000  }
0x99: {  	p0 =	sne.s32 s24, s4;
	[sflag:s23] =	ssyncset.done $0x0  }
.Ltmp1:
0x9a: {  	[sflag:s23] =	ssyncadd.s32 $0xFFFFF000;
	(pc) =	sbr.rel @p0 .LBB2_1-.Ltmp1, $4  }
0x9b: {  	[hbm4b:s25+s2] =	stream.linear.scatter [tilespmem:s9], [sflag:$0x2], $0x8000, $0x38;
	[tilespmem:$0x8400] =	vst v63  }
0x9c: {  	_ =	swait.ge [sflag:s7], $0x8000  }
0x9d: {  	[sflag:s7] =	ssyncset.done $0x0  }
0x9e: {  	[sflag:s7] =	ssyncadd.s32 $0xFFFF8000  }
0x9f: {  	_ =	sfence.sel $0x180000  }
0xa0: {  	[bflag:$0x0] =	sbarrier.arrive $0xFFFF  }
0xa1: {  	p0 =	sne.s32 s1, $0x0;
	_ =	strace $0x9000004D  }
0xa2: {  	s0 =	sadd.s32 @!p0 $0x100000, s0;
	[bflag:$0x2] =	sbarrier.arrive $0xFFFF  }
0xa3: {  	[sflag:s0] =	ssyncadd.tile.s32 @!p0 $0x1;
	_ =	shalt  }
.Lfunc_end2:
_tile_overlayer_lowered:
.L_overlay_start_2:
0xa4: {  	(tag) =	ssettag $0x2  }
0xa5: {  	s0 =	rddreg [dreg:$0x0];
	s2 =	stileid.u32  }
0xa6: {  	s1 =	rddreg [dreg:$0x1];
	p0 =	sne.s32 s2, $0x0  }
0xa7: {  	s3 =	rddreg [dreg:$0x2];
	[bflag:$0x3] =	sbarrier.arrive $0xFFFF;
	s2 =	simm.s32 @!p0 $0x1C02  }
0xa8: {  	[timem:s3], [sflag:s2] =	dma.local @!p0 [hbm:s0], s1  }
0xa9: {  	s0 =	simm.s32 @!p0 $0x2  }
0xaa: {  	_ =	swait.ge @!p0 [sflag:s0], s1  }
0xab: {  	s1 =	ssub.s32 @!p0 $0x0, s1;
	[sflag:s0] =	ssyncset.done @!p0 $0x0  }
0xac: {  	[sflag:s0] =	ssyncadd.s32 @!p0 s1  }
0xad: {  	[bflag:$0x3] =	sbarrier.arrive $0xFFFF  }
0xae: {  	_ =	shalt  }

// kernel: kernel.22.cloned.1.call-start
scs
__scs_entry_jumppad:
0x0: {  	(pc) =	sbr.rel $0x88, $3  }
0x1: {  	(tag) =	ssettag $0x0;
	lr =	simm.s32 $0x1  }
0x2: {  	[smem:$0x3F97] =	sst lr;
	_ =	strace $0xD0000000  }
0x3: {  	_ = 	snop  }
0x4: {  	_ = 	snop  }
0x5: {  	_ = 	snop  }
0x6: {  	_ = 	snop  }
0x7: {  	_ = 	snop  }
__scs_overlays_trampoline_lowered:
0x8: {  	[smem:$0x3FA6] =	sst s0  }
0x9: {  	[smem:$0x3FA7] =	sst s1  }
0xa: {  	[smem:$0x3FA8] =	sst s2  }
0xb: {  	[smem:$0x3FA9] =	sst s3  }
0xc: {  	[smem:$0x3FAA] =	sst s4  }
0xd: {  	[smem:$0x3FAB] =	sst s5  }
0xe: {  	[smem:$0x3FAC] =	sst s6  }
0xf: {  	[smem:$0x3FAD] =	sst s7  }
0x10: {  	[smem:$0x3FAE] =	sst s8  }
0x11: {  	[smem:$0x3FAF] =	sst s9;
	s0 =	simm.s32 @!p0 $0x0  }
0x12: {  	s1 =	sld [smem:$0x3F95];
	s0 =	simm.s32 @p0 $0x1  }
0x13: {  	[smem:$0x3FB0] =	sst s0;
	s0 =	simm.s32 @!p1 $0x0  }
0x14: {  	s2 =	sld [smem:$0x3F94];
	s0 =	simm.s32 @p1 $0x1  }
0x15: {  	[smem:$0x3FB1] =	sst s0;
	s0 =	simm.s32 @!p2 $0x0  }
0x16: {  	s3 =	sld [smem:$0x3FDB];
	s0 =	simm.s32 @p2 $0x1  }
0x17: {  	s4 =	simm.s32 $0x1BF5;
	[smem:$0x3FB3] =	sst s0  }
0x18: {  	s0 =	sld [smem:$0x3F96];
	_ =	swait.ge [sflag:s4], $0x0  }
0x19: {  	s7 =	sld [smem:$0x3F97]  }
0x1a: {  	s8 =	sadd.s32 $0xFFFFE003, lr  }
0x1b: {  	s9 =	sadd.s32 $0xFFFFFEF7, lr;
	s5 =	simm.s32 $0xFFFFFFFF;
	p2 =	slt.u32 s8, $0xFFFFF086  }
0x1c: {  	p1 =	slt.u32 s9, $0xF7A;
	s5 =	simm.s32 @!p2 $0x0  }
0x1d: {  	s5 =	simm.s32 @p1 $0x1;
	p0 =	seq.s32 s7, s2  }
0x1e: {  	s7 =	smul.u32 @!p0 $0xF7A, s2;
	p2 =	seq.s32 @!p0 s5, $0x0  }
0x1f: {  	s9 =	smul.u32 $0xF7A, s1;
	s8 =	simm.s32 @!p0 $0x1BF5;
	p2 =	por !p2, p0  }
0x20: {  	[sflag:s8] =	ssyncset.s32 @!p0 $0xFFFFF086;
	s6 =	sadd.s32 @!p0 s3, s7;
	s7 =	simm.s32 @!p0 $0x108  }
0x21: {  	s3 =	sadd.s32 s3, s9;
	s6 =	sadd.s32 @!p0 $0x88, s6;
	s7 =	simm.s32 @p2 $0x1082  }
0x22: {  	[simem:s7], [sflag:s8] =	dma.local @!p0 [hbm:s6], $0xF7A  }
0x23: {  	s9 =	sor.u32 $0xD0000000, s2;
	s6 =	simm.s32 $0x108;
	_ =	swait.ge @!p0 [sflag:s8], $0x0  }
0x24: {  	s3 =	sadd.s32 $0x88, s3;
	s6 =	simm.s32 @!p1 $0x1082;
	[sflag:s4] =	ssyncset.s32 $0xFFFFF086  }
0x25: {  	[simem:s6], [sflag:s4] =	dma.local [hbm:s3], $0xF7A  }
0x26: {  	[smem:$0x3F97] =	sst s1;
	(tag) =	ssettag s2;
	_ =	strace s9  }
0x27: {  	s1 =	sld [smem:$0x3FA7]  }
0x28: {  	s2 =	sld [smem:$0x3FA8]  }
0x29: {  	s4 =	sld [smem:$0x3FAA]  }
0x2a: {  	p0 =	seq.s32 s5, $0x0;
	s5 =	sld [smem:$0x3FAB]  }
0x2b: {  	s6 =	sld [smem:$0x3FAC]  }
0x2c: {  	s7 =	sld [smem:$0x3FAD]  }
0x2d: {  	s3 =	simm.s32 $0x108;
	s8 =	sld [smem:$0x3FAE]  }
0x2e: {  	s3 =	simm.s32 @!p0 $0x1082;
	s9 =	sld [smem:$0x3FAF]  }
0x2f: {  	lr =	sadd.s32 s0, s3;
	s0 =	sld [smem:$0x3FA6]  }
0x30: {  	s3 =	sld [smem:$0x3FA9]  }
0x31: {  	[smem:$0x3FB2] =	sst s10  }
0x32: {  	s10 =	sld [smem:$0x3FB0];
	_ =	sdelay $0x3  }
0x33: {  	p0 =	seq.s32 s10, $0x1;
	s10 =	sld [smem:$0x3FB2];
	_ =	sdelay $0x3  }
0x34: {  	[smem:$0x3FB2] =	sst s10  }
0x35: {  	s10 =	sld [smem:$0x3FB1];
	_ =	sdelay $0x3  }
0x36: {  	p1 =	seq.s32 s10, $0x1;
	s10 =	sld [smem:$0x3FB2];
	_ =	sdelay $0x3  }
0x37: {  	[smem:$0x3FB2] =	sst s10  }
0x38: {  	s10 =	sld [smem:$0x3FB3]  }
0x39: {  	_ = 	snop;
	(pc) =	sbr.ind lr, $3  }
0x3a: {  	_ = 	snop  }
0x3b: {  	_ = 	snop  }
0x3c: {  	p2 =	seq.s32 s10, $0x1;
	s10 =	sld [smem:$0x3FB2]  }
0x3d: {  	_ =	shalt  }
0x3e: {  	_ =	shalt  }
0x3f: {  	_ =	shalt  }
0x40: {  	_ =	shalt  }
0x41: {  	_ =	shalt  }
0x42: {  	_ =	shalt  }
0x43: {  	_ =	shalt  }
0x44: {  	_ =	shalt  }
0x45: {  	_ =	shalt  }
0x46: {  	_ =	shalt  }
0x47: {  	_ =	shalt  }
0x48: {  	_ =	shalt  }
0x49: {  	_ =	shalt  }
0x4a: {  	_ =	shalt  }
0x4b: {  	_ =	shalt  }
0x4c: {  	_ =	shalt  }
0x4d: {  	_ =	shalt  }
0x4e: {  	_ =	shalt  }
0x4f: {  	_ =	shalt  }
0x50: {  	_ =	shalt  }
0x51: {  	_ =	shalt  }
0x52: {  	_ =	shalt  }
0x53: {  	_ =	shalt  }
0x54: {  	_ =	shalt  }
0x55: {  	_ =	shalt  }
0x56: {  	_ =	shalt  }
0x57: {  	_ =	shalt  }
0x58: {  	_ =	shalt  }
0x59: {  	_ =	shalt  }
0x5a: {  	_ =	shalt  }
0x5b: {  	_ =	shalt  }
0x5c: {  	_ =	shalt  }
0x5d: {  	_ =	shalt  }
0x5e: {  	_ =	shalt  }
0x5f: {  	_ =	shalt  }
0x60: {  	_ =	shalt  }
0x61: {  	_ =	shalt  }
0x62: {  	_ =	shalt  }
0x63: {  	_ =	shalt  }
0x64: {  	_ =	shalt  }
0x65: {  	_ =	shalt  }
0x66: {  	_ =	shalt  }
0x67: {  	_ =	shalt  }
0x68: {  	_ =	shalt  }
0x69: {  	_ =	shalt  }
0x6a: {  	_ =	shalt  }
0x6b: {  	_ =	shalt  }
0x6c: {  	_ =	shalt  }
0x6d: {  	_ =	shalt  }
0x6e: {  	_ =	shalt  }
0x6f: {  	_ =	shalt  }
0x70: {  	_ =	shalt  }
0x71: {  	_ =	shalt  }
0x72: {  	_ =	shalt  }
0x73: {  	_ =	shalt  }
0x74: {  	_ =	shalt  }
0x75: {  	_ =	shalt  }
0x76: {  	_ =	shalt  }
0x77: {  	_ =	shalt  }
0x78: {  	_ =	shalt  }
0x79: {  	_ =	shalt  }
0x7a: {  	_ =	shalt  }
0x7b: {  	_ =	shalt  }
0x7c: {  	_ =	shalt  }
0x7d: {  	_ =	shalt  }
0x7e: {  	_ =	shalt  }
0x7f: {  	_ =	shalt  }
0x80: {  	_ =	shalt  }
0x81: {  	_ =	shalt  }
0x82: {  	_ =	shalt  }
0x83: {  	_ =	shalt  }
0x84: {  	_ =	shalt  }
0x85: {  	_ =	shalt  }
0x86: {  	_ =	shalt  }
0x87: {  	_ =	shalt  }
.Lfunc_end0:
.L_simem_size_0:
called_computation.3_lowered:
.L_overlay_start_0:
0x88: {  	s2 =	sld [smem:$0x3FD9]  }
0x89: {  	s3 =	sld [smem:$0x3FFE];
	_ =	sdelay $0x1  }
0x8a: {  	s1 =	srdreg.scid  }
0x8b: {  	s0 =	sand.u32 $0x1, s1  }
0x8c: {  	s17 =	sshll.u32 s0, $0xA;
	s2 =	sadd.s32 s3, s2  }
0x8d: {  	s2 =	sadd.s32 s2, s17  }
0x8e: {  	[smem:$0x3FBE] =	sst s2  }
0x8f: {  	_ = 	snop  }
0x90: {  	(tm) =	ssettm $0x1  }
0x91: {  	s18 =	sld [smem:$0x3FFB];
	_ =	sdelay $0x3  }
0x92: {  	_ =	strace s18  }
0x93: {  	s2 =	sld [smem:$0x3FFC];
	_ =	sdelay $0x3  }
0x94: {  	_ =	strace s2  }
0x95: {  	s2 =	sld [smem:$0x3FFD];
	_ =	sdelay $0x3  }
0x96: {  	_ =	strace s2  }
0x97: {  	_ =	strace $0x8FFFFFFF  }
0x98: {  	s19 =	sld [smem:$0x3FDB];
	_ =	sdelay $0x1  }
0x99: {  	s20 =	simm.s32 $_scs_section_size  }
0x9a: {  	s4 =	simm.s32 $_size__tile_overlayer_lowered;
	s5 =	simm.s32 $_tile_overlayer_lowered  }
0x9b: {  	s6 =	simm.s32 $0x1BFF;
	s21 =	sshll.u32 s5, $0x1;
	s3 =	sadd.s32 s20, s19  }
0x9c: {  	s22 =	simm.s32 $0x0;
	s4 =	sshll.u32 s4, $0x1;
	s5 =	sadd.s32 s21, s3  }
0x9d: {  	[timem:s22], [sflag:s6] =	dma.local [hbm:s5], s4  }
0x9e: {  	_ =	swait.ge [sflag:s6], s4  }
0x9f: {  	s4 =	ssub.s32 $0x0, s4;
	[sflag:s6] =	ssyncset.done $0x0  }
0xa0: {  	[sflag:s6] =	ssyncadd.s32 s4;
	_ =	sdelay $0x1  }
0xa1: {  	s23 =	simm.s32 $0x1B8B  }
0xa2: {  	_ =	swait.ge [sflag:s23], $0x1  }
0xa3: {  	[sflag:s23] =	ssyncset.done $0x0  }
0xa4: {  	[sflag:s23] =	ssyncadd.s32 $0xFFFFFFFF  }
0xa5: {  	s4 =	sld [smem:$0x0]  }
0xa6: {  	s5 =	sand.u32 $0xFFFFFFFE, s1  }
0xa7: {  	p0 =	sne.s32 s1, s5  }
0xa8: {  	s5 =	sshll.u32 @p0 s5, $0xE  }
0xa9: {  	s5 =	sadd.s32 @p0 $0x11B8D, s5;
	s6 =	sshll.u32 @p0 s4, $0x11  }
0xaa: {  	s5 =	sor.u32 @p0 s6, s5  }
0xab: {  	[sflag:s5] =	ssyncadd.remote.s32 @p0 $0x1;
	_ =	sdelay $0x1  }
0xac: {  	s5 =	simm.s32 @p0 $0x1B8D  }
0xad: {  	_ =	swait.eq @p0 [sflag:s5], $0x1  }
0xae: {  	[sflag:s5] =	ssyncadd.s32 @p0 $0xFFFFFFFF  }
0xaf: {  	s6 =	sshll.u32 @!p0 s1, $0xE  }
0xb0: {  	s6 =	sor.u32 @!p0 $0x4000, s6;
	s5 =	simm.s32 @!p0 $0x1B8D  }
0xb1: {  	s4 =	sshll.u32 @!p0 s4, $0x11;
	s6 =	sadd.s32 @!p0 $0x11B8D, s6;
	_ =	swait.eq @!p0 [sflag:s5], $0x1  }
0xb2: {  	s4 =	sor.u32 @!p0 s4, s6;
	[sflag:s5] =	ssyncadd.s32 @!p0 $0xFFFFFFFF  }
0xb3: {  	s25 =	simm.s32 $0x1B8E;
	s24 =	sld [smem:$0x3FFE];
	[sflag:s4] =	ssyncadd.remote.s32 @!p0 $0x1  }
0xb4: {  	s26 =	simm.s32 $execute0_lowered;
	[smem:$0x3FD2] =	sst s25  }
0xb5: {  	s5 =	sshll.u32 s26, $0x1;
	_ =	strace $0x8000004F;
	[dreg:$0x1] =	wrdreg $0xFFFFFFFF  }
0xb6: {  	s28 =	simm.s32 $_size_execute0_lowered;
	s3 =	sadd.s32 s3, s5;
	[dreg:$0x0] =	wrdreg $0x0  }
0xb7: {  	s5 =	sshll.u32 s28, $0x1;
	[dreg:$0x2] =	wrdreg s3  }
0xb8: {  	[dreg:$0x3] =	wrdreg s5  }
0xb9: {  	[dreg:$0x4] =	wrdreg $0xC0  }
0xba: {  	_ =	task [dreg:s22], $0x5FFFF  }
0xbb: {  	[dreg:$0x1] =	wrdreg $0xFFFFFFFF  }
0xbc: {  	[dreg:$0x0] =	wrdreg $0x60  }
0xbd: {  	[dreg:$0x2] =	wrdreg s24  }
0xbe: {  	[dreg:$0x3] =	wrdreg $0xC  }
0xbf: {  	_ =	task.clear_ibuf [dreg:s22], $0x4FFFF;
	_ =	strace $0x9000004F  }
0xc0: {  	s29 =	simm.s32 $0xC;
	_ =	strace $0x80000051  }
0xc1: {  	_ =	swait.ge [sflag:s29], $0x1  }
0xc2: {  	[sflag:s29] =	ssyncadd.s32 $0xFFFFFFFF  }
0xc3: {  	_ =	strace $0x90000051  }
0xc4: {  	_ =	sfence  }
0xc5: {  	s30 =	sld [smem:$0x0];
	_ =	sdelay $0x2  }
0xc6: {  	s31 =	sshll.u32 s1, $0xD;
	s1 =	sshrl.u32 s1, $0x2  }
0xc7: {  	s4 =	sand.u32 $0x4000, s31;
	s1 =	sadd.s32 s1, s30  }
0xc8: {  	s0 =	sor.u32 s4, s0;
	s1 =	sshll.u32 s1, $0x11  }
0xc9: {  	s0 =	sor.u32 s1, s0  }
0xca: {  	s0 =	sadd.s32 $0x8F2B, s0  }
0xcb: {  	[sflag:s0] =	ssyncadd.remote.s32 $0x1  }
0xcc: {  	_ =	sfence.sel $0xFFFF  }
0xcd: {  	[dreg:$0x0] =	wrdreg $0xFFFFFFFF;
	(pc) =	sbr.abs _section_cstart, $3  }
0xce: {  	[dreg:$0x1] =	wrdreg $0xFFFFFFFF  }
0xcf: {  	_ =	task.clear_ibuf [dreg:s22], $0x2FFFF;
	_ =	strace $0x9FFFFFFF  }
0xd0: {  	(tm) =	ssettm $0x7FFFFFFF  }
0xd1: {  	_ =	shalt  }
tec
execute0_lowered:
.L_overlay_start_1:
0x0: {  	(tag) =	ssettag $0x1  }
0x1: {  	s4 =	rddreg [dreg:$0x0]  }
0x2: {  	s0 =	rddreg [dreg:$0x1]  }
0x3: {  	s1 =	stileid.u32;
	s2 =	simm.s32 $0x0;
	s3 =	srdreg.scid  }
0x4: {  	s10 =	simm.s32 $0x1400;
	s11 =	simm.s32 $0x100;
	s12 =	simm.s32 $0x2400  }
0x5: {  	s13 =	simm.s32 $0x180;
	s14 =	simm.s32 $0x3400;
	s15 =	simm.s32 $0x200  }
0x6: {  	s16 =	simm.s32 $0x4400;
	s17 =	simm.s32 $0x280;
	s18 =	simm.s32 $0x5400  }
0x7: {  	s19 =	simm.s32 $0x300;
	s20 =	simm.s32 $0x6400;
	s21 =	simm.s32 $0x380  }
0x8: {  	s22 =	simm.s32 $0x7400;
	s23 =	simm.s32 $0x1;
	s5 =	smul.u32 $0x500, s1  }
0x9: {  	s24 =	simm.s32 $0x0;
	s6 =	smul.u32 $0xA000, s1;
	s7 =	sand.u32 $0x1, s3  }
0xa: {  	[smem:$0x7FF] =	sst s2;
	s3 =	sadd.s32 $0xF45800, s4;
	s8 =	smul.u32 $0x280, s7  }
0xb: {  	_ =	strace $0x80000050;
	s9 =	ssub.s32 $0x2, s7;
	s7 =	smul.u32 $0x5000, s7  }
0xc: {  	s5 =	sadd.s32 s5, s4;
	s4 =	sadd.s32 s6, s4;
	s31 =	sshrl.u32 s9, $0x1  }
0xd: {  	s6 =	ssub.s32 s9, s31;
	s5 =	sadd.s32 s8, s5;
	s7 =	sadd.s32 s7, s4  }
0xe: {  	s8 =	simm.s32 $0x80;
	s9 =	simm.s32 $0x400;
	s4 =	smax.u32 s6, $0x1  }
0xf: {  	s5 =	sadd.s32 $0x652400, s5;
	s6 =	sadd.s32 $0x1E3400, s7;
	s7 =	simm.s32 $0x2  }
.LBB2_1:
0x10: {  	s25 =	sadd.s32 $0x0, s5  }
0x11: {  	[tilespmem:s2], [sflag:$0x2] =	stream.linear.gather [hbm4b:s25+s2], $0x400, $0x38;
	[tilespmem:$0x8400] =	vst v63  }
0x12: {  	_ =	swait.ge [sflag:s7], $0x400  }
0x13: {  	[sflag:s7] =	ssyncset.done $0x0  }
0x14: {  	[sflag:s7] =	ssyncadd.s32 $0xFFFFFC00  }
0x15: {  	[tilespmem:s9], [sflag:$0x1] =	stream.indirect.gather [hbm4b:s3+s8], $0x20, s2, s8, $0xb8;
	[tilespmem:$0x8400] =	vst v63  }
0x16: {  	_ = 	snop  }
0x17: {  	[tilespmem:s10], [sflag:$0x1] =	stream.indirect.gather [hbm4b:s3+s8], $0x20, s8, s8, $0xb8;
	[tilespmem:$0x8400] =	vst v63  }
0x18: {  	_ = 	snop  }
0x19: {  	[tilespmem:s12], [sflag:$0x1] =	stream.indirect.gather [hbm4b:s3+s8], $0x20, s11, s8, $0xb8;
	[tilespmem:$0x8400] =	vst v63  }
0x1a: {  	_ = 	snop  }
0x1b: {  	[tilespmem:s14], [sflag:$0x1] =	stream.indirect.gather [hbm4b:s3+s8], $0x20, s13, s8, $0xb8;
	[tilespmem:$0x8400] =	vst v63  }
0x1c: {  	_ = 	snop  }
0x1d: {  	[tilespmem:s16], [sflag:$0x1] =	stream.indirect.gather [hbm4b:s3+s8], $0x20, s15, s8, $0xb8;
	[tilespmem:$0x8400] =	vst v63  }
0x1e: {  	_ = 	snop  }
0x1f: {  	[tilespmem:s18], [sflag:$0x1] =	stream.indirect.gather [hbm4b:s3+s8], $0x20, s17, s8, $0xb8;
	[tilespmem:$0x8400] =	vst v63  }
0x20: {  	_ = 	snop  }
0x21: {  	[tilespmem:s20], [sflag:$0x1] =	stream.indirect.gather [hbm4b:s3+s8], $0x20, s19, s8, $0xb8;
	[tilespmem:$0x8400] =	vst v63  }
0x22: {  	_ = 	snop  }
0x23: {  	[tilespmem:s22], [sflag:$0x1] =	stream.indirect.gather [hbm4b:s3+s8], $0x20, s21, s8, $0xb8;
	[tilespmem:$0x8400] =	vst v63  }
0x24: {  	_ =	swait.ge [sflag:s23], $0x1000  }
0x25: {  	[sflag:s23] =	ssyncset.done $0x0  }
0x26: {  	[sflag:s23] =	ssyncadd.s32 $0xFFFFF000  }
0x27: {  	_ =	swait.ge [sflag:s23], $0x1000  }
0x28: {  	[sflag:s23] =	ssyncset.done $0x0  }
0x29: {  	[sflag:s23] =	ssyncadd.s32 $0xFFFFF000  }
0x2a: {  	_ =	swait.ge [sflag:s23], $0x1000  }
0x2b: {  	[sflag:s23] =	ssyncset.done $0x0  }
0x2c: {  	[sflag:s23] =	ssyncadd.s32 $0xFFFFF000  }
0x2d: {  	_ =	swait.ge [sflag:s23], $0x1000  }
0x2e: {  	[sflag:s23] =	ssyncset.done $0x0  }
0x2f: {  	[sflag:s23] =	ssyncadd.s32 $0xFFFFF000  }
0x30: {  	_ =	swait.ge [sflag:s23], $0x1000  }
0x31: {  	[sflag:s23] =	ssyncset.done $0x0  }
0x32: {  	[sflag:s23] =	ssyncadd.s32 $0xFFFFF000  }
0x33: {  	_ =	swait.ge [sflag:s23], $0x1000  }
0x34: {  	[sflag:s23] =	ssyncset.done $0x0  }
0x35: {  	[sflag:s23] =	ssyncadd.s32 $0xFFFFF000  }
0x36: {  	_ =	swait.ge [sflag:s23], $0x1000  }
0x37: {  	[sflag:s23] =	ssyncset.done $0x0  }
0x38: {  	[sflag:s23] =	ssyncadd.s32 $0xFFFFF000  }
0x39: {  	_ =	swait.ge [sflag:s23], $0x1000  }
0x3a: {  	[sflag:s23] =	ssyncset.done $0x0  }
0x3b: {  	[sflag:s23] =	ssyncadd.s32 $0xFFFFF000  }
0x3c: {  	[hbm4b:s6+s2] =	stream.linear.scatter [tilespmem:s9], [sflag:$0x2], $0x8000, $0x38;
	[tilespmem:$0x8400] =	vst v63  }
0x3d: {  	s26 =	simm.s32 $0x80;
	_ =	swait.ge [sflag:s7], $0x8000  }
0x3e: {  	s29 =	simm.s32 $0x100;
	s25 =	sadd.s32 $0x1000, s6;
	[sflag:s7] =	ssyncset.done $0x0  }
.LBB2_2:
0x3f: {  	s30 =	sadd.s32 s26, s5  }
0x40: {  	[sflag:s7] =	ssyncadd.s32 $0xFFFF8000;
	s26 =	smov.u32 s29;
	s28 =	sadd.s32 $0x80, s29  }
0x41: {  	[tilespmem:s2], [sflag:$0x2] =	stream.linear.gather [hbm4b:s30+s2], $0x400, $0x38;
	[tilespmem:$0x8400] =	vst v63  }
0x42: {  	p0 =	sne.s32 s29, $0x200;
	_ =	swait.ge [sflag:s7], $0x400  }
0x43: {  	[sflag:s7] =	ssyncset.done $0x0  }
0x44: {  	[sflag:s7] =	ssyncadd.s32 $0xFFFFFC00  }
0x45: {  	[tilespmem:s9], [sflag:$0x1] =	stream.indirect.gather [hbm4b:s3+s8], $0x20, s2, s8, $0xb8;
	[tilespmem:$0x8400] =	vst v63  }
0x46: {  	_ = 	snop  }
0x47: {  	[tilespmem:s10], [sflag:$0x1] =	stream.indirect.gather [hbm4b:s3+s8], $0x20, s8, s8, $0xb8;
	[tilespmem:$0x8400] =	vst v63  }
0x48: {  	_ = 	snop  }
0x49: {  	[tilespmem:s12], [sflag:$0x1] =	stream.indirect.gather [hbm4b:s3+s8], $0x20, s11, s8, $0xb8;
	[tilespmem:$0x8400] =	vst v63  }
0x4a: {  	_ = 	snop  }
0x4b: {  	[tilespmem:s14], [sflag:$0x1] =	stream.indirect.gather [hbm4b:s3+s8], $0x20, s13, s8, $0xb8;
	[tilespmem:$0x8400] =	vst v63  }
0x4c: {  	_ = 	snop  }
0x4d: {  	[tilespmem:s16], [sflag:$0x1] =	stream.indirect.gather [hbm4b:s3+s8], $0x20, s15, s8, $0xb8;
	[tilespmem:$0x8400] =	vst v63  }
0x4e: {  	_ = 	snop  }
0x4f: {  	[tilespmem:s18], [sflag:$0x1] =	stream.indirect.gather [hbm4b:s3+s8], $0x20, s17, s8, $0xb8;
	[tilespmem:$0x8400] =	vst v63  }
0x50: {  	_ = 	snop  }
0x51: {  	[tilespmem:s20], [sflag:$0x1] =	stream.indirect.gather [hbm4b:s3+s8], $0x20, s19, s8, $0xb8;
	[tilespmem:$0x8400] =	vst v63  }
0x52: {  	_ = 	snop  }
0x53: {  	[tilespmem:s22], [sflag:$0x1] =	stream.indirect.gather [hbm4b:s3+s8], $0x20, s21, s8, $0xb8;
	[tilespmem:$0x8400] =	vst v63  }
0x54: {  	_ =	swait.ge [sflag:s23], $0x1000  }
0x55: {  	[sflag:s23] =	ssyncset.done $0x0  }
0x56: {  	[sflag:s23] =	ssyncadd.s32 $0xFFFFF000  }
0x57: {  	_ =	swait.ge [sflag:s23], $0x1000  }
0x58: {  	[sflag:s23] =	ssyncset.done $0x0  }
0x59: {  	[sflag:s23] =	ssyncadd.s32 $0xFFFFF000  }
0x5a: {  	_ =	swait.ge [sflag:s23], $0x1000  }
0x5b: {  	[sflag:s23] =	ssyncset.done $0x0  }
0x5c: {  	[sflag:s23] =	ssyncadd.s32 $0xFFFFF000  }
0x5d: {  	_ =	swait.ge [sflag:s23], $0x1000  }
0x5e: {  	[sflag:s23] =	ssyncset.done $0x0  }
0x5f: {  	[sflag:s23] =	ssyncadd.s32 $0xFFFFF000  }
0x60: {  	_ =	swait.ge [sflag:s23], $0x1000  }
0x61: {  	[sflag:s23] =	ssyncset.done $0x0  }
0x62: {  	[sflag:s23] =	ssyncadd.s32 $0xFFFFF000  }
0x63: {  	_ =	swait.ge [sflag:s23], $0x1000  }
0x64: {  	[sflag:s23] =	ssyncset.done $0x0  }
0x65: {  	[sflag:s23] =	ssyncadd.s32 $0xFFFFF000  }
0x66: {  	_ =	swait.ge [sflag:s23], $0x1000  }
0x67: {  	[sflag:s23] =	ssyncset.done $0x0  }
0x68: {  	[sflag:s23] =	ssyncadd.s32 $0xFFFFF000  }
0x69: {  	_ =	swait.ge [sflag:s23], $0x1000  }
.Ltmp0:
0x6a: {  	[sflag:s23] =	ssyncset.done $0x0;
	(pc) =	sbr.rel @p0 .LBB2_2-.Ltmp0, $4  }
0x6b: {  	[sflag:s23] =	ssyncadd.s32 $0xFFFFF000  }
0x6c: {  	[hbm4b:s25+s2] =	stream.linear.scatter [tilespmem:s9], [sflag:$0x2], $0x8000, $0x38;
	[tilespmem:$0x8400] =	vst v63  }
0x6d: {  	_ =	swait.ge [sflag:s7], $0x8000  }
0x6e: {  	s29 =	smov.u32 s28;
	s25 =	sadd.s32 $0x1000, s25;
	[sflag:s7] =	ssyncset.done $0x0  }
0x6f: {  	s26 =	sadd.s32 s26, s5;
	[sflag:s7] =	ssyncadd.s32 $0xFFFF8000  }
0x70: {  	[tilespmem:s2], [sflag:$0x2] =	stream.linear.gather [hbm4b:s26+s2], $0x400, $0x38;
	[tilespmem:$0x8400] =	vst v63  }
0x71: {  	_ =	swait.ge [sflag:s7], $0x400  }
0x72: {  	[sflag:s7] =	ssyncset.done $0x0  }
0x73: {  	[sflag:s7] =	ssyncadd.s32 $0xFFFFFC00  }
0x74: {  	[tilespmem:s9], [sflag:$0x1] =	stream.indirect.gather [hbm4b:s3+s8], $0x20, s2, s8, $0xb8;
	[tilespmem:$0x8400] =	vst v63  }
0x75: {  	_ = 	snop  }
0x76: {  	[tilespmem:s10], [sflag:$0x1] =	stream.indirect.gather [hbm4b:s3+s8], $0x20, s8, s8, $0xb8;
	[tilespmem:$0x8400] =	vst v63  }
0x77: {  	_ = 	snop  }
0x78: {  	[tilespmem:s12], [sflag:$0x1] =	stream.indirect.gather [hbm4b:s3+s8], $0x20, s11, s8, $0xb8;
	[tilespmem:$0x8400] =	vst v63  }
0x79: {  	_ = 	snop  }
0x7a: {  	[tilespmem:s14], [sflag:$0x1] =	stream.indirect.gather [hbm4b:s3+s8], $0x20, s13, s8, $0xb8;
	[tilespmem:$0x8400] =	vst v63  }
0x7b: {  	_ = 	snop  }
0x7c: {  	[tilespmem:s16], [sflag:$0x1] =	stream.indirect.gather [hbm4b:s3+s8], $0x20, s15, s8, $0xb8;
	[tilespmem:$0x8400] =	vst v63  }
0x7d: {  	_ = 	snop  }
0x7e: {  	[tilespmem:s18], [sflag:$0x1] =	stream.indirect.gather [hbm4b:s3+s8], $0x20, s17, s8, $0xb8;
	[tilespmem:$0x8400] =	vst v63  }
0x7f: {  	_ = 	snop  }
0x80: {  	[tilespmem:s20], [sflag:$0x1] =	stream.indirect.gather [hbm4b:s3+s8], $0x20, s19, s8, $0xb8;
	[tilespmem:$0x8400] =	vst v63  }
0x81: {  	_ = 	snop  }
0x82: {  	[tilespmem:s22], [sflag:$0x1] =	stream.indirect.gather [hbm4b:s3+s8], $0x20, s21, s8, $0xb8;
	[tilespmem:$0x8400] =	vst v63  }
0x83: {  	_ =	swait.ge [sflag:s23], $0x1000  }
0x84: {  	[sflag:s23] =	ssyncset.done $0x0  }
0x85: {  	[sflag:s23] =	ssyncadd.s32 $0xFFFFF000  }
0x86: {  	_ =	swait.ge [sflag:s23], $0x1000  }
0x87: {  	[sflag:s23] =	ssyncset.done $0x0  }
0x88: {  	[sflag:s23] =	ssyncadd.s32 $0xFFFFF000  }
0x89: {  	_ =	swait.ge [sflag:s23], $0x1000  }
0x8a: {  	[sflag:s23] =	ssyncset.done $0x0  }
0x8b: {  	[sflag:s23] =	ssyncadd.s32 $0xFFFFF000  }
0x8c: {  	_ =	swait.ge [sflag:s23], $0x1000  }
0x8d: {  	[sflag:s23] =	ssyncset.done $0x0  }
0x8e: {  	[sflag:s23] =	ssyncadd.s32 $0xFFFFF000  }
0x8f: {  	_ =	swait.ge [sflag:s23], $0x1000  }
0x90: {  	[sflag:s23] =	ssyncset.done $0x0  }
0x91: {  	[sflag:s23] =	ssyncadd.s32 $0xFFFFF000  }
0x92: {  	_ =	swait.ge [sflag:s23], $0x1000  }
0x93: {  	[sflag:s23] =	ssyncset.done $0x0  }
0x94: {  	[sflag:s23] =	ssyncadd.s32 $0xFFFFF000  }
0x95: {  	_ =	swait.ge [sflag:s23], $0x1000  }
0x96: {  	[sflag:s23] =	ssyncset.done $0x0  }
0x97: {  	[sflag:s23] =	ssyncadd.s32 $0xFFFFF000  }
0x98: {  	s24 =	sadd.s32 $0x1, s24;
	_ =	swait.ge [sflag:s23], $0x1000  }
0x99: {  	p0 =	sne.s32 s24, s4;
	[sflag:s23] =	ssyncset.done $0x0  }
.Ltmp1:
0x9a: {  	[sflag:s23] =	ssyncadd.s32 $0xFFFFF000;
	(pc) =	sbr.rel @p0 .LBB2_1-.Ltmp1, $4  }
0x9b: {  	[hbm4b:s25+s2] =	stream.linear.scatter [tilespmem:s9], [sflag:$0x2], $0x8000, $0x38;
	[tilespmem:$0x8400] =	vst v63  }
0x9c: {  	_ =	swait.ge [sflag:s7], $0x8000  }
0x9d: {  	[sflag:s7] =	ssyncset.done $0x0  }
0x9e: {  	[sflag:s7] =	ssyncadd.s32 $0xFFFF8000  }
0x9f: {  	_ =	sfence.sel $0x180000  }
0xa0: {  	[bflag:$0x0] =	sbarrier.arrive $0xFFFF  }
0xa1: {  	p0 =	sne.s32 s1, $0x0;
	_ =	strace $0x90000050  }
0xa2: {  	s0 =	sadd.s32 @!p0 $0x100000, s0;
	[bflag:$0x2] =	sbarrier.arrive $0xFFFF  }
0xa3: {  	[sflag:s0] =	ssyncadd.tile.s32 @!p0 $0x1;
	_ =	shalt  }
.Lfunc_end2:
_tile_overlayer_lowered:
.L_overlay_start_2:
0xa4: {  	(tag) =	ssettag $0x2  }
0xa5: {  	s0 =	rddreg [dreg:$0x0];
	s2 =	stileid.u32  }
0xa6: {  	s1 =	rddreg [dreg:$0x1];
	p0 =	sne.s32 s2, $0x0  }
0xa7: {  	s3 =	rddreg [dreg:$0x2];
	[bflag:$0x3] =	sbarrier.arrive $0xFFFF;
	s2 =	simm.s32 @!p0 $0x1C02  }
0xa8: {  	[timem:s3], [sflag:s2] =	dma.local @!p0 [hbm:s0], s1  }
0xa9: {  	s0 =	simm.s32 @!p0 $0x2  }
0xaa: {  	_ =	swait.ge @!p0 [sflag:s0], s1  }
0xab: {  	s1 =	ssub.s32 @!p0 $0x0, s1;
	[sflag:s0] =	ssyncset.done @!p0 $0x0  }
0xac: {  	[sflag:s0] =	ssyncadd.s32 @!p0 s1  }
0xad: {  	[bflag:$0x3] =	sbarrier.arrive $0xFFFF  }
0xae: {  	_ =	shalt  }

// kernel: kernel.25.cloned.1.call-start
scs
__scs_entry_jumppad:
0x0: {  	(pc) =	sbr.rel $0x88, $3  }
0x1: {  	(tag) =	ssettag $0x0;
	lr =	simm.s32 $0x1  }
0x2: {  	[smem:$0x3F97] =	sst lr;
	_ =	strace $0xD0000000  }
0x3: {  	_ = 	snop  }
0x4: {  	_ = 	snop  }
0x5: {  	_ = 	snop  }
0x6: {  	_ = 	snop  }
0x7: {  	_ = 	snop  }
__scs_overlays_trampoline_lowered:
0x8: {  	[smem:$0x3FA6] =	sst s0  }
0x9: {  	[smem:$0x3FA7] =	sst s1  }
0xa: {  	[smem:$0x3FA8] =	sst s2  }
0xb: {  	[smem:$0x3FA9] =	sst s3  }
0xc: {  	[smem:$0x3FAA] =	sst s4  }
0xd: {  	[smem:$0x3FAB] =	sst s5  }
0xe: {  	[smem:$0x3FAC] =	sst s6  }
0xf: {  	[smem:$0x3FAD] =	sst s7  }
0x10: {  	[smem:$0x3FAE] =	sst s8  }
0x11: {  	[smem:$0x3FAF] =	sst s9;
	s0 =	simm.s32 @!p0 $0x0  }
0x12: {  	s1 =	sld [smem:$0x3F95];
	s0 =	simm.s32 @p0 $0x1  }
0x13: {  	[smem:$0x3FB0] =	sst s0;
	s0 =	simm.s32 @!p1 $0x0  }
0x14: {  	s2 =	sld [smem:$0x3F94];
	s0 =	simm.s32 @p1 $0x1  }
0x15: {  	[smem:$0x3FB1] =	sst s0;
	s0 =	simm.s32 @!p2 $0x0  }
0x16: {  	s3 =	sld [smem:$0x3FDB];
	s0 =	simm.s32 @p2 $0x1  }
0x17: {  	s4 =	simm.s32 $0x1BF5;
	[smem:$0x3FB3] =	sst s0  }
0x18: {  	s0 =	sld [smem:$0x3F96];
	_ =	swait.ge [sflag:s4], $0x0  }
0x19: {  	s7 =	sld [smem:$0x3F97]  }
0x1a: {  	s8 =	sadd.s32 $0xFFFFE003, lr  }
0x1b: {  	s9 =	sadd.s32 $0xFFFFFEF7, lr;
	s5 =	simm.s32 $0xFFFFFFFF;
	p2 =	slt.u32 s8, $0xFFFFF086  }
0x1c: {  	p1 =	slt.u32 s9, $0xF7A;
	s5 =	simm.s32 @!p2 $0x0  }
0x1d: {  	s5 =	simm.s32 @p1 $0x1;
	p0 =	seq.s32 s7, s2  }
0x1e: {  	s7 =	smul.u32 @!p0 $0xF7A, s2;
	p2 =	seq.s32 @!p0 s5, $0x0  }
0x1f: {  	s9 =	smul.u32 $0xF7A, s1;
	s8 =	simm.s32 @!p0 $0x1BF5;
	p2 =	por !p2, p0  }
0x20: {  	[sflag:s8] =	ssyncset.s32 @!p0 $0xFFFFF086;
	s6 =	sadd.s32 @!p0 s3, s7;
	s7 =	simm.s32 @!p0 $0x108  }
0x21: {  	s3 =	sadd.s32 s3, s9;
	s6 =	sadd.s32 @!p0 $0x88, s6;
	s7 =	simm.s32 @p2 $0x1082  }
0x22: {  	[simem:s7], [sflag:s8] =	dma.local @!p0 [hbm:s6], $0xF7A  }
0x23: {  	s9 =	sor.u32 $0xD0000000, s2;
	s6 =	simm.s32 $0x108;
	_ =	swait.ge @!p0 [sflag:s8], $0x0  }
0x24: {  	s3 =	sadd.s32 $0x88, s3;
	s6 =	simm.s32 @!p1 $0x1082;
	[sflag:s4] =	ssyncset.s32 $0xFFFFF086  }
0x25: {  	[simem:s6], [sflag:s4] =	dma.local [hbm:s3], $0xF7A  }
0x26: {  	[smem:$0x3F97] =	sst s1;
	(tag) =	ssettag s2;
	_ =	strace s9  }
0x27: {  	s1 =	sld [smem:$0x3FA7]  }
0x28: {  	s2 =	sld [smem:$0x3FA8]  }
0x29: {  	s4 =	sld [smem:$0x3FAA]  }
0x2a: {  	p0 =	seq.s32 s5, $0x0;
	s5 =	sld [smem:$0x3FAB]  }
0x2b: {  	s6 =	sld [smem:$0x3FAC]  }
0x2c: {  	s7 =	sld [smem:$0x3FAD]  }
0x2d: {  	s3 =	simm.s32 $0x108;
	s8 =	sld [smem:$0x3FAE]  }
0x2e: {  	s3 =	simm.s32 @!p0 $0x1082;
	s9 =	sld [smem:$0x3FAF]  }
0x2f: {  	lr =	sadd.s32 s0, s3;
	s0 =	sld [smem:$0x3FA6]  }
0x30: {  	s3 =	sld [smem:$0x3FA9]  }
0x31: {  	[smem:$0x3FB2] =	sst s10  }
0x32: {  	s10 =	sld [smem:$0x3FB0];
	_ =	sdelay $0x3  }
0x33: {  	p0 =	seq.s32 s10, $0x1;
	s10 =	sld [smem:$0x3FB2];
	_ =	sdelay $0x3  }
0x34: {  	[smem:$0x3FB2] =	sst s10  }
0x35: {  	s10 =	sld [smem:$0x3FB1];
	_ =	sdelay $0x3  }
0x36: {  	p1 =	seq.s32 s10, $0x1;
	s10 =	sld [smem:$0x3FB2];
	_ =	sdelay $0x3  }
0x37: {  	[smem:$0x3FB2] =	sst s10  }
0x38: {  	s10 =	sld [smem:$0x3FB3]  }
0x39: {  	_ = 	snop;
	(pc) =	sbr.ind lr, $3  }
0x3a: {  	_ = 	snop  }
0x3b: {  	_ = 	snop  }
0x3c: {  	p2 =	seq.s32 s10, $0x1;
	s10 =	sld [smem:$0x3FB2]  }
0x3d: {  	_ =	shalt  }
0x3e: {  	_ =	shalt  }
0x3f: {  	_ =	shalt  }
0x40: {  	_ =	shalt  }
0x41: {  	_ =	shalt  }
0x42: {  	_ =	shalt  }
0x43: {  	_ =	shalt  }
0x44: {  	_ =	shalt  }
0x45: {  	_ =	shalt  }
0x46: {  	_ =	shalt  }
0x47: {  	_ =	shalt  }
0x48: {  	_ =	shalt  }
0x49: {  	_ =	shalt  }
0x4a: {  	_ =	shalt  }
0x4b: {  	_ =	shalt  }
0x4c: {  	_ =	shalt  }
0x4d: {  	_ =	shalt  }
0x4e: {  	_ =	shalt  }
0x4f: {  	_ =	shalt  }
0x50: {  	_ =	shalt  }
0x51: {  	_ =	shalt  }
0x52: {  	_ =	shalt  }
0x53: {  	_ =	shalt  }
0x54: {  	_ =	shalt  }
0x55: {  	_ =	shalt  }
0x56: {  	_ =	shalt  }
0x57: {  	_ =	shalt  }
0x58: {  	_ =	shalt  }
0x59: {  	_ =	shalt  }
0x5a: {  	_ =	shalt  }
0x5b: {  	_ =	shalt  }
0x5c: {  	_ =	shalt  }
0x5d: {  	_ =	shalt  }
0x5e: {  	_ =	shalt  }
0x5f: {  	_ =	shalt  }
0x60: {  	_ =	shalt  }
0x61: {  	_ =	shalt  }
0x62: {  	_ =	shalt  }
0x63: {  	_ =	shalt  }
0x64: {  	_ =	shalt  }
0x65: {  	_ =	shalt  }
0x66: {  	_ =	shalt  }
0x67: {  	_ =	shalt  }
0x68: {  	_ =	shalt  }
0x69: {  	_ =	shalt  }
0x6a: {  	_ =	shalt  }
0x6b: {  	_ =	shalt  }
0x6c: {  	_ =	shalt  }
0x6d: {  	_ =	shalt  }
0x6e: {  	_ =	shalt  }
0x6f: {  	_ =	shalt  }
0x70: {  	_ =	shalt  }
0x71: {  	_ =	shalt  }
0x72: {  	_ =	shalt  }
0x73: {  	_ =	shalt  }
0x74: {  	_ =	shalt  }
0x75: {  	_ =	shalt  }
0x76: {  	_ =	shalt  }
0x77: {  	_ =	shalt  }
0x78: {  	_ =	shalt  }
0x79: {  	_ =	shalt  }
0x7a: {  	_ =	shalt  }
0x7b: {  	_ =	shalt  }
0x7c: {  	_ =	shalt  }
0x7d: {  	_ =	shalt  }
0x7e: {  	_ =	shalt  }
0x7f: {  	_ =	shalt  }
0x80: {  	_ =	shalt  }
0x81: {  	_ =	shalt  }
0x82: {  	_ =	shalt  }
0x83: {  	_ =	shalt  }
0x84: {  	_ =	shalt  }
0x85: {  	_ =	shalt  }
0x86: {  	_ =	shalt  }
0x87: {  	_ =	shalt  }
.Lfunc_end0:
.L_simem_size_0:
called_computation.4_lowered:
.L_overlay_start_0:
0x88: {  	s2 =	sld [smem:$0x3FD9]  }
0x89: {  	s3 =	sld [smem:$0x3FFE];
	_ =	sdelay $0x1  }
0x8a: {  	s1 =	srdreg.scid  }
0x8b: {  	s0 =	sand.u32 $0x1, s1  }
0x8c: {  	s17 =	sshll.u32 s0, $0xA;
	s2 =	sadd.s32 s3, s2  }
0x8d: {  	s2 =	sadd.s32 s2, s17  }
0x8e: {  	[smem:$0x3FBE] =	sst s2  }
0x8f: {  	_ = 	snop  }
0x90: {  	(tm) =	ssettm $0x1  }
0x91: {  	s18 =	sld [smem:$0x3FFB];
	_ =	sdelay $0x3  }
0x92: {  	_ =	strace s18  }
0x93: {  	s2 =	sld [smem:$0x3FFC];
	_ =	sdelay $0x3  }
0x94: {  	_ =	strace s2  }
0x95: {  	s2 =	sld [smem:$0x3FFD];
	_ =	sdelay $0x3  }
0x96: {  	_ =	strace s2  }
0x97: {  	_ =	strace $0x8FFFFFFF  }
0x98: {  	s19 =	sld [smem:$0x3FDB];
	_ =	sdelay $0x1  }
0x99: {  	s20 =	simm.s32 $_scs_section_size  }
0x9a: {  	s4 =	simm.s32 $_size__tile_overlayer_lowered;
	s5 =	simm.s32 $_tile_overlayer_lowered  }
0x9b: {  	s6 =	simm.s32 $0x1BFF;
	s21 =	sshll.u32 s5, $0x1;
	s3 =	sadd.s32 s20, s19  }
0x9c: {  	s22 =	simm.s32 $0x0;
	s4 =	sshll.u32 s4, $0x1;
	s5 =	sadd.s32 s21, s3  }
0x9d: {  	[timem:s22], [sflag:s6] =	dma.local [hbm:s5], s4  }
0x9e: {  	_ =	swait.ge [sflag:s6], s4  }
0x9f: {  	s4 =	ssub.s32 $0x0, s4;
	[sflag:s6] =	ssyncset.done $0x0  }
0xa0: {  	[sflag:s6] =	ssyncadd.s32 s4;
	_ =	sdelay $0x1  }
0xa1: {  	s23 =	simm.s32 $0x1B8B  }
0xa2: {  	_ =	swait.ge [sflag:s23], $0x1  }
0xa3: {  	[sflag:s23] =	ssyncset.done $0x0  }
0xa4: {  	[sflag:s23] =	ssyncadd.s32 $0xFFFFFFFF  }
0xa5: {  	s4 =	sld [smem:$0x0]  }
0xa6: {  	s5 =	sand.u32 $0xFFFFFFFE, s1  }
0xa7: {  	p0 =	sne.s32 s1, s5  }
0xa8: {  	s5 =	sshll.u32 @p0 s5, $0xE  }
0xa9: {  	s5 =	sadd.s32 @p0 $0x11B8D, s5;
	s6 =	sshll.u32 @p0 s4, $0x11  }
0xaa: {  	s5 =	sor.u32 @p0 s6, s5  }
0xab: {  	[sflag:s5] =	ssyncadd.remote.s32 @p0 $0x1;
	_ =	sdelay $0x1  }
0xac: {  	s5 =	simm.s32 @p0 $0x1B8D  }
0xad: {  	_ =	swait.eq @p0 [sflag:s5], $0x1  }
0xae: {  	[sflag:s5] =	ssyncadd.s32 @p0 $0xFFFFFFFF  }
0xaf: {  	s6 =	sshll.u32 @!p0 s1, $0xE  }
0xb0: {  	s6 =	sor.u32 @!p0 $0x4000, s6;
	s5 =	simm.s32 @!p0 $0x1B8D  }
0xb1: {  	s4 =	sshll.u32 @!p0 s4, $0x11;
	s6 =	sadd.s32 @!p0 $0x11B8D, s6;
	_ =	swait.eq @!p0 [sflag:s5], $0x1  }
0xb2: {  	s4 =	sor.u32 @!p0 s4, s6;
	[sflag:s5] =	ssyncadd.s32 @!p0 $0xFFFFFFFF  }
0xb3: {  	s25 =	simm.s32 $0x1B8E;
	s24 =	sld [smem:$0x3FFE];
	[sflag:s4] =	ssyncadd.remote.s32 @!p0 $0x1  }
0xb4: {  	s26 =	simm.s32 $execute0_lowered;
	[smem:$0x3FD2] =	sst s25  }
0xb5: {  	s5 =	sshll.u32 s26, $0x1;
	_ =	strace $0x80000052;
	[dreg:$0x1] =	wrdreg $0xFFFFFFFF  }
0xb6: {  	s28 =	simm.s32 $_size_execute0_lowered;
	s3 =	sadd.s32 s3, s5;
	[dreg:$0x0] =	wrdreg $0x0  }
0xb7: {  	s5 =	sshll.u32 s28, $0x1;
	[dreg:$0x2] =	wrdreg s3  }
0xb8: {  	[dreg:$0x3] =	wrdreg s5  }
0xb9: {  	[dreg:$0x4] =	wrdreg $0xC0  }
0xba: {  	_ =	task [dreg:s22], $0x5FFFF  }
0xbb: {  	[dreg:$0x1] =	wrdreg $0xFFFFFFFF  }
0xbc: {  	[dreg:$0x0] =	wrdreg $0x60  }
0xbd: {  	[dreg:$0x2] =	wrdreg s24  }
0xbe: {  	[dreg:$0x3] =	wrdreg $0xD  }
0xbf: {  	_ =	task.clear_ibuf [dreg:s22], $0x4FFFF;
	_ =	strace $0x90000052  }
0xc0: {  	s29 =	simm.s32 $0xD;
	_ =	strace $0x80000054  }
0xc1: {  	_ =	swait.ge [sflag:s29], $0x1  }
0xc2: {  	[sflag:s29] =	ssyncadd.s32 $0xFFFFFFFF  }
0xc3: {  	_ =	strace $0x90000054  }
0xc4: {  	_ =	sfence  }
0xc5: {  	s30 =	sld [smem:$0x0];
	_ =	sdelay $0x2  }
0xc6: {  	s31 =	sshll.u32 s1, $0xD;
	s1 =	sshrl.u32 s1, $0x2  }
0xc7: {  	s4 =	sand.u32 $0x4000, s31;
	s1 =	sadd.s32 s1, s30  }
0xc8: {  	s0 =	sor.u32 s4, s0;
	s1 =	sshll.u32 s1, $0x11  }
0xc9: {  	s0 =	sor.u32 s1, s0  }
0xca: {  	s0 =	sadd.s32 $0x8F2B, s0  }
0xcb: {  	[sflag:s0] =	ssyncadd.remote.s32 $0x1  }
0xcc: {  	_ =	sfence.sel $0xFFFF  }
0xcd: {  	[dreg:$0x0] =	wrdreg $0xFFFFFFFF;
	(pc) =	sbr.abs _section_cstart, $3  }
0xce: {  	[dreg:$0x1] =	wrdreg $0xFFFFFFFF  }
0xcf: {  	_ =	task.clear_ibuf [dreg:s22], $0x2FFFF;
	_ =	strace $0x9FFFFFFF  }
0xd0: {  	(tm) =	ssettm $0x7FFFFFFF  }
0xd1: {  	_ =	shalt  }
tec
execute0_lowered:
.L_overlay_start_1:
0x0: {  	(tag) =	ssettag $0x1  }
0x1: {  	s4 =	rddreg [dreg:$0x0]  }
0x2: {  	s0 =	rddreg [dreg:$0x1]  }
0x3: {  	s1 =	stileid.u32;
	s2 =	simm.s32 $0x0;
	s3 =	srdreg.scid  }
0x4: {  	s10 =	simm.s32 $0x1400;
	s11 =	simm.s32 $0x100;
	s12 =	simm.s32 $0x2400  }
0x5: {  	s13 =	simm.s32 $0x180;
	s14 =	simm.s32 $0x3400;
	s15 =	simm.s32 $0x200  }
0x6: {  	s16 =	simm.s32 $0x4400;
	s17 =	simm.s32 $0x280;
	s18 =	simm.s32 $0x5400  }
0x7: {  	s19 =	simm.s32 $0x300;
	s20 =	simm.s32 $0x6400;
	s21 =	simm.s32 $0x380  }
0x8: {  	s22 =	simm.s32 $0x7400;
	s23 =	simm.s32 $0x1;
	s5 =	smul.u32 $0x500, s1  }
0x9: {  	s24 =	simm.s32 $0x0;
	s6 =	smul.u32 $0xA000, s1;
	s7 =	sand.u32 $0x1, s3  }
0xa: {  	[smem:$0x7FF] =	sst s2;
	s3 =	sadd.s32 $0xF45800, s4;
	s8 =	smul.u32 $0x280, s7  }
0xb: {  	_ =	strace $0x80000053;
	s9 =	ssub.s32 $0x2, s7;
	s7 =	smul.u32 $0x5000, s7  }
0xc: {  	s5 =	sadd.s32 s5, s4;
	s4 =	sadd.s32 s6, s4;
	s31 =	sshrl.u32 s9, $0x1  }
0xd: {  	s6 =	ssub.s32 s9, s31;
	s5 =	sadd.s32 s8, s5;
	s7 =	sadd.s32 s7, s4  }
0xe: {  	s8 =	simm.s32 $0x80;
	s9 =	simm.s32 $0x400;
	s4 =	smax.u32 s6, $0x1  }
0xf: {  	s5 =	sadd.s32 $0x657400, s5;
	s6 =	sadd.s32 $0x283400, s7;
	s7 =	simm.s32 $0x2  }
.LBB2_1:
0x10: {  	s25 =	sadd.s32 $0x0, s5  }
0x11: {  	[tilespmem:s2], [sflag:$0x2] =	stream.linear.gather [hbm4b:s25+s2], $0x400, $0x38;
	[tilespmem:$0x8400] =	vst v63  }
0x12: {  	_ =	swait.ge [sflag:s7], $0x400  }
0x13: {  	[sflag:s7] =	ssyncset.done $0x0  }
0x14: {  	[sflag:s7] =	ssyncadd.s32 $0xFFFFFC00  }
0x15: {  	[tilespmem:s9], [sflag:$0x1] =	stream.indirect.gather [hbm4b:s3+s8], $0x20, s2, s8, $0xb8;
	[tilespmem:$0x8400] =	vst v63  }
0x16: {  	_ = 	snop  }
0x17: {  	[tilespmem:s10], [sflag:$0x1] =	stream.indirect.gather [hbm4b:s3+s8], $0x20, s8, s8, $0xb8;
	[tilespmem:$0x8400] =	vst v63  }
0x18: {  	_ = 	snop  }
0x19: {  	[tilespmem:s12], [sflag:$0x1] =	stream.indirect.gather [hbm4b:s3+s8], $0x20, s11, s8, $0xb8;
	[tilespmem:$0x8400] =	vst v63  }
0x1a: {  	_ = 	snop  }
0x1b: {  	[tilespmem:s14], [sflag:$0x1] =	stream.indirect.gather [hbm4b:s3+s8], $0x20, s13, s8, $0xb8;
	[tilespmem:$0x8400] =	vst v63  }
0x1c: {  	_ = 	snop  }
0x1d: {  	[tilespmem:s16], [sflag:$0x1] =	stream.indirect.gather [hbm4b:s3+s8], $0x20, s15, s8, $0xb8;
	[tilespmem:$0x8400] =	vst v63  }
0x1e: {  	_ = 	snop  }
0x1f: {  	[tilespmem:s18], [sflag:$0x1] =	stream.indirect.gather [hbm4b:s3+s8], $0x20, s17, s8, $0xb8;
	[tilespmem:$0x8400] =	vst v63  }
0x20: {  	_ = 	snop  }
0x21: {  	[tilespmem:s20], [sflag:$0x1] =	stream.indirect.gather [hbm4b:s3+s8], $0x20, s19, s8, $0xb8;
	[tilespmem:$0x8400] =	vst v63  }
0x22: {  	_ = 	snop  }
0x23: {  	[tilespmem:s22], [sflag:$0x1] =	stream.indirect.gather [hbm4b:s3+s8], $0x20, s21, s8, $0xb8;
	[tilespmem:$0x8400] =	vst v63  }
0x24: {  	_ =	swait.ge [sflag:s23], $0x1000  }
0x25: {  	[sflag:s23] =	ssyncset.done $0x0  }
0x26: {  	[sflag:s23] =	ssyncadd.s32 $0xFFFFF000  }
0x27: {  	_ =	swait.ge [sflag:s23], $0x1000  }
0x28: {  	[sflag:s23] =	ssyncset.done $0x0  }
0x29: {  	[sflag:s23] =	ssyncadd.s32 $0xFFFFF000  }
0x2a: {  	_ =	swait.ge [sflag:s23], $0x1000  }
0x2b: {  	[sflag:s23] =	ssyncset.done $0x0  }
0x2c: {  	[sflag:s23] =	ssyncadd.s32 $0xFFFFF000  }
0x2d: {  	_ =	swait.ge [sflag:s23], $0x1000  }
0x2e: {  	[sflag:s23] =	ssyncset.done $0x0  }
0x2f: {  	[sflag:s23] =	ssyncadd.s32 $0xFFFFF000  }
0x30: {  	_ =	swait.ge [sflag:s23], $0x1000  }
0x31: {  	[sflag:s23] =	ssyncset.done $0x0  }
0x32: {  	[sflag:s23] =	ssyncadd.s32 $0xFFFFF000  }
0x33: {  	_ =	swait.ge [sflag:s23], $0x1000  }
0x34: {  	[sflag:s23] =	ssyncset.done $0x0  }
0x35: {  	[sflag:s23] =	ssyncadd.s32 $0xFFFFF000  }
0x36: {  	_ =	swait.ge [sflag:s23], $0x1000  }
0x37: {  	[sflag:s23] =	ssyncset.done $0x0  }
0x38: {  	[sflag:s23] =	ssyncadd.s32 $0xFFFFF000  }
0x39: {  	_ =	swait.ge [sflag:s23], $0x1000  }
0x3a: {  	[sflag:s23] =	ssyncset.done $0x0  }
0x3b: {  	[sflag:s23] =	ssyncadd.s32 $0xFFFFF000  }
0x3c: {  	[hbm4b:s6+s2] =	stream.linear.scatter [tilespmem:s9], [sflag:$0x2], $0x8000, $0x38;
	[tilespmem:$0x8400] =	vst v63  }
0x3d: {  	s26 =	simm.s32 $0x80;
	_ =	swait.ge [sflag:s7], $0x8000  }
0x3e: {  	s29 =	simm.s32 $0x100;
	s25 =	sadd.s32 $0x1000, s6;
	[sflag:s7] =	ssyncset.done $0x0  }
.LBB2_2:
0x3f: {  	s30 =	sadd.s32 s26, s5  }
0x40: {  	[sflag:s7] =	ssyncadd.s32 $0xFFFF8000;
	s26 =	smov.u32 s29;
	s28 =	sadd.s32 $0x80, s29  }
0x41: {  	[tilespmem:s2], [sflag:$0x2] =	stream.linear.gather [hbm4b:s30+s2], $0x400, $0x38;
	[tilespmem:$0x8400] =	vst v63  }
0x42: {  	p0 =	sne.s32 s29, $0x200;
	_ =	swait.ge [sflag:s7], $0x400  }
0x43: {  	[sflag:s7] =	ssyncset.done $0x0  }
0x44: {  	[sflag:s7] =	ssyncadd.s32 $0xFFFFFC00  }
0x45: {  	[tilespmem:s9], [sflag:$0x1] =	stream.indirect.gather [hbm4b:s3+s8], $0x20, s2, s8, $0xb8;
	[tilespmem:$0x8400] =	vst v63  }
0x46: {  	_ = 	snop  }
0x47: {  	[tilespmem:s10], [sflag:$0x1] =	stream.indirect.gather [hbm4b:s3+s8], $0x20, s8, s8, $0xb8;
	[tilespmem:$0x8400] =	vst v63  }
0x48: {  	_ = 	snop  }
0x49: {  	[tilespmem:s12], [sflag:$0x1] =	stream.indirect.gather [hbm4b:s3+s8], $0x20, s11, s8, $0xb8;
	[tilespmem:$0x8400] =	vst v63  }
0x4a: {  	_ = 	snop  }
0x4b: {  	[tilespmem:s14], [sflag:$0x1] =	stream.indirect.gather [hbm4b:s3+s8], $0x20, s13, s8, $0xb8;
	[tilespmem:$0x8400] =	vst v63  }
0x4c: {  	_ = 	snop  }
0x4d: {  	[tilespmem:s16], [sflag:$0x1] =	stream.indirect.gather [hbm4b:s3+s8], $0x20, s15, s8, $0xb8;
	[tilespmem:$0x8400] =	vst v63  }
0x4e: {  	_ = 	snop  }
0x4f: {  	[tilespmem:s18], [sflag:$0x1] =	stream.indirect.gather [hbm4b:s3+s8], $0x20, s17, s8, $0xb8;
	[tilespmem:$0x8400] =	vst v63  }
0x50: {  	_ = 	snop  }
0x51: {  	[tilespmem:s20], [sflag:$0x1] =	stream.indirect.gather [hbm4b:s3+s8], $0x20, s19, s8, $0xb8;
	[tilespmem:$0x8400] =	vst v63  }
0x52: {  	_ = 	snop  }
0x53: {  	[tilespmem:s22], [sflag:$0x1] =	stream.indirect.gather [hbm4b:s3+s8], $0x20, s21, s8, $0xb8;
	[tilespmem:$0x8400] =	vst v63  }
0x54: {  	_ =	swait.ge [sflag:s23], $0x1000  }
0x55: {  	[sflag:s23] =	ssyncset.done $0x0  }
0x56: {  	[sflag:s23] =	ssyncadd.s32 $0xFFFFF000  }
0x57: {  	_ =	swait.ge [sflag:s23], $0x1000  }
0x58: {  	[sflag:s23] =	ssyncset.done $0x0  }
0x59: {  	[sflag:s23] =	ssyncadd.s32 $0xFFFFF000  }
0x5a: {  	_ =	swait.ge [sflag:s23], $0x1000  }
0x5b: {  	[sflag:s23] =	ssyncset.done $0x0  }
0x5c: {  	[sflag:s23] =	ssyncadd.s32 $0xFFFFF000  }
0x5d: {  	_ =	swait.ge [sflag:s23], $0x1000  }
0x5e: {  	[sflag:s23] =	ssyncset.done $0x0  }
0x5f: {  	[sflag:s23] =	ssyncadd.s32 $0xFFFFF000  }
0x60: {  	_ =	swait.ge [sflag:s23], $0x1000  }
0x61: {  	[sflag:s23] =	ssyncset.done $0x0  }
0x62: {  	[sflag:s23] =	ssyncadd.s32 $0xFFFFF000  }
0x63: {  	_ =	swait.ge [sflag:s23], $0x1000  }
0x64: {  	[sflag:s23] =	ssyncset.done $0x0  }
0x65: {  	[sflag:s23] =	ssyncadd.s32 $0xFFFFF000  }
0x66: {  	_ =	swait.ge [sflag:s23], $0x1000  }
0x67: {  	[sflag:s23] =	ssyncset.done $0x0  }
0x68: {  	[sflag:s23] =	ssyncadd.s32 $0xFFFFF000  }
0x69: {  	_ =	swait.ge [sflag:s23], $0x1000  }
.Ltmp0:
0x6a: {  	[sflag:s23] =	ssyncset.done $0x0;
	(pc) =	sbr.rel @p0 .LBB2_2-.Ltmp0, $4  }
0x6b: {  	[sflag:s23] =	ssyncadd.s32 $0xFFFFF000  }
0x6c: {  	[hbm4b:s25+s2] =	stream.linear.scatter [tilespmem:s9], [sflag:$0x2], $0x8000, $0x38;
	[tilespmem:$0x8400] =	vst v63  }
0x6d: {  	_ =	swait.ge [sflag:s7], $0x8000  }
0x6e: {  	s29 =	smov.u32 s28;
	s25 =	sadd.s32 $0x1000, s25;
	[sflag:s7] =	ssyncset.done $0x0  }
0x6f: {  	s26 =	sadd.s32 s26, s5;
	[sflag:s7] =	ssyncadd.s32 $0xFFFF8000  }
0x70: {  	[tilespmem:s2], [sflag:$0x2] =	stream.linear.gather [hbm4b:s26+s2], $0x400, $0x38;
	[tilespmem:$0x8400] =	vst v63  }
0x71: {  	_ =	swait.ge [sflag:s7], $0x400  }
0x72: {  	[sflag:s7] =	ssyncset.done $0x0  }
0x73: {  	[sflag:s7] =	ssyncadd.s32 $0xFFFFFC00  }
0x74: {  	[tilespmem:s9], [sflag:$0x1] =	stream.indirect.gather [hbm4b:s3+s8], $0x20, s2, s8, $0xb8;
	[tilespmem:$0x8400] =	vst v63  }
0x75: {  	_ = 	snop  }
0x76: {  	[tilespmem:s10], [sflag:$0x1] =	stream.indirect.gather [hbm4b:s3+s8], $0x20, s8, s8, $0xb8;
	[tilespmem:$0x8400] =	vst v63  }
0x77: {  	_ = 	snop  }
0x78: {  	[tilespmem:s12], [sflag:$0x1] =	stream.indirect.gather [hbm4b:s3+s8], $0x20, s11, s8, $0xb8;
	[tilespmem:$0x8400] =	vst v63  }
0x79: {  	_ = 	snop  }
0x7a: {  	[tilespmem:s14], [sflag:$0x1] =	stream.indirect.gather [hbm4b:s3+s8], $0x20, s13, s8, $0xb8;
	[tilespmem:$0x8400] =	vst v63  }
0x7b: {  	_ = 	snop  }
0x7c: {  	[tilespmem:s16], [sflag:$0x1] =	stream.indirect.gather [hbm4b:s3+s8], $0x20, s15, s8, $0xb8;
	[tilespmem:$0x8400] =	vst v63  }
0x7d: {  	_ = 	snop  }
0x7e: {  	[tilespmem:s18], [sflag:$0x1] =	stream.indirect.gather [hbm4b:s3+s8], $0x20, s17, s8, $0xb8;
	[tilespmem:$0x8400] =	vst v63  }
0x7f: {  	_ = 	snop  }
0x80: {  	[tilespmem:s20], [sflag:$0x1] =	stream.indirect.gather [hbm4b:s3+s8], $0x20, s19, s8, $0xb8;
	[tilespmem:$0x8400] =	vst v63  }
0x81: {  	_ = 	snop  }
0x82: {  	[tilespmem:s22], [sflag:$0x1] =	stream.indirect.gather [hbm4b:s3+s8], $0x20, s21, s8, $0xb8;
	[tilespmem:$0x8400] =	vst v63  }
0x83: {  	_ =	swait.ge [sflag:s23], $0x1000  }
0x84: {  	[sflag:s23] =	ssyncset.done $0x0  }
0x85: {  	[sflag:s23] =	ssyncadd.s32 $0xFFFFF000  }
0x86: {  	_ =	swait.ge [sflag:s23], $0x1000  }
0x87: {  	[sflag:s23] =	ssyncset.done $0x0  }
0x88: {  	[sflag:s23] =	ssyncadd.s32 $0xFFFFF000  }
0x89: {  	_ =	swait.ge [sflag:s23], $0x1000  }
0x8a: {  	[sflag:s23] =	ssyncset.done $0x0  }
0x8b: {  	[sflag:s23] =	ssyncadd.s32 $0xFFFFF000  }
0x8c: {  	_ =	swait.ge [sflag:s23], $0x1000  }
0x8d: {  	[sflag:s23] =	ssyncset.done $0x0  }
0x8e: {  	[sflag:s23] =	ssyncadd.s32 $0xFFFFF000  }
0x8f: {  	_ =	swait.ge [sflag:s23], $0x1000  }
0x90: {  	[sflag:s23] =	ssyncset.done $0x0  }
0x91: {  	[sflag:s23] =	ssyncadd.s32 $0xFFFFF000  }
0x92: {  	_ =	swait.ge [sflag:s23], $0x1000  }
0x93: {  	[sflag:s23] =	ssyncset.done $0x0  }
0x94: {  	[sflag:s23] =	ssyncadd.s32 $0xFFFFF000  }
0x95: {  	_ =	swait.ge [sflag:s23], $0x1000  }
0x96: {  	[sflag:s23] =	ssyncset.done $0x0  }
0x97: {  	[sflag:s23] =	ssyncadd.s32 $0xFFFFF000  }
0x98: {  	s24 =	sadd.s32 $0x1, s24;
	_ =	swait.ge [sflag:s23], $0x1000  }
0x99: {  	p0 =	sne.s32 s24, s4;
	[sflag:s23] =	ssyncset.done $0x0  }
.Ltmp1:
0x9a: {  	[sflag:s23] =	ssyncadd.s32 $0xFFFFF000;
	(pc) =	sbr.rel @p0 .LBB2_1-.Ltmp1, $4  }
0x9b: {  	[hbm4b:s25+s2] =	stream.linear.scatter [tilespmem:s9], [sflag:$0x2], $0x8000, $0x38;
	[tilespmem:$0x8400] =	vst v63  }
0x9c: {  	_ =	swait.ge [sflag:s7], $0x8000  }
0x9d: {  	[sflag:s7] =	ssyncset.done $0x0  }
0x9e: {  	[sflag:s7] =	ssyncadd.s32 $0xFFFF8000  }
0x9f: {  	_ =	sfence.sel $0x180000  }
0xa0: {  	[bflag:$0x0] =	sbarrier.arrive $0xFFFF  }
0xa1: {  	p0 =	sne.s32 s1, $0x0;
	_ =	strace $0x90000053  }
0xa2: {  	s0 =	sadd.s32 @!p0 $0x100000, s0;
	[bflag:$0x2] =	sbarrier.arrive $0xFFFF  }
0xa3: {  	[sflag:s0] =	ssyncadd.tile.s32 @!p0 $0x1;
	_ =	shalt  }
.Lfunc_end2:
_tile_overlayer_lowered:
.L_overlay_start_2:
0xa4: {  	(tag) =	ssettag $0x2  }
0xa5: {  	s0 =	rddreg [dreg:$0x0];
	s2 =	stileid.u32  }
0xa6: {  	s1 =	rddreg [dreg:$0x1];
	p0 =	sne.s32 s2, $0x0  }
0xa7: {  	s3 =	rddreg [dreg:$0x2];
	[bflag:$0x3] =	sbarrier.arrive $0xFFFF;
	s2 =	simm.s32 @!p0 $0x1C02  }
0xa8: {  	[timem:s3], [sflag:s2] =	dma.local @!p0 [hbm:s0], s1  }
0xa9: {  	s0 =	simm.s32 @!p0 $0x2  }
0xaa: {  	_ =	swait.ge @!p0 [sflag:s0], s1  }
0xab: {  	s1 =	ssub.s32 @!p0 $0x0, s1;
	[sflag:s0] =	ssyncset.done @!p0 $0x0  }
0xac: {  	[sflag:s0] =	ssyncadd.s32 @!p0 s1  }
0xad: {  	[bflag:$0x3] =	sbarrier.arrive $0xFFFF  }
0xae: {  	_ =	shalt  }

</sc_bundles>
